<compile_context>
chip_gen: v7x
topology: tpu7x:2x2x1
jax: 0.10.2.dev20260603
libtpu: 0.0.44.dev20260713+nightly
codegen_flags: <defaults>
</compile_context>

<pallas_src>
import functools

import numpy as np
import jax
import jax.numpy as jnp
from jax import lax
from jax.experimental import pallas as pl
from jax.experimental.pallas import tpu as pltpu
from jax.experimental.pallas import tpu_sc as plsc

NUM_FIELDS = 26
FIELD_SIZE = 38461
EMBED_DIM = 32
BATCH = 4096
NUM_IX = NUM_FIELDS * (NUM_FIELDS - 1) // 2
EMB_FLAT = NUM_FIELDS * EMBED_DIM

_CHUNK = 128


def _sc_gather(table, idx3):
    info = plsc.get_sparse_core_info()
    nc, ns = info.num_cores, info.num_subcores
    n_chunks = idx3.shape[1]
    rows_per_w = n_chunks * _CHUNK
    mesh = plsc.VectorSubcoreMesh(core_axis_name="c", subcore_axis_name="s")

    @functools.partial(
        pl.kernel,
        mesh=mesh,
        compiler_params=pltpu.CompilerParams(use_tc_tiling_on_sc=False),
        out_type=jax.ShapeDtypeStruct((NUM_FIELDS, BATCH, 128), jnp.float32),
        scratch_types=[
            pltpu.VMEM((n_chunks, _CHUNK), jnp.int32),
            pltpu.VMEM((rows_per_w, EMBED_DIM), jnp.float32),
            pltpu.SemaphoreType.DMA,
            pltpu.SemaphoreType.DMA,
        ],
    )
    def gather_kernel(tab_hbm, idx_hbm, out_hbm, idx_v, rows_v, sem, sem2):
        wid = lax.axis_index("s") * nc + lax.axis_index("c")
        base = wid * rows_per_w
        pltpu.sync_copy(idx_hbm.at[wid], idx_v)
        gathers = [
            pltpu.make_async_copy(
                tab_hbm.at[idx_v.at[c]],
                rows_v.at[pl.ds(c * _CHUNK, _CHUNK)],
                sem,
            )
            for c in range(n_chunks)
        ]
        for g in gathers:
            g.start()
        for g in gathers:
            g.wait()
        writes = []
        for c in range(n_chunks):
            r0 = base + c * _CHUNK
            f = r0 // BATCH
            b0 = r0 % BATCH
            writes.append(pltpu.make_async_copy(
                rows_v.at[pl.ds(c * _CHUNK, _CHUNK)],
                out_hbm.at[f, pl.ds(b0, _CHUNK), pl.ds(0, EMBED_DIM)],
                sem2,
            ))
        for wcp in writes:
            wcp.start()
        for wcp in writes:
            wcp.wait()

    return gather_kernel(table, idx3)


def _mlp_body(e_ref, w1a_ref, w1b_ref, b1_ref, w2_ref, b2_ref, w3_ref, b3_ref,
              o_ref):
    v = e_ref[...]
    tb = v.shape[1]
    et = jnp.concatenate(
        [jnp.transpose(v[f])[:EMBED_DIM, :] for f in range(NUM_FIELDS)],
        axis=0)
    h = jnp.dot(w1a_ref[...], et, preferred_element_type=jnp.float32)
    off = 0
    for dlt in range(1, NUM_FIELDS):
        k = NUM_FIELDS - dlt
        rows = k * EMBED_DIM
        a = et[:rows, :] * et[dlt * EMBED_DIM:, :]
        p = jnp.sum(a.reshape(k, EMBED_DIM, tb), axis=1)
        h = h + jnp.dot(w1b_ref[:, off:off + k], p,
                        preferred_element_type=jnp.float32)
        off += k
    h = jnp.maximum(h + b1_ref[...], 0.0)
    h = jnp.dot(w2_ref[...], h, preferred_element_type=jnp.float32)
    h = jnp.maximum(h + b2_ref[...], 0.0)
    o = jnp.sum(h * w3_ref[...], axis=0) + b3_ref[0, 0]
    o_ref[...] = jax.nn.sigmoid(o)[None, None, :]


def _mlp_call(emb3, w1a, w1b, b1f, w2f, b2f, w3c, b3s, tb=1024):
    grid = (BATCH // tb,)
    const = lambda i: (0, 0)
    out = pl.pallas_call(
        _mlp_body,
        grid=grid,
        in_specs=[
            pl.BlockSpec((NUM_FIELDS, tb, 128), lambda i: (0, i, 0)),
            pl.BlockSpec((256, EMB_FLAT), const),
            pl.BlockSpec((256, NUM_IX), const),
            pl.BlockSpec((256, 1), const),
            pl.BlockSpec((128, 256), const),
            pl.BlockSpec((128, 1), const),
            pl.BlockSpec((128, 1), const),
            pl.BlockSpec((1, 1), const),
        ],
        out_specs=pl.BlockSpec((1, 1, tb), lambda i: (i, 0, 0)),
        out_shape=jax.ShapeDtypeStruct((BATCH // tb, 1, tb), jnp.float32),
    )(emb3, w1a, w1b, b1f, w2f, b2f, w3c, b3s)
    return out.reshape(BATCH)


def _delta_perm():
    row, col = np.triu_indices(NUM_FIELDS, k=1)
    lut = {(i, j): n for n, (i, j) in enumerate(zip(row, col))}
    perm = [lut[(f, f + dlt)]
            for dlt in range(1, NUM_FIELDS)
            for f in range(NUM_FIELDS - dlt)]
    return np.asarray(perm, dtype=np.int32)


_PERM = _delta_perm()


def kernel(x, table, W1, b1, g1, be1, W2, b2, g2, be2, W3, b3):
    offsets = (np.arange(NUM_FIELDS) * FIELD_SIZE).astype(np.int32)
    idx = x.astype(jnp.int32).T + offsets[:, None]
    idx3 = idx.reshape(32, NUM_FIELDS, _CHUNK)

    emb3 = _sc_gather(table, idx3)

    c = np.float32(1.0 / np.sqrt(1.0 + 1e-5))
    w1f = (W1 * (g1 * c)[None, :]).T
    b1f = ((b1 * g1 * c) + be1)[:, None]
    w1a = w1f[:, :EMB_FLAT]
    w1b = w1f[:, EMB_FLAT:][:, _PERM]
    w2f = (W2 * (g2 * c)[None, :]).T
    b2f = ((b2 * g2 * c) + be2)[:, None]
    b3s = b3.reshape(1, 1)

    return _mlp_call(emb3, w1a, w1b, b1f, w2f, b2f, W3, b3s)

# --- scband reference (transcript-rebuilt; emitter-appended) ---
"""Pipeline reference for scband-pnn-82411832476242 (READ-ONLY COPY).

The authoritative reference and input builder live on the scoring server;
editing this copy changes nothing except your own understanding.
"""

import jax, jax.numpy as jnp
import numpy as np

NUM_FIELDS = 26
FIELD_SIZE = 38461
EMBED_DIM = 32
BATCH = 4096
VOCAB = NUM_FIELDS * FIELD_SIZE + 1
MLP_DIMS = [256, 128]
NUM_IX = NUM_FIELDS * (NUM_FIELDS - 1) // 2
INPUT_DIM = NUM_FIELDS * EMBED_DIM + NUM_IX


def setup_inputs(seed: int = 0) -> dict:
    key = jax.random.key(seed)
    ks = jax.random.split(key, 12)
    x = jax.random.randint(ks[0], (BATCH, NUM_FIELDS), 0, FIELD_SIZE, dtype=jnp.int64)
    table = jax.random.normal(ks[1], (VOCAB, EMBED_DIM), dtype=jnp.float32) * 0.05
    W1 = jax.random.normal(ks[2], (INPUT_DIM, MLP_DIMS[0]), dtype=jnp.float32) * (1.0 / np.sqrt(INPUT_DIM))
    b1 = jnp.zeros((MLP_DIMS[0],), dtype=jnp.float32)
    g1 = jnp.ones((MLP_DIMS[0],), dtype=jnp.float32)
    be1 = jnp.zeros((MLP_DIMS[0],), dtype=jnp.float32)
    W2 = jax.random.normal(ks[3], (MLP_DIMS[0], MLP_DIMS[1]), dtype=jnp.float32) * (1.0 / np.sqrt(MLP_DIMS[0]))
    b2 = jnp.zeros((MLP_DIMS[1],), dtype=jnp.float32)
    g2 = jnp.ones((MLP_DIMS[1],), dtype=jnp.float32)
    be2 = jnp.zeros((MLP_DIMS[1],), dtype=jnp.float32)
    W3 = jax.random.normal(ks[4], (MLP_DIMS[1], 1), dtype=jnp.float32) * (1.0 / np.sqrt(MLP_DIMS[1]))
    b3 = jnp.zeros((1,), dtype=jnp.float32)
    return {"x": x, "table": table, "W1": W1, "b1": b1, "g1": g1, "be1": be1,
            "W2": W2, "b2": b2, "g2": g2, "be2": be2, "W3": W3, "b3": b3}


def reference(x, table, W1, b1, g1, be1, W2, b2, g2, be2, W3, b3):
    ff = np.array([FIELD_SIZE] * NUM_FIELDS)
    offsets = np.concatenate([[0], np.cumsum(ff)[:-1]]).astype(np.int64)
    tmp = x + jnp.asarray(offsets)[None, :]
    emb = jnp.take(table, tmp, axis=0)  # (B, F, D)
    row, col = np.triu_indices(NUM_FIELDS, k=1)
    p = emb[:, row]
    q = emb[:, col]
    product_part = jnp.sum(p * q, axis=2)  # (B, num_ix)
    h = jnp.concatenate([emb.reshape(emb.shape[0], -1), product_part], axis=1)
    eps = 1e-5
    # BatchNorm1d in eval mode: running_mean=0, running_var=1
    h = h @ W1 + b1
    h = g1 * (h / jnp.sqrt(1.0 + eps)) + be1
    h = jax.nn.relu(h)
    h = h @ W2 + b2
    h = g2 * (h / jnp.sqrt(1.0 + eps)) + be2
    h = jax.nn.relu(h)
    h = h @ W3 + b3
    return jax.nn.sigmoid(h[:, 0])

if __name__ == "__main__":
    import jax
    _d = setup_inputs()
    print(jax.jit(kernel)(*tuple(_d.values())))

</pallas_src>

<mosaic_0001>
#map = affine_map<(d0, d1) -> (0, 0)>
#map1 = affine_map<(d0, d1) -> (0, 0, 0)>
module attributes {stable_mosaic.version = 14 : i64} {
  func.func @gather_kernel(%arg0: i32, %arg1: i32, %arg2: memref<999987x32xf32, #tpu.memory_space<hbm>>, %arg3: memref<32x26x128xi32, #tpu.memory_space<hbm>>, %arg4: memref<26x4096x128xf32, #tpu.memory_space<hbm>>, %arg5: memref<26x128xi32, #tpu.memory_space<vmem>>, %arg6: memref<3328x32xf32, #tpu.memory_space<vmem>>, %arg7: memref<!tpu.dma_semaphore, #tpu.memory_space<semaphore_mem>>, %arg8: memref<!tpu.dma_semaphore, #tpu.memory_space<semaphore_mem>>) attributes {dimension_semantics = [#tpu.dimension_semantics<core_parallel>, #tpu.dimension_semantics<subcore_parallel>], iteration_bounds = array<i64: 2, 16>, scalar_prefetch = 0 : i64, scratch_operands = 4 : i64, tpu.core_type = #tpu.core_type<sc_vector_subcore>, window_params = [{transform_indices = #map}, {transform_indices = #map1}, {transform_indices = #map1}]} {
    %mul3A = arith.constant 2 : i32
    %mul3A_0 = arith.muli %arg1, %mul3A : i32
    %add3A = arith.addi %mul3A_0, %arg0 : i32
    %mul3A_1 = arith.constant 3328 : i32
    %mul3A_2 = arith.muli %add3A, %mul3A_1 : i32
    "tpu.region"() ({
      %run_scoped3A = tpu.sem_alloc : memref<!tpu.dma_semaphore, #tpu.memory_space<semaphore_mem>>
      %dma_start3A_2227 = arith.constant 0 : i32
      %dma_start3A_2228 = arith.constant 0 : i32
      %dma_start3A_2229 = tpu.memref_slice %arg3[%add3A, %dma_start3A_2227, %dma_start3A_2228] : memref<32x26x128xi32, #tpu.memory_space<hbm>> -> memref<1x26x128xi32, #tpu.memory_space<hbm>>
      %dma_start3A_2230 = tpu.memref_squeeze %dma_start3A_2229 : memref<1x26x128xi32, #tpu.memory_space<hbm>> -> memref<26x128xi32, #tpu.memory_space<hbm>>
      %dma_start3A_2231 = arith.constant 0 : i32
      %dma_start3A_2232 = arith.constant 0 : i32
      %dma_start3A_2233 = tpu.memref_slice %arg3[%add3A, %dma_start3A_2231, %dma_start3A_2232] : memref<32x26x128xi32, #tpu.memory_space<hbm>> -> memref<1x26x128xi32, #tpu.memory_space<hbm>>
      %dma_start3A_2234 = tpu.memref_squeeze %dma_start3A_2233 : memref<1x26x128xi32, #tpu.memory_space<hbm>> -> memref<26x128xi32, #tpu.memory_space<hbm>>
      tpu.enqueue_dma source(%dma_start3A_2234 : memref<26x128xi32, #tpu.memory_space<hbm>>) target(%arg5 : memref<26x128xi32, #tpu.memory_space<vmem>>) target_semaphore(%run_scoped3A : memref<!tpu.dma_semaphore, #tpu.memory_space<semaphore_mem>>)
      %dma_wait3A_2235 = arith.constant 0 : i32
      %dma_wait3A_2236 = arith.constant 0 : i32
      %dma_wait3A_2237 = tpu.memref_slice %arg3[%add3A, %dma_wait3A_2235, %dma_wait3A_2236] : memref<32x26x128xi32, #tpu.memory_space<hbm>> -> memref<1x26x128xi32, #tpu.memory_space<hbm>>
      %dma_wait3A_2238 = tpu.memref_squeeze %dma_wait3A_2237 : memref<1x26x128xi32, #tpu.memory_space<hbm>> -> memref<26x128xi32, #tpu.memory_space<hbm>>
      %dma_wait3A_2239 = arith.constant 0 : i32
      %dma_wait3A_2240 = arith.constant 0 : i32
      %dma_wait3A_2241 = tpu.memref_slice %arg3[%add3A, %dma_wait3A_2239, %dma_wait3A_2240] : memref<32x26x128xi32, #tpu.memory_space<hbm>> -> memref<1x26x128xi32, #tpu.memory_space<hbm>>
      %dma_wait3A_2242 = tpu.memref_squeeze %dma_wait3A_2241 : memref<1x26x128xi32, #tpu.memory_space<hbm>> -> memref<26x128xi32, #tpu.memory_space<hbm>>
      tpu.wait_dma2 semaphore(%run_scoped3A : memref<!tpu.dma_semaphore, #tpu.memory_space<semaphore_mem>>) src(%dma_wait3A_2242 : memref<26x128xi32, #tpu.memory_space<hbm>>) dst(%arg5 : memref<26x128xi32, #tpu.memory_space<vmem>>)
      tpu.yield
    }) : () -> ()
    %dma_start3A = arith.constant 0 : i32
    %dma_start3A_3 = arith.constant 0 : i32
    %dma_start3A_4 = arith.constant 0 : i32
    %dma_start3A_5 = tpu.memref_slice %arg6[%dma_start3A_3, %dma_start3A_4] : memref<3328x32xf32, #tpu.memory_space<vmem>> -> memref<128x32xf32, #tpu.memory_space<vmem>>
    %dma_start3A_6 = arith.constant 0 : i32
    %dma_start3A_7 = tpu.memref_slice %arg5[%dma_start3A, %dma_start3A_6] : memref<26x128xi32, #tpu.memory_space<vmem>> -> memref<1x128xi32, #tpu.memory_space<vmem>>
    %dma_start3A_8 = tpu.memref_squeeze %dma_start3A_7 : memref<1x128xi32, #tpu.memory_space<vmem>> -> memref<128xi32, #tpu.memory_space<vmem>>
    %dma_start3A_9 = arith.constant 0 : i32
    %dma_start3A_10 = arith.constant 0 : i32
    %dma_start3A_11 = tpu.memref_slice %arg2[%dma_start3A_9, %dma_start3A_10] : memref<999987x32xf32, #tpu.memory_space<hbm>> -> memref<999987x32xf32, #tpu.memory_space<hbm>>
    tpu.enqueue_indirect_dma source(%dma_start3A_11 : memref<999987x32xf32, #tpu.memory_space<hbm>>) target(%dma_start3A_5 : memref<128x32xf32, #tpu.memory_space<vmem>>) offsets(%dma_start3A_8 : memref<128xi32, #tpu.memory_space<vmem>>) semaphore(%arg7 : memref<!tpu.dma_semaphore, #tpu.memory_space<semaphore_mem>>)
    %dma_start3A_12 = arith.constant 1 : i32
    %dma_start3A_13 = arith.constant 128 : i32
    %dma_start3A_14 = arith.constant 0 : i32
    %dma_start3A_15 = tpu.memref_slice %arg6[%dma_start3A_13, %dma_start3A_14] : memref<3328x32xf32, #tpu.memory_space<vmem>> -> memref<128x32xf32, #tpu.memory_space<vmem>>
    %dma_start3A_16 = arith.constant 0 : i32
    %dma_start3A_17 = tpu.memref_slice %arg5[%dma_start3A_12, %dma_start3A_16] : memref<26x128xi32, #tpu.memory_space<vmem>> -> memref<1x128xi32, #tpu.memory_space<vmem>>
    %dma_start3A_18 = tpu.memref_squeeze %dma_start3A_17 : memref<1x128xi32, #tpu.memory_space<vmem>> -> memref<128xi32, #tpu.memory_space<vmem>>
    %dma_start3A_19 = arith.constant 0 : i32
    %dma_start3A_20 = arith.constant 0 : i32
    %dma_start3A_21 = tpu.memref_slice %arg2[%dma_start3A_19, %dma_start3A_20] : memref<999987x32xf32, #tpu.memory_space<hbm>> -> memref<999987x32xf32, #tpu.memory_space<hbm>>
    tpu.enqueue_indirect_dma source(%dma_start3A_21 : memref<999987x32xf32, #tpu.memory_space<hbm>>) target(%dma_start3A_15 : memref<128x32xf32, #tpu.memory_space<vmem>>) offsets(%dma_start3A_18 : memref<128xi32, #tpu.memory_space<vmem>>) semaphore(%arg7 : memref<!tpu.dma_semaphore, #tpu.memory_space<semaphore_mem>>)
    %dma_start3A_22 = arith.constant 2 : i32
    %dma_start3A_23 = arith.constant 256 : i32
    %dma_start3A_24 = arith.constant 0 : i32
    %dma_start3A_25 = tpu.memref_slice %arg6[%dma_start3A_23, %dma_start3A_24] : memref<3328x32xf32, #tpu.memory_space<vmem>> -> memref<128x32xf32, #tpu.memory_space<vmem>>
    %dma_start3A_26 = arith.constant 0 : i32
    %dma_start3A_27 = tpu.memref_slice %arg5[%dma_start3A_22, %dma_start3A_26] : memref<26x128xi32, #tpu.memory_space<vmem>> -> memref<1x128xi32, #tpu.memory_space<vmem>>
    %dma_start3A_28 = tpu.memref_squeeze %dma_start3A_27 : memref<1x128xi32, #tpu.memory_space<vmem>> -> memref<128xi32, #tpu.memory_space<vmem>>
    %dma_start3A_29 = arith.constant 0 : i32
    %dma_start3A_30 = arith.constant 0 : i32
    %dma_start3A_31 = tpu.memref_slice %arg2[%dma_start3A_29, %dma_start3A_30] : memref<999987x32xf32, #tpu.memory_space<hbm>> -> memref<999987x32xf32, #tpu.memory_space<hbm>>
    tpu.enqueue_indirect_dma source(%dma_start3A_31 : memref<999987x32xf32, #tpu.memory_space<hbm>>) target(%dma_start3A_25 : memref<128x32xf32, #tpu.memory_space<vmem>>) offsets(%dma_start3A_28 : memref<128xi32, #tpu.memory_space<vmem>>) semaphore(%arg7 : memref<!tpu.dma_semaphore, #tpu.memory_space<semaphore_mem>>)
    %dma_start3A_32 = arith.constant 3 : i32
    %dma_start3A_33 = arith.constant 384 : i32
    %dma_start3A_34 = arith.constant 0 : i32
    %dma_start3A_35 = tpu.memref_slice %arg6[%dma_start3A_33, %dma_start3A_34] : memref<3328x32xf32, #tpu.memory_space<vmem>> -> memref<128x32xf32, #tpu.memory_space<vmem>>
    %dma_start3A_36 = arith.constant 0 : i32
    %dma_start3A_37 = tpu.memref_slice %arg5[%dma_start3A_32, %dma_start3A_36] : memref<26x128xi32, #tpu.memory_space<vmem>> -> memref<1x128xi32, #tpu.memory_space<vmem>>
    %dma_start3A_38 = tpu.memref_squeeze %dma_start3A_37 : memref<1x128xi32, #tpu.memory_space<vmem>> -> memref<128xi32, #tpu.memory_space<vmem>>
    %dma_start3A_39 = arith.constant 0 : i32
    %dma_start3A_40 = arith.constant 0 : i32
    %dma_start3A_41 = tpu.memref_slice %arg2[%dma_start3A_39, %dma_start3A_40] : memref<999987x32xf32, #tpu.memory_space<hbm>> -> memref<999987x32xf32, #tpu.memory_space<hbm>>
    tpu.enqueue_indirect_dma source(%dma_start3A_41 : memref<999987x32xf32, #tpu.memory_space<hbm>>) target(%dma_start3A_35 : memref<128x32xf32, #tpu.memory_space<vmem>>) offsets(%dma_start3A_38 : memref<128xi32, #tpu.memory_space<vmem>>) semaphore(%arg7 : memref<!tpu.dma_semaphore, #tpu.memory_space<semaphore_mem>>)
    %dma_start3A_42 = arith.constant 4 : i32
    %dma_start3A_43 = arith.constant 512 : i32
    %dma_start3A_44 = arith.constant 0 : i32
    %dma_start3A_45 = tpu.memref_slice %arg6[%dma_start3A_43, %dma_start3A_44] : memref<3328x32xf32, #tpu.memory_space<vmem>> -> memref<128x32xf32, #tpu.memory_space<vmem>>
    %dma_start3A_46 = arith.constant 0 : i32
    %dma_start3A_47 = tpu.memref_slice %arg5[%dma_start3A_42, %dma_start3A_46] : memref<26x128xi32, #tpu.memory_space<vmem>> -> memref<1x128xi32, #tpu.memory_space<vmem>>
    %dma_start3A_48 = tpu.memref_squeeze %dma_start3A_47 : memref<1x128xi32, #tpu.memory_space<vmem>> -> memref<128xi32, #tpu.memory_space<vmem>>
    %dma_start3A_49 = arith.constant 0 : i32
    %dma_start3A_50 = arith.constant 0 : i32
    %dma_start3A_51 = tpu.memref_slice %arg2[%dma_start3A_49, %dma_start3A_50] : memref<999987x32xf32, #tpu.memory_space<hbm>> -> memref<999987x32xf32, #tpu.memory_space<hbm>>
    tpu.enqueue_indirect_dma source(%dma_start3A_51 : memref<999987x32xf32, #tpu.memory_space<hbm>>) target(%dma_start3A_45 : memref<128x32xf32, #tpu.memory_space<vmem>>) offsets(%dma_start3A_48 : memref<128xi32, #tpu.memory_space<vmem>>) semaphore(%arg7 : memref<!tpu.dma_semaphore, #tpu.memory_space<semaphore_mem>>)
    %dma_start3A_52 = arith.constant 5 : i32
    %dma_start3A_53 = arith.constant 640 : i32
    %dma_start3A_54 = arith.constant 0 : i32
    %dma_start3A_55 = tpu.memref_slice %arg6[%dma_start3A_53, %dma_start3A_54] : memref<3328x32xf32, #tpu.memory_space<vmem>> -> memref<128x32xf32, #tpu.memory_space<vmem>>
    %dma_start3A_56 = arith.constant 0 : i32
    %dma_start3A_57 = tpu.memref_slice %arg5[%dma_start3A_52, %dma_start3A_56] : memref<26x128xi32, #tpu.memory_space<vmem>> -> memref<1x128xi32, #tpu.memory_space<vmem>>
    %dma_start3A_58 = tpu.memref_squeeze %dma_start3A_57 : memref<1x128xi32, #tpu.memory_space<vmem>> -> memref<128xi32, #tpu.memory_space<vmem>>
    %dma_start3A_59 = arith.constant 0 : i32
    %dma_start3A_60 = arith.constant 0 : i32
    %dma_start3A_61 = tpu.memref_slice %arg2[%dma_start3A_59, %dma_start3A_60] : memref<999987x32xf32, #tpu.memory_space<hbm>> -> memref<999987x32xf32, #tpu.memory_space<hbm>>
    tpu.enqueue_indirect_dma source(%dma_start3A_61 : memref<999987x32xf32, #tpu.memory_space<hbm>>) target(%dma_start3A_55 : memref<128x32xf32, #tpu.memory_space<vmem>>) offsets(%dma_start3A_58 : memref<128xi32, #tpu.memory_space<vmem>>) semaphore(%arg7 : memref<!tpu.dma_semaphore, #tpu.memory_space<semaphore_mem>>)
    %dma_start3A_62 = arith.constant 6 : i32
    %dma_start3A_63 = arith.constant 768 : i32
    %dma_start3A_64 = arith.constant 0 : i32
    %dma_start3A_65 = tpu.memref_slice %arg6[%dma_start3A_63, %dma_start3A_64] : memref<3328x32xf32, #tpu.memory_space<vmem>> -> memref<128x32xf32, #tpu.memory_space<vmem>>
    %dma_start3A_66 = arith.constant 0 : i32
    %dma_start3A_67 = tpu.memref_slice %arg5[%dma_start3A_62, %dma_start3A_66] : memref<26x128xi32, #tpu.memory_space<vmem>> -> memref<1x128xi32, #tpu.memory_space<vmem>>
    %dma_start3A_68 = tpu.memref_squeeze %dma_start3A_67 : memref<1x128xi32, #tpu.memory_space<vmem>> -> memref<128xi32, #tpu.memory_space<vmem>>
    %dma_start3A_69 = arith.constant 0 : i32
    %dma_start3A_70 = arith.constant 0 : i32
    %dma_start3A_71 = tpu.memref_slice %arg2[%dma_start3A_69, %dma_start3A_70] : memref<999987x32xf32, #tpu.memory_space<hbm>> -> memref<999987x32xf32, #tpu.memory_space<hbm>>
    tpu.enqueue_indirect_dma source(%dma_start3A_71 : memref<999987x32xf32, #tpu.memory_space<hbm>>) target(%dma_start3A_65 : memref<128x32xf32, #tpu.memory_space<vmem>>) offsets(%dma_start3A_68 : memref<128xi32, #tpu.memory_space<vmem>>) semaphore(%arg7 : memref<!tpu.dma_semaphore, #tpu.memory_space<semaphore_mem>>)
    %dma_start3A_72 = arith.constant 7 : i32
    %dma_start3A_73 = arith.constant 896 : i32
    %dma_start3A_74 = arith.constant 0 : i32
    %dma_start3A_75 = tpu.memref_slice %arg6[%dma_start3A_73, %dma_start3A_74] : memref<3328x32xf32, #tpu.memory_space<vmem>> -> memref<128x32xf32, #tpu.memory_space<vmem>>
    %dma_start3A_76 = arith.constant 0 : i32
    %dma_start3A_77 = tpu.memref_slice %arg5[%dma_start3A_72, %dma_start3A_76] : memref<26x128xi32, #tpu.memory_space<vmem>> -> memref<1x128xi32, #tpu.memory_space<vmem>>
    %dma_start3A_78 = tpu.memref_squeeze %dma_start3A_77 : memref<1x128xi32, #tpu.memory_space<vmem>> -> memref<128xi32, #tpu.memory_space<vmem>>
    %dma_start3A_79 = arith.constant 0 : i32
    %dma_start3A_80 = arith.constant 0 : i32
    %dma_start3A_81 = tpu.memref_slice %arg2[%dma_start3A_79, %dma_start3A_80] : memref<999987x32xf32, #tpu.memory_space<hbm>> -> memref<999987x32xf32, #tpu.memory_space<hbm>>
    tpu.enqueue_indirect_dma source(%dma_start3A_81 : memref<999987x32xf32, #tpu.memory_space<hbm>>) target(%dma_start3A_75 : memref<128x32xf32, #tpu.memory_space<vmem>>) offsets(%dma_start3A_78 : memref<128xi32, #tpu.memory_space<vmem>>) semaphore(%arg7 : memref<!tpu.dma_semaphore, #tpu.memory_space<semaphore_mem>>)
    %dma_start3A_82 = arith.constant 8 : i32
    %dma_start3A_83 = arith.constant 1024 : i32
    %dma_start3A_84 = arith.constant 0 : i32
    %dma_start3A_85 = tpu.memref_slice %arg6[%dma_start3A_83, %dma_start3A_84] : memref<3328x32xf32, #tpu.memory_space<vmem>> -> memref<128x32xf32, #tpu.memory_space<vmem>>
    %dma_start3A_86 = arith.constant 0 : i32
    %dma_start3A_87 = tpu.memref_slice %arg5[%dma_start3A_82, %dma_start3A_86] : memref<26x128xi32, #tpu.memory_space<vmem>> -> memref<1x128xi32, #tpu.memory_space<vmem>>
    %dma_start3A_88 = tpu.memref_squeeze %dma_start3A_87 : memref<1x128xi32, #tpu.memory_space<vmem>> -> memref<128xi32, #tpu.memory_space<vmem>>
    %dma_start3A_89 = arith.constant 0 : i32
    %dma_start3A_90 = arith.constant 0 : i32
    %dma_start3A_91 = tpu.memref_slice %arg2[%dma_start3A_89, %dma_start3A_90] : memref<999987x32xf32, #tpu.memory_space<hbm>> -> memref<999987x32xf32, #tpu.memory_space<hbm>>
    tpu.enqueue_indirect_dma source(%dma_start3A_91 : memref<999987x32xf32, #tpu.memory_space<hbm>>) target(%dma_start3A_85 : memref<128x32xf32, #tpu.memory_space<vmem>>) offsets(%dma_start3A_88 : memref<128xi32, #tpu.memory_space<vmem>>) semaphore(%arg7 : memref<!tpu.dma_semaphore, #tpu.memory_space<semaphore_mem>>)
    %dma_start3A_92 = arith.constant 9 : i32
    %dma_start3A_93 = arith.constant 1152 : i32
    %dma_start3A_94 = arith.constant 0 : i32
    %dma_start3A_95 = tpu.memref_slice %arg6[%dma_start3A_93, %dma_start3A_94] : memref<3328x32xf32, #tpu.memory_space<vmem>> -> memref<128x32xf32, #tpu.memory_space<vmem>>
    %dma_start3A_96 = arith.constant 0 : i32
    %dma_start3A_97 = tpu.memref_slice %arg5[%dma_start3A_92, %dma_start3A_96] : memref<26x128xi32, #tpu.memory_space<vmem>> -> memref<1x128xi32, #tpu.memory_space<vmem>>
    %dma_start3A_98 = tpu.memref_squeeze %dma_start3A_97 : memref<1x128xi32, #tpu.memory_space<vmem>> -> memref<128xi32, #tpu.memory_space<vmem>>
    %dma_start3A_99 = arith.constant 0 : i32
    %dma_start3A_100 = arith.constant 0 : i32
    %dma_start3A_101 = tpu.memref_slice %arg2[%dma_start3A_99, %dma_start3A_100] : memref<999987x32xf32, #tpu.memory_space<hbm>> -> memref<999987x32xf32, #tpu.memory_space<hbm>>
    tpu.enqueue_indirect_dma source(%dma_start3A_101 : memref<999987x32xf32, #tpu.memory_space<hbm>>) target(%dma_start3A_95 : memref<128x32xf32, #tpu.memory_space<vmem>>) offsets(%dma_start3A_98 : memref<128xi32, #tpu.memory_space<vmem>>) semaphore(%arg7 : memref<!tpu.dma_semaphore, #tpu.memory_space<semaphore_mem>>)
    %dma_start3A_102 = arith.constant 10 : i32
    %dma_start3A_103 = arith.constant 1280 : i32
    %dma_start3A_104 = arith.constant 0 : i32
    %dma_start3A_105 = tpu.memref_slice %arg6[%dma_start3A_103, %dma_start3A_104] : memref<3328x32xf32, #tpu.memory_space<vmem>> -> memref<128x32xf32, #tpu.memory_space<vmem>>
    %dma_start3A_106 = arith.constant 0 : i32
    %dma_start3A_107 = tpu.memref_slice %arg5[%dma_start3A_102, %dma_start3A_106] : memref<26x128xi32, #tpu.memory_space<vmem>> -> memref<1x128xi32, #tpu.memory_space<vmem>>
    %dma_start3A_108 = tpu.memref_squeeze %dma_start3A_107 : memref<1x128xi32, #tpu.memory_space<vmem>> -> memref<128xi32, #tpu.memory_space<vmem>>
    %dma_start3A_109 = arith.constant 0 : i32
    %dma_start3A_110 = arith.constant 0 : i32
    %dma_start3A_111 = tpu.memref_slice %arg2[%dma_start3A_109, %dma_start3A_110] : memref<999987x32xf32, #tpu.memory_space<hbm>> -> memref<999987x32xf32, #tpu.memory_space<hbm>>
    tpu.enqueue_indirect_dma source(%dma_start3A_111 : memref<999987x32xf32, #tpu.memory_space<hbm>>) target(%dma_start3A_105 : memref<128x32xf32, #tpu.memory_space<vmem>>) offsets(%dma_start3A_108 : memref<128xi32, #tpu.memory_space<vmem>>) semaphore(%arg7 : memref<!tpu.dma_semaphore, #tpu.memory_space<semaphore_mem>>)
    %dma_start3A_112 = arith.constant 11 : i32
    %dma_start3A_113 = arith.constant 1408 : i32
    %dma_start3A_114 = arith.constant 0 : i32
    %dma_start3A_115 = tpu.memref_slice %arg6[%dma_start3A_113, %dma_start3A_114] : memref<3328x32xf32, #tpu.memory_space<vmem>> -> memref<128x32xf32, #tpu.memory_space<vmem>>
    %dma_start3A_116 = arith.constant 0 : i32
    %dma_start3A_117 = tpu.memref_slice %arg5[%dma_start3A_112, %dma_start3A_116] : memref<26x128xi32, #tpu.memory_space<vmem>> -> memref<1x128xi32, #tpu.memory_space<vmem>>
    %dma_start3A_118 = tpu.memref_squeeze %dma_start3A_117 : memref<1x128xi32, #tpu.memory_space<vmem>> -> memref<128xi32, #tpu.memory_space<vmem>>
    %dma_start3A_119 = arith.constant 0 : i32
    %dma_start3A_120 = arith.constant 0 : i32
    %dma_start3A_121 = tpu.memref_slice %arg2[%dma_start3A_119, %dma_start3A_120] : memref<999987x32xf32, #tpu.memory_space<hbm>> -> memref<999987x32xf32, #tpu.memory_space<hbm>>
    tpu.enqueue_indirect_dma source(%dma_start3A_121 : memref<999987x32xf32, #tpu.memory_space<hbm>>) target(%dma_start3A_115 : memref<128x32xf32, #tpu.memory_space<vmem>>) offsets(%dma_start3A_118 : memref<128xi32, #tpu.memory_space<vmem>>) semaphore(%arg7 : memref<!tpu.dma_semaphore, #tpu.memory_space<semaphore_mem>>)
    %dma_start3A_122 = arith.constant 12 : i32
    %dma_start3A_123 = arith.constant 1536 : i32
    %dma_start3A_124 = arith.constant 0 : i32
    %dma_start3A_125 = tpu.memref_slice %arg6[%dma_start3A_123, %dma_start3A_124] : memref<3328x32xf32, #tpu.memory_space<vmem>> -> memref<128x32xf32, #tpu.memory_space<vmem>>
    %dma_start3A_126 = arith.constant 0 : i32
    %dma_start3A_127 = tpu.memref_slice %arg5[%dma_start3A_122, %dma_start3A_126] : memref<26x128xi32, #tpu.memory_space<vmem>> -> memref<1x128xi32, #tpu.memory_space<vmem>>
    %dma_start3A_128 = tpu.memref_squeeze %dma_start3A_127 : memref<1x128xi32, #tpu.memory_space<vmem>> -> memref<128xi32, #tpu.memory_space<vmem>>
    %dma_start3A_129 = arith.constant 0 : i32
    %dma_start3A_130 = arith.constant 0 : i32
    %dma_start3A_131 = tpu.memref_slice %arg2[%dma_start3A_129, %dma_start3A_130] : memref<999987x32xf32, #tpu.memory_space<hbm>> -> memref<999987x32xf32, #tpu.memory_space<hbm>>
    tpu.enqueue_indirect_dma source(%dma_start3A_131 : memref<999987x32xf32, #tpu.memory_space<hbm>>) target(%dma_start3A_125 : memref<128x32xf32, #tpu.memory_space<vmem>>) offsets(%dma_start3A_128 : memref<128xi32, #tpu.memory_space<vmem>>) semaphore(%arg7 : memref<!tpu.dma_semaphore, #tpu.memory_space<semaphore_mem>>)
    %dma_start3A_132 = arith.constant 13 : i32
    %dma_start3A_133 = arith.constant 1664 : i32
    %dma_start3A_134 = arith.constant 0 : i32
    %dma_start3A_135 = tpu.memref_slice %arg6[%dma_start3A_133, %dma_start3A_134] : memref<3328x32xf32, #tpu.memory_space<vmem>> -> memref<128x32xf32, #tpu.memory_space<vmem>>
    %dma_start3A_136 = arith.constant 0 : i32
    %dma_start3A_137 = tpu.memref_slice %arg5[%dma_start3A_132, %dma_start3A_136] : memref<26x128xi32, #tpu.memory_space<vmem>> -> memref<1x128xi32, #tpu.memory_space<vmem>>
    %dma_start3A_138 = tpu.memref_squeeze %dma_start3A_137 : memref<1x128xi32, #tpu.memory_space<vmem>> -> memref<128xi32, #tpu.memory_space<vmem>>
    %dma_start3A_139 = arith.constant 0 : i32
    %dma_start3A_140 = arith.constant 0 : i32
    %dma_start3A_141 = tpu.memref_slice %arg2[%dma_start3A_139, %dma_start3A_140] : memref<999987x32xf32, #tpu.memory_space<hbm>> -> memref<999987x32xf32, #tpu.memory_space<hbm>>
    tpu.enqueue_indirect_dma source(%dma_start3A_141 : memref<999987x32xf32, #tpu.memory_space<hbm>>) target(%dma_start3A_135 : memref<128x32xf32, #tpu.memory_space<vmem>>) offsets(%dma_start3A_138 : memref<128xi32, #tpu.memory_space<vmem>>) semaphore(%arg7 : memref<!tpu.dma_semaphore, #tpu.memory_space<semaphore_mem>>)
    %dma_start3A_142 = arith.constant 14 : i32
    %dma_start3A_143 = arith.constant 1792 : i32
    %dma_start3A_144 = arith.constant 0 : i32
    %dma_start3A_145 = tpu.memref_slice %arg6[%dma_start3A_143, %dma_start3A_144] : memref<3328x32xf32, #tpu.memory_space<vmem>> -> memref<128x32xf32, #tpu.memory_space<vmem>>
    %dma_start3A_146 = arith.constant 0 : i32
    %dma_start3A_147 = tpu.memref_slice %arg5[%dma_start3A_142, %dma_start3A_146] : memref<26x128xi32, #tpu.memory_space<vmem>> -> memref<1x128xi32, #tpu.memory_space<vmem>>
    %dma_start3A_148 = tpu.memref_squeeze %dma_start3A_147 : memref<1x128xi32, #tpu.memory_space<vmem>> -> memref<128xi32, #tpu.memory_space<vmem>>
    %dma_start3A_149 = arith.constant 0 : i32
    %dma_start3A_150 = arith.constant 0 : i32
    %dma_start3A_151 = tpu.memref_slice %arg2[%dma_start3A_149, %dma_start3A_150] : memref<999987x32xf32, #tpu.memory_space<hbm>> -> memref<999987x32xf32, #tpu.memory_space<hbm>>
    tpu.enqueue_indirect_dma source(%dma_start3A_151 : memref<999987x32xf32, #tpu.memory_space<hbm>>) target(%dma_start3A_145 : memref<128x32xf32, #tpu.memory_space<vmem>>) offsets(%dma_start3A_148 : memref<128xi32, #tpu.memory_space<vmem>>) semaphore(%arg7 : memref<!tpu.dma_semaphore, #tpu.memory_space<semaphore_mem>>)
    %dma_start3A_152 = arith.constant 15 : i32
    %dma_start3A_153 = arith.constant 1920 : i32
    %dma_start3A_154 = arith.constant 0 : i32
    %dma_start3A_155 = tpu.memref_slice %arg6[%dma_start3A_153, %dma_start3A_154] : memref<3328x32xf32, #tpu.memory_space<vmem>> -> memref<128x32xf32, #tpu.memory_space<vmem>>
    %dma_start3A_156 = arith.constant 0 : i32
    %dma_start3A_157 = tpu.memref_slice %arg5[%dma_start3A_152, %dma_start3A_156] : memref<26x128xi32, #tpu.memory_space<vmem>> -> memref<1x128xi32, #tpu.memory_space<vmem>>
    %dma_start3A_158 = tpu.memref_squeeze %dma_start3A_157 : memref<1x128xi32, #tpu.memory_space<vmem>> -> memref<128xi32, #tpu.memory_space<vmem>>
    %dma_start3A_159 = arith.constant 0 : i32
    %dma_start3A_160 = arith.constant 0 : i32
    %dma_start3A_161 = tpu.memref_slice %arg2[%dma_start3A_159, %dma_start3A_160] : memref<999987x32xf32, #tpu.memory_space<hbm>> -> memref<999987x32xf32, #tpu.memory_space<hbm>>
    tpu.enqueue_indirect_dma source(%dma_start3A_161 : memref<999987x32xf32, #tpu.memory_space<hbm>>) target(%dma_start3A_155 : memref<128x32xf32, #tpu.memory_space<vmem>>) offsets(%dma_start3A_158 : memref<128xi32, #tpu.memory_space<vmem>>) semaphore(%arg7 : memref<!tpu.dma_semaphore, #tpu.memory_space<semaphore_mem>>)
    %dma_start3A_162 = arith.constant 16 : i32
    %dma_start3A_163 = arith.constant 2048 : i32
    %dma_start3A_164 = arith.constant 0 : i32
    %dma_start3A_165 = tpu.memref_slice %arg6[%dma_start3A_163, %dma_start3A_164] : memref<3328x32xf32, #tpu.memory_space<vmem>> -> memref<128x32xf32, #tpu.memory_space<vmem>>
    %dma_start3A_166 = arith.constant 0 : i32
    %dma_start3A_167 = tpu.memref_slice %arg5[%dma_start3A_162, %dma_start3A_166] : memref<26x128xi32, #tpu.memory_space<vmem>> -> memref<1x128xi32, #tpu.memory_space<vmem>>
    %dma_start3A_168 = tpu.memref_squeeze %dma_start3A_167 : memref<1x128xi32, #tpu.memory_space<vmem>> -> memref<128xi32, #tpu.memory_space<vmem>>
    %dma_start3A_169 = arith.constant 0 : i32
    %dma_start3A_170 = arith.constant 0 : i32
    %dma_start3A_171 = tpu.memref_slice %arg2[%dma_start3A_169, %dma_start3A_170] : memref<999987x32xf32, #tpu.memory_space<hbm>> -> memref<999987x32xf32, #tpu.memory_space<hbm>>
    tpu.enqueue_indirect_dma source(%dma_start3A_171 : memref<999987x32xf32, #tpu.memory_space<hbm>>) target(%dma_start3A_165 : memref<128x32xf32, #tpu.memory_space<vmem>>) offsets(%dma_start3A_168 : memref<128xi32, #tpu.memory_space<vmem>>) semaphore(%arg7 : memref<!tpu.dma_semaphore, #tpu.memory_space<semaphore_mem>>)
    %dma_start3A_172 = arith.constant 17 : i32
    %dma_start3A_173 = arith.constant 2176 : i32
    %dma_start3A_174 = arith.constant 0 : i32
    %dma_start3A_175 = tpu.memref_slice %arg6[%dma_start3A_173, %dma_start3A_174] : memref<3328x32xf32, #tpu.memory_space<vmem>> -> memref<128x32xf32, #tpu.memory_space<vmem>>
    %dma_start3A_176 = arith.constant 0 : i32
    %dma_start3A_177 = tpu.memref_slice %arg5[%dma_start3A_172, %dma_start3A_176] : memref<26x128xi32, #tpu.memory_space<vmem>> -> memref<1x128xi32, #tpu.memory_space<vmem>>
    %dma_start3A_178 = tpu.memref_squeeze %dma_start3A_177 : memref<1x128xi32, #tpu.memory_space<vmem>> -> memref<128xi32, #tpu.memory_space<vmem>>
    %dma_start3A_179 = arith.constant 0 : i32
    %dma_start3A_180 = arith.constant 0 : i32
    %dma_start3A_181 = tpu.memref_slice %arg2[%dma_start3A_179, %dma_start3A_180] : memref<999987x32xf32, #tpu.memory_space<hbm>> -> memref<999987x32xf32, #tpu.memory_space<hbm>>
    tpu.enqueue_indirect_dma source(%dma_start3A_181 : memref<999987x32xf32, #tpu.memory_space<hbm>>) target(%dma_start3A_175 : memref<128x32xf32, #tpu.memory_space<vmem>>) offsets(%dma_start3A_178 : memref<128xi32, #tpu.memory_space<vmem>>) semaphore(%arg7 : memref<!tpu.dma_semaphore, #tpu.memory_space<semaphore_mem>>)
    %dma_start3A_182 = arith.constant 18 : i32
    %dma_start3A_183 = arith.constant 2304 : i32
    %dma_start3A_184 = arith.constant 0 : i32
    %dma_start3A_185 = tpu.memref_slice %arg6[%dma_start3A_183, %dma_start3A_184] : memref<3328x32xf32, #tpu.memory_space<vmem>> -> memref<128x32xf32, #tpu.memory_space<vmem>>
    %dma_start3A_186 = arith.constant 0 : i32
    %dma_start3A_187 = tpu.memref_slice %arg5[%dma_start3A_182, %dma_start3A_186] : memref<26x128xi32, #tpu.memory_space<vmem>> -> memref<1x128xi32, #tpu.memory_space<vmem>>
    %dma_start3A_188 = tpu.memref_squeeze %dma_start3A_187 : memref<1x128xi32, #tpu.memory_space<vmem>> -> memref<128xi32, #tpu.memory_space<vmem>>
    %dma_start3A_189 = arith.constant 0 : i32
    %dma_start3A_190 = arith.constant 0 : i32
    %dma_start3A_191 = tpu.memref_slice %arg2[%dma_start3A_189, %dma_start3A_190] : memref<999987x32xf32, #tpu.memory_space<hbm>> -> memref<999987x32xf32, #tpu.memory_space<hbm>>
    tpu.enqueue_indirect_dma source(%dma_start3A_191 : memref<999987x32xf32, #tpu.memory_space<hbm>>) target(%dma_start3A_185 : memref<128x32xf32, #tpu.memory_space<vmem>>) offsets(%dma_start3A_188 : memref<128xi32, #tpu.memory_space<vmem>>) semaphore(%arg7 : memref<!tpu.dma_semaphore, #tpu.memory_space<semaphore_mem>>)
    %dma_start3A_192 = arith.constant 19 : i32
    %dma_start3A_193 = arith.constant 2432 : i32
    %dma_start3A_194 = arith.constant 0 : i32
    %dma_start3A_195 = tpu.memref_slice %arg6[%dma_start3A_193, %dma_start3A_194] : memref<3328x32xf32, #tpu.memory_space<vmem>> -> memref<128x32xf32, #tpu.memory_space<vmem>>
    %dma_start3A_196 = arith.constant 0 : i32
    %dma_start3A_197 = tpu.memref_slice %arg5[%dma_start3A_192, %dma_start3A_196] : memref<26x128xi32, #tpu.memory_space<vmem>> -> memref<1x128xi32, #tpu.memory_space<vmem>>
    %dma_start3A_198 = tpu.memref_squeeze %dma_start3A_197 : memref<1x128xi32, #tpu.memory_space<vmem>> -> memref<128xi32, #tpu.memory_space<vmem>>
    %dma_start3A_199 = arith.constant 0 : i32
    %dma_start3A_200 = arith.constant 0 : i32
    %dma_start3A_201 = tpu.memref_slice %arg2[%dma_start3A_199, %dma_start3A_200] : memref<999987x32xf32, #tpu.memory_space<hbm>> -> memref<999987x32xf32, #tpu.memory_space<hbm>>
    tpu.enqueue_indirect_dma source(%dma_start3A_201 : memref<999987x32xf32, #tpu.memory_space<hbm>>) target(%dma_start3A_195 : memref<128x32xf32, #tpu.memory_space<vmem>>) offsets(%dma_start3A_198 : memref<128xi32, #tpu.memory_space<vmem>>) semaphore(%arg7 : memref<!tpu.dma_semaphore, #tpu.memory_space<semaphore_mem>>)
    %dma_start3A_202 = arith.constant 20 : i32
    %dma_start3A_203 = arith.constant 2560 : i32
    %dma_start3A_204 = arith.constant 0 : i32
    %dma_start3A_205 = tpu.memref_slice %arg6[%dma_start3A_203, %dma_start3A_204] : memref<3328x32xf32, #tpu.memory_space<vmem>> -> memref<128x32xf32, #tpu.memory_space<vmem>>
    %dma_start3A_206 = arith.constant 0 : i32
    %dma_start3A_207 = tpu.memref_slice %arg5[%dma_start3A_202, %dma_start3A_206] : memref<26x128xi32, #tpu.memory_space<vmem>> -> memref<1x128xi32, #tpu.memory_space<vmem>>
    %dma_start3A_208 = tpu.memref_squeeze %dma_start3A_207 : memref<1x128xi32, #tpu.memory_space<vmem>> -> memref<128xi32, #tpu.memory_space<vmem>>
    %dma_start3A_209 = arith.constant 0 : i32
    %dma_start3A_210 = arith.constant 0 : i32
    %dma_start3A_211 = tpu.memref_slice %arg2[%dma_start3A_209, %dma_start3A_210] : memref<999987x32xf32, #tpu.memory_space<hbm>> -> memref<999987x32xf32, #tpu.memory_space<hbm>>
    tpu.enqueue_indirect_dma source(%dma_start3A_211 : memref<999987x32xf32, #tpu.memory_space<hbm>>) target(%dma_start3A_205 : memref<128x32xf32, #tpu.memory_space<vmem>>) offsets(%dma_start3A_208 : memref<128xi32, #tpu.memory_space<vmem>>) semaphore(%arg7 : memref<!tpu.dma_semaphore, #tpu.memory_space<semaphore_mem>>)
    %dma_start3A_212 = arith.constant 21 : i32
    %dma_start3A_213 = arith.constant 2688 : i32
    %dma_start3A_214 = arith.constant 0 : i32
    %dma_start3A_215 = tpu.memref_slice %arg6[%dma_start3A_213, %dma_start3A_214] : memref<3328x32xf32, #tpu.memory_space<vmem>> -> memref<128x32xf32, #tpu.memory_space<vmem>>
    %dma_start3A_216 = arith.constant 0 : i32
    %dma_start3A_217 = tpu.memref_slice %arg5[%dma_start3A_212, %dma_start3A_216] : memref<26x128xi32, #tpu.memory_space<vmem>> -> memref<1x128xi32, #tpu.memory_space<vmem>>
    %dma_start3A_218 = tpu.memref_squeeze %dma_start3A_217 : memref<1x128xi32, #tpu.memory_space<vmem>> -> memref<128xi32, #tpu.memory_space<vmem>>
    %dma_start3A_219 = arith.constant 0 : i32
    %dma_start3A_220 = arith.constant 0 : i32
    %dma_start3A_221 = tpu.memref_slice %arg2[%dma_start3A_219, %dma_start3A_220] : memref<999987x32xf32, #tpu.memory_space<hbm>> -> memref<999987x32xf32, #tpu.memory_space<hbm>>
    tpu.enqueue_indirect_dma source(%dma_start3A_221 : memref<999987x32xf32, #tpu.memory_space<hbm>>) target(%dma_start3A_215 : memref<128x32xf32, #tpu.memory_space<vmem>>) offsets(%dma_start3A_218 : memref<128xi32, #tpu.memory_space<vmem>>) semaphore(%arg7 : memref<!tpu.dma_semaphore, #tpu.memory_space<semaphore_mem>>)
    %dma_start3A_222 = arith.constant 22 : i32
    %dma_start3A_223 = arith.constant 2816 : i32
    %dma_start3A_224 = arith.constant 0 : i32
    %dma_start3A_225 = tpu.memref_slice %arg6[%dma_start3A_223, %dma_start3A_224] : memref<3328x32xf32, #tpu.memory_space<vmem>> -> memref<128x32xf32, #tpu.memory_space<vmem>>
    %dma_start3A_226 = arith.constant 0 : i32
    %dma_start3A_227 = tpu.memref_slice %arg5[%dma_start3A_222, %dma_start3A_226] : memref<26x128xi32, #tpu.memory_space<vmem>> -> memref<1x128xi32, #tpu.memory_space<vmem>>
    %dma_start3A_228 = tpu.memref_squeeze %dma_start3A_227 : memref<1x128xi32, #tpu.memory_space<vmem>> -> memref<128xi32, #tpu.memory_space<vmem>>
    %dma_start3A_229 = arith.constant 0 : i32
    %dma_start3A_230 = arith.constant 0 : i32
    %dma_start3A_231 = tpu.memref_slice %arg2[%dma_start3A_229, %dma_start3A_230] : memref<999987x32xf32, #tpu.memory_space<hbm>> -> memref<999987x32xf32, #tpu.memory_space<hbm>>
    tpu.enqueue_indirect_dma source(%dma_start3A_231 : memref<999987x32xf32, #tpu.memory_space<hbm>>) target(%dma_start3A_225 : memref<128x32xf32, #tpu.memory_space<vmem>>) offsets(%dma_start3A_228 : memref<128xi32, #tpu.memory_space<vmem>>) semaphore(%arg7 : memref<!tpu.dma_semaphore, #tpu.memory_space<semaphore_mem>>)
    %dma_start3A_232 = arith.constant 23 : i32
    %dma_start3A_233 = arith.constant 2944 : i32
    %dma_start3A_234 = arith.constant 0 : i32
    %dma_start3A_235 = tpu.memref_slice %arg6[%dma_start3A_233, %dma_start3A_234] : memref<3328x32xf32, #tpu.memory_space<vmem>> -> memref<128x32xf32, #tpu.memory_space<vmem>>
    %dma_start3A_236 = arith.constant 0 : i32
    %dma_start3A_237 = tpu.memref_slice %arg5[%dma_start3A_232, %dma_start3A_236] : memref<26x128xi32, #tpu.memory_space<vmem>> -> memref<1x128xi32, #tpu.memory_space<vmem>>
    %dma_start3A_238 = tpu.memref_squeeze %dma_start3A_237 : memref<1x128xi32, #tpu.memory_space<vmem>> -> memref<128xi32, #tpu.memory_space<vmem>>
    %dma_start3A_239 = arith.constant 0 : i32
    %dma_start3A_240 = arith.constant 0 : i32
    %dma_start3A_241 = tpu.memref_slice %arg2[%dma_start3A_239, %dma_start3A_240] : memref<999987x32xf32, #tpu.memory_space<hbm>> -> memref<999987x32xf32, #tpu.memory_space<hbm>>
    tpu.enqueue_indirect_dma source(%dma_start3A_241 : memref<999987x32xf32, #tpu.memory_space<hbm>>) target(%dma_start3A_235 : memref<128x32xf32, #tpu.memory_space<vmem>>) offsets(%dma_start3A_238 : memref<128xi32, #tpu.memory_space<vmem>>) semaphore(%arg7 : memref<!tpu.dma_semaphore, #tpu.memory_space<semaphore_mem>>)
    %dma_start3A_242 = arith.constant 24 : i32
    %dma_start3A_243 = arith.constant 3072 : i32
    %dma_start3A_244 = arith.constant 0 : i32
    %dma_start3A_245 = tpu.memref_slice %arg6[%dma_start3A_243, %dma_start3A_244] : memref<3328x32xf32, #tpu.memory_space<vmem>> -> memref<128x32xf32, #tpu.memory_space<vmem>>
    %dma_start3A_246 = arith.constant 0 : i32
    %dma_start3A_247 = tpu.memref_slice %arg5[%dma_start3A_242, %dma_start3A_246] : memref<26x128xi32, #tpu.memory_space<vmem>> -> memref<1x128xi32, #tpu.memory_space<vmem>>
    %dma_start3A_248 = tpu.memref_squeeze %dma_start3A_247 : memref<1x128xi32, #tpu.memory_space<vmem>> -> memref<128xi32, #tpu.memory_space<vmem>>
    %dma_start3A_249 = arith.constant 0 : i32
    %dma_start3A_250 = arith.constant 0 : i32
    %dma_start3A_251 = tpu.memref_slice %arg2[%dma_start3A_249, %dma_start3A_250] : memref<999987x32xf32, #tpu.memory_space<hbm>> -> memref<999987x32xf32, #tpu.memory_space<hbm>>
    tpu.enqueue_indirect_dma source(%dma_start3A_251 : memref<999987x32xf32, #tpu.memory_space<hbm>>) target(%dma_start3A_245 : memref<128x32xf32, #tpu.memory_space<vmem>>) offsets(%dma_start3A_248 : memref<128xi32, #tpu.memory_space<vmem>>) semaphore(%arg7 : memref<!tpu.dma_semaphore, #tpu.memory_space<semaphore_mem>>)
    %dma_start3A_252 = arith.constant 25 : i32
    %dma_start3A_253 = arith.constant 3200 : i32
    %dma_start3A_254 = arith.constant 0 : i32
    %dma_start3A_255 = tpu.memref_slice %arg6[%dma_start3A_253, %dma_start3A_254] : memref<3328x32xf32, #tpu.memory_space<vmem>> -> memref<128x32xf32, #tpu.memory_space<vmem>>
    %dma_start3A_256 = arith.constant 0 : i32
    %dma_start3A_257 = tpu.memref_slice %arg5[%dma_start3A_252, %dma_start3A_256] : memref<26x128xi32, #tpu.memory_space<vmem>> -> memref<1x128xi32, #tpu.memory_space<vmem>>
    %dma_start3A_258 = tpu.memref_squeeze %dma_start3A_257 : memref<1x128xi32, #tpu.memory_space<vmem>> -> memref<128xi32, #tpu.memory_space<vmem>>
    %dma_start3A_259 = arith.constant 0 : i32
    %dma_start3A_260 = arith.constant 0 : i32
    %dma_start3A_261 = tpu.memref_slice %arg2[%dma_start3A_259, %dma_start3A_260] : memref<999987x32xf32, #tpu.memory_space<hbm>> -> memref<999987x32xf32, #tpu.memory_space<hbm>>
    tpu.enqueue_indirect_dma source(%dma_start3A_261 : memref<999987x32xf32, #tpu.memory_space<hbm>>) target(%dma_start3A_255 : memref<128x32xf32, #tpu.memory_space<vmem>>) offsets(%dma_start3A_258 : memref<128xi32, #tpu.memory_space<vmem>>) semaphore(%arg7 : memref<!tpu.dma_semaphore, #tpu.memory_space<semaphore_mem>>)
    %dma_wait3A = arith.constant 0 : i32
    %dma_wait3A_262 = arith.constant 0 : i32
    %dma_wait3A_263 = arith.constant 0 : i32
    %dma_wait3A_264 = tpu.memref_slice %arg6[%dma_wait3A_262, %dma_wait3A_263] : memref<3328x32xf32, #tpu.memory_space<vmem>> -> memref<128x32xf32, #tpu.memory_space<vmem>>
    %dma_wait3A_265 = arith.constant 0 : i32
    %dma_wait3A_266 = tpu.memref_slice %arg5[%dma_wait3A, %dma_wait3A_265] : memref<26x128xi32, #tpu.memory_space<vmem>> -> memref<1x128xi32, #tpu.memory_space<vmem>>
    %dma_wait3A_267 = tpu.memref_squeeze %dma_wait3A_266 : memref<1x128xi32, #tpu.memory_space<vmem>> -> memref<128xi32, #tpu.memory_space<vmem>>
    %dma_wait3A_268 = arith.constant 0 : i32
    %dma_wait3A_269 = arith.constant 0 : i32
    %dma_wait3A_270 = tpu.memref_slice %arg2[%dma_wait3A_268, %dma_wait3A_269] : memref<999987x32xf32, #tpu.memory_space<hbm>> -> memref<999987x32xf32, #tpu.memory_space<hbm>>
    tpu.wait_indirect_dma semaphore(%arg7 : memref<!tpu.dma_semaphore, #tpu.memory_space<semaphore_mem>>) src(%dma_wait3A_270 : memref<999987x32xf32, #tpu.memory_space<hbm>>) dst(%dma_wait3A_264 : memref<128x32xf32, #tpu.memory_space<vmem>>)
    %dma_wait3A_271 = arith.constant 1 : i32
    %dma_wait3A_272 = arith.constant 128 : i32
    %dma_wait3A_273 = arith.constant 0 : i32
    %dma_wait3A_274 = tpu.memref_slice %arg6[%dma_wait3A_272, %dma_wait3A_273] : memref<3328x32xf32, #tpu.memory_space<vmem>> -> memref<128x32xf32, #tpu.memory_space<vmem>>
    %dma_wait3A_275 = arith.constant 0 : i32
    %dma_wait3A_276 = tpu.memref_slice %arg5[%dma_wait3A_271, %dma_wait3A_275] : memref<26x128xi32, #tpu.memory_space<vmem>> -> memref<1x128xi32, #tpu.memory_space<vmem>>
    %dma_wait3A_277 = tpu.memref_squeeze %dma_wait3A_276 : memref<1x128xi32, #tpu.memory_space<vmem>> -> memref<128xi32, #tpu.memory_space<vmem>>
    %dma_wait3A_278 = arith.constant 0 : i32
    %dma_wait3A_279 = arith.constant 0 : i32
    %dma_wait3A_280 = tpu.memref_slice %arg2[%dma_wait3A_278, %dma_wait3A_279] : memref<999987x32xf32, #tpu.memory_space<hbm>> -> memref<999987x32xf32, #tpu.memory_space<hbm>>
    tpu.wait_indirect_dma semaphore(%arg7 : memref<!tpu.dma_semaphore, #tpu.memory_space<semaphore_mem>>) src(%dma_wait3A_280 : memref<999987x32xf32, #tpu.memory_space<hbm>>) dst(%dma_wait3A_274 : memref<128x32xf32, #tpu.memory_space<vmem>>)
    %dma_wait3A_281 = arith.constant 2 : i32
    %dma_wait3A_282 = arith.constant 256 : i32
    %dma_wait3A_283 = arith.constant 0 : i32
    %dma_wait3A_284 = tpu.memref_slice %arg6[%dma_wait3A_282, %dma_wait3A_283] : memref<3328x32xf32, #tpu.memory_space<vmem>> -> memref<128x32xf32, #tpu.memory_space<vmem>>
    %dma_wait3A_285 = arith.constant 0 : i32
    %dma_wait3A_286 = tpu.memref_slice %arg5[%dma_wait3A_281, %dma_wait3A_285] : memref<26x128xi32, #tpu.memory_space<vmem>> -> memref<1x128xi32, #tpu.memory_space<vmem>>
    %dma_wait3A_287 = tpu.memref_squeeze %dma_wait3A_286 : memref<1x128xi32, #tpu.memory_space<vmem>> -> memref<128xi32, #tpu.memory_space<vmem>>
    %dma_wait3A_288 = arith.constant 0 : i32
    %dma_wait3A_289 = arith.constant 0 : i32
    %dma_wait3A_290 = tpu.memref_slice %arg2[%dma_wait3A_288, %dma_wait3A_289] : memref<999987x32xf32, #tpu.memory_space<hbm>> -> memref<999987x32xf32, #tpu.memory_space<hbm>>
    tpu.wait_indirect_dma semaphore(%arg7 : memref<!tpu.dma_semaphore, #tpu.memory_space<semaphore_mem>>) src(%dma_wait3A_290 : memref<999987x32xf32, #tpu.memory_space<hbm>>) dst(%dma_wait3A_284 : memref<128x32xf32, #tpu.memory_space<vmem>>)
    %dma_wait3A_291 = arith.constant 3 : i32
    %dma_wait3A_292 = arith.constant 384 : i32
    %dma_wait3A_293 = arith.constant 0 : i32
    %dma_wait3A_294 = tpu.memref_slice %arg6[%dma_wait3A_292, %dma_wait3A_293] : memref<3328x32xf32, #tpu.memory_space<vmem>> -> memref<128x32xf32, #tpu.memory_space<vmem>>
    %dma_wait3A_295 = arith.constant 0 : i32
    %dma_wait3A_296 = tpu.memref_slice %arg5[%dma_wait3A_291, %dma_wait3A_295] : memref<26x128xi32, #tpu.memory_space<vmem>> -> memref<1x128xi32, #tpu.memory_space<vmem>>
    %dma_wait3A_297 = tpu.memref_squeeze %dma_wait3A_296 : memref<1x128xi32, #tpu.memory_space<vmem>> -> memref<128xi32, #tpu.memory_space<vmem>>
    %dma_wait3A_298 = arith.constant 0 : i32
    %dma_wait3A_299 = arith.constant 0 : i32
    %dma_wait3A_300 = tpu.memref_slice %arg2[%dma_wait3A_298, %dma_wait3A_299] : memref<999987x32xf32, #tpu.memory_space<hbm>> -> memref<999987x32xf32, #tpu.memory_space<hbm>>
    tpu.wait_indirect_dma semaphore(%arg7 : memref<!tpu.dma_semaphore, #tpu.memory_space<semaphore_mem>>) src(%dma_wait3A_300 : memref<999987x32xf32, #tpu.memory_space<hbm>>) dst(%dma_wait3A_294 : memref<128x32xf32, #tpu.memory_space<vmem>>)
    %dma_wait3A_301 = arith.constant 4 : i32
    %dma_wait3A_302 = arith.constant 512 : i32
    %dma_wait3A_303 = arith.constant 0 : i32
    %dma_wait3A_304 = tpu.memref_slice %arg6[%dma_wait3A_302, %dma_wait3A_303] : memref<3328x32xf32, #tpu.memory_space<vmem>> -> memref<128x32xf32, #tpu.memory_space<vmem>>
    %dma_wait3A_305 = arith.constant 0 : i32
    %dma_wait3A_306 = tpu.memref_slice %arg5[%dma_wait3A_301, %dma_wait3A_305] : memref<26x128xi32, #tpu.memory_space<vmem>> -> memref<1x128xi32, #tpu.memory_space<vmem>>
    %dma_wait3A_307 = tpu.memref_squeeze %dma_wait3A_306 : memref<1x128xi32, #tpu.memory_space<vmem>> -> memref<128xi32, #tpu.memory_space<vmem>>
    %dma_wait3A_308 = arith.constant 0 : i32
    %dma_wait3A_309 = arith.constant 0 : i32
    %dma_wait3A_310 = tpu.memref_slice %arg2[%dma_wait3A_308, %dma_wait3A_309] : memref<999987x32xf32, #tpu.memory_space<hbm>> -> memref<999987x32xf32, #tpu.memory_space<hbm>>
    tpu.wait_indirect_dma semaphore(%arg7 : memref<!tpu.dma_semaphore, #tpu.memory_space<semaphore_mem>>) src(%dma_wait3A_310 : memref<999987x32xf32, #tpu.memory_space<hbm>>) dst(%dma_wait3A_304 : memref<128x32xf32, #tpu.memory_space<vmem>>)
    %dma_wait3A_311 = arith.constant 5 : i32
    %dma_wait3A_312 = arith.constant 640 : i32
    %dma_wait3A_313 = arith.constant 0 : i32
    %dma_wait3A_314 = tpu.memref_slice %arg6[%dma_wait3A_312, %dma_wait3A_313] : memref<3328x32xf32, #tpu.memory_space<vmem>> -> memref<128x32xf32, #tpu.memory_space<vmem>>
    %dma_wait3A_315 = arith.constant 0 : i32
    %dma_wait3A_316 = tpu.memref_slice %arg5[%dma_wait3A_311, %dma_wait3A_315] : memref<26x128xi32, #tpu.memory_space<vmem>> -> memref<1x128xi32, #tpu.memory_space<vmem>>
    %dma_wait3A_317 = tpu.memref_squeeze %dma_wait3A_316 : memref<1x128xi32, #tpu.memory_space<vmem>> -> memref<128xi32, #tpu.memory_space<vmem>>
    %dma_wait3A_318 = arith.constant 0 : i32
    %dma_wait3A_319 = arith.constant 0 : i32
    %dma_wait3A_320 = tpu.memref_slice %arg2[%dma_wait3A_318, %dma_wait3A_319] : memref<999987x32xf32, #tpu.memory_space<hbm>> -> memref<999987x32xf32, #tpu.memory_space<hbm>>
    tpu.wait_indirect_dma semaphore(%arg7 : memref<!tpu.dma_semaphore, #tpu.memory_space<semaphore_mem>>) src(%dma_wait3A_320 : memref<999987x32xf32, #tpu.memory_space<hbm>>) dst(%dma_wait3A_314 : memref<128x32xf32, #tpu.memory_space<vmem>>)
    %dma_wait3A_321 = arith.constant 6 : i32
    %dma_wait3A_322 = arith.constant 768 : i32
    %dma_wait3A_323 = arith.constant 0 : i32
    %dma_wait3A_324 = tpu.memref_slice %arg6[%dma_wait3A_322, %dma_wait3A_323] : memref<3328x32xf32, #tpu.memory_space<vmem>> -> memref<128x32xf32, #tpu.memory_space<vmem>>
    %dma_wait3A_325 = arith.constant 0 : i32
    %dma_wait3A_326 = tpu.memref_slice %arg5[%dma_wait3A_321, %dma_wait3A_325] : memref<26x128xi32, #tpu.memory_space<vmem>> -> memref<1x128xi32, #tpu.memory_space<vmem>>
    %dma_wait3A_327 = tpu.memref_squeeze %dma_wait3A_326 : memref<1x128xi32, #tpu.memory_space<vmem>> -> memref<128xi32, #tpu.memory_space<vmem>>
    %dma_wait3A_328 = arith.constant 0 : i32
    %dma_wait3A_329 = arith.constant 0 : i32
    %dma_wait3A_330 = tpu.memref_slice %arg2[%dma_wait3A_328, %dma_wait3A_329] : memref<999987x32xf32, #tpu.memory_space<hbm>> -> memref<999987x32xf32, #tpu.memory_space<hbm>>
    tpu.wait_indirect_dma semaphore(%arg7 : memref<!tpu.dma_semaphore, #tpu.memory_space<semaphore_mem>>) src(%dma_wait3A_330 : memref<999987x32xf32, #tpu.memory_space<hbm>>) dst(%dma_wait3A_324 : memref<128x32xf32, #tpu.memory_space<vmem>>)
    %dma_wait3A_331 = arith.constant 7 : i32
    %dma_wait3A_332 = arith.constant 896 : i32
    %dma_wait3A_333 = arith.constant 0 : i32
    %dma_wait3A_334 = tpu.memref_slice %arg6[%dma_wait3A_332, %dma_wait3A_333] : memref<3328x32xf32, #tpu.memory_space<vmem>> -> memref<128x32xf32, #tpu.memory_space<vmem>>
    %dma_wait3A_335 = arith.constant 0 : i32
    %dma_wait3A_336 = tpu.memref_slice %arg5[%dma_wait3A_331, %dma_wait3A_335] : memref<26x128xi32, #tpu.memory_space<vmem>> -> memref<1x128xi32, #tpu.memory_space<vmem>>
    %dma_wait3A_337 = tpu.memref_squeeze %dma_wait3A_336 : memref<1x128xi32, #tpu.memory_space<vmem>> -> memref<128xi32, #tpu.memory_space<vmem>>
    %dma_wait3A_338 = arith.constant 0 : i32
    %dma_wait3A_339 = arith.constant 0 : i32
    %dma_wait3A_340 = tpu.memref_slice %arg2[%dma_wait3A_338, %dma_wait3A_339] : memref<999987x32xf32, #tpu.memory_space<hbm>> -> memref<999987x32xf32, #tpu.memory_space<hbm>>
    tpu.wait_indirect_dma semaphore(%arg7 : memref<!tpu.dma_semaphore, #tpu.memory_space<semaphore_mem>>) src(%dma_wait3A_340 : memref<999987x32xf32, #tpu.memory_space<hbm>>) dst(%dma_wait3A_334 : memref<128x32xf32, #tpu.memory_space<vmem>>)
    %dma_wait3A_341 = arith.constant 8 : i32
    %dma_wait3A_342 = arith.constant 1024 : i32
    %dma_wait3A_343 = arith.constant 0 : i32
    %dma_wait3A_344 = tpu.memref_slice %arg6[%dma_wait3A_342, %dma_wait3A_343] : memref<3328x32xf32, #tpu.memory_space<vmem>> -> memref<128x32xf32, #tpu.memory_space<vmem>>
    %dma_wait3A_345 = arith.constant 0 : i32
    %dma_wait3A_346 = tpu.memref_slice %arg5[%dma_wait3A_341, %dma_wait3A_345] : memref<26x128xi32, #tpu.memory_space<vmem>> -> memref<1x128xi32, #tpu.memory_space<vmem>>
    %dma_wait3A_347 = tpu.memref_squeeze %dma_wait3A_346 : memref<1x128xi32, #tpu.memory_space<vmem>> -> memref<128xi32, #tpu.memory_space<vmem>>
    %dma_wait3A_348 = arith.constant 0 : i32
    %dma_wait3A_349 = arith.constant 0 : i32
    %dma_wait3A_350 = tpu.memref_slice %arg2[%dma_wait3A_348, %dma_wait3A_349] : memref<999987x32xf32, #tpu.memory_space<hbm>> -> memref<999987x32xf32, #tpu.memory_space<hbm>>
    tpu.wait_indirect_dma semaphore(%arg7 : memref<!tpu.dma_semaphore, #tpu.memory_space<semaphore_mem>>) src(%dma_wait3A_350 : memref<999987x32xf32, #tpu.memory_space<hbm>>) dst(%dma_wait3A_344 : memref<128x32xf32, #tpu.memory_space<vmem>>)
    %dma_wait3A_351 = arith.constant 9 : i32
    %dma_wait3A_352 = arith.constant 1152 : i32
    %dma_wait3A_353 = arith.constant 0 : i32
    %dma_wait3A_354 = tpu.memref_slice %arg6[%dma_wait3A_352, %dma_wait3A_353] : memref<3328x32xf32, #tpu.memory_space<vmem>> -> memref<128x32xf32, #tpu.memory_space<vmem>>
    %dma_wait3A_355 = arith.constant 0 : i32
    %dma_wait3A_356 = tpu.memref_slice %arg5[%dma_wait3A_351, %dma_wait3A_355] : memref<26x128xi32, #tpu.memory_space<vmem>> -> memref<1x128xi32, #tpu.memory_space<vmem>>
    %dma_wait3A_357 = tpu.memref_squeeze %dma_wait3A_356 : memref<1x128xi32, #tpu.memory_space<vmem>> -> memref<128xi32, #tpu.memory_space<vmem>>
    %dma_wait3A_358 = arith.constant 0 : i32
    %dma_wait3A_359 = arith.constant 0 : i32
    %dma_wait3A_360 = tpu.memref_slice %arg2[%dma_wait3A_358, %dma_wait3A_359] : memref<999987x32xf32, #tpu.memory_space<hbm>> -> memref<999987x32xf32, #tpu.memory_space<hbm>>
    tpu.wait_indirect_dma semaphore(%arg7 : memref<!tpu.dma_semaphore, #tpu.memory_space<semaphore_mem>>) src(%dma_wait3A_360 : memref<999987x32xf32, #tpu.memory_space<hbm>>) dst(%dma_wait3A_354 : memref<128x32xf32, #tpu.memory_space<vmem>>)
    %dma_wait3A_361 = arith.constant 10 : i32
    %dma_wait3A_362 = arith.constant 1280 : i32
    %dma_wait3A_363 = arith.constant 0 : i32
    %dma_wait3A_364 = tpu.memref_slice %arg6[%dma_wait3A_362, %dma_wait3A_363] : memref<3328x32xf32, #tpu.memory_space<vmem>> -> memref<128x32xf32, #tpu.memory_space<vmem>>
    %dma_wait3A_365 = arith.constant 0 : i32
    %dma_wait3A_366 = tpu.memref_slice %arg5[%dma_wait3A_361, %dma_wait3A_365] : memref<26x128xi32, #tpu.memory_space<vmem>> -> memref<1x128xi32, #tpu.memory_space<vmem>>
    %dma_wait3A_367 = tpu.memref_squeeze %dma_wait3A_366 : memref<1x128xi32, #tpu.memory_space<vmem>> -> memref<128xi32, #tpu.memory_space<vmem>>
    %dma_wait3A_368 = arith.constant 0 : i32
    %dma_wait3A_369 = arith.constant 0 : i32
    %dma_wait3A_370 = tpu.memref_slice %arg2[%dma_wait3A_368, %dma_wait3A_369] : memref<999987x32xf32, #tpu.memory_space<hbm>> -> memref<999987x32xf32, #tpu.memory_space<hbm>>
    tpu.wait_indirect_dma semaphore(%arg7 : memref<!tpu.dma_semaphore, #tpu.memory_space<semaphore_mem>>) src(%dma_wait3A_370 : memref<999987x32xf32, #tpu.memory_space<hbm>>) dst(%dma_wait3A_364 : memref<128x32xf32, #tpu.memory_space<vmem>>)
    %dma_wait3A_371 = arith.constant 11 : i32
    %dma_wait3A_372 = arith.constant 1408 : i32
    %dma_wait3A_373 = arith.constant 0 : i32
    %dma_wait3A_374 = tpu.memref_slice %arg6[%dma_wait3A_372, %dma_wait3A_373] : memref<3328x32xf32, #tpu.memory_space<vmem>> -> memref<128x32xf32, #tpu.memory_space<vmem>>
    %dma_wait3A_375 = arith.constant 0 : i32
    %dma_wait3A_376 = tpu.memref_slice %arg5[%dma_wait3A_371, %dma_wait3A_375] : memref<26x128xi32, #tpu.memory_space<vmem>> -> memref<1x128xi32, #tpu.memory_space<vmem>>
    %dma_wait3A_377 = tpu.memref_squeeze %dma_wait3A_376 : memref<1x128xi32, #tpu.memory_space<vmem>> -> memref<128xi32, #tpu.memory_space<vmem>>
    %dma_wait3A_378 = arith.constant 0 : i32
    %dma_wait3A_379 = arith.constant 0 : i32
    %dma_wait3A_380 = tpu.memref_slice %arg2[%dma_wait3A_378, %dma_wait3A_379] : memref<999987x32xf32, #tpu.memory_space<hbm>> -> memref<999987x32xf32, #tpu.memory_space<hbm>>
    tpu.wait_indirect_dma semaphore(%arg7 : memref<!tpu.dma_semaphore, #tpu.memory_space<semaphore_mem>>) src(%dma_wait3A_380 : memref<999987x32xf32, #tpu.memory_space<hbm>>) dst(%dma_wait3A_374 : memref<128x32xf32, #tpu.memory_space<vmem>>)
    %dma_wait3A_381 = arith.constant 12 : i32
    %dma_wait3A_382 = arith.constant 1536 : i32
    %dma_wait3A_383 = arith.constant 0 : i32
    %dma_wait3A_384 = tpu.memref_slice %arg6[%dma_wait3A_382, %dma_wait3A_383] : memref<3328x32xf32, #tpu.memory_space<vmem>> -> memref<128x32xf32, #tpu.memory_space<vmem>>
    %dma_wait3A_385 = arith.constant 0 : i32
    %dma_wait3A_386 = tpu.memref_slice %arg5[%dma_wait3A_381, %dma_wait3A_385] : memref<26x128xi32, #tpu.memory_space<vmem>> -> memref<1x128xi32, #tpu.memory_space<vmem>>
    %dma_wait3A_387 = tpu.memref_squeeze %dma_wait3A_386 : memref<1x128xi32, #tpu.memory_space<vmem>> -> memref<128xi32, #tpu.memory_space<vmem>>
    %dma_wait3A_388 = arith.constant 0 : i32
    %dma_wait3A_389 = arith.constant 0 : i32
    %dma_wait3A_390 = tpu.memref_slice %arg2[%dma_wait3A_388, %dma_wait3A_389] : memref<999987x32xf32, #tpu.memory_space<hbm>> -> memref<999987x32xf32, #tpu.memory_space<hbm>>
    tpu.wait_indirect_dma semaphore(%arg7 : memref<!tpu.dma_semaphore, #tpu.memory_space<semaphore_mem>>) src(%dma_wait3A_390 : memref<999987x32xf32, #tpu.memory_space<hbm>>) dst(%dma_wait3A_384 : memref<128x32xf32, #tpu.memory_space<vmem>>)
    %dma_wait3A_391 = arith.constant 13 : i32
    %dma_wait3A_392 = arith.constant 1664 : i32
    %dma_wait3A_393 = arith.constant 0 : i32
    %dma_wait3A_394 = tpu.memref_slice %arg6[%dma_wait3A_392, %dma_wait3A_393] : memref<3328x32xf32, #tpu.memory_space<vmem>> -> memref<128x32xf32, #tpu.memory_space<vmem>>
    %dma_wait3A_395 = arith.constant 0 : i32
    %dma_wait3A_396 = tpu.memref_slice %arg5[%dma_wait3A_391, %dma_wait3A_395] : memref<26x128xi32, #tpu.memory_space<vmem>> -> memref<1x128xi32, #tpu.memory_space<vmem>>
    %dma_wait3A_397 = tpu.memref_squeeze %dma_wait3A_396 : memref<1x128xi32, #tpu.memory_space<vmem>> -> memref<128xi32, #tpu.memory_space<vmem>>
    %dma_wait3A_398 = arith.constant 0 : i32
    %dma_wait3A_399 = arith.constant 0 : i32
    %dma_wait3A_400 = tpu.memref_slice %arg2[%dma_wait3A_398, %dma_wait3A_399] : memref<999987x32xf32, #tpu.memory_space<hbm>> -> memref<999987x32xf32, #tpu.memory_space<hbm>>
    tpu.wait_indirect_dma semaphore(%arg7 : memref<!tpu.dma_semaphore, #tpu.memory_space<semaphore_mem>>) src(%dma_wait3A_400 : memref<999987x32xf32, #tpu.memory_space<hbm>>) dst(%dma_wait3A_394 : memref<128x32xf32, #tpu.memory_space<vmem>>)
    %dma_wait3A_401 = arith.constant 14 : i32
    %dma_wait3A_402 = arith.constant 1792 : i32
    %dma_wait3A_403 = arith.constant 0 : i32
    %dma_wait3A_404 = tpu.memref_slice %arg6[%dma_wait3A_402, %dma_wait3A_403] : memref<3328x32xf32, #tpu.memory_space<vmem>> -> memref<128x32xf32, #tpu.memory_space<vmem>>
    %dma_wait3A_405 = arith.constant 0 : i32
    %dma_wait3A_406 = tpu.memref_slice %arg5[%dma_wait3A_401, %dma_wait3A_405] : memref<26x128xi32, #tpu.memory_space<vmem>> -> memref<1x128xi32, #tpu.memory_space<vmem>>
    %dma_wait3A_407 = tpu.memref_squeeze %dma_wait3A_406 : memref<1x128xi32, #tpu.memory_space<vmem>> -> memref<128xi32, #tpu.memory_space<vmem>>
    %dma_wait3A_408 = arith.constant 0 : i32
    %dma_wait3A_409 = arith.constant 0 : i32
    %dma_wait3A_410 = tpu.memref_slice %arg2[%dma_wait3A_408, %dma_wait3A_409] : memref<999987x32xf32, #tpu.memory_space<hbm>> -> memref<999987x32xf32, #tpu.memory_space<hbm>>
    tpu.wait_indirect_dma semaphore(%arg7 : memref<!tpu.dma_semaphore, #tpu.memory_space<semaphore_mem>>) src(%dma_wait3A_410 : memref<999987x32xf32, #tpu.memory_space<hbm>>) dst(%dma_wait3A_404 : memref<128x32xf32, #tpu.memory_space<vmem>>)
    %dma_wait3A_411 = arith.constant 15 : i32
    %dma_wait3A_412 = arith.constant 1920 : i32
    %dma_wait3A_413 = arith.constant 0 : i32
    %dma_wait3A_414 = tpu.memref_slice %arg6[%dma_wait3A_412, %dma_wait3A_413] : memref<3328x32xf32, #tpu.memory_space<vmem>> -> memref<128x32xf32, #tpu.memory_space<vmem>>
    %dma_wait3A_415 = arith.constant 0 : i32
    %dma_wait3A_416 = tpu.memref_slice %arg5[%dma_wait3A_411, %dma_wait3A_415] : memref<26x128xi32, #tpu.memory_space<vmem>> -> memref<1x128xi32, #tpu.memory_space<vmem>>
    %dma_wait3A_417 = tpu.memref_squeeze %dma_wait3A_416 : memref<1x128xi32, #tpu.memory_space<vmem>> -> memref<128xi32, #tpu.memory_space<vmem>>
    %dma_wait3A_418 = arith.constant 0 : i32
    %dma_wait3A_419 = arith.constant 0 : i32
    %dma_wait3A_420 = tpu.memref_slice %arg2[%dma_wait3A_418, %dma_wait3A_419] : memref<999987x32xf32, #tpu.memory_space<hbm>> -> memref<999987x32xf32, #tpu.memory_space<hbm>>
    tpu.wait_indirect_dma semaphore(%arg7 : memref<!tpu.dma_semaphore, #tpu.memory_space<semaphore_mem>>) src(%dma_wait3A_420 : memref<999987x32xf32, #tpu.memory_space<hbm>>) dst(%dma_wait3A_414 : memref<128x32xf32, #tpu.memory_space<vmem>>)
    %dma_wait3A_421 = arith.constant 16 : i32
    %dma_wait3A_422 = arith.constant 2048 : i32
    %dma_wait3A_423 = arith.constant 0 : i32
    %dma_wait3A_424 = tpu.memref_slice %arg6[%dma_wait3A_422, %dma_wait3A_423] : memref<3328x32xf32, #tpu.memory_space<vmem>> -> memref<128x32xf32, #tpu.memory_space<vmem>>
    %dma_wait3A_425 = arith.constant 0 : i32
    %dma_wait3A_426 = tpu.memref_slice %arg5[%dma_wait3A_421, %dma_wait3A_425] : memref<26x128xi32, #tpu.memory_space<vmem>> -> memref<1x128xi32, #tpu.memory_space<vmem>>
    %dma_wait3A_427 = tpu.memref_squeeze %dma_wait3A_426 : memref<1x128xi32, #tpu.memory_space<vmem>> -> memref<128xi32, #tpu.memory_space<vmem>>
    %dma_wait3A_428 = arith.constant 0 : i32
    %dma_wait3A_429 = arith.constant 0 : i32
    %dma_wait3A_430 = tpu.memref_slice %arg2[%dma_wait3A_428, %dma_wait3A_429] : memref<999987x32xf32, #tpu.memory_space<hbm>> -> memref<999987x32xf32, #tpu.memory_space<hbm>>
    tpu.wait_indirect_dma semaphore(%arg7 : memref<!tpu.dma_semaphore, #tpu.memory_space<semaphore_mem>>) src(%dma_wait3A_430 : memref<999987x32xf32, #tpu.memory_space<hbm>>) dst(%dma_wait3A_424 : memref<128x32xf32, #tpu.memory_space<vmem>>)
    %dma_wait3A_431 = arith.constant 17 : i32
    %dma_wait3A_432 = arith.constant 2176 : i32
    %dma_wait3A_433 = arith.constant 0 : i32
    %dma_wait3A_434 = tpu.memref_slice %arg6[%dma_wait3A_432, %dma_wait3A_433] : memref<3328x32xf32, #tpu.memory_space<vmem>> -> memref<128x32xf32, #tpu.memory_space<vmem>>
    %dma_wait3A_435 = arith.constant 0 : i32
    %dma_wait3A_436 = tpu.memref_slice %arg5[%dma_wait3A_431, %dma_wait3A_435] : memref<26x128xi32, #tpu.memory_space<vmem>> -> memref<1x128xi32, #tpu.memory_space<vmem>>
    %dma_wait3A_437 = tpu.memref_squeeze %dma_wait3A_436 : memref<1x128xi32, #tpu.memory_space<vmem>> -> memref<128xi32, #tpu.memory_space<vmem>>
    %dma_wait3A_438 = arith.constant 0 : i32
    %dma_wait3A_439 = arith.constant 0 : i32
    %dma_wait3A_440 = tpu.memref_slice %arg2[%dma_wait3A_438, %dma_wait3A_439] : memref<999987x32xf32, #tpu.memory_space<hbm>> -> memref<999987x32xf32, #tpu.memory_space<hbm>>
    tpu.wait_indirect_dma semaphore(%arg7 : memref<!tpu.dma_semaphore, #tpu.memory_space<semaphore_mem>>) src(%dma_wait3A_440 : memref<999987x32xf32, #tpu.memory_space<hbm>>) dst(%dma_wait3A_434 : memref<128x32xf32, #tpu.memory_space<vmem>>)
    %dma_wait3A_441 = arith.constant 18 : i32
    %dma_wait3A_442 = arith.constant 2304 : i32
    %dma_wait3A_443 = arith.constant 0 : i32
    %dma_wait3A_444 = tpu.memref_slice %arg6[%dma_wait3A_442, %dma_wait3A_443] : memref<3328x32xf32, #tpu.memory_space<vmem>> -> memref<128x32xf32, #tpu.memory_space<vmem>>
    %dma_wait3A_445 = arith.constant 0 : i32
    %dma_wait3A_446 = tpu.memref_slice %arg5[%dma_wait3A_441, %dma_wait3A_445] : memref<26x128xi32, #tpu.memory_space<vmem>> -> memref<1x128xi32, #tpu.memory_space<vmem>>
    %dma_wait3A_447 = tpu.memref_squeeze %dma_wait3A_446 : memref<1x128xi32, #tpu.memory_space<vmem>> -> memref<128xi32, #tpu.memory_space<vmem>>
    %dma_wait3A_448 = arith.constant 0 : i32
    %dma_wait3A_449 = arith.constant 0 : i32
    %dma_wait3A_450 = tpu.memref_slice %arg2[%dma_wait3A_448, %dma_wait3A_449] : memref<999987x32xf32, #tpu.memory_space<hbm>> -> memref<999987x32xf32, #tpu.memory_space<hbm>>
    tpu.wait_indirect_dma semaphore(%arg7 : memref<!tpu.dma_semaphore, #tpu.memory_space<semaphore_mem>>) src(%dma_wait3A_450 : memref<999987x32xf32, #tpu.memory_space<hbm>>) dst(%dma_wait3A_444 : memref<128x32xf32, #tpu.memory_space<vmem>>)
    %dma_wait3A_451 = arith.constant 19 : i32
    %dma_wait3A_452 = arith.constant 2432 : i32
    %dma_wait3A_453 = arith.constant 0 : i32
    %dma_wait3A_454 = tpu.memref_slice %arg6[%dma_wait3A_452, %dma_wait3A_453] : memref<3328x32xf32, #tpu.memory_space<vmem>> -> memref<128x32xf32, #tpu.memory_space<vmem>>
    %dma_wait3A_455 = arith.constant 0 : i32
    %dma_wait3A_456 = tpu.memref_slice %arg5[%dma_wait3A_451, %dma_wait3A_455] : memref<26x128xi32, #tpu.memory_space<vmem>> -> memref<1x128xi32, #tpu.memory_space<vmem>>
    %dma_wait3A_457 = tpu.memref_squeeze %dma_wait3A_456 : memref<1x128xi32, #tpu.memory_space<vmem>> -> memref<128xi32, #tpu.memory_space<vmem>>
    %dma_wait3A_458 = arith.constant 0 : i32
    %dma_wait3A_459 = arith.constant 0 : i32
    %dma_wait3A_460 = tpu.memref_slice %arg2[%dma_wait3A_458, %dma_wait3A_459] : memref<999987x32xf32, #tpu.memory_space<hbm>> -> memref<999987x32xf32, #tpu.memory_space<hbm>>
    tpu.wait_indirect_dma semaphore(%arg7 : memref<!tpu.dma_semaphore, #tpu.memory_space<semaphore_mem>>) src(%dma_wait3A_460 : memref<999987x32xf32, #tpu.memory_space<hbm>>) dst(%dma_wait3A_454 : memref<128x32xf32, #tpu.memory_space<vmem>>)
    %dma_wait3A_461 = arith.constant 20 : i32
    %dma_wait3A_462 = arith.constant 2560 : i32
    %dma_wait3A_463 = arith.constant 0 : i32
    %dma_wait3A_464 = tpu.memref_slice %arg6[%dma_wait3A_462, %dma_wait3A_463] : memref<3328x32xf32, #tpu.memory_space<vmem>> -> memref<128x32xf32, #tpu.memory_space<vmem>>
    %dma_wait3A_465 = arith.constant 0 : i32
    %dma_wait3A_466 = tpu.memref_slice %arg5[%dma_wait3A_461, %dma_wait3A_465] : memref<26x128xi32, #tpu.memory_space<vmem>> -> memref<1x128xi32, #tpu.memory_space<vmem>>
    %dma_wait3A_467 = tpu.memref_squeeze %dma_wait3A_466 : memref<1x128xi32, #tpu.memory_space<vmem>> -> memref<128xi32, #tpu.memory_space<vmem>>
    %dma_wait3A_468 = arith.constant 0 : i32
    %dma_wait3A_469 = arith.constant 0 : i32
    %dma_wait3A_470 = tpu.memref_slice %arg2[%dma_wait3A_468, %dma_wait3A_469] : memref<999987x32xf32, #tpu.memory_space<hbm>> -> memref<999987x32xf32, #tpu.memory_space<hbm>>
    tpu.wait_indirect_dma semaphore(%arg7 : memref<!tpu.dma_semaphore, #tpu.memory_space<semaphore_mem>>) src(%dma_wait3A_470 : memref<999987x32xf32, #tpu.memory_space<hbm>>) dst(%dma_wait3A_464 : memref<128x32xf32, #tpu.memory_space<vmem>>)
    %dma_wait3A_471 = arith.constant 21 : i32
    %dma_wait3A_472 = arith.constant 2688 : i32
    %dma_wait3A_473 = arith.constant 0 : i32
    %dma_wait3A_474 = tpu.memref_slice %arg6[%dma_wait3A_472, %dma_wait3A_473] : memref<3328x32xf32, #tpu.memory_space<vmem>> -> memref<128x32xf32, #tpu.memory_space<vmem>>
    %dma_wait3A_475 = arith.constant 0 : i32
    %dma_wait3A_476 = tpu.memref_slice %arg5[%dma_wait3A_471, %dma_wait3A_475] : memref<26x128xi32, #tpu.memory_space<vmem>> -> memref<1x128xi32, #tpu.memory_space<vmem>>
    %dma_wait3A_477 = tpu.memref_squeeze %dma_wait3A_476 : memref<1x128xi32, #tpu.memory_space<vmem>> -> memref<128xi32, #tpu.memory_space<vmem>>
    %dma_wait3A_478 = arith.constant 0 : i32
    %dma_wait3A_479 = arith.constant 0 : i32
    %dma_wait3A_480 = tpu.memref_slice %arg2[%dma_wait3A_478, %dma_wait3A_479] : memref<999987x32xf32, #tpu.memory_space<hbm>> -> memref<999987x32xf32, #tpu.memory_space<hbm>>
    tpu.wait_indirect_dma semaphore(%arg7 : memref<!tpu.dma_semaphore, #tpu.memory_space<semaphore_mem>>) src(%dma_wait3A_480 : memref<999987x32xf32, #tpu.memory_space<hbm>>) dst(%dma_wait3A_474 : memref<128x32xf32, #tpu.memory_space<vmem>>)
    %dma_wait3A_481 = arith.constant 22 : i32
    %dma_wait3A_482 = arith.constant 2816 : i32
    %dma_wait3A_483 = arith.constant 0 : i32
    %dma_wait3A_484 = tpu.memref_slice %arg6[%dma_wait3A_482, %dma_wait3A_483] : memref<3328x32xf32, #tpu.memory_space<vmem>> -> memref<128x32xf32, #tpu.memory_space<vmem>>
    %dma_wait3A_485 = arith.constant 0 : i32
    %dma_wait3A_486 = tpu.memref_slice %arg5[%dma_wait3A_481, %dma_wait3A_485] : memref<26x128xi32, #tpu.memory_space<vmem>> -> memref<1x128xi32, #tpu.memory_space<vmem>>
    %dma_wait3A_487 = tpu.memref_squeeze %dma_wait3A_486 : memref<1x128xi32, #tpu.memory_space<vmem>> -> memref<128xi32, #tpu.memory_space<vmem>>
    %dma_wait3A_488 = arith.constant 0 : i32
    %dma_wait3A_489 = arith.constant 0 : i32
    %dma_wait3A_490 = tpu.memref_slice %arg2[%dma_wait3A_488, %dma_wait3A_489] : memref<999987x32xf32, #tpu.memory_space<hbm>> -> memref<999987x32xf32, #tpu.memory_space<hbm>>
    tpu.wait_indirect_dma semaphore(%arg7 : memref<!tpu.dma_semaphore, #tpu.memory_space<semaphore_mem>>) src(%dma_wait3A_490 : memref<999987x32xf32, #tpu.memory_space<hbm>>) dst(%dma_wait3A_484 : memref<128x32xf32, #tpu.memory_space<vmem>>)
    %dma_wait3A_491 = arith.constant 23 : i32
    %dma_wait3A_492 = arith.constant 2944 : i32
    %dma_wait3A_493 = arith.constant 0 : i32
    %dma_wait3A_494 = tpu.memref_slice %arg6[%dma_wait3A_492, %dma_wait3A_493] : memref<3328x32xf32, #tpu.memory_space<vmem>> -> memref<128x32xf32, #tpu.memory_space<vmem>>
    %dma_wait3A_495 = arith.constant 0 : i32
    %dma_wait3A_496 = tpu.memref_slice %arg5[%dma_wait3A_491, %dma_wait3A_495] : memref<26x128xi32, #tpu.memory_space<vmem>> -> memref<1x128xi32, #tpu.memory_space<vmem>>
    %dma_wait3A_497 = tpu.memref_squeeze %dma_wait3A_496 : memref<1x128xi32, #tpu.memory_space<vmem>> -> memref<128xi32, #tpu.memory_space<vmem>>
    %dma_wait3A_498 = arith.constant 0 : i32
    %dma_wait3A_499 = arith.constant 0 : i32
    %dma_wait3A_500 = tpu.memref_slice %arg2[%dma_wait3A_498, %dma_wait3A_499] : memref<999987x32xf32, #tpu.memory_space<hbm>> -> memref<999987x32xf32, #tpu.memory_space<hbm>>
    tpu.wait_indirect_dma semaphore(%arg7 : memref<!tpu.dma_semaphore, #tpu.memory_space<semaphore_mem>>) src(%dma_wait3A_500 : memref<999987x32xf32, #tpu.memory_space<hbm>>) dst(%dma_wait3A_494 : memref<128x32xf32, #tpu.memory_space<vmem>>)
    %dma_wait3A_501 = arith.constant 24 : i32
    %dma_wait3A_502 = arith.constant 3072 : i32
    %dma_wait3A_503 = arith.constant 0 : i32
    %dma_wait3A_504 = tpu.memref_slice %arg6[%dma_wait3A_502, %dma_wait3A_503] : memref<3328x32xf32, #tpu.memory_space<vmem>> -> memref<128x32xf32, #tpu.memory_space<vmem>>
    %dma_wait3A_505 = arith.constant 0 : i32
    %dma_wait3A_506 = tpu.memref_slice %arg5[%dma_wait3A_501, %dma_wait3A_505] : memref<26x128xi32, #tpu.memory_space<vmem>> -> memref<1x128xi32, #tpu.memory_space<vmem>>
    %dma_wait3A_507 = tpu.memref_squeeze %dma_wait3A_506 : memref<1x128xi32, #tpu.memory_space<vmem>> -> memref<128xi32, #tpu.memory_space<vmem>>
    %dma_wait3A_508 = arith.constant 0 : i32
    %dma_wait3A_509 = arith.constant 0 : i32
    %dma_wait3A_510 = tpu.memref_slice %arg2[%dma_wait3A_508, %dma_wait3A_509] : memref<999987x32xf32, #tpu.memory_space<hbm>> -> memref<999987x32xf32, #tpu.memory_space<hbm>>
    tpu.wait_indirect_dma semaphore(%arg7 : memref<!tpu.dma_semaphore, #tpu.memory_space<semaphore_mem>>) src(%dma_wait3A_510 : memref<999987x32xf32, #tpu.memory_space<hbm>>) dst(%dma_wait3A_504 : memref<128x32xf32, #tpu.memory_space<vmem>>)
    %dma_wait3A_511 = arith.constant 25 : i32
    %dma_wait3A_512 = arith.constant 3200 : i32
    %dma_wait3A_513 = arith.constant 0 : i32
    %dma_wait3A_514 = tpu.memref_slice %arg6[%dma_wait3A_512, %dma_wait3A_513] : memref<3328x32xf32, #tpu.memory_space<vmem>> -> memref<128x32xf32, #tpu.memory_space<vmem>>
    %dma_wait3A_515 = arith.constant 0 : i32
    %dma_wait3A_516 = tpu.memref_slice %arg5[%dma_wait3A_511, %dma_wait3A_515] : memref<26x128xi32, #tpu.memory_space<vmem>> -> memref<1x128xi32, #tpu.memory_space<vmem>>
    %dma_wait3A_517 = tpu.memref_squeeze %dma_wait3A_516 : memref<1x128xi32, #tpu.memory_space<vmem>> -> memref<128xi32, #tpu.memory_space<vmem>>
    %dma_wait3A_518 = arith.constant 0 : i32
    %dma_wait3A_519 = arith.constant 0 : i32
    %dma_wait3A_520 = tpu.memref_slice %arg2[%dma_wait3A_518, %dma_wait3A_519] : memref<999987x32xf32, #tpu.memory_space<hbm>> -> memref<999987x32xf32, #tpu.memory_space<hbm>>
    tpu.wait_indirect_dma semaphore(%arg7 : memref<!tpu.dma_semaphore, #tpu.memory_space<semaphore_mem>>) src(%dma_wait3A_520 : memref<999987x32xf32, #tpu.memory_space<hbm>>) dst(%dma_wait3A_514 : memref<128x32xf32, #tpu.memory_space<vmem>>)
    %add3A_521 = arith.constant 0 : i32
    %add3A_522 = arith.addi %mul3A_2, %add3A_521 : i32
    %jit3A = arith.constant 4096 : i32
    %div3A = arith.divsi %add3A_522, %jit3A : i32
    %sign3A = arith.constant 0 : i32
    %sign3A_523 = arith.cmpi sgt, %add3A_522, %sign3A : i32
    %sign3A_524 = arith.extui %sign3A_523 : i1 to i32
    %sign3A_525 = arith.constant 0 : i32
    %sign3A_526 = arith.cmpi slt, %add3A_522, %sign3A_525 : i32
    %sign3A_527 = arith.extui %sign3A_526 : i1 to i32
    %sign3A_528 = arith.subi %sign3A_524, %sign3A_527 : i32
    %sign3A_529 = arith.constant 0 : i32
    %sign3A_530 = arith.cmpi sgt, %jit3A, %sign3A_529 : i32
    %sign3A_531 = arith.extui %sign3A_530 : i1 to i32
    %sign3A_532 = arith.constant 0 : i32
    %sign3A_533 = arith.cmpi slt, %jit3A, %sign3A_532 : i32
    %sign3A_534 = arith.extui %sign3A_533 : i1 to i32
    %sign3A_535 = arith.subi %sign3A_531, %sign3A_534 : i32
    %ne3A = arith.cmpi ne, %sign3A_528, %sign3A_535 : i32
    %rem3A = arith.remsi %add3A_522, %jit3A : i32
    %ne3A_536 = arith.constant 0 : i32
    %ne3A_537 = arith.cmpi ne, %rem3A, %ne3A_536 : i32
    %and3A = arith.andi %ne3A, %ne3A_537 : i1
    %sub3A = arith.constant 1 : i32
    %sub3A_538 = arith.subi %div3A, %sub3A : i32
    %select_n3A = arith.select %and3A, %sub3A_538, %div3A : i32
    %jit3A_539 = arith.constant 4096 : i32
    %eq3A = arith.constant 0 : i32
    %eq3A_540 = arith.cmpi eq, %jit3A_539, %eq3A : i32
    %jit3A_541 = arith.constant 1 : i32
    %select_n3A_542 = arith.select %eq3A_540, %jit3A_541, %jit3A_539 : i32
    %rem3A_543 = arith.remsi %add3A_522, %select_n3A_542 : i32
    %ne3A_544 = arith.constant 0 : i32
    %ne3A_545 = arith.cmpi ne, %rem3A_543, %ne3A_544 : i32
    %lt3A = arith.constant 0 : i32
    %lt3A_546 = arith.cmpi slt, %rem3A_543, %lt3A : i32
    %lt3A_547 = arith.constant 0 : i32
    %lt3A_548 = arith.cmpi slt, %select_n3A_542, %lt3A_547 : i32
    %ne3A_549 = arith.xori %lt3A_546, %lt3A_548 : i1
    %and3A_550 = arith.andi %ne3A_549, %ne3A_545 : i1
    %add3A_551 = arith.addi %rem3A_543, %select_n3A_542 : i32
    %select_n3A_552 = arith.select %and3A_550, %add3A_551, %rem3A_543 : i32
    %add3A_553 = arith.constant 128 : i32
    %add3A_554 = arith.addi %mul3A_2, %add3A_553 : i32
    %jit3A_555 = arith.constant 4096 : i32
    %div3A_556 = arith.divsi %add3A_554, %jit3A_555 : i32
    %sign3A_557 = arith.constant 0 : i32
    %sign3A_558 = arith.cmpi sgt, %add3A_554, %sign3A_557 : i32
    %sign3A_559 = arith.extui %sign3A_558 : i1 to i32
    %sign3A_560 = arith.constant 0 : i32
    %sign3A_561 = arith.cmpi slt, %add3A_554, %sign3A_560 : i32
    %sign3A_562 = arith.extui %sign3A_561 : i1 to i32
    %sign3A_563 = arith.subi %sign3A_559, %sign3A_562 : i32
    %sign3A_564 = arith.constant 0 : i32
    %sign3A_565 = arith.cmpi sgt, %jit3A_555, %sign3A_564 : i32
    %sign3A_566 = arith.extui %sign3A_565 : i1 to i32
    %sign3A_567 = arith.constant 0 : i32
    %sign3A_568 = arith.cmpi slt, %jit3A_555, %sign3A_567 : i32
    %sign3A_569 = arith.extui %sign3A_568 : i1 to i32
    %sign3A_570 = arith.subi %sign3A_566, %sign3A_569 : i32
    %ne3A_571 = arith.cmpi ne, %sign3A_563, %sign3A_570 : i32
    %rem3A_572 = arith.remsi %add3A_554, %jit3A_555 : i32
    %ne3A_573 = arith.constant 0 : i32
    %ne3A_574 = arith.cmpi ne, %rem3A_572, %ne3A_573 : i32
    %and3A_575 = arith.andi %ne3A_571, %ne3A_574 : i1
    %sub3A_576 = arith.constant 1 : i32
    %sub3A_577 = arith.subi %div3A_556, %sub3A_576 : i32
    %select_n3A_578 = arith.select %and3A_575, %sub3A_577, %div3A_556 : i32
    %jit3A_579 = arith.constant 4096 : i32
    %eq3A_580 = arith.constant 0 : i32
    %eq3A_581 = arith.cmpi eq, %jit3A_579, %eq3A_580 : i32
    %jit3A_582 = arith.constant 1 : i32
    %select_n3A_583 = arith.select %eq3A_581, %jit3A_582, %jit3A_579 : i32
    %rem3A_584 = arith.remsi %add3A_554, %select_n3A_583 : i32
    %ne3A_585 = arith.constant 0 : i32
    %ne3A_586 = arith.cmpi ne, %rem3A_584, %ne3A_585 : i32
    %lt3A_587 = arith.constant 0 : i32
    %lt3A_588 = arith.cmpi slt, %rem3A_584, %lt3A_587 : i32
    %lt3A_589 = arith.constant 0 : i32
    %lt3A_590 = arith.cmpi slt, %select_n3A_583, %lt3A_589 : i32
    %ne3A_591 = arith.xori %lt3A_588, %lt3A_590 : i1
    %and3A_592 = arith.andi %ne3A_591, %ne3A_586 : i1
    %add3A_593 = arith.addi %rem3A_584, %select_n3A_583 : i32
    %select_n3A_594 = arith.select %and3A_592, %add3A_593, %rem3A_584 : i32
    %add3A_595 = arith.constant 256 : i32
    %add3A_596 = arith.addi %mul3A_2, %add3A_595 : i32
    %jit3A_597 = arith.constant 4096 : i32
    %div3A_598 = arith.divsi %add3A_596, %jit3A_597 : i32
    %sign3A_599 = arith.constant 0 : i32
    %sign3A_600 = arith.cmpi sgt, %add3A_596, %sign3A_599 : i32
    %sign3A_601 = arith.extui %sign3A_600 : i1 to i32
    %sign3A_602 = arith.constant 0 : i32
    %sign3A_603 = arith.cmpi slt, %add3A_596, %sign3A_602 : i32
    %sign3A_604 = arith.extui %sign3A_603 : i1 to i32
    %sign3A_605 = arith.subi %sign3A_601, %sign3A_604 : i32
    %sign3A_606 = arith.constant 0 : i32
    %sign3A_607 = arith.cmpi sgt, %jit3A_597, %sign3A_606 : i32
    %sign3A_608 = arith.extui %sign3A_607 : i1 to i32
    %sign3A_609 = arith.constant 0 : i32
    %sign3A_610 = arith.cmpi slt, %jit3A_597, %sign3A_609 : i32
    %sign3A_611 = arith.extui %sign3A_610 : i1 to i32
    %sign3A_612 = arith.subi %sign3A_608, %sign3A_611 : i32
    %ne3A_613 = arith.cmpi ne, %sign3A_605, %sign3A_612 : i32
    %rem3A_614 = arith.remsi %add3A_596, %jit3A_597 : i32
    %ne3A_615 = arith.constant 0 : i32
    %ne3A_616 = arith.cmpi ne, %rem3A_614, %ne3A_615 : i32
    %and3A_617 = arith.andi %ne3A_613, %ne3A_616 : i1
    %sub3A_618 = arith.constant 1 : i32
    %sub3A_619 = arith.subi %div3A_598, %sub3A_618 : i32
    %select_n3A_620 = arith.select %and3A_617, %sub3A_619, %div3A_598 : i32
    %jit3A_621 = arith.constant 4096 : i32
    %eq3A_622 = arith.constant 0 : i32
    %eq3A_623 = arith.cmpi eq, %jit3A_621, %eq3A_622 : i32
    %jit3A_624 = arith.constant 1 : i32
    %select_n3A_625 = arith.select %eq3A_623, %jit3A_624, %jit3A_621 : i32
    %rem3A_626 = arith.remsi %add3A_596, %select_n3A_625 : i32
    %ne3A_627 = arith.constant 0 : i32
    %ne3A_628 = arith.cmpi ne, %rem3A_626, %ne3A_627 : i32
    %lt3A_629 = arith.constant 0 : i32
    %lt3A_630 = arith.cmpi slt, %rem3A_626, %lt3A_629 : i32
    %lt3A_631 = arith.constant 0 : i32
    %lt3A_632 = arith.cmpi slt, %select_n3A_625, %lt3A_631 : i32
    %ne3A_633 = arith.xori %lt3A_630, %lt3A_632 : i1
    %and3A_634 = arith.andi %ne3A_633, %ne3A_628 : i1
    %add3A_635 = arith.addi %rem3A_626, %select_n3A_625 : i32
    %select_n3A_636 = arith.select %and3A_634, %add3A_635, %rem3A_626 : i32
    %add3A_637 = arith.constant 384 : i32
    %add3A_638 = arith.addi %mul3A_2, %add3A_637 : i32
    %jit3A_639 = arith.constant 4096 : i32
    %div3A_640 = arith.divsi %add3A_638, %jit3A_639 : i32
    %sign3A_641 = arith.constant 0 : i32
    %sign3A_642 = arith.cmpi sgt, %add3A_638, %sign3A_641 : i32
    %sign3A_643 = arith.extui %sign3A_642 : i1 to i32
    %sign3A_644 = arith.constant 0 : i32
    %sign3A_645 = arith.cmpi slt, %add3A_638, %sign3A_644 : i32
    %sign3A_646 = arith.extui %sign3A_645 : i1 to i32
    %sign3A_647 = arith.subi %sign3A_643, %sign3A_646 : i32
    %sign3A_648 = arith.constant 0 : i32
    %sign3A_649 = arith.cmpi sgt, %jit3A_639, %sign3A_648 : i32
    %sign3A_650 = arith.extui %sign3A_649 : i1 to i32
    %sign3A_651 = arith.constant 0 : i32
    %sign3A_652 = arith.cmpi slt, %jit3A_639, %sign3A_651 : i32
    %sign3A_653 = arith.extui %sign3A_652 : i1 to i32
    %sign3A_654 = arith.subi %sign3A_650, %sign3A_653 : i32
    %ne3A_655 = arith.cmpi ne, %sign3A_647, %sign3A_654 : i32
    %rem3A_656 = arith.remsi %add3A_638, %jit3A_639 : i32
    %ne3A_657 = arith.constant 0 : i32
    %ne3A_658 = arith.cmpi ne, %rem3A_656, %ne3A_657 : i32
    %and3A_659 = arith.andi %ne3A_655, %ne3A_658 : i1
    %sub3A_660 = arith.constant 1 : i32
    %sub3A_661 = arith.subi %div3A_640, %sub3A_660 : i32
    %select_n3A_662 = arith.select %and3A_659, %sub3A_661, %div3A_640 : i32
    %jit3A_663 = arith.constant 4096 : i32
    %eq3A_664 = arith.constant 0 : i32
    %eq3A_665 = arith.cmpi eq, %jit3A_663, %eq3A_664 : i32
    %jit3A_666 = arith.constant 1 : i32
    %select_n3A_667 = arith.select %eq3A_665, %jit3A_666, %jit3A_663 : i32
    %rem3A_668 = arith.remsi %add3A_638, %select_n3A_667 : i32
    %ne3A_669 = arith.constant 0 : i32
    %ne3A_670 = arith.cmpi ne, %rem3A_668, %ne3A_669 : i32
    %lt3A_671 = arith.constant 0 : i32
    %lt3A_672 = arith.cmpi slt, %rem3A_668, %lt3A_671 : i32
    %lt3A_673 = arith.constant 0 : i32
    %lt3A_674 = arith.cmpi slt, %select_n3A_667, %lt3A_673 : i32
    %ne3A_675 = arith.xori %lt3A_672, %lt3A_674 : i1
    %and3A_676 = arith.andi %ne3A_675, %ne3A_670 : i1
    %add3A_677 = arith.addi %rem3A_668, %select_n3A_667 : i32
    %select_n3A_678 = arith.select %and3A_676, %add3A_677, %rem3A_668 : i32
    %add3A_679 = arith.constant 512 : i32
    %add3A_680 = arith.addi %mul3A_2, %add3A_679 : i32
    %jit3A_681 = arith.constant 4096 : i32
    %div3A_682 = arith.divsi %add3A_680, %jit3A_681 : i32
    %sign3A_683 = arith.constant 0 : i32
    %sign3A_684 = arith.cmpi sgt, %add3A_680, %sign3A_683 : i32
    %sign3A_685 = arith.extui %sign3A_684 : i1 to i32
    %sign3A_686 = arith.constant 0 : i32
    %sign3A_687 = arith.cmpi slt, %add3A_680, %sign3A_686 : i32
    %sign3A_688 = arith.extui %sign3A_687 : i1 to i32
    %sign3A_689 = arith.subi %sign3A_685, %sign3A_688 : i32
    %sign3A_690 = arith.constant 0 : i32
    %sign3A_691 = arith.cmpi sgt, %jit3A_681, %sign3A_690 : i32
    %sign3A_692 = arith.extui %sign3A_691 : i1 to i32
    %sign3A_693 = arith.constant 0 : i32
    %sign3A_694 = arith.cmpi slt, %jit3A_681, %sign3A_693 : i32
    %sign3A_695 = arith.extui %sign3A_694 : i1 to i32
    %sign3A_696 = arith.subi %sign3A_692, %sign3A_695 : i32
    %ne3A_697 = arith.cmpi ne, %sign3A_689, %sign3A_696 : i32
    %rem3A_698 = arith.remsi %add3A_680, %jit3A_681 : i32
    %ne3A_699 = arith.constant 0 : i32
    %ne3A_700 = arith.cmpi ne, %rem3A_698, %ne3A_699 : i32
    %and3A_701 = arith.andi %ne3A_697, %ne3A_700 : i1
    %sub3A_702 = arith.constant 1 : i32
    %sub3A_703 = arith.subi %div3A_682, %sub3A_702 : i32
    %select_n3A_704 = arith.select %and3A_701, %sub3A_703, %div3A_682 : i32
    %jit3A_705 = arith.constant 4096 : i32
    %eq3A_706 = arith.constant 0 : i32
    %eq3A_707 = arith.cmpi eq, %jit3A_705, %eq3A_706 : i32
    %jit3A_708 = arith.constant 1 : i32
    %select_n3A_709 = arith.select %eq3A_707, %jit3A_708, %jit3A_705 : i32
    %rem3A_710 = arith.remsi %add3A_680, %select_n3A_709 : i32
    %ne3A_711 = arith.constant 0 : i32
    %ne3A_712 = arith.cmpi ne, %rem3A_710, %ne3A_711 : i32
    %lt3A_713 = arith.constant 0 : i32
    %lt3A_714 = arith.cmpi slt, %rem3A_710, %lt3A_713 : i32
    %lt3A_715 = arith.constant 0 : i32
    %lt3A_716 = arith.cmpi slt, %select_n3A_709, %lt3A_715 : i32
    %ne3A_717 = arith.xori %lt3A_714, %lt3A_716 : i1
    %and3A_718 = arith.andi %ne3A_717, %ne3A_712 : i1
    %add3A_719 = arith.addi %rem3A_710, %select_n3A_709 : i32
    %select_n3A_720 = arith.select %and3A_718, %add3A_719, %rem3A_710 : i32
    %add3A_721 = arith.constant 640 : i32
    %add3A_722 = arith.addi %mul3A_2, %add3A_721 : i32
    %jit3A_723 = arith.constant 4096 : i32
    %div3A_724 = arith.divsi %add3A_722, %jit3A_723 : i32
    %sign3A_725 = arith.constant 0 : i32
    %sign3A_726 = arith.cmpi sgt, %add3A_722, %sign3A_725 : i32
    %sign3A_727 = arith.extui %sign3A_726 : i1 to i32
    %sign3A_728 = arith.constant 0 : i32
    %sign3A_729 = arith.cmpi slt, %add3A_722, %sign3A_728 : i32
    %sign3A_730 = arith.extui %sign3A_729 : i1 to i32
    %sign3A_731 = arith.subi %sign3A_727, %sign3A_730 : i32
    %sign3A_732 = arith.constant 0 : i32
    %sign3A_733 = arith.cmpi sgt, %jit3A_723, %sign3A_732 : i32
    %sign3A_734 = arith.extui %sign3A_733 : i1 to i32
    %sign3A_735 = arith.constant 0 : i32
    %sign3A_736 = arith.cmpi slt, %jit3A_723, %sign3A_735 : i32
    %sign3A_737 = arith.extui %sign3A_736 : i1 to i32
    %sign3A_738 = arith.subi %sign3A_734, %sign3A_737 : i32
    %ne3A_739 = arith.cmpi ne, %sign3A_731, %sign3A_738 : i32
    %rem3A_740 = arith.remsi %add3A_722, %jit3A_723 : i32
    %ne3A_741 = arith.constant 0 : i32
    %ne3A_742 = arith.cmpi ne, %rem3A_740, %ne3A_741 : i32
    %and3A_743 = arith.andi %ne3A_739, %ne3A_742 : i1
    %sub3A_744 = arith.constant 1 : i32
    %sub3A_745 = arith.subi %div3A_724, %sub3A_744 : i32
    %select_n3A_746 = arith.select %and3A_743, %sub3A_745, %div3A_724 : i32
    %jit3A_747 = arith.constant 4096 : i32
    %eq3A_748 = arith.constant 0 : i32
    %eq3A_749 = arith.cmpi eq, %jit3A_747, %eq3A_748 : i32
    %jit3A_750 = arith.constant 1 : i32
    %select_n3A_751 = arith.select %eq3A_749, %jit3A_750, %jit3A_747 : i32
    %rem3A_752 = arith.remsi %add3A_722, %select_n3A_751 : i32
    %ne3A_753 = arith.constant 0 : i32
    %ne3A_754 = arith.cmpi ne, %rem3A_752, %ne3A_753 : i32
    %lt3A_755 = arith.constant 0 : i32
    %lt3A_756 = arith.cmpi slt, %rem3A_752, %lt3A_755 : i32
    %lt3A_757 = arith.constant 0 : i32
    %lt3A_758 = arith.cmpi slt, %select_n3A_751, %lt3A_757 : i32
    %ne3A_759 = arith.xori %lt3A_756, %lt3A_758 : i1
    %and3A_760 = arith.andi %ne3A_759, %ne3A_754 : i1
    %add3A_761 = arith.addi %rem3A_752, %select_n3A_751 : i32
    %select_n3A_762 = arith.select %and3A_760, %add3A_761, %rem3A_752 : i32
    %add3A_763 = arith.constant 768 : i32
    %add3A_764 = arith.addi %mul3A_2, %add3A_763 : i32
    %jit3A_765 = arith.constant 4096 : i32
    %div3A_766 = arith.divsi %add3A_764, %jit3A_765 : i32
    %sign3A_767 = arith.constant 0 : i32
    %sign3A_768 = arith.cmpi sgt, %add3A_764, %sign3A_767 : i32
    %sign3A_769 = arith.extui %sign3A_768 : i1 to i32
    %sign3A_770 = arith.constant 0 : i32
    %sign3A_771 = arith.cmpi slt, %add3A_764, %sign3A_770 : i32
    %sign3A_772 = arith.extui %sign3A_771 : i1 to i32
    %sign3A_773 = arith.subi %sign3A_769, %sign3A_772 : i32
    %sign3A_774 = arith.constant 0 : i32
    %sign3A_775 = arith.cmpi sgt, %jit3A_765, %sign3A_774 : i32
    %sign3A_776 = arith.extui %sign3A_775 : i1 to i32
    %sign3A_777 = arith.constant 0 : i32
    %sign3A_778 = arith.cmpi slt, %jit3A_765, %sign3A_777 : i32
    %sign3A_779 = arith.extui %sign3A_778 : i1 to i32
    %sign3A_780 = arith.subi %sign3A_776, %sign3A_779 : i32
    %ne3A_781 = arith.cmpi ne, %sign3A_773, %sign3A_780 : i32
    %rem3A_782 = arith.remsi %add3A_764, %jit3A_765 : i32
    %ne3A_783 = arith.constant 0 : i32
    %ne3A_784 = arith.cmpi ne, %rem3A_782, %ne3A_783 : i32
    %and3A_785 = arith.andi %ne3A_781, %ne3A_784 : i1
    %sub3A_786 = arith.constant 1 : i32
    %sub3A_787 = arith.subi %div3A_766, %sub3A_786 : i32
    %select_n3A_788 = arith.select %and3A_785, %sub3A_787, %div3A_766 : i32
    %jit3A_789 = arith.constant 4096 : i32
    %eq3A_790 = arith.constant 0 : i32
    %eq3A_791 = arith.cmpi eq, %jit3A_789, %eq3A_790 : i32
    %jit3A_792 = arith.constant 1 : i32
    %select_n3A_793 = arith.select %eq3A_791, %jit3A_792, %jit3A_789 : i32
    %rem3A_794 = arith.remsi %add3A_764, %select_n3A_793 : i32
    %ne3A_795 = arith.constant 0 : i32
    %ne3A_796 = arith.cmpi ne, %rem3A_794, %ne3A_795 : i32
    %lt3A_797 = arith.constant 0 : i32
    %lt3A_798 = arith.cmpi slt, %rem3A_794, %lt3A_797 : i32
    %lt3A_799 = arith.constant 0 : i32
    %lt3A_800 = arith.cmpi slt, %select_n3A_793, %lt3A_799 : i32
    %ne3A_801 = arith.xori %lt3A_798, %lt3A_800 : i1
    %and3A_802 = arith.andi %ne3A_801, %ne3A_796 : i1
    %add3A_803 = arith.addi %rem3A_794, %select_n3A_793 : i32
    %select_n3A_804 = arith.select %and3A_802, %add3A_803, %rem3A_794 : i32
    %add3A_805 = arith.constant 896 : i32
    %add3A_806 = arith.addi %mul3A_2, %add3A_805 : i32
    %jit3A_807 = arith.constant 4096 : i32
    %div3A_808 = arith.divsi %add3A_806, %jit3A_807 : i32
    %sign3A_809 = arith.constant 0 : i32
    %sign3A_810 = arith.cmpi sgt, %add3A_806, %sign3A_809 : i32
    %sign3A_811 = arith.extui %sign3A_810 : i1 to i32
    %sign3A_812 = arith.constant 0 : i32
    %sign3A_813 = arith.cmpi slt, %add3A_806, %sign3A_812 : i32
    %sign3A_814 = arith.extui %sign3A_813 : i1 to i32
    %sign3A_815 = arith.subi %sign3A_811, %sign3A_814 : i32
    %sign3A_816 = arith.constant 0 : i32
    %sign3A_817 = arith.cmpi sgt, %jit3A_807, %sign3A_816 : i32
    %sign3A_818 = arith.extui %sign3A_817 : i1 to i32
    %sign3A_819 = arith.constant 0 : i32
    %sign3A_820 = arith.cmpi slt, %jit3A_807, %sign3A_819 : i32
    %sign3A_821 = arith.extui %sign3A_820 : i1 to i32
    %sign3A_822 = arith.subi %sign3A_818, %sign3A_821 : i32
    %ne3A_823 = arith.cmpi ne, %sign3A_815, %sign3A_822 : i32
    %rem3A_824 = arith.remsi %add3A_806, %jit3A_807 : i32
    %ne3A_825 = arith.constant 0 : i32
    %ne3A_826 = arith.cmpi ne, %rem3A_824, %ne3A_825 : i32
    %and3A_827 = arith.andi %ne3A_823, %ne3A_826 : i1
    %sub3A_828 = arith.constant 1 : i32
    %sub3A_829 = arith.subi %div3A_808, %sub3A_828 : i32
    %select_n3A_830 = arith.select %and3A_827, %sub3A_829, %div3A_808 : i32
    %jit3A_831 = arith.constant 4096 : i32
    %eq3A_832 = arith.constant 0 : i32
    %eq3A_833 = arith.cmpi eq, %jit3A_831, %eq3A_832 : i32
    %jit3A_834 = arith.constant 1 : i32
    %select_n3A_835 = arith.select %eq3A_833, %jit3A_834, %jit3A_831 : i32
    %rem3A_836 = arith.remsi %add3A_806, %select_n3A_835 : i32
    %ne3A_837 = arith.constant 0 : i32
    %ne3A_838 = arith.cmpi ne, %rem3A_836, %ne3A_837 : i32
    %lt3A_839 = arith.constant 0 : i32
    %lt3A_840 = arith.cmpi slt, %rem3A_836, %lt3A_839 : i32
    %lt3A_841 = arith.constant 0 : i32
    %lt3A_842 = arith.cmpi slt, %select_n3A_835, %lt3A_841 : i32
    %ne3A_843 = arith.xori %lt3A_840, %lt3A_842 : i1
    %and3A_844 = arith.andi %ne3A_843, %ne3A_838 : i1
    %add3A_845 = arith.addi %rem3A_836, %select_n3A_835 : i32
    %select_n3A_846 = arith.select %and3A_844, %add3A_845, %rem3A_836 : i32
    %add3A_847 = arith.constant 1024 : i32
    %add3A_848 = arith.addi %mul3A_2, %add3A_847 : i32
    %jit3A_849 = arith.constant 4096 : i32
    %div3A_850 = arith.divsi %add3A_848, %jit3A_849 : i32
    %sign3A_851 = arith.constant 0 : i32
    %sign3A_852 = arith.cmpi sgt, %add3A_848, %sign3A_851 : i32
    %sign3A_853 = arith.extui %sign3A_852 : i1 to i32
    %sign3A_854 = arith.constant 0 : i32
    %sign3A_855 = arith.cmpi slt, %add3A_848, %sign3A_854 : i32
    %sign3A_856 = arith.extui %sign3A_855 : i1 to i32
    %sign3A_857 = arith.subi %sign3A_853, %sign3A_856 : i32
    %sign3A_858 = arith.constant 0 : i32
    %sign3A_859 = arith.cmpi sgt, %jit3A_849, %sign3A_858 : i32
    %sign3A_860 = arith.extui %sign3A_859 : i1 to i32
    %sign3A_861 = arith.constant 0 : i32
    %sign3A_862 = arith.cmpi slt, %jit3A_849, %sign3A_861 : i32
    %sign3A_863 = arith.extui %sign3A_862 : i1 to i32
    %sign3A_864 = arith.subi %sign3A_860, %sign3A_863 : i32
    %ne3A_865 = arith.cmpi ne, %sign3A_857, %sign3A_864 : i32
    %rem3A_866 = arith.remsi %add3A_848, %jit3A_849 : i32
    %ne3A_867 = arith.constant 0 : i32
    %ne3A_868 = arith.cmpi ne, %rem3A_866, %ne3A_867 : i32
    %and3A_869 = arith.andi %ne3A_865, %ne3A_868 : i1
    %sub3A_870 = arith.constant 1 : i32
    %sub3A_871 = arith.subi %div3A_850, %sub3A_870 : i32
    %select_n3A_872 = arith.select %and3A_869, %sub3A_871, %div3A_850 : i32
    %jit3A_873 = arith.constant 4096 : i32
    %eq3A_874 = arith.constant 0 : i32
    %eq3A_875 = arith.cmpi eq, %jit3A_873, %eq3A_874 : i32
    %jit3A_876 = arith.constant 1 : i32
    %select_n3A_877 = arith.select %eq3A_875, %jit3A_876, %jit3A_873 : i32
    %rem3A_878 = arith.remsi %add3A_848, %select_n3A_877 : i32
    %ne3A_879 = arith.constant 0 : i32
    %ne3A_880 = arith.cmpi ne, %rem3A_878, %ne3A_879 : i32
    %lt3A_881 = arith.constant 0 : i32
    %lt3A_882 = arith.cmpi slt, %rem3A_878, %lt3A_881 : i32
    %lt3A_883 = arith.constant 0 : i32
    %lt3A_884 = arith.cmpi slt, %select_n3A_877, %lt3A_883 : i32
    %ne3A_885 = arith.xori %lt3A_882, %lt3A_884 : i1
    %and3A_886 = arith.andi %ne3A_885, %ne3A_880 : i1
    %add3A_887 = arith.addi %rem3A_878, %select_n3A_877 : i32
    %select_n3A_888 = arith.select %and3A_886, %add3A_887, %rem3A_878 : i32
    %add3A_889 = arith.constant 1152 : i32
    %add3A_890 = arith.addi %mul3A_2, %add3A_889 : i32
    %jit3A_891 = arith.constant 4096 : i32
    %div3A_892 = arith.divsi %add3A_890, %jit3A_891 : i32
    %sign3A_893 = arith.constant 0 : i32
    %sign3A_894 = arith.cmpi sgt, %add3A_890, %sign3A_893 : i32
    %sign3A_895 = arith.extui %sign3A_894 : i1 to i32
    %sign3A_896 = arith.constant 0 : i32
    %sign3A_897 = arith.cmpi slt, %add3A_890, %sign3A_896 : i32
    %sign3A_898 = arith.extui %sign3A_897 : i1 to i32
    %sign3A_899 = arith.subi %sign3A_895, %sign3A_898 : i32
    %sign3A_900 = arith.constant 0 : i32
    %sign3A_901 = arith.cmpi sgt, %jit3A_891, %sign3A_900 : i32
    %sign3A_902 = arith.extui %sign3A_901 : i1 to i32
    %sign3A_903 = arith.constant 0 : i32
    %sign3A_904 = arith.cmpi slt, %jit3A_891, %sign3A_903 : i32
    %sign3A_905 = arith.extui %sign3A_904 : i1 to i32
    %sign3A_906 = arith.subi %sign3A_902, %sign3A_905 : i32
    %ne3A_907 = arith.cmpi ne, %sign3A_899, %sign3A_906 : i32
    %rem3A_908 = arith.remsi %add3A_890, %jit3A_891 : i32
    %ne3A_909 = arith.constant 0 : i32
    %ne3A_910 = arith.cmpi ne, %rem3A_908, %ne3A_909 : i32
    %and3A_911 = arith.andi %ne3A_907, %ne3A_910 : i1
    %sub3A_912 = arith.constant 1 : i32
    %sub3A_913 = arith.subi %div3A_892, %sub3A_912 : i32
    %select_n3A_914 = arith.select %and3A_911, %sub3A_913, %div3A_892 : i32
    %jit3A_915 = arith.constant 4096 : i32
    %eq3A_916 = arith.constant 0 : i32
    %eq3A_917 = arith.cmpi eq, %jit3A_915, %eq3A_916 : i32
    %jit3A_918 = arith.constant 1 : i32
    %select_n3A_919 = arith.select %eq3A_917, %jit3A_918, %jit3A_915 : i32
    %rem3A_920 = arith.remsi %add3A_890, %select_n3A_919 : i32
    %ne3A_921 = arith.constant 0 : i32
    %ne3A_922 = arith.cmpi ne, %rem3A_920, %ne3A_921 : i32
    %lt3A_923 = arith.constant 0 : i32
    %lt3A_924 = arith.cmpi slt, %rem3A_920, %lt3A_923 : i32
    %lt3A_925 = arith.constant 0 : i32
    %lt3A_926 = arith.cmpi slt, %select_n3A_919, %lt3A_925 : i32
    %ne3A_927 = arith.xori %lt3A_924, %lt3A_926 : i1
    %and3A_928 = arith.andi %ne3A_927, %ne3A_922 : i1
    %add3A_929 = arith.addi %rem3A_920, %select_n3A_919 : i32
    %select_n3A_930 = arith.select %and3A_928, %add3A_929, %rem3A_920 : i32
    %add3A_931 = arith.constant 1280 : i32
    %add3A_932 = arith.addi %mul3A_2, %add3A_931 : i32
    %jit3A_933 = arith.constant 4096 : i32
    %div3A_934 = arith.divsi %add3A_932, %jit3A_933 : i32
    %sign3A_935 = arith.constant 0 : i32
    %sign3A_936 = arith.cmpi sgt, %add3A_932, %sign3A_935 : i32
    %sign3A_937 = arith.extui %sign3A_936 : i1 to i32
    %sign3A_938 = arith.constant 0 : i32
    %sign3A_939 = arith.cmpi slt, %add3A_932, %sign3A_938 : i32
    %sign3A_940 = arith.extui %sign3A_939 : i1 to i32
    %sign3A_941 = arith.subi %sign3A_937, %sign3A_940 : i32
    %sign3A_942 = arith.constant 0 : i32
    %sign3A_943 = arith.cmpi sgt, %jit3A_933, %sign3A_942 : i32
    %sign3A_944 = arith.extui %sign3A_943 : i1 to i32
    %sign3A_945 = arith.constant 0 : i32
    %sign3A_946 = arith.cmpi slt, %jit3A_933, %sign3A_945 : i32
    %sign3A_947 = arith.extui %sign3A_946 : i1 to i32
    %sign3A_948 = arith.subi %sign3A_944, %sign3A_947 : i32
    %ne3A_949 = arith.cmpi ne, %sign3A_941, %sign3A_948 : i32
    %rem3A_950 = arith.remsi %add3A_932, %jit3A_933 : i32
    %ne3A_951 = arith.constant 0 : i32
    %ne3A_952 = arith.cmpi ne, %rem3A_950, %ne3A_951 : i32
    %and3A_953 = arith.andi %ne3A_949, %ne3A_952 : i1
    %sub3A_954 = arith.constant 1 : i32
    %sub3A_955 = arith.subi %div3A_934, %sub3A_954 : i32
    %select_n3A_956 = arith.select %and3A_953, %sub3A_955, %div3A_934 : i32
    %jit3A_957 = arith.constant 4096 : i32
    %eq3A_958 = arith.constant 0 : i32
    %eq3A_959 = arith.cmpi eq, %jit3A_957, %eq3A_958 : i32
    %jit3A_960 = arith.constant 1 : i32
    %select_n3A_961 = arith.select %eq3A_959, %jit3A_960, %jit3A_957 : i32
    %rem3A_962 = arith.remsi %add3A_932, %select_n3A_961 : i32
    %ne3A_963 = arith.constant 0 : i32
    %ne3A_964 = arith.cmpi ne, %rem3A_962, %ne3A_963 : i32
    %lt3A_965 = arith.constant 0 : i32
    %lt3A_966 = arith.cmpi slt, %rem3A_962, %lt3A_965 : i32
    %lt3A_967 = arith.constant 0 : i32
    %lt3A_968 = arith.cmpi slt, %select_n3A_961, %lt3A_967 : i32
    %ne3A_969 = arith.xori %lt3A_966, %lt3A_968 : i1
    %and3A_970 = arith.andi %ne3A_969, %ne3A_964 : i1
    %add3A_971 = arith.addi %rem3A_962, %select_n3A_961 : i32
    %select_n3A_972 = arith.select %and3A_970, %add3A_971, %rem3A_962 : i32
    %add3A_973 = arith.constant 1408 : i32
    %add3A_974 = arith.addi %mul3A_2, %add3A_973 : i32
    %jit3A_975 = arith.constant 4096 : i32
    %div3A_976 = arith.divsi %add3A_974, %jit3A_975 : i32
    %sign3A_977 = arith.constant 0 : i32
    %sign3A_978 = arith.cmpi sgt, %add3A_974, %sign3A_977 : i32
    %sign3A_979 = arith.extui %sign3A_978 : i1 to i32
    %sign3A_980 = arith.constant 0 : i32
    %sign3A_981 = arith.cmpi slt, %add3A_974, %sign3A_980 : i32
    %sign3A_982 = arith.extui %sign3A_981 : i1 to i32
    %sign3A_983 = arith.subi %sign3A_979, %sign3A_982 : i32
    %sign3A_984 = arith.constant 0 : i32
    %sign3A_985 = arith.cmpi sgt, %jit3A_975, %sign3A_984 : i32
    %sign3A_986 = arith.extui %sign3A_985 : i1 to i32
    %sign3A_987 = arith.constant 0 : i32
    %sign3A_988 = arith.cmpi slt, %jit3A_975, %sign3A_987 : i32
    %sign3A_989 = arith.extui %sign3A_988 : i1 to i32
    %sign3A_990 = arith.subi %sign3A_986, %sign3A_989 : i32
    %ne3A_991 = arith.cmpi ne, %sign3A_983, %sign3A_990 : i32
    %rem3A_992 = arith.remsi %add3A_974, %jit3A_975 : i32
    %ne3A_993 = arith.constant 0 : i32
    %ne3A_994 = arith.cmpi ne, %rem3A_992, %ne3A_993 : i32
    %and3A_995 = arith.andi %ne3A_991, %ne3A_994 : i1
    %sub3A_996 = arith.constant 1 : i32
    %sub3A_997 = arith.subi %div3A_976, %sub3A_996 : i32
    %select_n3A_998 = arith.select %and3A_995, %sub3A_997, %div3A_976 : i32
    %jit3A_999 = arith.constant 4096 : i32
    %eq3A_1000 = arith.constant 0 : i32
    %eq3A_1001 = arith.cmpi eq, %jit3A_999, %eq3A_1000 : i32
    %jit3A_1002 = arith.constant 1 : i32
    %select_n3A_1003 = arith.select %eq3A_1001, %jit3A_1002, %jit3A_999 : i32
    %rem3A_1004 = arith.remsi %add3A_974, %select_n3A_1003 : i32
    %ne3A_1005 = arith.constant 0 : i32
    %ne3A_1006 = arith.cmpi ne, %rem3A_1004, %ne3A_1005 : i32
    %lt3A_1007 = arith.constant 0 : i32
    %lt3A_1008 = arith.cmpi slt, %rem3A_1004, %lt3A_1007 : i32
    %lt3A_1009 = arith.constant 0 : i32
    %lt3A_1010 = arith.cmpi slt, %select_n3A_1003, %lt3A_1009 : i32
    %ne3A_1011 = arith.xori %lt3A_1008, %lt3A_1010 : i1
    %and3A_1012 = arith.andi %ne3A_1011, %ne3A_1006 : i1
    %add3A_1013 = arith.addi %rem3A_1004, %select_n3A_1003 : i32
    %select_n3A_1014 = arith.select %and3A_1012, %add3A_1013, %rem3A_1004 : i32
    %add3A_1015 = arith.constant 1536 : i32
    %add3A_1016 = arith.addi %mul3A_2, %add3A_1015 : i32
    %jit3A_1017 = arith.constant 4096 : i32
    %div3A_1018 = arith.divsi %add3A_1016, %jit3A_1017 : i32
    %sign3A_1019 = arith.constant 0 : i32
    %sign3A_1020 = arith.cmpi sgt, %add3A_1016, %sign3A_1019 : i32
    %sign3A_1021 = arith.extui %sign3A_1020 : i1 to i32
    %sign3A_1022 = arith.constant 0 : i32
    %sign3A_1023 = arith.cmpi slt, %add3A_1016, %sign3A_1022 : i32
    %sign3A_1024 = arith.extui %sign3A_1023 : i1 to i32
    %sign3A_1025 = arith.subi %sign3A_1021, %sign3A_1024 : i32
    %sign3A_1026 = arith.constant 0 : i32
    %sign3A_1027 = arith.cmpi sgt, %jit3A_1017, %sign3A_1026 : i32
    %sign3A_1028 = arith.extui %sign3A_1027 : i1 to i32
    %sign3A_1029 = arith.constant 0 : i32
    %sign3A_1030 = arith.cmpi slt, %jit3A_1017, %sign3A_1029 : i32
    %sign3A_1031 = arith.extui %sign3A_1030 : i1 to i32
    %sign3A_1032 = arith.subi %sign3A_1028, %sign3A_1031 : i32
    %ne3A_1033 = arith.cmpi ne, %sign3A_1025, %sign3A_1032 : i32
    %rem3A_1034 = arith.remsi %add3A_1016, %jit3A_1017 : i32
    %ne3A_1035 = arith.constant 0 : i32
    %ne3A_1036 = arith.cmpi ne, %rem3A_1034, %ne3A_1035 : i32
    %and3A_1037 = arith.andi %ne3A_1033, %ne3A_1036 : i1
    %sub3A_1038 = arith.constant 1 : i32
    %sub3A_1039 = arith.subi %div3A_1018, %sub3A_1038 : i32
    %select_n3A_1040 = arith.select %and3A_1037, %sub3A_1039, %div3A_1018 : i32
    %jit3A_1041 = arith.constant 4096 : i32
    %eq3A_1042 = arith.constant 0 : i32
    %eq3A_1043 = arith.cmpi eq, %jit3A_1041, %eq3A_1042 : i32
    %jit3A_1044 = arith.constant 1 : i32
    %select_n3A_1045 = arith.select %eq3A_1043, %jit3A_1044, %jit3A_1041 : i32
    %rem3A_1046 = arith.remsi %add3A_1016, %select_n3A_1045 : i32
    %ne3A_1047 = arith.constant 0 : i32
    %ne3A_1048 = arith.cmpi ne, %rem3A_1046, %ne3A_1047 : i32
    %lt3A_1049 = arith.constant 0 : i32
    %lt3A_1050 = arith.cmpi slt, %rem3A_1046, %lt3A_1049 : i32
    %lt3A_1051 = arith.constant 0 : i32
    %lt3A_1052 = arith.cmpi slt, %select_n3A_1045, %lt3A_1051 : i32
    %ne3A_1053 = arith.xori %lt3A_1050, %lt3A_1052 : i1
    %and3A_1054 = arith.andi %ne3A_1053, %ne3A_1048 : i1
    %add3A_1055 = arith.addi %rem3A_1046, %select_n3A_1045 : i32
    %select_n3A_1056 = arith.select %and3A_1054, %add3A_1055, %rem3A_1046 : i32
    %add3A_1057 = arith.constant 1664 : i32
    %add3A_1058 = arith.addi %mul3A_2, %add3A_1057 : i32
    %jit3A_1059 = arith.constant 4096 : i32
    %div3A_1060 = arith.divsi %add3A_1058, %jit3A_1059 : i32
    %sign3A_1061 = arith.constant 0 : i32
    %sign3A_1062 = arith.cmpi sgt, %add3A_1058, %sign3A_1061 : i32
    %sign3A_1063 = arith.extui %sign3A_1062 : i1 to i32
    %sign3A_1064 = arith.constant 0 : i32
    %sign3A_1065 = arith.cmpi slt, %add3A_1058, %sign3A_1064 : i32
    %sign3A_1066 = arith.extui %sign3A_1065 : i1 to i32
    %sign3A_1067 = arith.subi %sign3A_1063, %sign3A_1066 : i32
    %sign3A_1068 = arith.constant 0 : i32
    %sign3A_1069 = arith.cmpi sgt, %jit3A_1059, %sign3A_1068 : i32
    %sign3A_1070 = arith.extui %sign3A_1069 : i1 to i32
    %sign3A_1071 = arith.constant 0 : i32
    %sign3A_1072 = arith.cmpi slt, %jit3A_1059, %sign3A_1071 : i32
    %sign3A_1073 = arith.extui %sign3A_1072 : i1 to i32
    %sign3A_1074 = arith.subi %sign3A_1070, %sign3A_1073 : i32
    %ne3A_1075 = arith.cmpi ne, %sign3A_1067, %sign3A_1074 : i32
    %rem3A_1076 = arith.remsi %add3A_1058, %jit3A_1059 : i32
    %ne3A_1077 = arith.constant 0 : i32
    %ne3A_1078 = arith.cmpi ne, %rem3A_1076, %ne3A_1077 : i32
    %and3A_1079 = arith.andi %ne3A_1075, %ne3A_1078 : i1
    %sub3A_1080 = arith.constant 1 : i32
    %sub3A_1081 = arith.subi %div3A_1060, %sub3A_1080 : i32
    %select_n3A_1082 = arith.select %and3A_1079, %sub3A_1081, %div3A_1060 : i32
    %jit3A_1083 = arith.constant 4096 : i32
    %eq3A_1084 = arith.constant 0 : i32
    %eq3A_1085 = arith.cmpi eq, %jit3A_1083, %eq3A_1084 : i32
    %jit3A_1086 = arith.constant 1 : i32
    %select_n3A_1087 = arith.select %eq3A_1085, %jit3A_1086, %jit3A_1083 : i32
    %rem3A_1088 = arith.remsi %add3A_1058, %select_n3A_1087 : i32
    %ne3A_1089 = arith.constant 0 : i32
    %ne3A_1090 = arith.cmpi ne, %rem3A_1088, %ne3A_1089 : i32
    %lt3A_1091 = arith.constant 0 : i32
    %lt3A_1092 = arith.cmpi slt, %rem3A_1088, %lt3A_1091 : i32
    %lt3A_1093 = arith.constant 0 : i32
    %lt3A_1094 = arith.cmpi slt, %select_n3A_1087, %lt3A_1093 : i32
    %ne3A_1095 = arith.xori %lt3A_1092, %lt3A_1094 : i1
    %and3A_1096 = arith.andi %ne3A_1095, %ne3A_1090 : i1
    %add3A_1097 = arith.addi %rem3A_1088, %select_n3A_1087 : i32
    %select_n3A_1098 = arith.select %and3A_1096, %add3A_1097, %rem3A_1088 : i32
    %add3A_1099 = arith.constant 1792 : i32
    %add3A_1100 = arith.addi %mul3A_2, %add3A_1099 : i32
    %jit3A_1101 = arith.constant 4096 : i32
    %div3A_1102 = arith.divsi %add3A_1100, %jit3A_1101 : i32
    %sign3A_1103 = arith.constant 0 : i32
    %sign3A_1104 = arith.cmpi sgt, %add3A_1100, %sign3A_1103 : i32
    %sign3A_1105 = arith.extui %sign3A_1104 : i1 to i32
    %sign3A_1106 = arith.constant 0 : i32
    %sign3A_1107 = arith.cmpi slt, %add3A_1100, %sign3A_1106 : i32
    %sign3A_1108 = arith.extui %sign3A_1107 : i1 to i32
    %sign3A_1109 = arith.subi %sign3A_1105, %sign3A_1108 : i32
    %sign3A_1110 = arith.constant 0 : i32
    %sign3A_1111 = arith.cmpi sgt, %jit3A_1101, %sign3A_1110 : i32
    %sign3A_1112 = arith.extui %sign3A_1111 : i1 to i32
    %sign3A_1113 = arith.constant 0 : i32
    %sign3A_1114 = arith.cmpi slt, %jit3A_1101, %sign3A_1113 : i32
    %sign3A_1115 = arith.extui %sign3A_1114 : i1 to i32
    %sign3A_1116 = arith.subi %sign3A_1112, %sign3A_1115 : i32
    %ne3A_1117 = arith.cmpi ne, %sign3A_1109, %sign3A_1116 : i32
    %rem3A_1118 = arith.remsi %add3A_1100, %jit3A_1101 : i32
    %ne3A_1119 = arith.constant 0 : i32
    %ne3A_1120 = arith.cmpi ne, %rem3A_1118, %ne3A_1119 : i32
    %and3A_1121 = arith.andi %ne3A_1117, %ne3A_1120 : i1
    %sub3A_1122 = arith.constant 1 : i32
    %sub3A_1123 = arith.subi %div3A_1102, %sub3A_1122 : i32
    %select_n3A_1124 = arith.select %and3A_1121, %sub3A_1123, %div3A_1102 : i32
    %jit3A_1125 = arith.constant 4096 : i32
    %eq3A_1126 = arith.constant 0 : i32
    %eq3A_1127 = arith.cmpi eq, %jit3A_1125, %eq3A_1126 : i32
    %jit3A_1128 = arith.constant 1 : i32
    %select_n3A_1129 = arith.select %eq3A_1127, %jit3A_1128, %jit3A_1125 : i32
    %rem3A_1130 = arith.remsi %add3A_1100, %select_n3A_1129 : i32
    %ne3A_1131 = arith.constant 0 : i32
    %ne3A_1132 = arith.cmpi ne, %rem3A_1130, %ne3A_1131 : i32
    %lt3A_1133 = arith.constant 0 : i32
    %lt3A_1134 = arith.cmpi slt, %rem3A_1130, %lt3A_1133 : i32
    %lt3A_1135 = arith.constant 0 : i32
    %lt3A_1136 = arith.cmpi slt, %select_n3A_1129, %lt3A_1135 : i32
    %ne3A_1137 = arith.xori %lt3A_1134, %lt3A_1136 : i1
    %and3A_1138 = arith.andi %ne3A_1137, %ne3A_1132 : i1
    %add3A_1139 = arith.addi %rem3A_1130, %select_n3A_1129 : i32
    %select_n3A_1140 = arith.select %and3A_1138, %add3A_1139, %rem3A_1130 : i32
    %add3A_1141 = arith.constant 1920 : i32
    %add3A_1142 = arith.addi %mul3A_2, %add3A_1141 : i32
    %jit3A_1143 = arith.constant 4096 : i32
    %div3A_1144 = arith.divsi %add3A_1142, %jit3A_1143 : i32
    %sign3A_1145 = arith.constant 0 : i32
    %sign3A_1146 = arith.cmpi sgt, %add3A_1142, %sign3A_1145 : i32
    %sign3A_1147 = arith.extui %sign3A_1146 : i1 to i32
    %sign3A_1148 = arith.constant 0 : i32
    %sign3A_1149 = arith.cmpi slt, %add3A_1142, %sign3A_1148 : i32
    %sign3A_1150 = arith.extui %sign3A_1149 : i1 to i32
    %sign3A_1151 = arith.subi %sign3A_1147, %sign3A_1150 : i32
    %sign3A_1152 = arith.constant 0 : i32
    %sign3A_1153 = arith.cmpi sgt, %jit3A_1143, %sign3A_1152 : i32
    %sign3A_1154 = arith.extui %sign3A_1153 : i1 to i32
    %sign3A_1155 = arith.constant 0 : i32
    %sign3A_1156 = arith.cmpi slt, %jit3A_1143, %sign3A_1155 : i32
    %sign3A_1157 = arith.extui %sign3A_1156 : i1 to i32
    %sign3A_1158 = arith.subi %sign3A_1154, %sign3A_1157 : i32
    %ne3A_1159 = arith.cmpi ne, %sign3A_1151, %sign3A_1158 : i32
    %rem3A_1160 = arith.remsi %add3A_1142, %jit3A_1143 : i32
    %ne3A_1161 = arith.constant 0 : i32
    %ne3A_1162 = arith.cmpi ne, %rem3A_1160, %ne3A_1161 : i32
    %and3A_1163 = arith.andi %ne3A_1159, %ne3A_1162 : i1
    %sub3A_1164 = arith.constant 1 : i32
    %sub3A_1165 = arith.subi %div3A_1144, %sub3A_1164 : i32
    %select_n3A_1166 = arith.select %and3A_1163, %sub3A_1165, %div3A_1144 : i32
    %jit3A_1167 = arith.constant 4096 : i32
    %eq3A_1168 = arith.constant 0 : i32
    %eq3A_1169 = arith.cmpi eq, %jit3A_1167, %eq3A_1168 : i32
    %jit3A_1170 = arith.constant 1 : i32
    %select_n3A_1171 = arith.select %eq3A_1169, %jit3A_1170, %jit3A_1167 : i32
    %rem3A_1172 = arith.remsi %add3A_1142, %select_n3A_1171 : i32
    %ne3A_1173 = arith.constant 0 : i32
    %ne3A_1174 = arith.cmpi ne, %rem3A_1172, %ne3A_1173 : i32
    %lt3A_1175 = arith.constant 0 : i32
    %lt3A_1176 = arith.cmpi slt, %rem3A_1172, %lt3A_1175 : i32
    %lt3A_1177 = arith.constant 0 : i32
    %lt3A_1178 = arith.cmpi slt, %select_n3A_1171, %lt3A_1177 : i32
    %ne3A_1179 = arith.xori %lt3A_1176, %lt3A_1178 : i1
    %and3A_1180 = arith.andi %ne3A_1179, %ne3A_1174 : i1
    %add3A_1181 = arith.addi %rem3A_1172, %select_n3A_1171 : i32
    %select_n3A_1182 = arith.select %and3A_1180, %add3A_1181, %rem3A_1172 : i32
    %add3A_1183 = arith.constant 2048 : i32
    %add3A_1184 = arith.addi %mul3A_2, %add3A_1183 : i32
    %jit3A_1185 = arith.constant 4096 : i32
    %div3A_1186 = arith.divsi %add3A_1184, %jit3A_1185 : i32
    %sign3A_1187 = arith.constant 0 : i32
    %sign3A_1188 = arith.cmpi sgt, %add3A_1184, %sign3A_1187 : i32
    %sign3A_1189 = arith.extui %sign3A_1188 : i1 to i32
    %sign3A_1190 = arith.constant 0 : i32
    %sign3A_1191 = arith.cmpi slt, %add3A_1184, %sign3A_1190 : i32
    %sign3A_1192 = arith.extui %sign3A_1191 : i1 to i32
    %sign3A_1193 = arith.subi %sign3A_1189, %sign3A_1192 : i32
    %sign3A_1194 = arith.constant 0 : i32
    %sign3A_1195 = arith.cmpi sgt, %jit3A_1185, %sign3A_1194 : i32
    %sign3A_1196 = arith.extui %sign3A_1195 : i1 to i32
    %sign3A_1197 = arith.constant 0 : i32
    %sign3A_1198 = arith.cmpi slt, %jit3A_1185, %sign3A_1197 : i32
    %sign3A_1199 = arith.extui %sign3A_1198 : i1 to i32
    %sign3A_1200 = arith.subi %sign3A_1196, %sign3A_1199 : i32
    %ne3A_1201 = arith.cmpi ne, %sign3A_1193, %sign3A_1200 : i32
    %rem3A_1202 = arith.remsi %add3A_1184, %jit3A_1185 : i32
    %ne3A_1203 = arith.constant 0 : i32
    %ne3A_1204 = arith.cmpi ne, %rem3A_1202, %ne3A_1203 : i32
    %and3A_1205 = arith.andi %ne3A_1201, %ne3A_1204 : i1
    %sub3A_1206 = arith.constant 1 : i32
    %sub3A_1207 = arith.subi %div3A_1186, %sub3A_1206 : i32
    %select_n3A_1208 = arith.select %and3A_1205, %sub3A_1207, %div3A_1186 : i32
    %jit3A_1209 = arith.constant 4096 : i32
    %eq3A_1210 = arith.constant 0 : i32
    %eq3A_1211 = arith.cmpi eq, %jit3A_1209, %eq3A_1210 : i32
    %jit3A_1212 = arith.constant 1 : i32
    %select_n3A_1213 = arith.select %eq3A_1211, %jit3A_1212, %jit3A_1209 : i32
    %rem3A_1214 = arith.remsi %add3A_1184, %select_n3A_1213 : i32
    %ne3A_1215 = arith.constant 0 : i32
    %ne3A_1216 = arith.cmpi ne, %rem3A_1214, %ne3A_1215 : i32
    %lt3A_1217 = arith.constant 0 : i32
    %lt3A_1218 = arith.cmpi slt, %rem3A_1214, %lt3A_1217 : i32
    %lt3A_1219 = arith.constant 0 : i32
    %lt3A_1220 = arith.cmpi slt, %select_n3A_1213, %lt3A_1219 : i32
    %ne3A_1221 = arith.xori %lt3A_1218, %lt3A_1220 : i1
    %and3A_1222 = arith.andi %ne3A_1221, %ne3A_1216 : i1
    %add3A_1223 = arith.addi %rem3A_1214, %select_n3A_1213 : i32
    %select_n3A_1224 = arith.select %and3A_1222, %add3A_1223, %rem3A_1214 : i32
    %add3A_1225 = arith.constant 2176 : i32
    %add3A_1226 = arith.addi %mul3A_2, %add3A_1225 : i32
    %jit3A_1227 = arith.constant 4096 : i32
    %div3A_1228 = arith.divsi %add3A_1226, %jit3A_1227 : i32
    %sign3A_1229 = arith.constant 0 : i32
    %sign3A_1230 = arith.cmpi sgt, %add3A_1226, %sign3A_1229 : i32
    %sign3A_1231 = arith.extui %sign3A_1230 : i1 to i32
    %sign3A_1232 = arith.constant 0 : i32
    %sign3A_1233 = arith.cmpi slt, %add3A_1226, %sign3A_1232 : i32
    %sign3A_1234 = arith.extui %sign3A_1233 : i1 to i32
    %sign3A_1235 = arith.subi %sign3A_1231, %sign3A_1234 : i32
    %sign3A_1236 = arith.constant 0 : i32
    %sign3A_1237 = arith.cmpi sgt, %jit3A_1227, %sign3A_1236 : i32
    %sign3A_1238 = arith.extui %sign3A_1237 : i1 to i32
    %sign3A_1239 = arith.constant 0 : i32
    %sign3A_1240 = arith.cmpi slt, %jit3A_1227, %sign3A_1239 : i32
    %sign3A_1241 = arith.extui %sign3A_1240 : i1 to i32
    %sign3A_1242 = arith.subi %sign3A_1238, %sign3A_1241 : i32
    %ne3A_1243 = arith.cmpi ne, %sign3A_1235, %sign3A_1242 : i32
    %rem3A_1244 = arith.remsi %add3A_1226, %jit3A_1227 : i32
    %ne3A_1245 = arith.constant 0 : i32
    %ne3A_1246 = arith.cmpi ne, %rem3A_1244, %ne3A_1245 : i32
    %and3A_1247 = arith.andi %ne3A_1243, %ne3A_1246 : i1
    %sub3A_1248 = arith.constant 1 : i32
    %sub3A_1249 = arith.subi %div3A_1228, %sub3A_1248 : i32
    %select_n3A_1250 = arith.select %and3A_1247, %sub3A_1249, %div3A_1228 : i32
    %jit3A_1251 = arith.constant 4096 : i32
    %eq3A_1252 = arith.constant 0 : i32
    %eq3A_1253 = arith.cmpi eq, %jit3A_1251, %eq3A_1252 : i32
    %jit3A_1254 = arith.constant 1 : i32
    %select_n3A_1255 = arith.select %eq3A_1253, %jit3A_1254, %jit3A_1251 : i32
    %rem3A_1256 = arith.remsi %add3A_1226, %select_n3A_1255 : i32
    %ne3A_1257 = arith.constant 0 : i32
    %ne3A_1258 = arith.cmpi ne, %rem3A_1256, %ne3A_1257 : i32
    %lt3A_1259 = arith.constant 0 : i32
    %lt3A_1260 = arith.cmpi slt, %rem3A_1256, %lt3A_1259 : i32
    %lt3A_1261 = arith.constant 0 : i32
    %lt3A_1262 = arith.cmpi slt, %select_n3A_1255, %lt3A_1261 : i32
    %ne3A_1263 = arith.xori %lt3A_1260, %lt3A_1262 : i1
    %and3A_1264 = arith.andi %ne3A_1263, %ne3A_1258 : i1
    %add3A_1265 = arith.addi %rem3A_1256, %select_n3A_1255 : i32
    %select_n3A_1266 = arith.select %and3A_1264, %add3A_1265, %rem3A_1256 : i32
    %add3A_1267 = arith.constant 2304 : i32
    %add3A_1268 = arith.addi %mul3A_2, %add3A_1267 : i32
    %jit3A_1269 = arith.constant 4096 : i32
    %div3A_1270 = arith.divsi %add3A_1268, %jit3A_1269 : i32
    %sign3A_1271 = arith.constant 0 : i32
    %sign3A_1272 = arith.cmpi sgt, %add3A_1268, %sign3A_1271 : i32
    %sign3A_1273 = arith.extui %sign3A_1272 : i1 to i32
    %sign3A_1274 = arith.constant 0 : i32
    %sign3A_1275 = arith.cmpi slt, %add3A_1268, %sign3A_1274 : i32
    %sign3A_1276 = arith.extui %sign3A_1275 : i1 to i32
    %sign3A_1277 = arith.subi %sign3A_1273, %sign3A_1276 : i32
    %sign3A_1278 = arith.constant 0 : i32
    %sign3A_1279 = arith.cmpi sgt, %jit3A_1269, %sign3A_1278 : i32
    %sign3A_1280 = arith.extui %sign3A_1279 : i1 to i32
    %sign3A_1281 = arith.constant 0 : i32
    %sign3A_1282 = arith.cmpi slt, %jit3A_1269, %sign3A_1281 : i32
    %sign3A_1283 = arith.extui %sign3A_1282 : i1 to i32
    %sign3A_1284 = arith.subi %sign3A_1280, %sign3A_1283 : i32
    %ne3A_1285 = arith.cmpi ne, %sign3A_1277, %sign3A_1284 : i32
    %rem3A_1286 = arith.remsi %add3A_1268, %jit3A_1269 : i32
    %ne3A_1287 = arith.constant 0 : i32
    %ne3A_1288 = arith.cmpi ne, %rem3A_1286, %ne3A_1287 : i32
    %and3A_1289 = arith.andi %ne3A_1285, %ne3A_1288 : i1
    %sub3A_1290 = arith.constant 1 : i32
    %sub3A_1291 = arith.subi %div3A_1270, %sub3A_1290 : i32
    %select_n3A_1292 = arith.select %and3A_1289, %sub3A_1291, %div3A_1270 : i32
    %jit3A_1293 = arith.constant 4096 : i32
    %eq3A_1294 = arith.constant 0 : i32
    %eq3A_1295 = arith.cmpi eq, %jit3A_1293, %eq3A_1294 : i32
    %jit3A_1296 = arith.constant 1 : i32
    %select_n3A_1297 = arith.select %eq3A_1295, %jit3A_1296, %jit3A_1293 : i32
    %rem3A_1298 = arith.remsi %add3A_1268, %select_n3A_1297 : i32
    %ne3A_1299 = arith.constant 0 : i32
    %ne3A_1300 = arith.cmpi ne, %rem3A_1298, %ne3A_1299 : i32
    %lt3A_1301 = arith.constant 0 : i32
    %lt3A_1302 = arith.cmpi slt, %rem3A_1298, %lt3A_1301 : i32
    %lt3A_1303 = arith.constant 0 : i32
    %lt3A_1304 = arith.cmpi slt, %select_n3A_1297, %lt3A_1303 : i32
    %ne3A_1305 = arith.xori %lt3A_1302, %lt3A_1304 : i1
    %and3A_1306 = arith.andi %ne3A_1305, %ne3A_1300 : i1
    %add3A_1307 = arith.addi %rem3A_1298, %select_n3A_1297 : i32
    %select_n3A_1308 = arith.select %and3A_1306, %add3A_1307, %rem3A_1298 : i32
    %add3A_1309 = arith.constant 2432 : i32
    %add3A_1310 = arith.addi %mul3A_2, %add3A_1309 : i32
    %jit3A_1311 = arith.constant 4096 : i32
    %div3A_1312 = arith.divsi %add3A_1310, %jit3A_1311 : i32
    %sign3A_1313 = arith.constant 0 : i32
    %sign3A_1314 = arith.cmpi sgt, %add3A_1310, %sign3A_1313 : i32
    %sign3A_1315 = arith.extui %sign3A_1314 : i1 to i32
    %sign3A_1316 = arith.constant 0 : i32
    %sign3A_1317 = arith.cmpi slt, %add3A_1310, %sign3A_1316 : i32
    %sign3A_1318 = arith.extui %sign3A_1317 : i1 to i32
    %sign3A_1319 = arith.subi %sign3A_1315, %sign3A_1318 : i32
    %sign3A_1320 = arith.constant 0 : i32
    %sign3A_1321 = arith.cmpi sgt, %jit3A_1311, %sign3A_1320 : i32
    %sign3A_1322 = arith.extui %sign3A_1321 : i1 to i32
    %sign3A_1323 = arith.constant 0 : i32
    %sign3A_1324 = arith.cmpi slt, %jit3A_1311, %sign3A_1323 : i32
    %sign3A_1325 = arith.extui %sign3A_1324 : i1 to i32
    %sign3A_1326 = arith.subi %sign3A_1322, %sign3A_1325 : i32
    %ne3A_1327 = arith.cmpi ne, %sign3A_1319, %sign3A_1326 : i32
    %rem3A_1328 = arith.remsi %add3A_1310, %jit3A_1311 : i32
    %ne3A_1329 = arith.constant 0 : i32
    %ne3A_1330 = arith.cmpi ne, %rem3A_1328, %ne3A_1329 : i32
    %and3A_1331 = arith.andi %ne3A_1327, %ne3A_1330 : i1
    %sub3A_1332 = arith.constant 1 : i32
    %sub3A_1333 = arith.subi %div3A_1312, %sub3A_1332 : i32
    %select_n3A_1334 = arith.select %and3A_1331, %sub3A_1333, %div3A_1312 : i32
    %jit3A_1335 = arith.constant 4096 : i32
    %eq3A_1336 = arith.constant 0 : i32
    %eq3A_1337 = arith.cmpi eq, %jit3A_1335, %eq3A_1336 : i32
    %jit3A_1338 = arith.constant 1 : i32
    %select_n3A_1339 = arith.select %eq3A_1337, %jit3A_1338, %jit3A_1335 : i32
    %rem3A_1340 = arith.remsi %add3A_1310, %select_n3A_1339 : i32
    %ne3A_1341 = arith.constant 0 : i32
    %ne3A_1342 = arith.cmpi ne, %rem3A_1340, %ne3A_1341 : i32
    %lt3A_1343 = arith.constant 0 : i32
    %lt3A_1344 = arith.cmpi slt, %rem3A_1340, %lt3A_1343 : i32
    %lt3A_1345 = arith.constant 0 : i32
    %lt3A_1346 = arith.cmpi slt, %select_n3A_1339, %lt3A_1345 : i32
    %ne3A_1347 = arith.xori %lt3A_1344, %lt3A_1346 : i1
    %and3A_1348 = arith.andi %ne3A_1347, %ne3A_1342 : i1
    %add3A_1349 = arith.addi %rem3A_1340, %select_n3A_1339 : i32
    %select_n3A_1350 = arith.select %and3A_1348, %add3A_1349, %rem3A_1340 : i32
    %add3A_1351 = arith.constant 2560 : i32
    %add3A_1352 = arith.addi %mul3A_2, %add3A_1351 : i32
    %jit3A_1353 = arith.constant 4096 : i32
    %div3A_1354 = arith.divsi %add3A_1352, %jit3A_1353 : i32
    %sign3A_1355 = arith.constant 0 : i32
    %sign3A_1356 = arith.cmpi sgt, %add3A_1352, %sign3A_1355 : i32
    %sign3A_1357 = arith.extui %sign3A_1356 : i1 to i32
    %sign3A_1358 = arith.constant 0 : i32
    %sign3A_1359 = arith.cmpi slt, %add3A_1352, %sign3A_1358 : i32
    %sign3A_1360 = arith.extui %sign3A_1359 : i1 to i32
    %sign3A_1361 = arith.subi %sign3A_1357, %sign3A_1360 : i32
    %sign3A_1362 = arith.constant 0 : i32
    %sign3A_1363 = arith.cmpi sgt, %jit3A_1353, %sign3A_1362 : i32
    %sign3A_1364 = arith.extui %sign3A_1363 : i1 to i32
    %sign3A_1365 = arith.constant 0 : i32
    %sign3A_1366 = arith.cmpi slt, %jit3A_1353, %sign3A_1365 : i32
    %sign3A_1367 = arith.extui %sign3A_1366 : i1 to i32
    %sign3A_1368 = arith.subi %sign3A_1364, %sign3A_1367 : i32
    %ne3A_1369 = arith.cmpi ne, %sign3A_1361, %sign3A_1368 : i32
    %rem3A_1370 = arith.remsi %add3A_1352, %jit3A_1353 : i32
    %ne3A_1371 = arith.constant 0 : i32
    %ne3A_1372 = arith.cmpi ne, %rem3A_1370, %ne3A_1371 : i32
    %and3A_1373 = arith.andi %ne3A_1369, %ne3A_1372 : i1
    %sub3A_1374 = arith.constant 1 : i32
    %sub3A_1375 = arith.subi %div3A_1354, %sub3A_1374 : i32
    %select_n3A_1376 = arith.select %and3A_1373, %sub3A_1375, %div3A_1354 : i32
    %jit3A_1377 = arith.constant 4096 : i32
    %eq3A_1378 = arith.constant 0 : i32
    %eq3A_1379 = arith.cmpi eq, %jit3A_1377, %eq3A_1378 : i32
    %jit3A_1380 = arith.constant 1 : i32
    %select_n3A_1381 = arith.select %eq3A_1379, %jit3A_1380, %jit3A_1377 : i32
    %rem3A_1382 = arith.remsi %add3A_1352, %select_n3A_1381 : i32
    %ne3A_1383 = arith.constant 0 : i32
    %ne3A_1384 = arith.cmpi ne, %rem3A_1382, %ne3A_1383 : i32
    %lt3A_1385 = arith.constant 0 : i32
    %lt3A_1386 = arith.cmpi slt, %rem3A_1382, %lt3A_1385 : i32
    %lt3A_1387 = arith.constant 0 : i32
    %lt3A_1388 = arith.cmpi slt, %select_n3A_1381, %lt3A_1387 : i32
    %ne3A_1389 = arith.xori %lt3A_1386, %lt3A_1388 : i1
    %and3A_1390 = arith.andi %ne3A_1389, %ne3A_1384 : i1
    %add3A_1391 = arith.addi %rem3A_1382, %select_n3A_1381 : i32
    %select_n3A_1392 = arith.select %and3A_1390, %add3A_1391, %rem3A_1382 : i32
    %add3A_1393 = arith.constant 2688 : i32
    %add3A_1394 = arith.addi %mul3A_2, %add3A_1393 : i32
    %jit3A_1395 = arith.constant 4096 : i32
    %div3A_1396 = arith.divsi %add3A_1394, %jit3A_1395 : i32
    %sign3A_1397 = arith.constant 0 : i32
    %sign3A_1398 = arith.cmpi sgt, %add3A_1394, %sign3A_1397 : i32
    %sign3A_1399 = arith.extui %sign3A_1398 : i1 to i32
    %sign3A_1400 = arith.constant 0 : i32
    %sign3A_1401 = arith.cmpi slt, %add3A_1394, %sign3A_1400 : i32
    %sign3A_1402 = arith.extui %sign3A_1401 : i1 to i32
    %sign3A_1403 = arith.subi %sign3A_1399, %sign3A_1402 : i32
    %sign3A_1404 = arith.constant 0 : i32
    %sign3A_1405 = arith.cmpi sgt, %jit3A_1395, %sign3A_1404 : i32
    %sign3A_1406 = arith.extui %sign3A_1405 : i1 to i32
    %sign3A_1407 = arith.constant 0 : i32
    %sign3A_1408 = arith.cmpi slt, %jit3A_1395, %sign3A_1407 : i32
    %sign3A_1409 = arith.extui %sign3A_1408 : i1 to i32
    %sign3A_1410 = arith.subi %sign3A_1406, %sign3A_1409 : i32
    %ne3A_1411 = arith.cmpi ne, %sign3A_1403, %sign3A_1410 : i32
    %rem3A_1412 = arith.remsi %add3A_1394, %jit3A_1395 : i32
    %ne3A_1413 = arith.constant 0 : i32
    %ne3A_1414 = arith.cmpi ne, %rem3A_1412, %ne3A_1413 : i32
    %and3A_1415 = arith.andi %ne3A_1411, %ne3A_1414 : i1
    %sub3A_1416 = arith.constant 1 : i32
    %sub3A_1417 = arith.subi %div3A_1396, %sub3A_1416 : i32
    %select_n3A_1418 = arith.select %and3A_1415, %sub3A_1417, %div3A_1396 : i32
    %jit3A_1419 = arith.constant 4096 : i32
    %eq3A_1420 = arith.constant 0 : i32
    %eq3A_1421 = arith.cmpi eq, %jit3A_1419, %eq3A_1420 : i32
    %jit3A_1422 = arith.constant 1 : i32
    %select_n3A_1423 = arith.select %eq3A_1421, %jit3A_1422, %jit3A_1419 : i32
    %rem3A_1424 = arith.remsi %add3A_1394, %select_n3A_1423 : i32
    %ne3A_1425 = arith.constant 0 : i32
    %ne3A_1426 = arith.cmpi ne, %rem3A_1424, %ne3A_1425 : i32
    %lt3A_1427 = arith.constant 0 : i32
    %lt3A_1428 = arith.cmpi slt, %rem3A_1424, %lt3A_1427 : i32
    %lt3A_1429 = arith.constant 0 : i32
    %lt3A_1430 = arith.cmpi slt, %select_n3A_1423, %lt3A_1429 : i32
    %ne3A_1431 = arith.xori %lt3A_1428, %lt3A_1430 : i1
    %and3A_1432 = arith.andi %ne3A_1431, %ne3A_1426 : i1
    %add3A_1433 = arith.addi %rem3A_1424, %select_n3A_1423 : i32
    %select_n3A_1434 = arith.select %and3A_1432, %add3A_1433, %rem3A_1424 : i32
    %add3A_1435 = arith.constant 2816 : i32
    %add3A_1436 = arith.addi %mul3A_2, %add3A_1435 : i32
    %jit3A_1437 = arith.constant 4096 : i32
    %div3A_1438 = arith.divsi %add3A_1436, %jit3A_1437 : i32
    %sign3A_1439 = arith.constant 0 : i32
    %sign3A_1440 = arith.cmpi sgt, %add3A_1436, %sign3A_1439 : i32
    %sign3A_1441 = arith.extui %sign3A_1440 : i1 to i32
    %sign3A_1442 = arith.constant 0 : i32
    %sign3A_1443 = arith.cmpi slt, %add3A_1436, %sign3A_1442 : i32
    %sign3A_1444 = arith.extui %sign3A_1443 : i1 to i32
    %sign3A_1445 = arith.subi %sign3A_1441, %sign3A_1444 : i32
    %sign3A_1446 = arith.constant 0 : i32
    %sign3A_1447 = arith.cmpi sgt, %jit3A_1437, %sign3A_1446 : i32
    %sign3A_1448 = arith.extui %sign3A_1447 : i1 to i32
    %sign3A_1449 = arith.constant 0 : i32
    %sign3A_1450 = arith.cmpi slt, %jit3A_1437, %sign3A_1449 : i32
    %sign3A_1451 = arith.extui %sign3A_1450 : i1 to i32
    %sign3A_1452 = arith.subi %sign3A_1448, %sign3A_1451 : i32
    %ne3A_1453 = arith.cmpi ne, %sign3A_1445, %sign3A_1452 : i32
    %rem3A_1454 = arith.remsi %add3A_1436, %jit3A_1437 : i32
    %ne3A_1455 = arith.constant 0 : i32
    %ne3A_1456 = arith.cmpi ne, %rem3A_1454, %ne3A_1455 : i32
    %and3A_1457 = arith.andi %ne3A_1453, %ne3A_1456 : i1
    %sub3A_1458 = arith.constant 1 : i32
    %sub3A_1459 = arith.subi %div3A_1438, %sub3A_1458 : i32
    %select_n3A_1460 = arith.select %and3A_1457, %sub3A_1459, %div3A_1438 : i32
    %jit3A_1461 = arith.constant 4096 : i32
    %eq3A_1462 = arith.constant 0 : i32
    %eq3A_1463 = arith.cmpi eq, %jit3A_1461, %eq3A_1462 : i32
    %jit3A_1464 = arith.constant 1 : i32
    %select_n3A_1465 = arith.select %eq3A_1463, %jit3A_1464, %jit3A_1461 : i32
    %rem3A_1466 = arith.remsi %add3A_1436, %select_n3A_1465 : i32
    %ne3A_1467 = arith.constant 0 : i32
    %ne3A_1468 = arith.cmpi ne, %rem3A_1466, %ne3A_1467 : i32
    %lt3A_1469 = arith.constant 0 : i32
    %lt3A_1470 = arith.cmpi slt, %rem3A_1466, %lt3A_1469 : i32
    %lt3A_1471 = arith.constant 0 : i32
    %lt3A_1472 = arith.cmpi slt, %select_n3A_1465, %lt3A_1471 : i32
    %ne3A_1473 = arith.xori %lt3A_1470, %lt3A_1472 : i1
    %and3A_1474 = arith.andi %ne3A_1473, %ne3A_1468 : i1
    %add3A_1475 = arith.addi %rem3A_1466, %select_n3A_1465 : i32
    %select_n3A_1476 = arith.select %and3A_1474, %add3A_1475, %rem3A_1466 : i32
    %add3A_1477 = arith.constant 2944 : i32
    %add3A_1478 = arith.addi %mul3A_2, %add3A_1477 : i32
    %jit3A_1479 = arith.constant 4096 : i32
    %div3A_1480 = arith.divsi %add3A_1478, %jit3A_1479 : i32
    %sign3A_1481 = arith.constant 0 : i32
    %sign3A_1482 = arith.cmpi sgt, %add3A_1478, %sign3A_1481 : i32
    %sign3A_1483 = arith.extui %sign3A_1482 : i1 to i32
    %sign3A_1484 = arith.constant 0 : i32
    %sign3A_1485 = arith.cmpi slt, %add3A_1478, %sign3A_1484 : i32
    %sign3A_1486 = arith.extui %sign3A_1485 : i1 to i32
    %sign3A_1487 = arith.subi %sign3A_1483, %sign3A_1486 : i32
    %sign3A_1488 = arith.constant 0 : i32
    %sign3A_1489 = arith.cmpi sgt, %jit3A_1479, %sign3A_1488 : i32
    %sign3A_1490 = arith.extui %sign3A_1489 : i1 to i32
    %sign3A_1491 = arith.constant 0 : i32
    %sign3A_1492 = arith.cmpi slt, %jit3A_1479, %sign3A_1491 : i32
    %sign3A_1493 = arith.extui %sign3A_1492 : i1 to i32
    %sign3A_1494 = arith.subi %sign3A_1490, %sign3A_1493 : i32
    %ne3A_1495 = arith.cmpi ne, %sign3A_1487, %sign3A_1494 : i32
    %rem3A_1496 = arith.remsi %add3A_1478, %jit3A_1479 : i32
    %ne3A_1497 = arith.constant 0 : i32
    %ne3A_1498 = arith.cmpi ne, %rem3A_1496, %ne3A_1497 : i32
    %and3A_1499 = arith.andi %ne3A_1495, %ne3A_1498 : i1
    %sub3A_1500 = arith.constant 1 : i32
    %sub3A_1501 = arith.subi %div3A_1480, %sub3A_1500 : i32
    %select_n3A_1502 = arith.select %and3A_1499, %sub3A_1501, %div3A_1480 : i32
    %jit3A_1503 = arith.constant 4096 : i32
    %eq3A_1504 = arith.constant 0 : i32
    %eq3A_1505 = arith.cmpi eq, %jit3A_1503, %eq3A_1504 : i32
    %jit3A_1506 = arith.constant 1 : i32
    %select_n3A_1507 = arith.select %eq3A_1505, %jit3A_1506, %jit3A_1503 : i32
    %rem3A_1508 = arith.remsi %add3A_1478, %select_n3A_1507 : i32
    %ne3A_1509 = arith.constant 0 : i32
    %ne3A_1510 = arith.cmpi ne, %rem3A_1508, %ne3A_1509 : i32
    %lt3A_1511 = arith.constant 0 : i32
    %lt3A_1512 = arith.cmpi slt, %rem3A_1508, %lt3A_1511 : i32
    %lt3A_1513 = arith.constant 0 : i32
    %lt3A_1514 = arith.cmpi slt, %select_n3A_1507, %lt3A_1513 : i32
    %ne3A_1515 = arith.xori %lt3A_1512, %lt3A_1514 : i1
    %and3A_1516 = arith.andi %ne3A_1515, %ne3A_1510 : i1
    %add3A_1517 = arith.addi %rem3A_1508, %select_n3A_1507 : i32
    %select_n3A_1518 = arith.select %and3A_1516, %add3A_1517, %rem3A_1508 : i32
    %add3A_1519 = arith.constant 3072 : i32
    %add3A_1520 = arith.addi %mul3A_2, %add3A_1519 : i32
    %jit3A_1521 = arith.constant 4096 : i32
    %div3A_1522 = arith.divsi %add3A_1520, %jit3A_1521 : i32
    %sign3A_1523 = arith.constant 0 : i32
    %sign3A_1524 = arith.cmpi sgt, %add3A_1520, %sign3A_1523 : i32
    %sign3A_1525 = arith.extui %sign3A_1524 : i1 to i32
    %sign3A_1526 = arith.constant 0 : i32
    %sign3A_1527 = arith.cmpi slt, %add3A_1520, %sign3A_1526 : i32
    %sign3A_1528 = arith.extui %sign3A_1527 : i1 to i32
    %sign3A_1529 = arith.subi %sign3A_1525, %sign3A_1528 : i32
    %sign3A_1530 = arith.constant 0 : i32
    %sign3A_1531 = arith.cmpi sgt, %jit3A_1521, %sign3A_1530 : i32
    %sign3A_1532 = arith.extui %sign3A_1531 : i1 to i32
    %sign3A_1533 = arith.constant 0 : i32
    %sign3A_1534 = arith.cmpi slt, %jit3A_1521, %sign3A_1533 : i32
    %sign3A_1535 = arith.extui %sign3A_1534 : i1 to i32
    %sign3A_1536 = arith.subi %sign3A_1532, %sign3A_1535 : i32
    %ne3A_1537 = arith.cmpi ne, %sign3A_1529, %sign3A_1536 : i32
    %rem3A_1538 = arith.remsi %add3A_1520, %jit3A_1521 : i32
    %ne3A_1539 = arith.constant 0 : i32
    %ne3A_1540 = arith.cmpi ne, %rem3A_1538, %ne3A_1539 : i32
    %and3A_1541 = arith.andi %ne3A_1537, %ne3A_1540 : i1
    %sub3A_1542 = arith.constant 1 : i32
    %sub3A_1543 = arith.subi %div3A_1522, %sub3A_1542 : i32
    %select_n3A_1544 = arith.select %and3A_1541, %sub3A_1543, %div3A_1522 : i32
    %jit3A_1545 = arith.constant 4096 : i32
    %eq3A_1546 = arith.constant 0 : i32
    %eq3A_1547 = arith.cmpi eq, %jit3A_1545, %eq3A_1546 : i32
    %jit3A_1548 = arith.constant 1 : i32
    %select_n3A_1549 = arith.select %eq3A_1547, %jit3A_1548, %jit3A_1545 : i32
    %rem3A_1550 = arith.remsi %add3A_1520, %select_n3A_1549 : i32
    %ne3A_1551 = arith.constant 0 : i32
    %ne3A_1552 = arith.cmpi ne, %rem3A_1550, %ne3A_1551 : i32
    %lt3A_1553 = arith.constant 0 : i32
    %lt3A_1554 = arith.cmpi slt, %rem3A_1550, %lt3A_1553 : i32
    %lt3A_1555 = arith.constant 0 : i32
    %lt3A_1556 = arith.cmpi slt, %select_n3A_1549, %lt3A_1555 : i32
    %ne3A_1557 = arith.xori %lt3A_1554, %lt3A_1556 : i1
    %and3A_1558 = arith.andi %ne3A_1557, %ne3A_1552 : i1
    %add3A_1559 = arith.addi %rem3A_1550, %select_n3A_1549 : i32
    %select_n3A_1560 = arith.select %and3A_1558, %add3A_1559, %rem3A_1550 : i32
    %add3A_1561 = arith.constant 3200 : i32
    %add3A_1562 = arith.addi %mul3A_2, %add3A_1561 : i32
    %jit3A_1563 = arith.constant 4096 : i32
    %div3A_1564 = arith.divsi %add3A_1562, %jit3A_1563 : i32
    %sign3A_1565 = arith.constant 0 : i32
    %sign3A_1566 = arith.cmpi sgt, %add3A_1562, %sign3A_1565 : i32
    %sign3A_1567 = arith.extui %sign3A_1566 : i1 to i32
    %sign3A_1568 = arith.constant 0 : i32
    %sign3A_1569 = arith.cmpi slt, %add3A_1562, %sign3A_1568 : i32
    %sign3A_1570 = arith.extui %sign3A_1569 : i1 to i32
    %sign3A_1571 = arith.subi %sign3A_1567, %sign3A_1570 : i32
    %sign3A_1572 = arith.constant 0 : i32
    %sign3A_1573 = arith.cmpi sgt, %jit3A_1563, %sign3A_1572 : i32
    %sign3A_1574 = arith.extui %sign3A_1573 : i1 to i32
    %sign3A_1575 = arith.constant 0 : i32
    %sign3A_1576 = arith.cmpi slt, %jit3A_1563, %sign3A_1575 : i32
    %sign3A_1577 = arith.extui %sign3A_1576 : i1 to i32
    %sign3A_1578 = arith.subi %sign3A_1574, %sign3A_1577 : i32
    %ne3A_1579 = arith.cmpi ne, %sign3A_1571, %sign3A_1578 : i32
    %rem3A_1580 = arith.remsi %add3A_1562, %jit3A_1563 : i32
    %ne3A_1581 = arith.constant 0 : i32
    %ne3A_1582 = arith.cmpi ne, %rem3A_1580, %ne3A_1581 : i32
    %and3A_1583 = arith.andi %ne3A_1579, %ne3A_1582 : i1
    %sub3A_1584 = arith.constant 1 : i32
    %sub3A_1585 = arith.subi %div3A_1564, %sub3A_1584 : i32
    %select_n3A_1586 = arith.select %and3A_1583, %sub3A_1585, %div3A_1564 : i32
    %jit3A_1587 = arith.constant 4096 : i32
    %eq3A_1588 = arith.constant 0 : i32
    %eq3A_1589 = arith.cmpi eq, %jit3A_1587, %eq3A_1588 : i32
    %jit3A_1590 = arith.constant 1 : i32
    %select_n3A_1591 = arith.select %eq3A_1589, %jit3A_1590, %jit3A_1587 : i32
    %rem3A_1592 = arith.remsi %add3A_1562, %select_n3A_1591 : i32
    %ne3A_1593 = arith.constant 0 : i32
    %ne3A_1594 = arith.cmpi ne, %rem3A_1592, %ne3A_1593 : i32
    %lt3A_1595 = arith.constant 0 : i32
    %lt3A_1596 = arith.cmpi slt, %rem3A_1592, %lt3A_1595 : i32
    %lt3A_1597 = arith.constant 0 : i32
    %lt3A_1598 = arith.cmpi slt, %select_n3A_1591, %lt3A_1597 : i32
    %ne3A_1599 = arith.xori %lt3A_1596, %lt3A_1598 : i1
    %and3A_1600 = arith.andi %ne3A_1599, %ne3A_1594 : i1
    %add3A_1601 = arith.addi %rem3A_1592, %select_n3A_1591 : i32
    %select_n3A_1602 = arith.select %and3A_1600, %add3A_1601, %rem3A_1592 : i32
    %dma_start3A_1603 = arith.constant 0 : i32
    %dma_start3A_1604 = arith.constant 0 : i32
    %dma_start3A_1605 = tpu.memref_slice %arg6[%dma_start3A_1603, %dma_start3A_1604] : memref<3328x32xf32, #tpu.memory_space<vmem>> -> memref<128x32xf32, #tpu.memory_space<vmem>>
    %dma_start3A_1606 = arith.constant 0 : i32
    %dma_start3A_1607 = tpu.memref_slice %arg4[%select_n3A, %select_n3A_552, %dma_start3A_1606] : memref<26x4096x128xf32, #tpu.memory_space<hbm>> -> memref<1x128x32xf32, #tpu.memory_space<hbm>>
    %dma_start3A_1608 = tpu.memref_squeeze %dma_start3A_1607 : memref<1x128x32xf32, #tpu.memory_space<hbm>> -> memref<128x32xf32, #tpu.memory_space<hbm>>
    %dma_start3A_1609 = arith.constant 0 : i32
    %dma_start3A_1610 = tpu.memref_slice %arg4[%select_n3A, %select_n3A_552, %dma_start3A_1609] : memref<26x4096x128xf32, #tpu.memory_space<hbm>> -> memref<1x128x32xf32, #tpu.memory_space<hbm>>
    %dma_start3A_1611 = tpu.memref_squeeze %dma_start3A_1610 : memref<1x128x32xf32, #tpu.memory_space<hbm>> -> memref<128x32xf32, #tpu.memory_space<hbm>>
    %dma_start3A_1612 = arith.constant 0 : i32
    %dma_start3A_1613 = arith.constant 0 : i32
    %dma_start3A_1614 = tpu.memref_slice %arg6[%dma_start3A_1612, %dma_start3A_1613] : memref<3328x32xf32, #tpu.memory_space<vmem>> -> memref<128x32xf32, #tpu.memory_space<vmem>>
    tpu.enqueue_dma source(%dma_start3A_1614 : memref<128x32xf32, #tpu.memory_space<vmem>>) target(%dma_start3A_1611 : memref<128x32xf32, #tpu.memory_space<hbm>>) target_semaphore(%arg8 : memref<!tpu.dma_semaphore, #tpu.memory_space<semaphore_mem>>)
    %dma_start3A_1615 = arith.constant 128 : i32
    %dma_start3A_1616 = arith.constant 0 : i32
    %dma_start3A_1617 = tpu.memref_slice %arg6[%dma_start3A_1615, %dma_start3A_1616] : memref<3328x32xf32, #tpu.memory_space<vmem>> -> memref<128x32xf32, #tpu.memory_space<vmem>>
    %dma_start3A_1618 = arith.constant 0 : i32
    %dma_start3A_1619 = tpu.memref_slice %arg4[%select_n3A_578, %select_n3A_594, %dma_start3A_1618] : memref<26x4096x128xf32, #tpu.memory_space<hbm>> -> memref<1x128x32xf32, #tpu.memory_space<hbm>>
    %dma_start3A_1620 = tpu.memref_squeeze %dma_start3A_1619 : memref<1x128x32xf32, #tpu.memory_space<hbm>> -> memref<128x32xf32, #tpu.memory_space<hbm>>
    %dma_start3A_1621 = arith.constant 0 : i32
    %dma_start3A_1622 = tpu.memref_slice %arg4[%select_n3A_578, %select_n3A_594, %dma_start3A_1621] : memref<26x4096x128xf32, #tpu.memory_space<hbm>> -> memref<1x128x32xf32, #tpu.memory_space<hbm>>
    %dma_start3A_1623 = tpu.memref_squeeze %dma_start3A_1622 : memref<1x128x32xf32, #tpu.memory_space<hbm>> -> memref<128x32xf32, #tpu.memory_space<hbm>>
    %dma_start3A_1624 = arith.constant 128 : i32
    %dma_start3A_1625 = arith.constant 0 : i32
    %dma_start3A_1626 = tpu.memref_slice %arg6[%dma_start3A_1624, %dma_start3A_1625] : memref<3328x32xf32, #tpu.memory_space<vmem>> -> memref<128x32xf32, #tpu.memory_space<vmem>>
    tpu.enqueue_dma source(%dma_start3A_1626 : memref<128x32xf32, #tpu.memory_space<vmem>>) target(%dma_start3A_1623 : memref<128x32xf32, #tpu.memory_space<hbm>>) target_semaphore(%arg8 : memref<!tpu.dma_semaphore, #tpu.memory_space<semaphore_mem>>)
    %dma_start3A_1627 = arith.constant 256 : i32
    %dma_start3A_1628 = arith.constant 0 : i32
    %dma_start3A_1629 = tpu.memref_slice %arg6[%dma_start3A_1627, %dma_start3A_1628] : memref<3328x32xf32, #tpu.memory_space<vmem>> -> memref<128x32xf32, #tpu.memory_space<vmem>>
    %dma_start3A_1630 = arith.constant 0 : i32
    %dma_start3A_1631 = tpu.memref_slice %arg4[%select_n3A_620, %select_n3A_636, %dma_start3A_1630] : memref<26x4096x128xf32, #tpu.memory_space<hbm>> -> memref<1x128x32xf32, #tpu.memory_space<hbm>>
    %dma_start3A_1632 = tpu.memref_squeeze %dma_start3A_1631 : memref<1x128x32xf32, #tpu.memory_space<hbm>> -> memref<128x32xf32, #tpu.memory_space<hbm>>
    %dma_start3A_1633 = arith.constant 0 : i32
    %dma_start3A_1634 = tpu.memref_slice %arg4[%select_n3A_620, %select_n3A_636, %dma_start3A_1633] : memref<26x4096x128xf32, #tpu.memory_space<hbm>> -> memref<1x128x32xf32, #tpu.memory_space<hbm>>
    %dma_start3A_1635 = tpu.memref_squeeze %dma_start3A_1634 : memref<1x128x32xf32, #tpu.memory_space<hbm>> -> memref<128x32xf32, #tpu.memory_space<hbm>>
    %dma_start3A_1636 = arith.constant 256 : i32
    %dma_start3A_1637 = arith.constant 0 : i32
    %dma_start3A_1638 = tpu.memref_slice %arg6[%dma_start3A_1636, %dma_start3A_1637] : memref<3328x32xf32, #tpu.memory_space<vmem>> -> memref<128x32xf32, #tpu.memory_space<vmem>>
    tpu.enqueue_dma source(%dma_start3A_1638 : memref<128x32xf32, #tpu.memory_space<vmem>>) target(%dma_start3A_1635 : memref<128x32xf32, #tpu.memory_space<hbm>>) target_semaphore(%arg8 : memref<!tpu.dma_semaphore, #tpu.memory_space<semaphore_mem>>)
    %dma_start3A_1639 = arith.constant 384 : i32
    %dma_start3A_1640 = arith.constant 0 : i32
    %dma_start3A_1641 = tpu.memref_slice %arg6[%dma_start3A_1639, %dma_start3A_1640] : memref<3328x32xf32, #tpu.memory_space<vmem>> -> memref<128x32xf32, #tpu.memory_space<vmem>>
    %dma_start3A_1642 = arith.constant 0 : i32
    %dma_start3A_1643 = tpu.memref_slice %arg4[%select_n3A_662, %select_n3A_678, %dma_start3A_1642] : memref<26x4096x128xf32, #tpu.memory_space<hbm>> -> memref<1x128x32xf32, #tpu.memory_space<hbm>>
    %dma_start3A_1644 = tpu.memref_squeeze %dma_start3A_1643 : memref<1x128x32xf32, #tpu.memory_space<hbm>> -> memref<128x32xf32, #tpu.memory_space<hbm>>
    %dma_start3A_1645 = arith.constant 0 : i32
    %dma_start3A_1646 = tpu.memref_slice %arg4[%select_n3A_662, %select_n3A_678, %dma_start3A_1645] : memref<26x4096x128xf32, #tpu.memory_space<hbm>> -> memref<1x128x32xf32, #tpu.memory_space<hbm>>
    %dma_start3A_1647 = tpu.memref_squeeze %dma_start3A_1646 : memref<1x128x32xf32, #tpu.memory_space<hbm>> -> memref<128x32xf32, #tpu.memory_space<hbm>>
    %dma_start3A_1648 = arith.constant 384 : i32
    %dma_start3A_1649 = arith.constant 0 : i32
    %dma_start3A_1650 = tpu.memref_slice %arg6[%dma_start3A_1648, %dma_start3A_1649] : memref<3328x32xf32, #tpu.memory_space<vmem>> -> memref<128x32xf32, #tpu.memory_space<vmem>>
    tpu.enqueue_dma source(%dma_start3A_1650 : memref<128x32xf32, #tpu.memory_space<vmem>>) target(%dma_start3A_1647 : memref<128x32xf32, #tpu.memory_space<hbm>>) target_semaphore(%arg8 : memref<!tpu.dma_semaphore, #tpu.memory_space<semaphore_mem>>)
    %dma_start3A_1651 = arith.constant 512 : i32
    %dma_start3A_1652 = arith.constant 0 : i32
    %dma_start3A_1653 = tpu.memref_slice %arg6[%dma_start3A_1651, %dma_start3A_1652] : memref<3328x32xf32, #tpu.memory_space<vmem>> -> memref<128x32xf32, #tpu.memory_space<vmem>>
    %dma_start3A_1654 = arith.constant 0 : i32
    %dma_start3A_1655 = tpu.memref_slice %arg4[%select_n3A_704, %select_n3A_720, %dma_start3A_1654] : memref<26x4096x128xf32, #tpu.memory_space<hbm>> -> memref<1x128x32xf32, #tpu.memory_space<hbm>>
    %dma_start3A_1656 = tpu.memref_squeeze %dma_start3A_1655 : memref<1x128x32xf32, #tpu.memory_space<hbm>> -> memref<128x32xf32, #tpu.memory_space<hbm>>
    %dma_start3A_1657 = arith.constant 0 : i32
    %dma_start3A_1658 = tpu.memref_slice %arg4[%select_n3A_704, %select_n3A_720, %dma_start3A_1657] : memref<26x4096x128xf32, #tpu.memory_space<hbm>> -> memref<1x128x32xf32, #tpu.memory_space<hbm>>
    %dma_start3A_1659 = tpu.memref_squeeze %dma_start3A_1658 : memref<1x128x32xf32, #tpu.memory_space<hbm>> -> memref<128x32xf32, #tpu.memory_space<hbm>>
    %dma_start3A_1660 = arith.constant 512 : i32
    %dma_start3A_1661 = arith.constant 0 : i32
    %dma_start3A_1662 = tpu.memref_slice %arg6[%dma_start3A_1660, %dma_start3A_1661] : memref<3328x32xf32, #tpu.memory_space<vmem>> -> memref<128x32xf32, #tpu.memory_space<vmem>>
    tpu.enqueue_dma source(%dma_start3A_1662 : memref<128x32xf32, #tpu.memory_space<vmem>>) target(%dma_start3A_1659 : memref<128x32xf32, #tpu.memory_space<hbm>>) target_semaphore(%arg8 : memref<!tpu.dma_semaphore, #tpu.memory_space<semaphore_mem>>)
    %dma_start3A_1663 = arith.constant 640 : i32
    %dma_start3A_1664 = arith.constant 0 : i32
    %dma_start3A_1665 = tpu.memref_slice %arg6[%dma_start3A_1663, %dma_start3A_1664] : memref<3328x32xf32, #tpu.memory_space<vmem>> -> memref<128x32xf32, #tpu.memory_space<vmem>>
    %dma_start3A_1666 = arith.constant 0 : i32
    %dma_start3A_1667 = tpu.memref_slice %arg4[%select_n3A_746, %select_n3A_762, %dma_start3A_1666] : memref<26x4096x128xf32, #tpu.memory_space<hbm>> -> memref<1x128x32xf32, #tpu.memory_space<hbm>>
    %dma_start3A_1668 = tpu.memref_squeeze %dma_start3A_1667 : memref<1x128x32xf32, #tpu.memory_space<hbm>> -> memref<128x32xf32, #tpu.memory_space<hbm>>
    %dma_start3A_1669 = arith.constant 0 : i32
    %dma_start3A_1670 = tpu.memref_slice %arg4[%select_n3A_746, %select_n3A_762, %dma_start3A_1669] : memref<26x4096x128xf32, #tpu.memory_space<hbm>> -> memref<1x128x32xf32, #tpu.memory_space<hbm>>
    %dma_start3A_1671 = tpu.memref_squeeze %dma_start3A_1670 : memref<1x128x32xf32, #tpu.memory_space<hbm>> -> memref<128x32xf32, #tpu.memory_space<hbm>>
    %dma_start3A_1672 = arith.constant 640 : i32
    %dma_start3A_1673 = arith.constant 0 : i32
    %dma_start3A_1674 = tpu.memref_slice %arg6[%dma_start3A_1672, %dma_start3A_1673] : memref<3328x32xf32, #tpu.memory_space<vmem>> -> memref<128x32xf32, #tpu.memory_space<vmem>>
    tpu.enqueue_dma source(%dma_start3A_1674 : memref<128x32xf32, #tpu.memory_space<vmem>>) target(%dma_start3A_1671 : memref<128x32xf32, #tpu.memory_space<hbm>>) target_semaphore(%arg8 : memref<!tpu.dma_semaphore, #tpu.memory_space<semaphore_mem>>)
    %dma_start3A_1675 = arith.constant 768 : i32
    %dma_start3A_1676 = arith.constant 0 : i32
    %dma_start3A_1677 = tpu.memref_slice %arg6[%dma_start3A_1675, %dma_start3A_1676] : memref<3328x32xf32, #tpu.memory_space<vmem>> -> memref<128x32xf32, #tpu.memory_space<vmem>>
    %dma_start3A_1678 = arith.constant 0 : i32
    %dma_start3A_1679 = tpu.memref_slice %arg4[%select_n3A_788, %select_n3A_804, %dma_start3A_1678] : memref<26x4096x128xf32, #tpu.memory_space<hbm>> -> memref<1x128x32xf32, #tpu.memory_space<hbm>>
    %dma_start3A_1680 = tpu.memref_squeeze %dma_start3A_1679 : memref<1x128x32xf32, #tpu.memory_space<hbm>> -> memref<128x32xf32, #tpu.memory_space<hbm>>
    %dma_start3A_1681 = arith.constant 0 : i32
    %dma_start3A_1682 = tpu.memref_slice %arg4[%select_n3A_788, %select_n3A_804, %dma_start3A_1681] : memref<26x4096x128xf32, #tpu.memory_space<hbm>> -> memref<1x128x32xf32, #tpu.memory_space<hbm>>
    %dma_start3A_1683 = tpu.memref_squeeze %dma_start3A_1682 : memref<1x128x32xf32, #tpu.memory_space<hbm>> -> memref<128x32xf32, #tpu.memory_space<hbm>>
    %dma_start3A_1684 = arith.constant 768 : i32
    %dma_start3A_1685 = arith.constant 0 : i32
    %dma_start3A_1686 = tpu.memref_slice %arg6[%dma_start3A_1684, %dma_start3A_1685] : memref<3328x32xf32, #tpu.memory_space<vmem>> -> memref<128x32xf32, #tpu.memory_space<vmem>>
    tpu.enqueue_dma source(%dma_start3A_1686 : memref<128x32xf32, #tpu.memory_space<vmem>>) target(%dma_start3A_1683 : memref<128x32xf32, #tpu.memory_space<hbm>>) target_semaphore(%arg8 : memref<!tpu.dma_semaphore, #tpu.memory_space<semaphore_mem>>)
    %dma_start3A_1687 = arith.constant 896 : i32
    %dma_start3A_1688 = arith.constant 0 : i32
    %dma_start3A_1689 = tpu.memref_slice %arg6[%dma_start3A_1687, %dma_start3A_1688] : memref<3328x32xf32, #tpu.memory_space<vmem>> -> memref<128x32xf32, #tpu.memory_space<vmem>>
    %dma_start3A_1690 = arith.constant 0 : i32
    %dma_start3A_1691 = tpu.memref_slice %arg4[%select_n3A_830, %select_n3A_846, %dma_start3A_1690] : memref<26x4096x128xf32, #tpu.memory_space<hbm>> -> memref<1x128x32xf32, #tpu.memory_space<hbm>>
    %dma_start3A_1692 = tpu.memref_squeeze %dma_start3A_1691 : memref<1x128x32xf32, #tpu.memory_space<hbm>> -> memref<128x32xf32, #tpu.memory_space<hbm>>
    %dma_start3A_1693 = arith.constant 0 : i32
    %dma_start3A_1694 = tpu.memref_slice %arg4[%select_n3A_830, %select_n3A_846, %dma_start3A_1693] : memref<26x4096x128xf32, #tpu.memory_space<hbm>> -> memref<1x128x32xf32, #tpu.memory_space<hbm>>
    %dma_start3A_1695 = tpu.memref_squeeze %dma_start3A_1694 : memref<1x128x32xf32, #tpu.memory_space<hbm>> -> memref<128x32xf32, #tpu.memory_space<hbm>>
    %dma_start3A_1696 = arith.constant 896 : i32
    %dma_start3A_1697 = arith.constant 0 : i32
    %dma_start3A_1698 = tpu.memref_slice %arg6[%dma_start3A_1696, %dma_start3A_1697] : memref<3328x32xf32, #tpu.memory_space<vmem>> -> memref<128x32xf32, #tpu.memory_space<vmem>>
    tpu.enqueue_dma source(%dma_start3A_1698 : memref<128x32xf32, #tpu.memory_space<vmem>>) target(%dma_start3A_1695 : memref<128x32xf32, #tpu.memory_space<hbm>>) target_semaphore(%arg8 : memref<!tpu.dma_semaphore, #tpu.memory_space<semaphore_mem>>)
    %dma_start3A_1699 = arith.constant 1024 : i32
    %dma_start3A_1700 = arith.constant 0 : i32
    %dma_start3A_1701 = tpu.memref_slice %arg6[%dma_start3A_1699, %dma_start3A_1700] : memref<3328x32xf32, #tpu.memory_space<vmem>> -> memref<128x32xf32, #tpu.memory_space<vmem>>
    %dma_start3A_1702 = arith.constant 0 : i32
    %dma_start3A_1703 = tpu.memref_slice %arg4[%select_n3A_872, %select_n3A_888, %dma_start3A_1702] : memref<26x4096x128xf32, #tpu.memory_space<hbm>> -> memref<1x128x32xf32, #tpu.memory_space<hbm>>
    %dma_start3A_1704 = tpu.memref_squeeze %dma_start3A_1703 : memref<1x128x32xf32, #tpu.memory_space<hbm>> -> memref<128x32xf32, #tpu.memory_space<hbm>>
    %dma_start3A_1705 = arith.constant 0 : i32
    %dma_start3A_1706 = tpu.memref_slice %arg4[%select_n3A_872, %select_n3A_888, %dma_start3A_1705] : memref<26x4096x128xf32, #tpu.memory_space<hbm>> -> memref<1x128x32xf32, #tpu.memory_space<hbm>>
    %dma_start3A_1707 = tpu.memref_squeeze %dma_start3A_1706 : memref<1x128x32xf32, #tpu.memory_space<hbm>> -> memref<128x32xf32, #tpu.memory_space<hbm>>
    %dma_start3A_1708 = arith.constant 1024 : i32
    %dma_start3A_1709 = arith.constant 0 : i32
    %dma_start3A_1710 = tpu.memref_slice %arg6[%dma_start3A_1708, %dma_start3A_1709] : memref<3328x32xf32, #tpu.memory_space<vmem>> -> memref<128x32xf32, #tpu.memory_space<vmem>>
    tpu.enqueue_dma source(%dma_start3A_1710 : memref<128x32xf32, #tpu.memory_space<vmem>>) target(%dma_start3A_1707 : memref<128x32xf32, #tpu.memory_space<hbm>>) target_semaphore(%arg8 : memref<!tpu.dma_semaphore, #tpu.memory_space<semaphore_mem>>)
    %dma_start3A_1711 = arith.constant 1152 : i32
    %dma_start3A_1712 = arith.constant 0 : i32
    %dma_start3A_1713 = tpu.memref_slice %arg6[%dma_start3A_1711, %dma_start3A_1712] : memref<3328x32xf32, #tpu.memory_space<vmem>> -> memref<128x32xf32, #tpu.memory_space<vmem>>
    %dma_start3A_1714 = arith.constant 0 : i32
    %dma_start3A_1715 = tpu.memref_slice %arg4[%select_n3A_914, %select_n3A_930, %dma_start3A_1714] : memref<26x4096x128xf32, #tpu.memory_space<hbm>> -> memref<1x128x32xf32, #tpu.memory_space<hbm>>
    %dma_start3A_1716 = tpu.memref_squeeze %dma_start3A_1715 : memref<1x128x32xf32, #tpu.memory_space<hbm>> -> memref<128x32xf32, #tpu.memory_space<hbm>>
    %dma_start3A_1717 = arith.constant 0 : i32
    %dma_start3A_1718 = tpu.memref_slice %arg4[%select_n3A_914, %select_n3A_930, %dma_start3A_1717] : memref<26x4096x128xf32, #tpu.memory_space<hbm>> -> memref<1x128x32xf32, #tpu.memory_space<hbm>>
    %dma_start3A_1719 = tpu.memref_squeeze %dma_start3A_1718 : memref<1x128x32xf32, #tpu.memory_space<hbm>> -> memref<128x32xf32, #tpu.memory_space<hbm>>
    %dma_start3A_1720 = arith.constant 1152 : i32
    %dma_start3A_1721 = arith.constant 0 : i32
    %dma_start3A_1722 = tpu.memref_slice %arg6[%dma_start3A_1720, %dma_start3A_1721] : memref<3328x32xf32, #tpu.memory_space<vmem>> -> memref<128x32xf32, #tpu.memory_space<vmem>>
    tpu.enqueue_dma source(%dma_start3A_1722 : memref<128x32xf32, #tpu.memory_space<vmem>>) target(%dma_start3A_1719 : memref<128x32xf32, #tpu.memory_space<hbm>>) target_semaphore(%arg8 : memref<!tpu.dma_semaphore, #tpu.memory_space<semaphore_mem>>)
    %dma_start3A_1723 = arith.constant 1280 : i32
    %dma_start3A_1724 = arith.constant 0 : i32
    %dma_start3A_1725 = tpu.memref_slice %arg6[%dma_start3A_1723, %dma_start3A_1724] : memref<3328x32xf32, #tpu.memory_space<vmem>> -> memref<128x32xf32, #tpu.memory_space<vmem>>
    %dma_start3A_1726 = arith.constant 0 : i32
    %dma_start3A_1727 = tpu.memref_slice %arg4[%select_n3A_956, %select_n3A_972, %dma_start3A_1726] : memref<26x4096x128xf32, #tpu.memory_space<hbm>> -> memref<1x128x32xf32, #tpu.memory_space<hbm>>
    %dma_start3A_1728 = tpu.memref_squeeze %dma_start3A_1727 : memref<1x128x32xf32, #tpu.memory_space<hbm>> -> memref<128x32xf32, #tpu.memory_space<hbm>>
    %dma_start3A_1729 = arith.constant 0 : i32
    %dma_start3A_1730 = tpu.memref_slice %arg4[%select_n3A_956, %select_n3A_972, %dma_start3A_1729] : memref<26x4096x128xf32, #tpu.memory_space<hbm>> -> memref<1x128x32xf32, #tpu.memory_space<hbm>>
    %dma_start3A_1731 = tpu.memref_squeeze %dma_start3A_1730 : memref<1x128x32xf32, #tpu.memory_space<hbm>> -> memref<128x32xf32, #tpu.memory_space<hbm>>
    %dma_start3A_1732 = arith.constant 1280 : i32
    %dma_start3A_1733 = arith.constant 0 : i32
    %dma_start3A_1734 = tpu.memref_slice %arg6[%dma_start3A_1732, %dma_start3A_1733] : memref<3328x32xf32, #tpu.memory_space<vmem>> -> memref<128x32xf32, #tpu.memory_space<vmem>>
    tpu.enqueue_dma source(%dma_start3A_1734 : memref<128x32xf32, #tpu.memory_space<vmem>>) target(%dma_start3A_1731 : memref<128x32xf32, #tpu.memory_space<hbm>>) target_semaphore(%arg8 : memref<!tpu.dma_semaphore, #tpu.memory_space<semaphore_mem>>)
    %dma_start3A_1735 = arith.constant 1408 : i32
    %dma_start3A_1736 = arith.constant 0 : i32
    %dma_start3A_1737 = tpu.memref_slice %arg6[%dma_start3A_1735, %dma_start3A_1736] : memref<3328x32xf32, #tpu.memory_space<vmem>> -> memref<128x32xf32, #tpu.memory_space<vmem>>
    %dma_start3A_1738 = arith.constant 0 : i32
    %dma_start3A_1739 = tpu.memref_slice %arg4[%select_n3A_998, %select_n3A_1014, %dma_start3A_1738] : memref<26x4096x128xf32, #tpu.memory_space<hbm>> -> memref<1x128x32xf32, #tpu.memory_space<hbm>>
    %dma_start3A_1740 = tpu.memref_squeeze %dma_start3A_1739 : memref<1x128x32xf32, #tpu.memory_space<hbm>> -> memref<128x32xf32, #tpu.memory_space<hbm>>
    %dma_start3A_1741 = arith.constant 0 : i32
    %dma_start3A_1742 = tpu.memref_slice %arg4[%select_n3A_998, %select_n3A_1014, %dma_start3A_1741] : memref<26x4096x128xf32, #tpu.memory_space<hbm>> -> memref<1x128x32xf32, #tpu.memory_space<hbm>>
    %dma_start3A_1743 = tpu.memref_squeeze %dma_start3A_1742 : memref<1x128x32xf32, #tpu.memory_space<hbm>> -> memref<128x32xf32, #tpu.memory_space<hbm>>
    %dma_start3A_1744 = arith.constant 1408 : i32
    %dma_start3A_1745 = arith.constant 0 : i32
    %dma_start3A_1746 = tpu.memref_slice %arg6[%dma_start3A_1744, %dma_start3A_1745] : memref<3328x32xf32, #tpu.memory_space<vmem>> -> memref<128x32xf32, #tpu.memory_space<vmem>>
    tpu.enqueue_dma source(%dma_start3A_1746 : memref<128x32xf32, #tpu.memory_space<vmem>>) target(%dma_start3A_1743 : memref<128x32xf32, #tpu.memory_space<hbm>>) target_semaphore(%arg8 : memref<!tpu.dma_semaphore, #tpu.memory_space<semaphore_mem>>)
    %dma_start3A_1747 = arith.constant 1536 : i32
    %dma_start3A_1748 = arith.constant 0 : i32
    %dma_start3A_1749 = tpu.memref_slice %arg6[%dma_start3A_1747, %dma_start3A_1748] : memref<3328x32xf32, #tpu.memory_space<vmem>> -> memref<128x32xf32, #tpu.memory_space<vmem>>
    %dma_start3A_1750 = arith.constant 0 : i32
    %dma_start3A_1751 = tpu.memref_slice %arg4[%select_n3A_1040, %select_n3A_1056, %dma_start3A_1750] : memref<26x4096x128xf32, #tpu.memory_space<hbm>> -> memref<1x128x32xf32, #tpu.memory_space<hbm>>
    %dma_start3A_1752 = tpu.memref_squeeze %dma_start3A_1751 : memref<1x128x32xf32, #tpu.memory_space<hbm>> -> memref<128x32xf32, #tpu.memory_space<hbm>>
    %dma_start3A_1753 = arith.constant 0 : i32
    %dma_start3A_1754 = tpu.memref_slice %arg4[%select_n3A_1040, %select_n3A_1056, %dma_start3A_1753] : memref<26x4096x128xf32, #tpu.memory_space<hbm>> -> memref<1x128x32xf32, #tpu.memory_space<hbm>>
    %dma_start3A_1755 = tpu.memref_squeeze %dma_start3A_1754 : memref<1x128x32xf32, #tpu.memory_space<hbm>> -> memref<128x32xf32, #tpu.memory_space<hbm>>
    %dma_start3A_1756 = arith.constant 1536 : i32
    %dma_start3A_1757 = arith.constant 0 : i32
    %dma_start3A_1758 = tpu.memref_slice %arg6[%dma_start3A_1756, %dma_start3A_1757] : memref<3328x32xf32, #tpu.memory_space<vmem>> -> memref<128x32xf32, #tpu.memory_space<vmem>>
    tpu.enqueue_dma source(%dma_start3A_1758 : memref<128x32xf32, #tpu.memory_space<vmem>>) target(%dma_start3A_1755 : memref<128x32xf32, #tpu.memory_space<hbm>>) target_semaphore(%arg8 : memref<!tpu.dma_semaphore, #tpu.memory_space<semaphore_mem>>)
    %dma_start3A_1759 = arith.constant 1664 : i32
    %dma_start3A_1760 = arith.constant 0 : i32
    %dma_start3A_1761 = tpu.memref_slice %arg6[%dma_start3A_1759, %dma_start3A_1760] : memref<3328x32xf32, #tpu.memory_space<vmem>> -> memref<128x32xf32, #tpu.memory_space<vmem>>
    %dma_start3A_1762 = arith.constant 0 : i32
    %dma_start3A_1763 = tpu.memref_slice %arg4[%select_n3A_1082, %select_n3A_1098, %dma_start3A_1762] : memref<26x4096x128xf32, #tpu.memory_space<hbm>> -> memref<1x128x32xf32, #tpu.memory_space<hbm>>
    %dma_start3A_1764 = tpu.memref_squeeze %dma_start3A_1763 : memref<1x128x32xf32, #tpu.memory_space<hbm>> -> memref<128x32xf32, #tpu.memory_space<hbm>>
    %dma_start3A_1765 = arith.constant 0 : i32
    %dma_start3A_1766 = tpu.memref_slice %arg4[%select_n3A_1082, %select_n3A_1098, %dma_start3A_1765] : memref<26x4096x128xf32, #tpu.memory_space<hbm>> -> memref<1x128x32xf32, #tpu.memory_space<hbm>>
    %dma_start3A_1767 = tpu.memref_squeeze %dma_start3A_1766 : memref<1x128x32xf32, #tpu.memory_space<hbm>> -> memref<128x32xf32, #tpu.memory_space<hbm>>
    %dma_start3A_1768 = arith.constant 1664 : i32
    %dma_start3A_1769 = arith.constant 0 : i32
    %dma_start3A_1770 = tpu.memref_slice %arg6[%dma_start3A_1768, %dma_start3A_1769] : memref<3328x32xf32, #tpu.memory_space<vmem>> -> memref<128x32xf32, #tpu.memory_space<vmem>>
    tpu.enqueue_dma source(%dma_start3A_1770 : memref<128x32xf32, #tpu.memory_space<vmem>>) target(%dma_start3A_1767 : memref<128x32xf32, #tpu.memory_space<hbm>>) target_semaphore(%arg8 : memref<!tpu.dma_semaphore, #tpu.memory_space<semaphore_mem>>)
    %dma_start3A_1771 = arith.constant 1792 : i32
    %dma_start3A_1772 = arith.constant 0 : i32
    %dma_start3A_1773 = tpu.memref_slice %arg6[%dma_start3A_1771, %dma_start3A_1772] : memref<3328x32xf32, #tpu.memory_space<vmem>> -> memref<128x32xf32, #tpu.memory_space<vmem>>
    %dma_start3A_1774 = arith.constant 0 : i32
    %dma_start3A_1775 = tpu.memref_slice %arg4[%select_n3A_1124, %select_n3A_1140, %dma_start3A_1774] : memref<26x4096x128xf32, #tpu.memory_space<hbm>> -> memref<1x128x32xf32, #tpu.memory_space<hbm>>
    %dma_start3A_1776 = tpu.memref_squeeze %dma_start3A_1775 : memref<1x128x32xf32, #tpu.memory_space<hbm>> -> memref<128x32xf32, #tpu.memory_space<hbm>>
    %dma_start3A_1777 = arith.constant 0 : i32
    %dma_start3A_1778 = tpu.memref_slice %arg4[%select_n3A_1124, %select_n3A_1140, %dma_start3A_1777] : memref<26x4096x128xf32, #tpu.memory_space<hbm>> -> memref<1x128x32xf32, #tpu.memory_space<hbm>>
    %dma_start3A_1779 = tpu.memref_squeeze %dma_start3A_1778 : memref<1x128x32xf32, #tpu.memory_space<hbm>> -> memref<128x32xf32, #tpu.memory_space<hbm>>
    %dma_start3A_1780 = arith.constant 1792 : i32
    %dma_start3A_1781 = arith.constant 0 : i32
    %dma_start3A_1782 = tpu.memref_slice %arg6[%dma_start3A_1780, %dma_start3A_1781] : memref<3328x32xf32, #tpu.memory_space<vmem>> -> memref<128x32xf32, #tpu.memory_space<vmem>>
    tpu.enqueue_dma source(%dma_start3A_1782 : memref<128x32xf32, #tpu.memory_space<vmem>>) target(%dma_start3A_1779 : memref<128x32xf32, #tpu.memory_space<hbm>>) target_semaphore(%arg8 : memref<!tpu.dma_semaphore, #tpu.memory_space<semaphore_mem>>)
    %dma_start3A_1783 = arith.constant 1920 : i32
    %dma_start3A_1784 = arith.constant 0 : i32
    %dma_start3A_1785 = tpu.memref_slice %arg6[%dma_start3A_1783, %dma_start3A_1784] : memref<3328x32xf32, #tpu.memory_space<vmem>> -> memref<128x32xf32, #tpu.memory_space<vmem>>
    %dma_start3A_1786 = arith.constant 0 : i32
    %dma_start3A_1787 = tpu.memref_slice %arg4[%select_n3A_1166, %select_n3A_1182, %dma_start3A_1786] : memref<26x4096x128xf32, #tpu.memory_space<hbm>> -> memref<1x128x32xf32, #tpu.memory_space<hbm>>
    %dma_start3A_1788 = tpu.memref_squeeze %dma_start3A_1787 : memref<1x128x32xf32, #tpu.memory_space<hbm>> -> memref<128x32xf32, #tpu.memory_space<hbm>>
    %dma_start3A_1789 = arith.constant 0 : i32
    %dma_start3A_1790 = tpu.memref_slice %arg4[%select_n3A_1166, %select_n3A_1182, %dma_start3A_1789] : memref<26x4096x128xf32, #tpu.memory_space<hbm>> -> memref<1x128x32xf32, #tpu.memory_space<hbm>>
    %dma_start3A_1791 = tpu.memref_squeeze %dma_start3A_1790 : memref<1x128x32xf32, #tpu.memory_space<hbm>> -> memref<128x32xf32, #tpu.memory_space<hbm>>
    %dma_start3A_1792 = arith.constant 1920 : i32
    %dma_start3A_1793 = arith.constant 0 : i32
    %dma_start3A_1794 = tpu.memref_slice %arg6[%dma_start3A_1792, %dma_start3A_1793] : memref<3328x32xf32, #tpu.memory_space<vmem>> -> memref<128x32xf32, #tpu.memory_space<vmem>>
    tpu.enqueue_dma source(%dma_start3A_1794 : memref<128x32xf32, #tpu.memory_space<vmem>>) target(%dma_start3A_1791 : memref<128x32xf32, #tpu.memory_space<hbm>>) target_semaphore(%arg8 : memref<!tpu.dma_semaphore, #tpu.memory_space<semaphore_mem>>)
    %dma_start3A_1795 = arith.constant 2048 : i32
    %dma_start3A_1796 = arith.constant 0 : i32
    %dma_start3A_1797 = tpu.memref_slice %arg6[%dma_start3A_1795, %dma_start3A_1796] : memref<3328x32xf32, #tpu.memory_space<vmem>> -> memref<128x32xf32, #tpu.memory_space<vmem>>
    %dma_start3A_1798 = arith.constant 0 : i32
    %dma_start3A_1799 = tpu.memref_slice %arg4[%select_n3A_1208, %select_n3A_1224, %dma_start3A_1798] : memref<26x4096x128xf32, #tpu.memory_space<hbm>> -> memref<1x128x32xf32, #tpu.memory_space<hbm>>
    %dma_start3A_1800 = tpu.memref_squeeze %dma_start3A_1799 : memref<1x128x32xf32, #tpu.memory_space<hbm>> -> memref<128x32xf32, #tpu.memory_space<hbm>>
    %dma_start3A_1801 = arith.constant 0 : i32
    %dma_start3A_1802 = tpu.memref_slice %arg4[%select_n3A_1208, %select_n3A_1224, %dma_start3A_1801] : memref<26x4096x128xf32, #tpu.memory_space<hbm>> -> memref<1x128x32xf32, #tpu.memory_space<hbm>>
    %dma_start3A_1803 = tpu.memref_squeeze %dma_start3A_1802 : memref<1x128x32xf32, #tpu.memory_space<hbm>> -> memref<128x32xf32, #tpu.memory_space<hbm>>
    %dma_start3A_1804 = arith.constant 2048 : i32
    %dma_start3A_1805 = arith.constant 0 : i32
    %dma_start3A_1806 = tpu.memref_slice %arg6[%dma_start3A_1804, %dma_start3A_1805] : memref<3328x32xf32, #tpu.memory_space<vmem>> -> memref<128x32xf32, #tpu.memory_space<vmem>>
    tpu.enqueue_dma source(%dma_start3A_1806 : memref<128x32xf32, #tpu.memory_space<vmem>>) target(%dma_start3A_1803 : memref<128x32xf32, #tpu.memory_space<hbm>>) target_semaphore(%arg8 : memref<!tpu.dma_semaphore, #tpu.memory_space<semaphore_mem>>)
    %dma_start3A_1807 = arith.constant 2176 : i32
    %dma_start3A_1808 = arith.constant 0 : i32
    %dma_start3A_1809 = tpu.memref_slice %arg6[%dma_start3A_1807, %dma_start3A_1808] : memref<3328x32xf32, #tpu.memory_space<vmem>> -> memref<128x32xf32, #tpu.memory_space<vmem>>
    %dma_start3A_1810 = arith.constant 0 : i32
    %dma_start3A_1811 = tpu.memref_slice %arg4[%select_n3A_1250, %select_n3A_1266, %dma_start3A_1810] : memref<26x4096x128xf32, #tpu.memory_space<hbm>> -> memref<1x128x32xf32, #tpu.memory_space<hbm>>
    %dma_start3A_1812 = tpu.memref_squeeze %dma_start3A_1811 : memref<1x128x32xf32, #tpu.memory_space<hbm>> -> memref<128x32xf32, #tpu.memory_space<hbm>>
    %dma_start3A_1813 = arith.constant 0 : i32
    %dma_start3A_1814 = tpu.memref_slice %arg4[%select_n3A_1250, %select_n3A_1266, %dma_start3A_1813] : memref<26x4096x128xf32, #tpu.memory_space<hbm>> -> memref<1x128x32xf32, #tpu.memory_space<hbm>>
    %dma_start3A_1815 = tpu.memref_squeeze %dma_start3A_1814 : memref<1x128x32xf32, #tpu.memory_space<hbm>> -> memref<128x32xf32, #tpu.memory_space<hbm>>
    %dma_start3A_1816 = arith.constant 2176 : i32
    %dma_start3A_1817 = arith.constant 0 : i32
    %dma_start3A_1818 = tpu.memref_slice %arg6[%dma_start3A_1816, %dma_start3A_1817] : memref<3328x32xf32, #tpu.memory_space<vmem>> -> memref<128x32xf32, #tpu.memory_space<vmem>>
    tpu.enqueue_dma source(%dma_start3A_1818 : memref<128x32xf32, #tpu.memory_space<vmem>>) target(%dma_start3A_1815 : memref<128x32xf32, #tpu.memory_space<hbm>>) target_semaphore(%arg8 : memref<!tpu.dma_semaphore, #tpu.memory_space<semaphore_mem>>)
    %dma_start3A_1819 = arith.constant 2304 : i32
    %dma_start3A_1820 = arith.constant 0 : i32
    %dma_start3A_1821 = tpu.memref_slice %arg6[%dma_start3A_1819, %dma_start3A_1820] : memref<3328x32xf32, #tpu.memory_space<vmem>> -> memref<128x32xf32, #tpu.memory_space<vmem>>
    %dma_start3A_1822 = arith.constant 0 : i32
    %dma_start3A_1823 = tpu.memref_slice %arg4[%select_n3A_1292, %select_n3A_1308, %dma_start3A_1822] : memref<26x4096x128xf32, #tpu.memory_space<hbm>> -> memref<1x128x32xf32, #tpu.memory_space<hbm>>
    %dma_start3A_1824 = tpu.memref_squeeze %dma_start3A_1823 : memref<1x128x32xf32, #tpu.memory_space<hbm>> -> memref<128x32xf32, #tpu.memory_space<hbm>>
    %dma_start3A_1825 = arith.constant 0 : i32
    %dma_start3A_1826 = tpu.memref_slice %arg4[%select_n3A_1292, %select_n3A_1308, %dma_start3A_1825] : memref<26x4096x128xf32, #tpu.memory_space<hbm>> -> memref<1x128x32xf32, #tpu.memory_space<hbm>>
    %dma_start3A_1827 = tpu.memref_squeeze %dma_start3A_1826 : memref<1x128x32xf32, #tpu.memory_space<hbm>> -> memref<128x32xf32, #tpu.memory_space<hbm>>
    %dma_start3A_1828 = arith.constant 2304 : i32
    %dma_start3A_1829 = arith.constant 0 : i32
    %dma_start3A_1830 = tpu.memref_slice %arg6[%dma_start3A_1828, %dma_start3A_1829] : memref<3328x32xf32, #tpu.memory_space<vmem>> -> memref<128x32xf32, #tpu.memory_space<vmem>>
    tpu.enqueue_dma source(%dma_start3A_1830 : memref<128x32xf32, #tpu.memory_space<vmem>>) target(%dma_start3A_1827 : memref<128x32xf32, #tpu.memory_space<hbm>>) target_semaphore(%arg8 : memref<!tpu.dma_semaphore, #tpu.memory_space<semaphore_mem>>)
    %dma_start3A_1831 = arith.constant 2432 : i32
    %dma_start3A_1832 = arith.constant 0 : i32
    %dma_start3A_1833 = tpu.memref_slice %arg6[%dma_start3A_1831, %dma_start3A_1832] : memref<3328x32xf32, #tpu.memory_space<vmem>> -> memref<128x32xf32, #tpu.memory_space<vmem>>
    %dma_start3A_1834 = arith.constant 0 : i32
    %dma_start3A_1835 = tpu.memref_slice %arg4[%select_n3A_1334, %select_n3A_1350, %dma_start3A_1834] : memref<26x4096x128xf32, #tpu.memory_space<hbm>> -> memref<1x128x32xf32, #tpu.memory_space<hbm>>
    %dma_start3A_1836 = tpu.memref_squeeze %dma_start3A_1835 : memref<1x128x32xf32, #tpu.memory_space<hbm>> -> memref<128x32xf32, #tpu.memory_space<hbm>>
    %dma_start3A_1837 = arith.constant 0 : i32
    %dma_start3A_1838 = tpu.memref_slice %arg4[%select_n3A_1334, %select_n3A_1350, %dma_start3A_1837] : memref<26x4096x128xf32, #tpu.memory_space<hbm>> -> memref<1x128x32xf32, #tpu.memory_space<hbm>>
    %dma_start3A_1839 = tpu.memref_squeeze %dma_start3A_1838 : memref<1x128x32xf32, #tpu.memory_space<hbm>> -> memref<128x32xf32, #tpu.memory_space<hbm>>
    %dma_start3A_1840 = arith.constant 2432 : i32
    %dma_start3A_1841 = arith.constant 0 : i32
    %dma_start3A_1842 = tpu.memref_slice %arg6[%dma_start3A_1840, %dma_start3A_1841] : memref<3328x32xf32, #tpu.memory_space<vmem>> -> memref<128x32xf32, #tpu.memory_space<vmem>>
    tpu.enqueue_dma source(%dma_start3A_1842 : memref<128x32xf32, #tpu.memory_space<vmem>>) target(%dma_start3A_1839 : memref<128x32xf32, #tpu.memory_space<hbm>>) target_semaphore(%arg8 : memref<!tpu.dma_semaphore, #tpu.memory_space<semaphore_mem>>)
    %dma_start3A_1843 = arith.constant 2560 : i32
    %dma_start3A_1844 = arith.constant 0 : i32
    %dma_start3A_1845 = tpu.memref_slice %arg6[%dma_start3A_1843, %dma_start3A_1844] : memref<3328x32xf32, #tpu.memory_space<vmem>> -> memref<128x32xf32, #tpu.memory_space<vmem>>
    %dma_start3A_1846 = arith.constant 0 : i32
    %dma_start3A_1847 = tpu.memref_slice %arg4[%select_n3A_1376, %select_n3A_1392, %dma_start3A_1846] : memref<26x4096x128xf32, #tpu.memory_space<hbm>> -> memref<1x128x32xf32, #tpu.memory_space<hbm>>
    %dma_start3A_1848 = tpu.memref_squeeze %dma_start3A_1847 : memref<1x128x32xf32, #tpu.memory_space<hbm>> -> memref<128x32xf32, #tpu.memory_space<hbm>>
    %dma_start3A_1849 = arith.constant 0 : i32
    %dma_start3A_1850 = tpu.memref_slice %arg4[%select_n3A_1376, %select_n3A_1392, %dma_start3A_1849] : memref<26x4096x128xf32, #tpu.memory_space<hbm>> -> memref<1x128x32xf32, #tpu.memory_space<hbm>>
    %dma_start3A_1851 = tpu.memref_squeeze %dma_start3A_1850 : memref<1x128x32xf32, #tpu.memory_space<hbm>> -> memref<128x32xf32, #tpu.memory_space<hbm>>
    %dma_start3A_1852 = arith.constant 2560 : i32
    %dma_start3A_1853 = arith.constant 0 : i32
    %dma_start3A_1854 = tpu.memref_slice %arg6[%dma_start3A_1852, %dma_start3A_1853] : memref<3328x32xf32, #tpu.memory_space<vmem>> -> memref<128x32xf32, #tpu.memory_space<vmem>>
    tpu.enqueue_dma source(%dma_start3A_1854 : memref<128x32xf32, #tpu.memory_space<vmem>>) target(%dma_start3A_1851 : memref<128x32xf32, #tpu.memory_space<hbm>>) target_semaphore(%arg8 : memref<!tpu.dma_semaphore, #tpu.memory_space<semaphore_mem>>)
    %dma_start3A_1855 = arith.constant 2688 : i32
    %dma_start3A_1856 = arith.constant 0 : i32
    %dma_start3A_1857 = tpu.memref_slice %arg6[%dma_start3A_1855, %dma_start3A_1856] : memref<3328x32xf32, #tpu.memory_space<vmem>> -> memref<128x32xf32, #tpu.memory_space<vmem>>
    %dma_start3A_1858 = arith.constant 0 : i32
    %dma_start3A_1859 = tpu.memref_slice %arg4[%select_n3A_1418, %select_n3A_1434, %dma_start3A_1858] : memref<26x4096x128xf32, #tpu.memory_space<hbm>> -> memref<1x128x32xf32, #tpu.memory_space<hbm>>
    %dma_start3A_1860 = tpu.memref_squeeze %dma_start3A_1859 : memref<1x128x32xf32, #tpu.memory_space<hbm>> -> memref<128x32xf32, #tpu.memory_space<hbm>>
    %dma_start3A_1861 = arith.constant 0 : i32
    %dma_start3A_1862 = tpu.memref_slice %arg4[%select_n3A_1418, %select_n3A_1434, %dma_start3A_1861] : memref<26x4096x128xf32, #tpu.memory_space<hbm>> -> memref<1x128x32xf32, #tpu.memory_space<hbm>>
    %dma_start3A_1863 = tpu.memref_squeeze %dma_start3A_1862 : memref<1x128x32xf32, #tpu.memory_space<hbm>> -> memref<128x32xf32, #tpu.memory_space<hbm>>
    %dma_start3A_1864 = arith.constant 2688 : i32
    %dma_start3A_1865 = arith.constant 0 : i32
    %dma_start3A_1866 = tpu.memref_slice %arg6[%dma_start3A_1864, %dma_start3A_1865] : memref<3328x32xf32, #tpu.memory_space<vmem>> -> memref<128x32xf32, #tpu.memory_space<vmem>>
    tpu.enqueue_dma source(%dma_start3A_1866 : memref<128x32xf32, #tpu.memory_space<vmem>>) target(%dma_start3A_1863 : memref<128x32xf32, #tpu.memory_space<hbm>>) target_semaphore(%arg8 : memref<!tpu.dma_semaphore, #tpu.memory_space<semaphore_mem>>)
    %dma_start3A_1867 = arith.constant 2816 : i32
    %dma_start3A_1868 = arith.constant 0 : i32
    %dma_start3A_1869 = tpu.memref_slice %arg6[%dma_start3A_1867, %dma_start3A_1868] : memref<3328x32xf32, #tpu.memory_space<vmem>> -> memref<128x32xf32, #tpu.memory_space<vmem>>
    %dma_start3A_1870 = arith.constant 0 : i32
    %dma_start3A_1871 = tpu.memref_slice %arg4[%select_n3A_1460, %select_n3A_1476, %dma_start3A_1870] : memref<26x4096x128xf32, #tpu.memory_space<hbm>> -> memref<1x128x32xf32, #tpu.memory_space<hbm>>
    %dma_start3A_1872 = tpu.memref_squeeze %dma_start3A_1871 : memref<1x128x32xf32, #tpu.memory_space<hbm>> -> memref<128x32xf32, #tpu.memory_space<hbm>>
    %dma_start3A_1873 = arith.constant 0 : i32
    %dma_start3A_1874 = tpu.memref_slice %arg4[%select_n3A_1460, %select_n3A_1476, %dma_start3A_1873] : memref<26x4096x128xf32, #tpu.memory_space<hbm>> -> memref<1x128x32xf32, #tpu.memory_space<hbm>>
    %dma_start3A_1875 = tpu.memref_squeeze %dma_start3A_1874 : memref<1x128x32xf32, #tpu.memory_space<hbm>> -> memref<128x32xf32, #tpu.memory_space<hbm>>
    %dma_start3A_1876 = arith.constant 2816 : i32
    %dma_start3A_1877 = arith.constant 0 : i32
    %dma_start3A_1878 = tpu.memref_slice %arg6[%dma_start3A_1876, %dma_start3A_1877] : memref<3328x32xf32, #tpu.memory_space<vmem>> -> memref<128x32xf32, #tpu.memory_space<vmem>>
    tpu.enqueue_dma source(%dma_start3A_1878 : memref<128x32xf32, #tpu.memory_space<vmem>>) target(%dma_start3A_1875 : memref<128x32xf32, #tpu.memory_space<hbm>>) target_semaphore(%arg8 : memref<!tpu.dma_semaphore, #tpu.memory_space<semaphore_mem>>)
    %dma_start3A_1879 = arith.constant 2944 : i32
    %dma_start3A_1880 = arith.constant 0 : i32
    %dma_start3A_1881 = tpu.memref_slice %arg6[%dma_start3A_1879, %dma_start3A_1880] : memref<3328x32xf32, #tpu.memory_space<vmem>> -> memref<128x32xf32, #tpu.memory_space<vmem>>
    %dma_start3A_1882 = arith.constant 0 : i32
    %dma_start3A_1883 = tpu.memref_slice %arg4[%select_n3A_1502, %select_n3A_1518, %dma_start3A_1882] : memref<26x4096x128xf32, #tpu.memory_space<hbm>> -> memref<1x128x32xf32, #tpu.memory_space<hbm>>
    %dma_start3A_1884 = tpu.memref_squeeze %dma_start3A_1883 : memref<1x128x32xf32, #tpu.memory_space<hbm>> -> memref<128x32xf32, #tpu.memory_space<hbm>>
    %dma_start3A_1885 = arith.constant 0 : i32
    %dma_start3A_1886 = tpu.memref_slice %arg4[%select_n3A_1502, %select_n3A_1518, %dma_start3A_1885] : memref<26x4096x128xf32, #tpu.memory_space<hbm>> -> memref<1x128x32xf32, #tpu.memory_space<hbm>>
    %dma_start3A_1887 = tpu.memref_squeeze %dma_start3A_1886 : memref<1x128x32xf32, #tpu.memory_space<hbm>> -> memref<128x32xf32, #tpu.memory_space<hbm>>
    %dma_start3A_1888 = arith.constant 2944 : i32
    %dma_start3A_1889 = arith.constant 0 : i32
    %dma_start3A_1890 = tpu.memref_slice %arg6[%dma_start3A_1888, %dma_start3A_1889] : memref<3328x32xf32, #tpu.memory_space<vmem>> -> memref<128x32xf32, #tpu.memory_space<vmem>>
    tpu.enqueue_dma source(%dma_start3A_1890 : memref<128x32xf32, #tpu.memory_space<vmem>>) target(%dma_start3A_1887 : memref<128x32xf32, #tpu.memory_space<hbm>>) target_semaphore(%arg8 : memref<!tpu.dma_semaphore, #tpu.memory_space<semaphore_mem>>)
    %dma_start3A_1891 = arith.constant 3072 : i32
    %dma_start3A_1892 = arith.constant 0 : i32
    %dma_start3A_1893 = tpu.memref_slice %arg6[%dma_start3A_1891, %dma_start3A_1892] : memref<3328x32xf32, #tpu.memory_space<vmem>> -> memref<128x32xf32, #tpu.memory_space<vmem>>
    %dma_start3A_1894 = arith.constant 0 : i32
    %dma_start3A_1895 = tpu.memref_slice %arg4[%select_n3A_1544, %select_n3A_1560, %dma_start3A_1894] : memref<26x4096x128xf32, #tpu.memory_space<hbm>> -> memref<1x128x32xf32, #tpu.memory_space<hbm>>
    %dma_start3A_1896 = tpu.memref_squeeze %dma_start3A_1895 : memref<1x128x32xf32, #tpu.memory_space<hbm>> -> memref<128x32xf32, #tpu.memory_space<hbm>>
    %dma_start3A_1897 = arith.constant 0 : i32
    %dma_start3A_1898 = tpu.memref_slice %arg4[%select_n3A_1544, %select_n3A_1560, %dma_start3A_1897] : memref<26x4096x128xf32, #tpu.memory_space<hbm>> -> memref<1x128x32xf32, #tpu.memory_space<hbm>>
    %dma_start3A_1899 = tpu.memref_squeeze %dma_start3A_1898 : memref<1x128x32xf32, #tpu.memory_space<hbm>> -> memref<128x32xf32, #tpu.memory_space<hbm>>
    %dma_start3A_1900 = arith.constant 3072 : i32
    %dma_start3A_1901 = arith.constant 0 : i32
    %dma_start3A_1902 = tpu.memref_slice %arg6[%dma_start3A_1900, %dma_start3A_1901] : memref<3328x32xf32, #tpu.memory_space<vmem>> -> memref<128x32xf32, #tpu.memory_space<vmem>>
    tpu.enqueue_dma source(%dma_start3A_1902 : memref<128x32xf32, #tpu.memory_space<vmem>>) target(%dma_start3A_1899 : memref<128x32xf32, #tpu.memory_space<hbm>>) target_semaphore(%arg8 : memref<!tpu.dma_semaphore, #tpu.memory_space<semaphore_mem>>)
    %dma_start3A_1903 = arith.constant 3200 : i32
    %dma_start3A_1904 = arith.constant 0 : i32
    %dma_start3A_1905 = tpu.memref_slice %arg6[%dma_start3A_1903, %dma_start3A_1904] : memref<3328x32xf32, #tpu.memory_space<vmem>> -> memref<128x32xf32, #tpu.memory_space<vmem>>
    %dma_start3A_1906 = arith.constant 0 : i32
    %dma_start3A_1907 = tpu.memref_slice %arg4[%select_n3A_1586, %select_n3A_1602, %dma_start3A_1906] : memref<26x4096x128xf32, #tpu.memory_space<hbm>> -> memref<1x128x32xf32, #tpu.memory_space<hbm>>
    %dma_start3A_1908 = tpu.memref_squeeze %dma_start3A_1907 : memref<1x128x32xf32, #tpu.memory_space<hbm>> -> memref<128x32xf32, #tpu.memory_space<hbm>>
    %dma_start3A_1909 = arith.constant 0 : i32
    %dma_start3A_1910 = tpu.memref_slice %arg4[%select_n3A_1586, %select_n3A_1602, %dma_start3A_1909] : memref<26x4096x128xf32, #tpu.memory_space<hbm>> -> memref<1x128x32xf32, #tpu.memory_space<hbm>>
    %dma_start3A_1911 = tpu.memref_squeeze %dma_start3A_1910 : memref<1x128x32xf32, #tpu.memory_space<hbm>> -> memref<128x32xf32, #tpu.memory_space<hbm>>
    %dma_start3A_1912 = arith.constant 3200 : i32
    %dma_start3A_1913 = arith.constant 0 : i32
    %dma_start3A_1914 = tpu.memref_slice %arg6[%dma_start3A_1912, %dma_start3A_1913] : memref<3328x32xf32, #tpu.memory_space<vmem>> -> memref<128x32xf32, #tpu.memory_space<vmem>>
    tpu.enqueue_dma source(%dma_start3A_1914 : memref<128x32xf32, #tpu.memory_space<vmem>>) target(%dma_start3A_1911 : memref<128x32xf32, #tpu.memory_space<hbm>>) target_semaphore(%arg8 : memref<!tpu.dma_semaphore, #tpu.memory_space<semaphore_mem>>)
    %dma_wait3A_1915 = arith.constant 0 : i32
    %dma_wait3A_1916 = arith.constant 0 : i32
    %dma_wait3A_1917 = tpu.memref_slice %arg6[%dma_wait3A_1915, %dma_wait3A_1916] : memref<3328x32xf32, #tpu.memory_space<vmem>> -> memref<128x32xf32, #tpu.memory_space<vmem>>
    %dma_wait3A_1918 = arith.constant 0 : i32
    %dma_wait3A_1919 = tpu.memref_slice %arg4[%select_n3A, %select_n3A_552, %dma_wait3A_1918] : memref<26x4096x128xf32, #tpu.memory_space<hbm>> -> memref<1x128x32xf32, #tpu.memory_space<hbm>>
    %dma_wait3A_1920 = tpu.memref_squeeze %dma_wait3A_1919 : memref<1x128x32xf32, #tpu.memory_space<hbm>> -> memref<128x32xf32, #tpu.memory_space<hbm>>
    %dma_wait3A_1921 = arith.constant 0 : i32
    %dma_wait3A_1922 = tpu.memref_slice %arg4[%select_n3A, %select_n3A_552, %dma_wait3A_1921] : memref<26x4096x128xf32, #tpu.memory_space<hbm>> -> memref<1x128x32xf32, #tpu.memory_space<hbm>>
    %dma_wait3A_1923 = tpu.memref_squeeze %dma_wait3A_1922 : memref<1x128x32xf32, #tpu.memory_space<hbm>> -> memref<128x32xf32, #tpu.memory_space<hbm>>
    %dma_wait3A_1924 = arith.constant 0 : i32
    %dma_wait3A_1925 = arith.constant 0 : i32
    %dma_wait3A_1926 = tpu.memref_slice %arg6[%dma_wait3A_1924, %dma_wait3A_1925] : memref<3328x32xf32, #tpu.memory_space<vmem>> -> memref<128x32xf32, #tpu.memory_space<vmem>>
    tpu.wait_dma2 semaphore(%arg8 : memref<!tpu.dma_semaphore, #tpu.memory_space<semaphore_mem>>) src(%dma_wait3A_1926 : memref<128x32xf32, #tpu.memory_space<vmem>>) dst(%dma_wait3A_1923 : memref<128x32xf32, #tpu.memory_space<hbm>>)
    %dma_wait3A_1927 = arith.constant 128 : i32
    %dma_wait3A_1928 = arith.constant 0 : i32
    %dma_wait3A_1929 = tpu.memref_slice %arg6[%dma_wait3A_1927, %dma_wait3A_1928] : memref<3328x32xf32, #tpu.memory_space<vmem>> -> memref<128x32xf32, #tpu.memory_space<vmem>>
    %dma_wait3A_1930 = arith.constant 0 : i32
    %dma_wait3A_1931 = tpu.memref_slice %arg4[%select_n3A_578, %select_n3A_594, %dma_wait3A_1930] : memref<26x4096x128xf32, #tpu.memory_space<hbm>> -> memref<1x128x32xf32, #tpu.memory_space<hbm>>
    %dma_wait3A_1932 = tpu.memref_squeeze %dma_wait3A_1931 : memref<1x128x32xf32, #tpu.memory_space<hbm>> -> memref<128x32xf32, #tpu.memory_space<hbm>>
    %dma_wait3A_1933 = arith.constant 0 : i32
    %dma_wait3A_1934 = tpu.memref_slice %arg4[%select_n3A_578, %select_n3A_594, %dma_wait3A_1933] : memref<26x4096x128xf32, #tpu.memory_space<hbm>> -> memref<1x128x32xf32, #tpu.memory_space<hbm>>
    %dma_wait3A_1935 = tpu.memref_squeeze %dma_wait3A_1934 : memref<1x128x32xf32, #tpu.memory_space<hbm>> -> memref<128x32xf32, #tpu.memory_space<hbm>>
    %dma_wait3A_1936 = arith.constant 128 : i32
    %dma_wait3A_1937 = arith.constant 0 : i32
    %dma_wait3A_1938 = tpu.memref_slice %arg6[%dma_wait3A_1936, %dma_wait3A_1937] : memref<3328x32xf32, #tpu.memory_space<vmem>> -> memref<128x32xf32, #tpu.memory_space<vmem>>
    tpu.wait_dma2 semaphore(%arg8 : memref<!tpu.dma_semaphore, #tpu.memory_space<semaphore_mem>>) src(%dma_wait3A_1938 : memref<128x32xf32, #tpu.memory_space<vmem>>) dst(%dma_wait3A_1935 : memref<128x32xf32, #tpu.memory_space<hbm>>)
    %dma_wait3A_1939 = arith.constant 256 : i32
    %dma_wait3A_1940 = arith.constant 0 : i32
    %dma_wait3A_1941 = tpu.memref_slice %arg6[%dma_wait3A_1939, %dma_wait3A_1940] : memref<3328x32xf32, #tpu.memory_space<vmem>> -> memref<128x32xf32, #tpu.memory_space<vmem>>
    %dma_wait3A_1942 = arith.constant 0 : i32
    %dma_wait3A_1943 = tpu.memref_slice %arg4[%select_n3A_620, %select_n3A_636, %dma_wait3A_1942] : memref<26x4096x128xf32, #tpu.memory_space<hbm>> -> memref<1x128x32xf32, #tpu.memory_space<hbm>>
    %dma_wait3A_1944 = tpu.memref_squeeze %dma_wait3A_1943 : memref<1x128x32xf32, #tpu.memory_space<hbm>> -> memref<128x32xf32, #tpu.memory_space<hbm>>
    %dma_wait3A_1945 = arith.constant 0 : i32
    %dma_wait3A_1946 = tpu.memref_slice %arg4[%select_n3A_620, %select_n3A_636, %dma_wait3A_1945] : memref<26x4096x128xf32, #tpu.memory_space<hbm>> -> memref<1x128x32xf32, #tpu.memory_space<hbm>>
    %dma_wait3A_1947 = tpu.memref_squeeze %dma_wait3A_1946 : memref<1x128x32xf32, #tpu.memory_space<hbm>> -> memref<128x32xf32, #tpu.memory_space<hbm>>
    %dma_wait3A_1948 = arith.constant 256 : i32
    %dma_wait3A_1949 = arith.constant 0 : i32
    %dma_wait3A_1950 = tpu.memref_slice %arg6[%dma_wait3A_1948, %dma_wait3A_1949] : memref<3328x32xf32, #tpu.memory_space<vmem>> -> memref<128x32xf32, #tpu.memory_space<vmem>>
    tpu.wait_dma2 semaphore(%arg8 : memref<!tpu.dma_semaphore, #tpu.memory_space<semaphore_mem>>) src(%dma_wait3A_1950 : memref<128x32xf32, #tpu.memory_space<vmem>>) dst(%dma_wait3A_1947 : memref<128x32xf32, #tpu.memory_space<hbm>>)
    %dma_wait3A_1951 = arith.constant 384 : i32
    %dma_wait3A_1952 = arith.constant 0 : i32
    %dma_wait3A_1953 = tpu.memref_slice %arg6[%dma_wait3A_1951, %dma_wait3A_1952] : memref<3328x32xf32, #tpu.memory_space<vmem>> -> memref<128x32xf32, #tpu.memory_space<vmem>>
    %dma_wait3A_1954 = arith.constant 0 : i32
    %dma_wait3A_1955 = tpu.memref_slice %arg4[%select_n3A_662, %select_n3A_678, %dma_wait3A_1954] : memref<26x4096x128xf32, #tpu.memory_space<hbm>> -> memref<1x128x32xf32, #tpu.memory_space<hbm>>
    %dma_wait3A_1956 = tpu.memref_squeeze %dma_wait3A_1955 : memref<1x128x32xf32, #tpu.memory_space<hbm>> -> memref<128x32xf32, #tpu.memory_space<hbm>>
    %dma_wait3A_1957 = arith.constant 0 : i32
    %dma_wait3A_1958 = tpu.memref_slice %arg4[%select_n3A_662, %select_n3A_678, %dma_wait3A_1957] : memref<26x4096x128xf32, #tpu.memory_space<hbm>> -> memref<1x128x32xf32, #tpu.memory_space<hbm>>
    %dma_wait3A_1959 = tpu.memref_squeeze %dma_wait3A_1958 : memref<1x128x32xf32, #tpu.memory_space<hbm>> -> memref<128x32xf32, #tpu.memory_space<hbm>>
    %dma_wait3A_1960 = arith.constant 384 : i32
    %dma_wait3A_1961 = arith.constant 0 : i32
    %dma_wait3A_1962 = tpu.memref_slice %arg6[%dma_wait3A_1960, %dma_wait3A_1961] : memref<3328x32xf32, #tpu.memory_space<vmem>> -> memref<128x32xf32, #tpu.memory_space<vmem>>
    tpu.wait_dma2 semaphore(%arg8 : memref<!tpu.dma_semaphore, #tpu.memory_space<semaphore_mem>>) src(%dma_wait3A_1962 : memref<128x32xf32, #tpu.memory_space<vmem>>) dst(%dma_wait3A_1959 : memref<128x32xf32, #tpu.memory_space<hbm>>)
    %dma_wait3A_1963 = arith.constant 512 : i32
    %dma_wait3A_1964 = arith.constant 0 : i32
    %dma_wait3A_1965 = tpu.memref_slice %arg6[%dma_wait3A_1963, %dma_wait3A_1964] : memref<3328x32xf32, #tpu.memory_space<vmem>> -> memref<128x32xf32, #tpu.memory_space<vmem>>
    %dma_wait3A_1966 = arith.constant 0 : i32
    %dma_wait3A_1967 = tpu.memref_slice %arg4[%select_n3A_704, %select_n3A_720, %dma_wait3A_1966] : memref<26x4096x128xf32, #tpu.memory_space<hbm>> -> memref<1x128x32xf32, #tpu.memory_space<hbm>>
    %dma_wait3A_1968 = tpu.memref_squeeze %dma_wait3A_1967 : memref<1x128x32xf32, #tpu.memory_space<hbm>> -> memref<128x32xf32, #tpu.memory_space<hbm>>
    %dma_wait3A_1969 = arith.constant 0 : i32
    %dma_wait3A_1970 = tpu.memref_slice %arg4[%select_n3A_704, %select_n3A_720, %dma_wait3A_1969] : memref<26x4096x128xf32, #tpu.memory_space<hbm>> -> memref<1x128x32xf32, #tpu.memory_space<hbm>>
    %dma_wait3A_1971 = tpu.memref_squeeze %dma_wait3A_1970 : memref<1x128x32xf32, #tpu.memory_space<hbm>> -> memref<128x32xf32, #tpu.memory_space<hbm>>
    %dma_wait3A_1972 = arith.constant 512 : i32
    %dma_wait3A_1973 = arith.constant 0 : i32
    %dma_wait3A_1974 = tpu.memref_slice %arg6[%dma_wait3A_1972, %dma_wait3A_1973] : memref<3328x32xf32, #tpu.memory_space<vmem>> -> memref<128x32xf32, #tpu.memory_space<vmem>>
    tpu.wait_dma2 semaphore(%arg8 : memref<!tpu.dma_semaphore, #tpu.memory_space<semaphore_mem>>) src(%dma_wait3A_1974 : memref<128x32xf32, #tpu.memory_space<vmem>>) dst(%dma_wait3A_1971 : memref<128x32xf32, #tpu.memory_space<hbm>>)
    %dma_wait3A_1975 = arith.constant 640 : i32
    %dma_wait3A_1976 = arith.constant 0 : i32
    %dma_wait3A_1977 = tpu.memref_slice %arg6[%dma_wait3A_1975, %dma_wait3A_1976] : memref<3328x32xf32, #tpu.memory_space<vmem>> -> memref<128x32xf32, #tpu.memory_space<vmem>>
    %dma_wait3A_1978 = arith.constant 0 : i32
    %dma_wait3A_1979 = tpu.memref_slice %arg4[%select_n3A_746, %select_n3A_762, %dma_wait3A_1978] : memref<26x4096x128xf32, #tpu.memory_space<hbm>> -> memref<1x128x32xf32, #tpu.memory_space<hbm>>
    %dma_wait3A_1980 = tpu.memref_squeeze %dma_wait3A_1979 : memref<1x128x32xf32, #tpu.memory_space<hbm>> -> memref<128x32xf32, #tpu.memory_space<hbm>>
    %dma_wait3A_1981 = arith.constant 0 : i32
    %dma_wait3A_1982 = tpu.memref_slice %arg4[%select_n3A_746, %select_n3A_762, %dma_wait3A_1981] : memref<26x4096x128xf32, #tpu.memory_space<hbm>> -> memref<1x128x32xf32, #tpu.memory_space<hbm>>
    %dma_wait3A_1983 = tpu.memref_squeeze %dma_wait3A_1982 : memref<1x128x32xf32, #tpu.memory_space<hbm>> -> memref<128x32xf32, #tpu.memory_space<hbm>>
    %dma_wait3A_1984 = arith.constant 640 : i32
    %dma_wait3A_1985 = arith.constant 0 : i32
    %dma_wait3A_1986 = tpu.memref_slice %arg6[%dma_wait3A_1984, %dma_wait3A_1985] : memref<3328x32xf32, #tpu.memory_space<vmem>> -> memref<128x32xf32, #tpu.memory_space<vmem>>
    tpu.wait_dma2 semaphore(%arg8 : memref<!tpu.dma_semaphore, #tpu.memory_space<semaphore_mem>>) src(%dma_wait3A_1986 : memref<128x32xf32, #tpu.memory_space<vmem>>) dst(%dma_wait3A_1983 : memref<128x32xf32, #tpu.memory_space<hbm>>)
    %dma_wait3A_1987 = arith.constant 768 : i32
    %dma_wait3A_1988 = arith.constant 0 : i32
    %dma_wait3A_1989 = tpu.memref_slice %arg6[%dma_wait3A_1987, %dma_wait3A_1988] : memref<3328x32xf32, #tpu.memory_space<vmem>> -> memref<128x32xf32, #tpu.memory_space<vmem>>
    %dma_wait3A_1990 = arith.constant 0 : i32
    %dma_wait3A_1991 = tpu.memref_slice %arg4[%select_n3A_788, %select_n3A_804, %dma_wait3A_1990] : memref<26x4096x128xf32, #tpu.memory_space<hbm>> -> memref<1x128x32xf32, #tpu.memory_space<hbm>>
    %dma_wait3A_1992 = tpu.memref_squeeze %dma_wait3A_1991 : memref<1x128x32xf32, #tpu.memory_space<hbm>> -> memref<128x32xf32, #tpu.memory_space<hbm>>
    %dma_wait3A_1993 = arith.constant 0 : i32
    %dma_wait3A_1994 = tpu.memref_slice %arg4[%select_n3A_788, %select_n3A_804, %dma_wait3A_1993] : memref<26x4096x128xf32, #tpu.memory_space<hbm>> -> memref<1x128x32xf32, #tpu.memory_space<hbm>>
    %dma_wait3A_1995 = tpu.memref_squeeze %dma_wait3A_1994 : memref<1x128x32xf32, #tpu.memory_space<hbm>> -> memref<128x32xf32, #tpu.memory_space<hbm>>
    %dma_wait3A_1996 = arith.constant 768 : i32
    %dma_wait3A_1997 = arith.constant 0 : i32
    %dma_wait3A_1998 = tpu.memref_slice %arg6[%dma_wait3A_1996, %dma_wait3A_1997] : memref<3328x32xf32, #tpu.memory_space<vmem>> -> memref<128x32xf32, #tpu.memory_space<vmem>>
    tpu.wait_dma2 semaphore(%arg8 : memref<!tpu.dma_semaphore, #tpu.memory_space<semaphore_mem>>) src(%dma_wait3A_1998 : memref<128x32xf32, #tpu.memory_space<vmem>>) dst(%dma_wait3A_1995 : memref<128x32xf32, #tpu.memory_space<hbm>>)
    %dma_wait3A_1999 = arith.constant 896 : i32
    %dma_wait3A_2000 = arith.constant 0 : i32
    %dma_wait3A_2001 = tpu.memref_slice %arg6[%dma_wait3A_1999, %dma_wait3A_2000] : memref<3328x32xf32, #tpu.memory_space<vmem>> -> memref<128x32xf32, #tpu.memory_space<vmem>>
    %dma_wait3A_2002 = arith.constant 0 : i32
    %dma_wait3A_2003 = tpu.memref_slice %arg4[%select_n3A_830, %select_n3A_846, %dma_wait3A_2002] : memref<26x4096x128xf32, #tpu.memory_space<hbm>> -> memref<1x128x32xf32, #tpu.memory_space<hbm>>
    %dma_wait3A_2004 = tpu.memref_squeeze %dma_wait3A_2003 : memref<1x128x32xf32, #tpu.memory_space<hbm>> -> memref<128x32xf32, #tpu.memory_space<hbm>>
    %dma_wait3A_2005 = arith.constant 0 : i32
    %dma_wait3A_2006 = tpu.memref_slice %arg4[%select_n3A_830, %select_n3A_846, %dma_wait3A_2005] : memref<26x4096x128xf32, #tpu.memory_space<hbm>> -> memref<1x128x32xf32, #tpu.memory_space<hbm>>
    %dma_wait3A_2007 = tpu.memref_squeeze %dma_wait3A_2006 : memref<1x128x32xf32, #tpu.memory_space<hbm>> -> memref<128x32xf32, #tpu.memory_space<hbm>>
    %dma_wait3A_2008 = arith.constant 896 : i32
    %dma_wait3A_2009 = arith.constant 0 : i32
    %dma_wait3A_2010 = tpu.memref_slice %arg6[%dma_wait3A_2008, %dma_wait3A_2009] : memref<3328x32xf32, #tpu.memory_space<vmem>> -> memref<128x32xf32, #tpu.memory_space<vmem>>
    tpu.wait_dma2 semaphore(%arg8 : memref<!tpu.dma_semaphore, #tpu.memory_space<semaphore_mem>>) src(%dma_wait3A_2010 : memref<128x32xf32, #tpu.memory_space<vmem>>) dst(%dma_wait3A_2007 : memref<128x32xf32, #tpu.memory_space<hbm>>)
    %dma_wait3A_2011 = arith.constant 1024 : i32
    %dma_wait3A_2012 = arith.constant 0 : i32
    %dma_wait3A_2013 = tpu.memref_slice %arg6[%dma_wait3A_2011, %dma_wait3A_2012] : memref<3328x32xf32, #tpu.memory_space<vmem>> -> memref<128x32xf32, #tpu.memory_space<vmem>>
    %dma_wait3A_2014 = arith.constant 0 : i32
    %dma_wait3A_2015 = tpu.memref_slice %arg4[%select_n3A_872, %select_n3A_888, %dma_wait3A_2014] : memref<26x4096x128xf32, #tpu.memory_space<hbm>> -> memref<1x128x32xf32, #tpu.memory_space<hbm>>
    %dma_wait3A_2016 = tpu.memref_squeeze %dma_wait3A_2015 : memref<1x128x32xf32, #tpu.memory_space<hbm>> -> memref<128x32xf32, #tpu.memory_space<hbm>>
    %dma_wait3A_2017 = arith.constant 0 : i32
    %dma_wait3A_2018 = tpu.memref_slice %arg4[%select_n3A_872, %select_n3A_888, %dma_wait3A_2017] : memref<26x4096x128xf32, #tpu.memory_space<hbm>> -> memref<1x128x32xf32, #tpu.memory_space<hbm>>
    %dma_wait3A_2019 = tpu.memref_squeeze %dma_wait3A_2018 : memref<1x128x32xf32, #tpu.memory_space<hbm>> -> memref<128x32xf32, #tpu.memory_space<hbm>>
    %dma_wait3A_2020 = arith.constant 1024 : i32
    %dma_wait3A_2021 = arith.constant 0 : i32
    %dma_wait3A_2022 = tpu.memref_slice %arg6[%dma_wait3A_2020, %dma_wait3A_2021] : memref<3328x32xf32, #tpu.memory_space<vmem>> -> memref<128x32xf32, #tpu.memory_space<vmem>>
    tpu.wait_dma2 semaphore(%arg8 : memref<!tpu.dma_semaphore, #tpu.memory_space<semaphore_mem>>) src(%dma_wait3A_2022 : memref<128x32xf32, #tpu.memory_space<vmem>>) dst(%dma_wait3A_2019 : memref<128x32xf32, #tpu.memory_space<hbm>>)
    %dma_wait3A_2023 = arith.constant 1152 : i32
    %dma_wait3A_2024 = arith.constant 0 : i32
    %dma_wait3A_2025 = tpu.memref_slice %arg6[%dma_wait3A_2023, %dma_wait3A_2024] : memref<3328x32xf32, #tpu.memory_space<vmem>> -> memref<128x32xf32, #tpu.memory_space<vmem>>
    %dma_wait3A_2026 = arith.constant 0 : i32
    %dma_wait3A_2027 = tpu.memref_slice %arg4[%select_n3A_914, %select_n3A_930, %dma_wait3A_2026] : memref<26x4096x128xf32, #tpu.memory_space<hbm>> -> memref<1x128x32xf32, #tpu.memory_space<hbm>>
    %dma_wait3A_2028 = tpu.memref_squeeze %dma_wait3A_2027 : memref<1x128x32xf32, #tpu.memory_space<hbm>> -> memref<128x32xf32, #tpu.memory_space<hbm>>
    %dma_wait3A_2029 = arith.constant 0 : i32
    %dma_wait3A_2030 = tpu.memref_slice %arg4[%select_n3A_914, %select_n3A_930, %dma_wait3A_2029] : memref<26x4096x128xf32, #tpu.memory_space<hbm>> -> memref<1x128x32xf32, #tpu.memory_space<hbm>>
    %dma_wait3A_2031 = tpu.memref_squeeze %dma_wait3A_2030 : memref<1x128x32xf32, #tpu.memory_space<hbm>> -> memref<128x32xf32, #tpu.memory_space<hbm>>
    %dma_wait3A_2032 = arith.constant 1152 : i32
    %dma_wait3A_2033 = arith.constant 0 : i32
    %dma_wait3A_2034 = tpu.memref_slice %arg6[%dma_wait3A_2032, %dma_wait3A_2033] : memref<3328x32xf32, #tpu.memory_space<vmem>> -> memref<128x32xf32, #tpu.memory_space<vmem>>
    tpu.wait_dma2 semaphore(%arg8 : memref<!tpu.dma_semaphore, #tpu.memory_space<semaphore_mem>>) src(%dma_wait3A_2034 : memref<128x32xf32, #tpu.memory_space<vmem>>) dst(%dma_wait3A_2031 : memref<128x32xf32, #tpu.memory_space<hbm>>)
    %dma_wait3A_2035 = arith.constant 1280 : i32
    %dma_wait3A_2036 = arith.constant 0 : i32
    %dma_wait3A_2037 = tpu.memref_slice %arg6[%dma_wait3A_2035, %dma_wait3A_2036] : memref<3328x32xf32, #tpu.memory_space<vmem>> -> memref<128x32xf32, #tpu.memory_space<vmem>>
    %dma_wait3A_2038 = arith.constant 0 : i32
    %dma_wait3A_2039 = tpu.memref_slice %arg4[%select_n3A_956, %select_n3A_972, %dma_wait3A_2038] : memref<26x4096x128xf32, #tpu.memory_space<hbm>> -> memref<1x128x32xf32, #tpu.memory_space<hbm>>
    %dma_wait3A_2040 = tpu.memref_squeeze %dma_wait3A_2039 : memref<1x128x32xf32, #tpu.memory_space<hbm>> -> memref<128x32xf32, #tpu.memory_space<hbm>>
    %dma_wait3A_2041 = arith.constant 0 : i32
    %dma_wait3A_2042 = tpu.memref_slice %arg4[%select_n3A_956, %select_n3A_972, %dma_wait3A_2041] : memref<26x4096x128xf32, #tpu.memory_space<hbm>> -> memref<1x128x32xf32, #tpu.memory_space<hbm>>
    %dma_wait3A_2043 = tpu.memref_squeeze %dma_wait3A_2042 : memref<1x128x32xf32, #tpu.memory_space<hbm>> -> memref<128x32xf32, #tpu.memory_space<hbm>>
    %dma_wait3A_2044 = arith.constant 1280 : i32
    %dma_wait3A_2045 = arith.constant 0 : i32
    %dma_wait3A_2046 = tpu.memref_slice %arg6[%dma_wait3A_2044, %dma_wait3A_2045] : memref<3328x32xf32, #tpu.memory_space<vmem>> -> memref<128x32xf32, #tpu.memory_space<vmem>>
    tpu.wait_dma2 semaphore(%arg8 : memref<!tpu.dma_semaphore, #tpu.memory_space<semaphore_mem>>) src(%dma_wait3A_2046 : memref<128x32xf32, #tpu.memory_space<vmem>>) dst(%dma_wait3A_2043 : memref<128x32xf32, #tpu.memory_space<hbm>>)
    %dma_wait3A_2047 = arith.constant 1408 : i32
    %dma_wait3A_2048 = arith.constant 0 : i32
    %dma_wait3A_2049 = tpu.memref_slice %arg6[%dma_wait3A_2047, %dma_wait3A_2048] : memref<3328x32xf32, #tpu.memory_space<vmem>> -> memref<128x32xf32, #tpu.memory_space<vmem>>
    %dma_wait3A_2050 = arith.constant 0 : i32
    %dma_wait3A_2051 = tpu.memref_slice %arg4[%select_n3A_998, %select_n3A_1014, %dma_wait3A_2050] : memref<26x4096x128xf32, #tpu.memory_space<hbm>> -> memref<1x128x32xf32, #tpu.memory_space<hbm>>
    %dma_wait3A_2052 = tpu.memref_squeeze %dma_wait3A_2051 : memref<1x128x32xf32, #tpu.memory_space<hbm>> -> memref<128x32xf32, #tpu.memory_space<hbm>>
    %dma_wait3A_2053 = arith.constant 0 : i32
    %dma_wait3A_2054 = tpu.memref_slice %arg4[%select_n3A_998, %select_n3A_1014, %dma_wait3A_2053] : memref<26x4096x128xf32, #tpu.memory_space<hbm>> -> memref<1x128x32xf32, #tpu.memory_space<hbm>>
    %dma_wait3A_2055 = tpu.memref_squeeze %dma_wait3A_2054 : memref<1x128x32xf32, #tpu.memory_space<hbm>> -> memref<128x32xf32, #tpu.memory_space<hbm>>
    %dma_wait3A_2056 = arith.constant 1408 : i32
    %dma_wait3A_2057 = arith.constant 0 : i32
    %dma_wait3A_2058 = tpu.memref_slice %arg6[%dma_wait3A_2056, %dma_wait3A_2057] : memref<3328x32xf32, #tpu.memory_space<vmem>> -> memref<128x32xf32, #tpu.memory_space<vmem>>
    tpu.wait_dma2 semaphore(%arg8 : memref<!tpu.dma_semaphore, #tpu.memory_space<semaphore_mem>>) src(%dma_wait3A_2058 : memref<128x32xf32, #tpu.memory_space<vmem>>) dst(%dma_wait3A_2055 : memref<128x32xf32, #tpu.memory_space<hbm>>)
    %dma_wait3A_2059 = arith.constant 1536 : i32
    %dma_wait3A_2060 = arith.constant 0 : i32
    %dma_wait3A_2061 = tpu.memref_slice %arg6[%dma_wait3A_2059, %dma_wait3A_2060] : memref<3328x32xf32, #tpu.memory_space<vmem>> -> memref<128x32xf32, #tpu.memory_space<vmem>>
    %dma_wait3A_2062 = arith.constant 0 : i32
    %dma_wait3A_2063 = tpu.memref_slice %arg4[%select_n3A_1040, %select_n3A_1056, %dma_wait3A_2062] : memref<26x4096x128xf32, #tpu.memory_space<hbm>> -> memref<1x128x32xf32, #tpu.memory_space<hbm>>
    %dma_wait3A_2064 = tpu.memref_squeeze %dma_wait3A_2063 : memref<1x128x32xf32, #tpu.memory_space<hbm>> -> memref<128x32xf32, #tpu.memory_space<hbm>>
    %dma_wait3A_2065 = arith.constant 0 : i32
    %dma_wait3A_2066 = tpu.memref_slice %arg4[%select_n3A_1040, %select_n3A_1056, %dma_wait3A_2065] : memref<26x4096x128xf32, #tpu.memory_space<hbm>> -> memref<1x128x32xf32, #tpu.memory_space<hbm>>
    %dma_wait3A_2067 = tpu.memref_squeeze %dma_wait3A_2066 : memref<1x128x32xf32, #tpu.memory_space<hbm>> -> memref<128x32xf32, #tpu.memory_space<hbm>>
    %dma_wait3A_2068 = arith.constant 1536 : i32
    %dma_wait3A_2069 = arith.constant 0 : i32
    %dma_wait3A_2070 = tpu.memref_slice %arg6[%dma_wait3A_2068, %dma_wait3A_2069] : memref<3328x32xf32, #tpu.memory_space<vmem>> -> memref<128x32xf32, #tpu.memory_space<vmem>>
    tpu.wait_dma2 semaphore(%arg8 : memref<!tpu.dma_semaphore, #tpu.memory_space<semaphore_mem>>) src(%dma_wait3A_2070 : memref<128x32xf32, #tpu.memory_space<vmem>>) dst(%dma_wait3A_2067 : memref<128x32xf32, #tpu.memory_space<hbm>>)
    %dma_wait3A_2071 = arith.constant 1664 : i32
    %dma_wait3A_2072 = arith.constant 0 : i32
    %dma_wait3A_2073 = tpu.memref_slice %arg6[%dma_wait3A_2071, %dma_wait3A_2072] : memref<3328x32xf32, #tpu.memory_space<vmem>> -> memref<128x32xf32, #tpu.memory_space<vmem>>
    %dma_wait3A_2074 = arith.constant 0 : i32
    %dma_wait3A_2075 = tpu.memref_slice %arg4[%select_n3A_1082, %select_n3A_1098, %dma_wait3A_2074] : memref<26x4096x128xf32, #tpu.memory_space<hbm>> -> memref<1x128x32xf32, #tpu.memory_space<hbm>>
    %dma_wait3A_2076 = tpu.memref_squeeze %dma_wait3A_2075 : memref<1x128x32xf32, #tpu.memory_space<hbm>> -> memref<128x32xf32, #tpu.memory_space<hbm>>
    %dma_wait3A_2077 = arith.constant 0 : i32
    %dma_wait3A_2078 = tpu.memref_slice %arg4[%select_n3A_1082, %select_n3A_1098, %dma_wait3A_2077] : memref<26x4096x128xf32, #tpu.memory_space<hbm>> -> memref<1x128x32xf32, #tpu.memory_space<hbm>>
    %dma_wait3A_2079 = tpu.memref_squeeze %dma_wait3A_2078 : memref<1x128x32xf32, #tpu.memory_space<hbm>> -> memref<128x32xf32, #tpu.memory_space<hbm>>
    %dma_wait3A_2080 = arith.constant 1664 : i32
    %dma_wait3A_2081 = arith.constant 0 : i32
    %dma_wait3A_2082 = tpu.memref_slice %arg6[%dma_wait3A_2080, %dma_wait3A_2081] : memref<3328x32xf32, #tpu.memory_space<vmem>> -> memref<128x32xf32, #tpu.memory_space<vmem>>
    tpu.wait_dma2 semaphore(%arg8 : memref<!tpu.dma_semaphore, #tpu.memory_space<semaphore_mem>>) src(%dma_wait3A_2082 : memref<128x32xf32, #tpu.memory_space<vmem>>) dst(%dma_wait3A_2079 : memref<128x32xf32, #tpu.memory_space<hbm>>)
    %dma_wait3A_2083 = arith.constant 1792 : i32
    %dma_wait3A_2084 = arith.constant 0 : i32
    %dma_wait3A_2085 = tpu.memref_slice %arg6[%dma_wait3A_2083, %dma_wait3A_2084] : memref<3328x32xf32, #tpu.memory_space<vmem>> -> memref<128x32xf32, #tpu.memory_space<vmem>>
    %dma_wait3A_2086 = arith.constant 0 : i32
    %dma_wait3A_2087 = tpu.memref_slice %arg4[%select_n3A_1124, %select_n3A_1140, %dma_wait3A_2086] : memref<26x4096x128xf32, #tpu.memory_space<hbm>> -> memref<1x128x32xf32, #tpu.memory_space<hbm>>
    %dma_wait3A_2088 = tpu.memref_squeeze %dma_wait3A_2087 : memref<1x128x32xf32, #tpu.memory_space<hbm>> -> memref<128x32xf32, #tpu.memory_space<hbm>>
    %dma_wait3A_2089 = arith.constant 0 : i32
    %dma_wait3A_2090 = tpu.memref_slice %arg4[%select_n3A_1124, %select_n3A_1140, %dma_wait3A_2089] : memref<26x4096x128xf32, #tpu.memory_space<hbm>> -> memref<1x128x32xf32, #tpu.memory_space<hbm>>
    %dma_wait3A_2091 = tpu.memref_squeeze %dma_wait3A_2090 : memref<1x128x32xf32, #tpu.memory_space<hbm>> -> memref<128x32xf32, #tpu.memory_space<hbm>>
    %dma_wait3A_2092 = arith.constant 1792 : i32
    %dma_wait3A_2093 = arith.constant 0 : i32
    %dma_wait3A_2094 = tpu.memref_slice %arg6[%dma_wait3A_2092, %dma_wait3A_2093] : memref<3328x32xf32, #tpu.memory_space<vmem>> -> memref<128x32xf32, #tpu.memory_space<vmem>>
    tpu.wait_dma2 semaphore(%arg8 : memref<!tpu.dma_semaphore, #tpu.memory_space<semaphore_mem>>) src(%dma_wait3A_2094 : memref<128x32xf32, #tpu.memory_space<vmem>>) dst(%dma_wait3A_2091 : memref<128x32xf32, #tpu.memory_space<hbm>>)
    %dma_wait3A_2095 = arith.constant 1920 : i32
    %dma_wait3A_2096 = arith.constant 0 : i32
    %dma_wait3A_2097 = tpu.memref_slice %arg6[%dma_wait3A_2095, %dma_wait3A_2096] : memref<3328x32xf32, #tpu.memory_space<vmem>> -> memref<128x32xf32, #tpu.memory_space<vmem>>
    %dma_wait3A_2098 = arith.constant 0 : i32
    %dma_wait3A_2099 = tpu.memref_slice %arg4[%select_n3A_1166, %select_n3A_1182, %dma_wait3A_2098] : memref<26x4096x128xf32, #tpu.memory_space<hbm>> -> memref<1x128x32xf32, #tpu.memory_space<hbm>>
    %dma_wait3A_2100 = tpu.memref_squeeze %dma_wait3A_2099 : memref<1x128x32xf32, #tpu.memory_space<hbm>> -> memref<128x32xf32, #tpu.memory_space<hbm>>
    %dma_wait3A_2101 = arith.constant 0 : i32
    %dma_wait3A_2102 = tpu.memref_slice %arg4[%select_n3A_1166, %select_n3A_1182, %dma_wait3A_2101] : memref<26x4096x128xf32, #tpu.memory_space<hbm>> -> memref<1x128x32xf32, #tpu.memory_space<hbm>>
    %dma_wait3A_2103 = tpu.memref_squeeze %dma_wait3A_2102 : memref<1x128x32xf32, #tpu.memory_space<hbm>> -> memref<128x32xf32, #tpu.memory_space<hbm>>
    %dma_wait3A_2104 = arith.constant 1920 : i32
    %dma_wait3A_2105 = arith.constant 0 : i32
    %dma_wait3A_2106 = tpu.memref_slice %arg6[%dma_wait3A_2104, %dma_wait3A_2105] : memref<3328x32xf32, #tpu.memory_space<vmem>> -> memref<128x32xf32, #tpu.memory_space<vmem>>
    tpu.wait_dma2 semaphore(%arg8 : memref<!tpu.dma_semaphore, #tpu.memory_space<semaphore_mem>>) src(%dma_wait3A_2106 : memref<128x32xf32, #tpu.memory_space<vmem>>) dst(%dma_wait3A_2103 : memref<128x32xf32, #tpu.memory_space<hbm>>)
    %dma_wait3A_2107 = arith.constant 2048 : i32
    %dma_wait3A_2108 = arith.constant 0 : i32
    %dma_wait3A_2109 = tpu.memref_slice %arg6[%dma_wait3A_2107, %dma_wait3A_2108] : memref<3328x32xf32, #tpu.memory_space<vmem>> -> memref<128x32xf32, #tpu.memory_space<vmem>>
    %dma_wait3A_2110 = arith.constant 0 : i32
    %dma_wait3A_2111 = tpu.memref_slice %arg4[%select_n3A_1208, %select_n3A_1224, %dma_wait3A_2110] : memref<26x4096x128xf32, #tpu.memory_space<hbm>> -> memref<1x128x32xf32, #tpu.memory_space<hbm>>
    %dma_wait3A_2112 = tpu.memref_squeeze %dma_wait3A_2111 : memref<1x128x32xf32, #tpu.memory_space<hbm>> -> memref<128x32xf32, #tpu.memory_space<hbm>>
    %dma_wait3A_2113 = arith.constant 0 : i32
    %dma_wait3A_2114 = tpu.memref_slice %arg4[%select_n3A_1208, %select_n3A_1224, %dma_wait3A_2113] : memref<26x4096x128xf32, #tpu.memory_space<hbm>> -> memref<1x128x32xf32, #tpu.memory_space<hbm>>
    %dma_wait3A_2115 = tpu.memref_squeeze %dma_wait3A_2114 : memref<1x128x32xf32, #tpu.memory_space<hbm>> -> memref<128x32xf32, #tpu.memory_space<hbm>>
    %dma_wait3A_2116 = arith.constant 2048 : i32
    %dma_wait3A_2117 = arith.constant 0 : i32
    %dma_wait3A_2118 = tpu.memref_slice %arg6[%dma_wait3A_2116, %dma_wait3A_2117] : memref<3328x32xf32, #tpu.memory_space<vmem>> -> memref<128x32xf32, #tpu.memory_space<vmem>>
    tpu.wait_dma2 semaphore(%arg8 : memref<!tpu.dma_semaphore, #tpu.memory_space<semaphore_mem>>) src(%dma_wait3A_2118 : memref<128x32xf32, #tpu.memory_space<vmem>>) dst(%dma_wait3A_2115 : memref<128x32xf32, #tpu.memory_space<hbm>>)
    %dma_wait3A_2119 = arith.constant 2176 : i32
    %dma_wait3A_2120 = arith.constant 0 : i32
    %dma_wait3A_2121 = tpu.memref_slice %arg6[%dma_wait3A_2119, %dma_wait3A_2120] : memref<3328x32xf32, #tpu.memory_space<vmem>> -> memref<128x32xf32, #tpu.memory_space<vmem>>
    %dma_wait3A_2122 = arith.constant 0 : i32
    %dma_wait3A_2123 = tpu.memref_slice %arg4[%select_n3A_1250, %select_n3A_1266, %dma_wait3A_2122] : memref<26x4096x128xf32, #tpu.memory_space<hbm>> -> memref<1x128x32xf32, #tpu.memory_space<hbm>>
    %dma_wait3A_2124 = tpu.memref_squeeze %dma_wait3A_2123 : memref<1x128x32xf32, #tpu.memory_space<hbm>> -> memref<128x32xf32, #tpu.memory_space<hbm>>
    %dma_wait3A_2125 = arith.constant 0 : i32
    %dma_wait3A_2126 = tpu.memref_slice %arg4[%select_n3A_1250, %select_n3A_1266, %dma_wait3A_2125] : memref<26x4096x128xf32, #tpu.memory_space<hbm>> -> memref<1x128x32xf32, #tpu.memory_space<hbm>>
    %dma_wait3A_2127 = tpu.memref_squeeze %dma_wait3A_2126 : memref<1x128x32xf32, #tpu.memory_space<hbm>> -> memref<128x32xf32, #tpu.memory_space<hbm>>
    %dma_wait3A_2128 = arith.constant 2176 : i32
    %dma_wait3A_2129 = arith.constant 0 : i32
    %dma_wait3A_2130 = tpu.memref_slice %arg6[%dma_wait3A_2128, %dma_wait3A_2129] : memref<3328x32xf32, #tpu.memory_space<vmem>> -> memref<128x32xf32, #tpu.memory_space<vmem>>
    tpu.wait_dma2 semaphore(%arg8 : memref<!tpu.dma_semaphore, #tpu.memory_space<semaphore_mem>>) src(%dma_wait3A_2130 : memref<128x32xf32, #tpu.memory_space<vmem>>) dst(%dma_wait3A_2127 : memref<128x32xf32, #tpu.memory_space<hbm>>)
    %dma_wait3A_2131 = arith.constant 2304 : i32
    %dma_wait3A_2132 = arith.constant 0 : i32
    %dma_wait3A_2133 = tpu.memref_slice %arg6[%dma_wait3A_2131, %dma_wait3A_2132] : memref<3328x32xf32, #tpu.memory_space<vmem>> -> memref<128x32xf32, #tpu.memory_space<vmem>>
    %dma_wait3A_2134 = arith.constant 0 : i32
    %dma_wait3A_2135 = tpu.memref_slice %arg4[%select_n3A_1292, %select_n3A_1308, %dma_wait3A_2134] : memref<26x4096x128xf32, #tpu.memory_space<hbm>> -> memref<1x128x32xf32, #tpu.memory_space<hbm>>
    %dma_wait3A_2136 = tpu.memref_squeeze %dma_wait3A_2135 : memref<1x128x32xf32, #tpu.memory_space<hbm>> -> memref<128x32xf32, #tpu.memory_space<hbm>>
    %dma_wait3A_2137 = arith.constant 0 : i32
    %dma_wait3A_2138 = tpu.memref_slice %arg4[%select_n3A_1292, %select_n3A_1308, %dma_wait3A_2137] : memref<26x4096x128xf32, #tpu.memory_space<hbm>> -> memref<1x128x32xf32, #tpu.memory_space<hbm>>
    %dma_wait3A_2139 = tpu.memref_squeeze %dma_wait3A_2138 : memref<1x128x32xf32, #tpu.memory_space<hbm>> -> memref<128x32xf32, #tpu.memory_space<hbm>>
    %dma_wait3A_2140 = arith.constant 2304 : i32
    %dma_wait3A_2141 = arith.constant 0 : i32
    %dma_wait3A_2142 = tpu.memref_slice %arg6[%dma_wait3A_2140, %dma_wait3A_2141] : memref<3328x32xf32, #tpu.memory_space<vmem>> -> memref<128x32xf32, #tpu.memory_space<vmem>>
    tpu.wait_dma2 semaphore(%arg8 : memref<!tpu.dma_semaphore, #tpu.memory_space<semaphore_mem>>) src(%dma_wait3A_2142 : memref<128x32xf32, #tpu.memory_space<vmem>>) dst(%dma_wait3A_2139 : memref<128x32xf32, #tpu.memory_space<hbm>>)
    %dma_wait3A_2143 = arith.constant 2432 : i32
    %dma_wait3A_2144 = arith.constant 0 : i32
    %dma_wait3A_2145 = tpu.memref_slice %arg6[%dma_wait3A_2143, %dma_wait3A_2144] : memref<3328x32xf32, #tpu.memory_space<vmem>> -> memref<128x32xf32, #tpu.memory_space<vmem>>
    %dma_wait3A_2146 = arith.constant 0 : i32
    %dma_wait3A_2147 = tpu.memref_slice %arg4[%select_n3A_1334, %select_n3A_1350, %dma_wait3A_2146] : memref<26x4096x128xf32, #tpu.memory_space<hbm>> -> memref<1x128x32xf32, #tpu.memory_space<hbm>>
    %dma_wait3A_2148 = tpu.memref_squeeze %dma_wait3A_2147 : memref<1x128x32xf32, #tpu.memory_space<hbm>> -> memref<128x32xf32, #tpu.memory_space<hbm>>
    %dma_wait3A_2149 = arith.constant 0 : i32
    %dma_wait3A_2150 = tpu.memref_slice %arg4[%select_n3A_1334, %select_n3A_1350, %dma_wait3A_2149] : memref<26x4096x128xf32, #tpu.memory_space<hbm>> -> memref<1x128x32xf32, #tpu.memory_space<hbm>>
    %dma_wait3A_2151 = tpu.memref_squeeze %dma_wait3A_2150 : memref<1x128x32xf32, #tpu.memory_space<hbm>> -> memref<128x32xf32, #tpu.memory_space<hbm>>
    %dma_wait3A_2152 = arith.constant 2432 : i32
    %dma_wait3A_2153 = arith.constant 0 : i32
    %dma_wait3A_2154 = tpu.memref_slice %arg6[%dma_wait3A_2152, %dma_wait3A_2153] : memref<3328x32xf32, #tpu.memory_space<vmem>> -> memref<128x32xf32, #tpu.memory_space<vmem>>
    tpu.wait_dma2 semaphore(%arg8 : memref<!tpu.dma_semaphore, #tpu.memory_space<semaphore_mem>>) src(%dma_wait3A_2154 : memref<128x32xf32, #tpu.memory_space<vmem>>) dst(%dma_wait3A_2151 : memref<128x32xf32, #tpu.memory_space<hbm>>)
    %dma_wait3A_2155 = arith.constant 2560 : i32
    %dma_wait3A_2156 = arith.constant 0 : i32
    %dma_wait3A_2157 = tpu.memref_slice %arg6[%dma_wait3A_2155, %dma_wait3A_2156] : memref<3328x32xf32, #tpu.memory_space<vmem>> -> memref<128x32xf32, #tpu.memory_space<vmem>>
    %dma_wait3A_2158 = arith.constant 0 : i32
    %dma_wait3A_2159 = tpu.memref_slice %arg4[%select_n3A_1376, %select_n3A_1392, %dma_wait3A_2158] : memref<26x4096x128xf32, #tpu.memory_space<hbm>> -> memref<1x128x32xf32, #tpu.memory_space<hbm>>
    %dma_wait3A_2160 = tpu.memref_squeeze %dma_wait3A_2159 : memref<1x128x32xf32, #tpu.memory_space<hbm>> -> memref<128x32xf32, #tpu.memory_space<hbm>>
    %dma_wait3A_2161 = arith.constant 0 : i32
    %dma_wait3A_2162 = tpu.memref_slice %arg4[%select_n3A_1376, %select_n3A_1392, %dma_wait3A_2161] : memref<26x4096x128xf32, #tpu.memory_space<hbm>> -> memref<1x128x32xf32, #tpu.memory_space<hbm>>
    %dma_wait3A_2163 = tpu.memref_squeeze %dma_wait3A_2162 : memref<1x128x32xf32, #tpu.memory_space<hbm>> -> memref<128x32xf32, #tpu.memory_space<hbm>>
    %dma_wait3A_2164 = arith.constant 2560 : i32
    %dma_wait3A_2165 = arith.constant 0 : i32
    %dma_wait3A_2166 = tpu.memref_slice %arg6[%dma_wait3A_2164, %dma_wait3A_2165] : memref<3328x32xf32, #tpu.memory_space<vmem>> -> memref<128x32xf32, #tpu.memory_space<vmem>>
    tpu.wait_dma2 semaphore(%arg8 : memref<!tpu.dma_semaphore, #tpu.memory_space<semaphore_mem>>) src(%dma_wait3A_2166 : memref<128x32xf32, #tpu.memory_space<vmem>>) dst(%dma_wait3A_2163 : memref<128x32xf32, #tpu.memory_space<hbm>>)
    %dma_wait3A_2167 = arith.constant 2688 : i32
    %dma_wait3A_2168 = arith.constant 0 : i32
    %dma_wait3A_2169 = tpu.memref_slice %arg6[%dma_wait3A_2167, %dma_wait3A_2168] : memref<3328x32xf32, #tpu.memory_space<vmem>> -> memref<128x32xf32, #tpu.memory_space<vmem>>
    %dma_wait3A_2170 = arith.constant 0 : i32
    %dma_wait3A_2171 = tpu.memref_slice %arg4[%select_n3A_1418, %select_n3A_1434, %dma_wait3A_2170] : memref<26x4096x128xf32, #tpu.memory_space<hbm>> -> memref<1x128x32xf32, #tpu.memory_space<hbm>>
    %dma_wait3A_2172 = tpu.memref_squeeze %dma_wait3A_2171 : memref<1x128x32xf32, #tpu.memory_space<hbm>> -> memref<128x32xf32, #tpu.memory_space<hbm>>
    %dma_wait3A_2173 = arith.constant 0 : i32
    %dma_wait3A_2174 = tpu.memref_slice %arg4[%select_n3A_1418, %select_n3A_1434, %dma_wait3A_2173] : memref<26x4096x128xf32, #tpu.memory_space<hbm>> -> memref<1x128x32xf32, #tpu.memory_space<hbm>>
    %dma_wait3A_2175 = tpu.memref_squeeze %dma_wait3A_2174 : memref<1x128x32xf32, #tpu.memory_space<hbm>> -> memref<128x32xf32, #tpu.memory_space<hbm>>
    %dma_wait3A_2176 = arith.constant 2688 : i32
    %dma_wait3A_2177 = arith.constant 0 : i32
    %dma_wait3A_2178 = tpu.memref_slice %arg6[%dma_wait3A_2176, %dma_wait3A_2177] : memref<3328x32xf32, #tpu.memory_space<vmem>> -> memref<128x32xf32, #tpu.memory_space<vmem>>
    tpu.wait_dma2 semaphore(%arg8 : memref<!tpu.dma_semaphore, #tpu.memory_space<semaphore_mem>>) src(%dma_wait3A_2178 : memref<128x32xf32, #tpu.memory_space<vmem>>) dst(%dma_wait3A_2175 : memref<128x32xf32, #tpu.memory_space<hbm>>)
    %dma_wait3A_2179 = arith.constant 2816 : i32
    %dma_wait3A_2180 = arith.constant 0 : i32
    %dma_wait3A_2181 = tpu.memref_slice %arg6[%dma_wait3A_2179, %dma_wait3A_2180] : memref<3328x32xf32, #tpu.memory_space<vmem>> -> memref<128x32xf32, #tpu.memory_space<vmem>>
    %dma_wait3A_2182 = arith.constant 0 : i32
    %dma_wait3A_2183 = tpu.memref_slice %arg4[%select_n3A_1460, %select_n3A_1476, %dma_wait3A_2182] : memref<26x4096x128xf32, #tpu.memory_space<hbm>> -> memref<1x128x32xf32, #tpu.memory_space<hbm>>
    %dma_wait3A_2184 = tpu.memref_squeeze %dma_wait3A_2183 : memref<1x128x32xf32, #tpu.memory_space<hbm>> -> memref<128x32xf32, #tpu.memory_space<hbm>>
    %dma_wait3A_2185 = arith.constant 0 : i32
    %dma_wait3A_2186 = tpu.memref_slice %arg4[%select_n3A_1460, %select_n3A_1476, %dma_wait3A_2185] : memref<26x4096x128xf32, #tpu.memory_space<hbm>> -> memref<1x128x32xf32, #tpu.memory_space<hbm>>
    %dma_wait3A_2187 = tpu.memref_squeeze %dma_wait3A_2186 : memref<1x128x32xf32, #tpu.memory_space<hbm>> -> memref<128x32xf32, #tpu.memory_space<hbm>>
    %dma_wait3A_2188 = arith.constant 2816 : i32
    %dma_wait3A_2189 = arith.constant 0 : i32
    %dma_wait3A_2190 = tpu.memref_slice %arg6[%dma_wait3A_2188, %dma_wait3A_2189] : memref<3328x32xf32, #tpu.memory_space<vmem>> -> memref<128x32xf32, #tpu.memory_space<vmem>>
    tpu.wait_dma2 semaphore(%arg8 : memref<!tpu.dma_semaphore, #tpu.memory_space<semaphore_mem>>) src(%dma_wait3A_2190 : memref<128x32xf32, #tpu.memory_space<vmem>>) dst(%dma_wait3A_2187 : memref<128x32xf32, #tpu.memory_space<hbm>>)
    %dma_wait3A_2191 = arith.constant 2944 : i32
    %dma_wait3A_2192 = arith.constant 0 : i32
    %dma_wait3A_2193 = tpu.memref_slice %arg6[%dma_wait3A_2191, %dma_wait3A_2192] : memref<3328x32xf32, #tpu.memory_space<vmem>> -> memref<128x32xf32, #tpu.memory_space<vmem>>
    %dma_wait3A_2194 = arith.constant 0 : i32
    %dma_wait3A_2195 = tpu.memref_slice %arg4[%select_n3A_1502, %select_n3A_1518, %dma_wait3A_2194] : memref<26x4096x128xf32, #tpu.memory_space<hbm>> -> memref<1x128x32xf32, #tpu.memory_space<hbm>>
    %dma_wait3A_2196 = tpu.memref_squeeze %dma_wait3A_2195 : memref<1x128x32xf32, #tpu.memory_space<hbm>> -> memref<128x32xf32, #tpu.memory_space<hbm>>
    %dma_wait3A_2197 = arith.constant 0 : i32
    %dma_wait3A_2198 = tpu.memref_slice %arg4[%select_n3A_1502, %select_n3A_1518, %dma_wait3A_2197] : memref<26x4096x128xf32, #tpu.memory_space<hbm>> -> memref<1x128x32xf32, #tpu.memory_space<hbm>>
    %dma_wait3A_2199 = tpu.memref_squeeze %dma_wait3A_2198 : memref<1x128x32xf32, #tpu.memory_space<hbm>> -> memref<128x32xf32, #tpu.memory_space<hbm>>
    %dma_wait3A_2200 = arith.constant 2944 : i32
    %dma_wait3A_2201 = arith.constant 0 : i32
    %dma_wait3A_2202 = tpu.memref_slice %arg6[%dma_wait3A_2200, %dma_wait3A_2201] : memref<3328x32xf32, #tpu.memory_space<vmem>> -> memref<128x32xf32, #tpu.memory_space<vmem>>
    tpu.wait_dma2 semaphore(%arg8 : memref<!tpu.dma_semaphore, #tpu.memory_space<semaphore_mem>>) src(%dma_wait3A_2202 : memref<128x32xf32, #tpu.memory_space<vmem>>) dst(%dma_wait3A_2199 : memref<128x32xf32, #tpu.memory_space<hbm>>)
    %dma_wait3A_2203 = arith.constant 3072 : i32
    %dma_wait3A_2204 = arith.constant 0 : i32
    %dma_wait3A_2205 = tpu.memref_slice %arg6[%dma_wait3A_2203, %dma_wait3A_2204] : memref<3328x32xf32, #tpu.memory_space<vmem>> -> memref<128x32xf32, #tpu.memory_space<vmem>>
    %dma_wait3A_2206 = arith.constant 0 : i32
    %dma_wait3A_2207 = tpu.memref_slice %arg4[%select_n3A_1544, %select_n3A_1560, %dma_wait3A_2206] : memref<26x4096x128xf32, #tpu.memory_space<hbm>> -> memref<1x128x32xf32, #tpu.memory_space<hbm>>
    %dma_wait3A_2208 = tpu.memref_squeeze %dma_wait3A_2207 : memref<1x128x32xf32, #tpu.memory_space<hbm>> -> memref<128x32xf32, #tpu.memory_space<hbm>>
    %dma_wait3A_2209 = arith.constant 0 : i32
    %dma_wait3A_2210 = tpu.memref_slice %arg4[%select_n3A_1544, %select_n3A_1560, %dma_wait3A_2209] : memref<26x4096x128xf32, #tpu.memory_space<hbm>> -> memref<1x128x32xf32, #tpu.memory_space<hbm>>
    %dma_wait3A_2211 = tpu.memref_squeeze %dma_wait3A_2210 : memref<1x128x32xf32, #tpu.memory_space<hbm>> -> memref<128x32xf32, #tpu.memory_space<hbm>>
    %dma_wait3A_2212 = arith.constant 3072 : i32
    %dma_wait3A_2213 = arith.constant 0 : i32
    %dma_wait3A_2214 = tpu.memref_slice %arg6[%dma_wait3A_2212, %dma_wait3A_2213] : memref<3328x32xf32, #tpu.memory_space<vmem>> -> memref<128x32xf32, #tpu.memory_space<vmem>>
    tpu.wait_dma2 semaphore(%arg8 : memref<!tpu.dma_semaphore, #tpu.memory_space<semaphore_mem>>) src(%dma_wait3A_2214 : memref<128x32xf32, #tpu.memory_space<vmem>>) dst(%dma_wait3A_2211 : memref<128x32xf32, #tpu.memory_space<hbm>>)
    %dma_wait3A_2215 = arith.constant 3200 : i32
    %dma_wait3A_2216 = arith.constant 0 : i32
    %dma_wait3A_2217 = tpu.memref_slice %arg6[%dma_wait3A_2215, %dma_wait3A_2216] : memref<3328x32xf32, #tpu.memory_space<vmem>> -> memref<128x32xf32, #tpu.memory_space<vmem>>
    %dma_wait3A_2218 = arith.constant 0 : i32
    %dma_wait3A_2219 = tpu.memref_slice %arg4[%select_n3A_1586, %select_n3A_1602, %dma_wait3A_2218] : memref<26x4096x128xf32, #tpu.memory_space<hbm>> -> memref<1x128x32xf32, #tpu.memory_space<hbm>>
    %dma_wait3A_2220 = tpu.memref_squeeze %dma_wait3A_2219 : memref<1x128x32xf32, #tpu.memory_space<hbm>> -> memref<128x32xf32, #tpu.memory_space<hbm>>
    %dma_wait3A_2221 = arith.constant 0 : i32
    %dma_wait3A_2222 = tpu.memref_slice %arg4[%select_n3A_1586, %select_n3A_1602, %dma_wait3A_2221] : memref<26x4096x128xf32, #tpu.memory_space<hbm>> -> memref<1x128x32xf32, #tpu.memory_space<hbm>>
    %dma_wait3A_2223 = tpu.memref_squeeze %dma_wait3A_2222 : memref<1x128x32xf32, #tpu.memory_space<hbm>> -> memref<128x32xf32, #tpu.memory_space<hbm>>
    %dma_wait3A_2224 = arith.constant 3200 : i32
    %dma_wait3A_2225 = arith.constant 0 : i32
    %dma_wait3A_2226 = tpu.memref_slice %arg6[%dma_wait3A_2224, %dma_wait3A_2225] : memref<3328x32xf32, #tpu.memory_space<vmem>> -> memref<128x32xf32, #tpu.memory_space<vmem>>
    tpu.wait_dma2 semaphore(%arg8 : memref<!tpu.dma_semaphore, #tpu.memory_space<semaphore_mem>>) src(%dma_wait3A_2226 : memref<128x32xf32, #tpu.memory_space<vmem>>) dst(%dma_wait3A_2223 : memref<128x32xf32, #tpu.memory_space<hbm>>)
    return
  }
}

module attributes {stable_mosaic.version = 14 : i64} {
  func.func @_mlp_body(%arg0: i32, %arg1: memref<26x1024x128xf32, #tpu.memory_space<vmem>>, %arg2: memref<256x832xf32, #tpu.memory_space<vmem>>, %arg3: memref<256x325xf32, #tpu.memory_space<vmem>>, %arg4: memref<256x1xf32, #tpu.memory_space<vmem>>, %arg5: memref<128x256xf32, #tpu.memory_space<vmem>>, %arg6: memref<128x1xf32, #tpu.memory_space<vmem>>, %arg7: memref<128x1xf32, #tpu.memory_space<vmem>>, %arg8: memref<1x1xf32, #tpu.memory_space<vmem>>, %arg9: memref<1x1x1024xf32, #tpu.memory_space<vmem>>) attributes {dimension_semantics = [#tpu.dimension_semantics<arbitrary>], iteration_bounds = array<i64: 4>, scalar_prefetch = 0 : i64, scratch_operands = 0 : i64, tpu.core_type = #tpu.core_type<tc>, window_params = [{transform_indices = @transform_0, window_bounds = array<i64: 26, 1024, 128>}, {pipeline_mode = #tpu.pipeline_mode<synchronous>, transform_indices = @transform_1, window_bounds = array<i64: 256, 832>}, {pipeline_mode = #tpu.pipeline_mode<synchronous>, transform_indices = @transform_2, window_bounds = array<i64: 256, 325>}, {pipeline_mode = #tpu.pipeline_mode<synchronous>, transform_indices = @transform_3, window_bounds = array<i64: 256, 1>}, {pipeline_mode = #tpu.pipeline_mode<synchronous>, transform_indices = @transform_4, window_bounds = array<i64: 128, 256>}, {pipeline_mode = #tpu.pipeline_mode<synchronous>, transform_indices = @transform_5, window_bounds = array<i64: 128, 1>}, {pipeline_mode = #tpu.pipeline_mode<synchronous>, transform_indices = @transform_6, window_bounds = array<i64: 128, 1>}, {pipeline_mode = #tpu.pipeline_mode<synchronous>, transform_indices = @transform_7, window_bounds = array<i64: 1, 1>}, {transform_indices = @transform_8, window_bounds = array<i64: 1, 1, 1024>}]} {
    %get3A = arith.constant 0 : index
    %get3A_0 = arith.constant 0 : index
    %get3A_1 = arith.constant 0 : index
    %get3A_2 = vector.load %arg1[%get3A, %get3A_0, %get3A_1] : memref<26x1024x128xf32, #tpu.memory_space<vmem>>, vector<26x1024x128xf32>
    %slice3A = vector.extract_strided_slice %get3A_2 {offsets = [0, 0, 0], sizes = [1, 1024, 128], strides = [1, 1, 1]} : vector<26x1024x128xf32> to vector<1x1024x128xf32>
    %squeeze3A = vector.shape_cast %slice3A : vector<1x1024x128xf32> to vector<1024x128xf32>
    %transpose3A = tpu.transpose %squeeze3A, [1, 0] : vector<1024x128xf32> -> vector<128x1024xf32>
    %slice3A_3 = vector.extract_strided_slice %transpose3A {offsets = [0, 0], sizes = [32, 1024], strides = [1, 1]} : vector<128x1024xf32> to vector<32x1024xf32>
    %slice3A_4 = vector.extract_strided_slice %get3A_2 {offsets = [1, 0, 0], sizes = [1, 1024, 128], strides = [1, 1, 1]} : vector<26x1024x128xf32> to vector<1x1024x128xf32>
    %squeeze3A_5 = vector.shape_cast %slice3A_4 : vector<1x1024x128xf32> to vector<1024x128xf32>
    %transpose3A_6 = tpu.transpose %squeeze3A_5, [1, 0] : vector<1024x128xf32> -> vector<128x1024xf32>
    %slice3A_7 = vector.extract_strided_slice %transpose3A_6 {offsets = [0, 0], sizes = [32, 1024], strides = [1, 1]} : vector<128x1024xf32> to vector<32x1024xf32>
    %slice3A_8 = vector.extract_strided_slice %get3A_2 {offsets = [2, 0, 0], sizes = [1, 1024, 128], strides = [1, 1, 1]} : vector<26x1024x128xf32> to vector<1x1024x128xf32>
    %squeeze3A_9 = vector.shape_cast %slice3A_8 : vector<1x1024x128xf32> to vector<1024x128xf32>
    %transpose3A_10 = tpu.transpose %squeeze3A_9, [1, 0] : vector<1024x128xf32> -> vector<128x1024xf32>
    %slice3A_11 = vector.extract_strided_slice %transpose3A_10 {offsets = [0, 0], sizes = [32, 1024], strides = [1, 1]} : vector<128x1024xf32> to vector<32x1024xf32>
    %slice3A_12 = vector.extract_strided_slice %get3A_2 {offsets = [3, 0, 0], sizes = [1, 1024, 128], strides = [1, 1, 1]} : vector<26x1024x128xf32> to vector<1x1024x128xf32>
    %squeeze3A_13 = vector.shape_cast %slice3A_12 : vector<1x1024x128xf32> to vector<1024x128xf32>
    %transpose3A_14 = tpu.transpose %squeeze3A_13, [1, 0] : vector<1024x128xf32> -> vector<128x1024xf32>
    %slice3A_15 = vector.extract_strided_slice %transpose3A_14 {offsets = [0, 0], sizes = [32, 1024], strides = [1, 1]} : vector<128x1024xf32> to vector<32x1024xf32>
    %slice3A_16 = vector.extract_strided_slice %get3A_2 {offsets = [4, 0, 0], sizes = [1, 1024, 128], strides = [1, 1, 1]} : vector<26x1024x128xf32> to vector<1x1024x128xf32>
    %squeeze3A_17 = vector.shape_cast %slice3A_16 : vector<1x1024x128xf32> to vector<1024x128xf32>
    %transpose3A_18 = tpu.transpose %squeeze3A_17, [1, 0] : vector<1024x128xf32> -> vector<128x1024xf32>
    %slice3A_19 = vector.extract_strided_slice %transpose3A_18 {offsets = [0, 0], sizes = [32, 1024], strides = [1, 1]} : vector<128x1024xf32> to vector<32x1024xf32>
    %slice3A_20 = vector.extract_strided_slice %get3A_2 {offsets = [5, 0, 0], sizes = [1, 1024, 128], strides = [1, 1, 1]} : vector<26x1024x128xf32> to vector<1x1024x128xf32>
    %squeeze3A_21 = vector.shape_cast %slice3A_20 : vector<1x1024x128xf32> to vector<1024x128xf32>
    %transpose3A_22 = tpu.transpose %squeeze3A_21, [1, 0] : vector<1024x128xf32> -> vector<128x1024xf32>
    %slice3A_23 = vector.extract_strided_slice %transpose3A_22 {offsets = [0, 0], sizes = [32, 1024], strides = [1, 1]} : vector<128x1024xf32> to vector<32x1024xf32>
    %slice3A_24 = vector.extract_strided_slice %get3A_2 {offsets = [6, 0, 0], sizes = [1, 1024, 128], strides = [1, 1, 1]} : vector<26x1024x128xf32> to vector<1x1024x128xf32>
    %squeeze3A_25 = vector.shape_cast %slice3A_24 : vector<1x1024x128xf32> to vector<1024x128xf32>
    %transpose3A_26 = tpu.transpose %squeeze3A_25, [1, 0] : vector<1024x128xf32> -> vector<128x1024xf32>
    %slice3A_27 = vector.extract_strided_slice %transpose3A_26 {offsets = [0, 0], sizes = [32, 1024], strides = [1, 1]} : vector<128x1024xf32> to vector<32x1024xf32>
    %slice3A_28 = vector.extract_strided_slice %get3A_2 {offsets = [7, 0, 0], sizes = [1, 1024, 128], strides = [1, 1, 1]} : vector<26x1024x128xf32> to vector<1x1024x128xf32>
    %squeeze3A_29 = vector.shape_cast %slice3A_28 : vector<1x1024x128xf32> to vector<1024x128xf32>
    %transpose3A_30 = tpu.transpose %squeeze3A_29, [1, 0] : vector<1024x128xf32> -> vector<128x1024xf32>
    %slice3A_31 = vector.extract_strided_slice %transpose3A_30 {offsets = [0, 0], sizes = [32, 1024], strides = [1, 1]} : vector<128x1024xf32> to vector<32x1024xf32>
    %slice3A_32 = vector.extract_strided_slice %get3A_2 {offsets = [8, 0, 0], sizes = [1, 1024, 128], strides = [1, 1, 1]} : vector<26x1024x128xf32> to vector<1x1024x128xf32>
    %squeeze3A_33 = vector.shape_cast %slice3A_32 : vector<1x1024x128xf32> to vector<1024x128xf32>
    %transpose3A_34 = tpu.transpose %squeeze3A_33, [1, 0] : vector<1024x128xf32> -> vector<128x1024xf32>
    %slice3A_35 = vector.extract_strided_slice %transpose3A_34 {offsets = [0, 0], sizes = [32, 1024], strides = [1, 1]} : vector<128x1024xf32> to vector<32x1024xf32>
    %slice3A_36 = vector.extract_strided_slice %get3A_2 {offsets = [9, 0, 0], sizes = [1, 1024, 128], strides = [1, 1, 1]} : vector<26x1024x128xf32> to vector<1x1024x128xf32>
    %squeeze3A_37 = vector.shape_cast %slice3A_36 : vector<1x1024x128xf32> to vector<1024x128xf32>
    %transpose3A_38 = tpu.transpose %squeeze3A_37, [1, 0] : vector<1024x128xf32> -> vector<128x1024xf32>
    %slice3A_39 = vector.extract_strided_slice %transpose3A_38 {offsets = [0, 0], sizes = [32, 1024], strides = [1, 1]} : vector<128x1024xf32> to vector<32x1024xf32>
    %slice3A_40 = vector.extract_strided_slice %get3A_2 {offsets = [10, 0, 0], sizes = [1, 1024, 128], strides = [1, 1, 1]} : vector<26x1024x128xf32> to vector<1x1024x128xf32>
    %squeeze3A_41 = vector.shape_cast %slice3A_40 : vector<1x1024x128xf32> to vector<1024x128xf32>
    %transpose3A_42 = tpu.transpose %squeeze3A_41, [1, 0] : vector<1024x128xf32> -> vector<128x1024xf32>
    %slice3A_43 = vector.extract_strided_slice %transpose3A_42 {offsets = [0, 0], sizes = [32, 1024], strides = [1, 1]} : vector<128x1024xf32> to vector<32x1024xf32>
    %slice3A_44 = vector.extract_strided_slice %get3A_2 {offsets = [11, 0, 0], sizes = [1, 1024, 128], strides = [1, 1, 1]} : vector<26x1024x128xf32> to vector<1x1024x128xf32>
    %squeeze3A_45 = vector.shape_cast %slice3A_44 : vector<1x1024x128xf32> to vector<1024x128xf32>
    %transpose3A_46 = tpu.transpose %squeeze3A_45, [1, 0] : vector<1024x128xf32> -> vector<128x1024xf32>
    %slice3A_47 = vector.extract_strided_slice %transpose3A_46 {offsets = [0, 0], sizes = [32, 1024], strides = [1, 1]} : vector<128x1024xf32> to vector<32x1024xf32>
    %slice3A_48 = vector.extract_strided_slice %get3A_2 {offsets = [12, 0, 0], sizes = [1, 1024, 128], strides = [1, 1, 1]} : vector<26x1024x128xf32> to vector<1x1024x128xf32>
    %squeeze3A_49 = vector.shape_cast %slice3A_48 : vector<1x1024x128xf32> to vector<1024x128xf32>
    %transpose3A_50 = tpu.transpose %squeeze3A_49, [1, 0] : vector<1024x128xf32> -> vector<128x1024xf32>
    %slice3A_51 = vector.extract_strided_slice %transpose3A_50 {offsets = [0, 0], sizes = [32, 1024], strides = [1, 1]} : vector<128x1024xf32> to vector<32x1024xf32>
    %slice3A_52 = vector.extract_strided_slice %get3A_2 {offsets = [13, 0, 0], sizes = [1, 1024, 128], strides = [1, 1, 1]} : vector<26x1024x128xf32> to vector<1x1024x128xf32>
    %squeeze3A_53 = vector.shape_cast %slice3A_52 : vector<1x1024x128xf32> to vector<1024x128xf32>
    %transpose3A_54 = tpu.transpose %squeeze3A_53, [1, 0] : vector<1024x128xf32> -> vector<128x1024xf32>
    %slice3A_55 = vector.extract_strided_slice %transpose3A_54 {offsets = [0, 0], sizes = [32, 1024], strides = [1, 1]} : vector<128x1024xf32> to vector<32x1024xf32>
    %slice3A_56 = vector.extract_strided_slice %get3A_2 {offsets = [14, 0, 0], sizes = [1, 1024, 128], strides = [1, 1, 1]} : vector<26x1024x128xf32> to vector<1x1024x128xf32>
    %squeeze3A_57 = vector.shape_cast %slice3A_56 : vector<1x1024x128xf32> to vector<1024x128xf32>
    %transpose3A_58 = tpu.transpose %squeeze3A_57, [1, 0] : vector<1024x128xf32> -> vector<128x1024xf32>
    %slice3A_59 = vector.extract_strided_slice %transpose3A_58 {offsets = [0, 0], sizes = [32, 1024], strides = [1, 1]} : vector<128x1024xf32> to vector<32x1024xf32>
    %slice3A_60 = vector.extract_strided_slice %get3A_2 {offsets = [15, 0, 0], sizes = [1, 1024, 128], strides = [1, 1, 1]} : vector<26x1024x128xf32> to vector<1x1024x128xf32>
    %squeeze3A_61 = vector.shape_cast %slice3A_60 : vector<1x1024x128xf32> to vector<1024x128xf32>
    %transpose3A_62 = tpu.transpose %squeeze3A_61, [1, 0] : vector<1024x128xf32> -> vector<128x1024xf32>
    %slice3A_63 = vector.extract_strided_slice %transpose3A_62 {offsets = [0, 0], sizes = [32, 1024], strides = [1, 1]} : vector<128x1024xf32> to vector<32x1024xf32>
    %slice3A_64 = vector.extract_strided_slice %get3A_2 {offsets = [16, 0, 0], sizes = [1, 1024, 128], strides = [1, 1, 1]} : vector<26x1024x128xf32> to vector<1x1024x128xf32>
    %squeeze3A_65 = vector.shape_cast %slice3A_64 : vector<1x1024x128xf32> to vector<1024x128xf32>
    %transpose3A_66 = tpu.transpose %squeeze3A_65, [1, 0] : vector<1024x128xf32> -> vector<128x1024xf32>
    %slice3A_67 = vector.extract_strided_slice %transpose3A_66 {offsets = [0, 0], sizes = [32, 1024], strides = [1, 1]} : vector<128x1024xf32> to vector<32x1024xf32>
    %slice3A_68 = vector.extract_strided_slice %get3A_2 {offsets = [17, 0, 0], sizes = [1, 1024, 128], strides = [1, 1, 1]} : vector<26x1024x128xf32> to vector<1x1024x128xf32>
    %squeeze3A_69 = vector.shape_cast %slice3A_68 : vector<1x1024x128xf32> to vector<1024x128xf32>
    %transpose3A_70 = tpu.transpose %squeeze3A_69, [1, 0] : vector<1024x128xf32> -> vector<128x1024xf32>
    %slice3A_71 = vector.extract_strided_slice %transpose3A_70 {offsets = [0, 0], sizes = [32, 1024], strides = [1, 1]} : vector<128x1024xf32> to vector<32x1024xf32>
    %slice3A_72 = vector.extract_strided_slice %get3A_2 {offsets = [18, 0, 0], sizes = [1, 1024, 128], strides = [1, 1, 1]} : vector<26x1024x128xf32> to vector<1x1024x128xf32>
    %squeeze3A_73 = vector.shape_cast %slice3A_72 : vector<1x1024x128xf32> to vector<1024x128xf32>
    %transpose3A_74 = tpu.transpose %squeeze3A_73, [1, 0] : vector<1024x128xf32> -> vector<128x1024xf32>
    %slice3A_75 = vector.extract_strided_slice %transpose3A_74 {offsets = [0, 0], sizes = [32, 1024], strides = [1, 1]} : vector<128x1024xf32> to vector<32x1024xf32>
    %slice3A_76 = vector.extract_strided_slice %get3A_2 {offsets = [19, 0, 0], sizes = [1, 1024, 128], strides = [1, 1, 1]} : vector<26x1024x128xf32> to vector<1x1024x128xf32>
    %squeeze3A_77 = vector.shape_cast %slice3A_76 : vector<1x1024x128xf32> to vector<1024x128xf32>
    %transpose3A_78 = tpu.transpose %squeeze3A_77, [1, 0] : vector<1024x128xf32> -> vector<128x1024xf32>
    %slice3A_79 = vector.extract_strided_slice %transpose3A_78 {offsets = [0, 0], sizes = [32, 1024], strides = [1, 1]} : vector<128x1024xf32> to vector<32x1024xf32>
    %slice3A_80 = vector.extract_strided_slice %get3A_2 {offsets = [20, 0, 0], sizes = [1, 1024, 128], strides = [1, 1, 1]} : vector<26x1024x128xf32> to vector<1x1024x128xf32>
    %squeeze3A_81 = vector.shape_cast %slice3A_80 : vector<1x1024x128xf32> to vector<1024x128xf32>
    %transpose3A_82 = tpu.transpose %squeeze3A_81, [1, 0] : vector<1024x128xf32> -> vector<128x1024xf32>
    %slice3A_83 = vector.extract_strided_slice %transpose3A_82 {offsets = [0, 0], sizes = [32, 1024], strides = [1, 1]} : vector<128x1024xf32> to vector<32x1024xf32>
    %slice3A_84 = vector.extract_strided_slice %get3A_2 {offsets = [21, 0, 0], sizes = [1, 1024, 128], strides = [1, 1, 1]} : vector<26x1024x128xf32> to vector<1x1024x128xf32>
    %squeeze3A_85 = vector.shape_cast %slice3A_84 : vector<1x1024x128xf32> to vector<1024x128xf32>
    %transpose3A_86 = tpu.transpose %squeeze3A_85, [1, 0] : vector<1024x128xf32> -> vector<128x1024xf32>
    %slice3A_87 = vector.extract_strided_slice %transpose3A_86 {offsets = [0, 0], sizes = [32, 1024], strides = [1, 1]} : vector<128x1024xf32> to vector<32x1024xf32>
    %slice3A_88 = vector.extract_strided_slice %get3A_2 {offsets = [22, 0, 0], sizes = [1, 1024, 128], strides = [1, 1, 1]} : vector<26x1024x128xf32> to vector<1x1024x128xf32>
    %squeeze3A_89 = vector.shape_cast %slice3A_88 : vector<1x1024x128xf32> to vector<1024x128xf32>
    %transpose3A_90 = tpu.transpose %squeeze3A_89, [1, 0] : vector<1024x128xf32> -> vector<128x1024xf32>
    %slice3A_91 = vector.extract_strided_slice %transpose3A_90 {offsets = [0, 0], sizes = [32, 1024], strides = [1, 1]} : vector<128x1024xf32> to vector<32x1024xf32>
    %slice3A_92 = vector.extract_strided_slice %get3A_2 {offsets = [23, 0, 0], sizes = [1, 1024, 128], strides = [1, 1, 1]} : vector<26x1024x128xf32> to vector<1x1024x128xf32>
    %squeeze3A_93 = vector.shape_cast %slice3A_92 : vector<1x1024x128xf32> to vector<1024x128xf32>
    %transpose3A_94 = tpu.transpose %squeeze3A_93, [1, 0] : vector<1024x128xf32> -> vector<128x1024xf32>
    %slice3A_95 = vector.extract_strided_slice %transpose3A_94 {offsets = [0, 0], sizes = [32, 1024], strides = [1, 1]} : vector<128x1024xf32> to vector<32x1024xf32>
    %slice3A_96 = vector.extract_strided_slice %get3A_2 {offsets = [24, 0, 0], sizes = [1, 1024, 128], strides = [1, 1, 1]} : vector<26x1024x128xf32> to vector<1x1024x128xf32>
    %squeeze3A_97 = vector.shape_cast %slice3A_96 : vector<1x1024x128xf32> to vector<1024x128xf32>
    %transpose3A_98 = tpu.transpose %squeeze3A_97, [1, 0] : vector<1024x128xf32> -> vector<128x1024xf32>
    %slice3A_99 = vector.extract_strided_slice %transpose3A_98 {offsets = [0, 0], sizes = [32, 1024], strides = [1, 1]} : vector<128x1024xf32> to vector<32x1024xf32>
    %slice3A_100 = vector.extract_strided_slice %get3A_2 {offsets = [25, 0, 0], sizes = [1, 1024, 128], strides = [1, 1, 1]} : vector<26x1024x128xf32> to vector<1x1024x128xf32>
    %squeeze3A_101 = vector.shape_cast %slice3A_100 : vector<1x1024x128xf32> to vector<1024x128xf32>
    %transpose3A_102 = tpu.transpose %squeeze3A_101, [1, 0] : vector<1024x128xf32> -> vector<128x1024xf32>
    %slice3A_103 = vector.extract_strided_slice %transpose3A_102 {offsets = [0, 0], sizes = [32, 1024], strides = [1, 1]} : vector<128x1024xf32> to vector<32x1024xf32>
    %concatenate3A = tpu.concatenate %slice3A_3, %slice3A_7, %slice3A_11, %slice3A_15, %slice3A_19, %slice3A_23, %slice3A_27, %slice3A_31, %slice3A_35, %slice3A_39, %slice3A_43, %slice3A_47, %slice3A_51, %slice3A_55, %slice3A_59, %slice3A_63, %slice3A_67, %slice3A_71, %slice3A_75, %slice3A_79, %slice3A_83, %slice3A_87, %slice3A_91, %slice3A_95, %slice3A_99, %slice3A_103 in 0 : vector<32x1024xf32>, vector<32x1024xf32>, vector<32x1024xf32>, vector<32x1024xf32>, vector<32x1024xf32>, vector<32x1024xf32>, vector<32x1024xf32>, vector<32x1024xf32>, vector<32x1024xf32>, vector<32x1024xf32>, vector<32x1024xf32>, vector<32x1024xf32>, vector<32x1024xf32>, vector<32x1024xf32>, vector<32x1024xf32>, vector<32x1024xf32>, vector<32x1024xf32>, vector<32x1024xf32>, vector<32x1024xf32>, vector<32x1024xf32>, vector<32x1024xf32>, vector<32x1024xf32>, vector<32x1024xf32>, vector<32x1024xf32>, vector<32x1024xf32>, vector<32x1024xf32> -> vector<832x1024xf32>
    %get3A_104 = arith.constant 0 : index
    %get3A_105 = arith.constant 0 : index
    %get3A_106 = vector.load %arg2[%get3A_104, %get3A_105] : memref<256x832xf32, #tpu.memory_space<vmem>>, vector<256x832xf32>
    %dot_general3A = arith.constant dense<0.000000e+00> : vector<256x1024xf32>
    %dot_general3A_107 = tpu.matmul %get3A_106, %concatenate3A, %dot_general3A {dimension_numbers = #tpu.dot_dimension_numbers<[1], [0], [0], [1], [0, 0, 1, 1], [], []>, transpose_lhs_hint = false} : vector<256x832xf32>, vector<832x1024xf32>, vector<256x1024xf32> -> vector<256x1024xf32>
    %slice3A_108 = vector.extract_strided_slice %concatenate3A {offsets = [0, 0], sizes = [800, 1024], strides = [1, 1]} : vector<832x1024xf32> to vector<800x1024xf32>
    %slice3A_109 = vector.extract_strided_slice %concatenate3A {offsets = [32, 0], sizes = [800, 1024], strides = [1, 1]} : vector<832x1024xf32> to vector<800x1024xf32>
    %mul3A = arith.mulf %slice3A_108, %slice3A_109 : vector<800x1024xf32>
    %reshape3A = vector.shape_cast %mul3A : vector<800x1024xf32> to vector<25x32x1024xf32>
    %reduce_sum3A = arith.constant dense<0.000000e+00> : vector<25x1024xf32>
    %reduce_sum3A_110 = vector.multi_reduction <add>, %reshape3A, %reduce_sum3A [1] : vector<25x32x1024xf32> to vector<25x1024xf32>
    %get3A_111 = arith.constant 0 : index
    %get3A_112 = arith.constant 0 : index
    %get3A_113 = vector.load %arg3[%get3A_111, %get3A_112] : memref<256x325xf32, #tpu.memory_space<vmem>>, vector<256x25xf32>
    %dot_general3A_114 = arith.constant dense<0.000000e+00> : vector<256x1024xf32>
    %dot_general3A_115 = tpu.matmul %get3A_113, %reduce_sum3A_110, %dot_general3A_114 {dimension_numbers = #tpu.dot_dimension_numbers<[1], [0], [0], [1], [0, 0, 1, 1], [], []>, transpose_lhs_hint = false} : vector<256x25xf32>, vector<25x1024xf32>, vector<256x1024xf32> -> vector<256x1024xf32>
    %add3A = arith.addf %dot_general3A_107, %dot_general3A_115 : vector<256x1024xf32>
    %slice3A_116 = vector.extract_strided_slice %concatenate3A {offsets = [0, 0], sizes = [768, 1024], strides = [1, 1]} : vector<832x1024xf32> to vector<768x1024xf32>
    %slice3A_117 = vector.extract_strided_slice %concatenate3A {offsets = [64, 0], sizes = [768, 1024], strides = [1, 1]} : vector<832x1024xf32> to vector<768x1024xf32>
    %mul3A_118 = arith.mulf %slice3A_116, %slice3A_117 : vector<768x1024xf32>
    %reshape3A_119 = vector.shape_cast %mul3A_118 : vector<768x1024xf32> to vector<24x32x1024xf32>
    %reduce_sum3A_120 = arith.constant dense<0.000000e+00> : vector<24x1024xf32>
    %reduce_sum3A_121 = vector.multi_reduction <add>, %reshape3A_119, %reduce_sum3A_120 [1] : vector<24x32x1024xf32> to vector<24x1024xf32>
    %get3A_122 = arith.constant 0 : index
    %get3A_123 = arith.constant 25 : index
    %get3A_124 = vector.load %arg3[%get3A_122, %get3A_123] : memref<256x325xf32, #tpu.memory_space<vmem>>, vector<256x24xf32>
    %dot_general3A_125 = arith.constant dense<0.000000e+00> : vector<256x1024xf32>
    %dot_general3A_126 = tpu.matmul %get3A_124, %reduce_sum3A_121, %dot_general3A_125 {dimension_numbers = #tpu.dot_dimension_numbers<[1], [0], [0], [1], [0, 0, 1, 1], [], []>, transpose_lhs_hint = false} : vector<256x24xf32>, vector<24x1024xf32>, vector<256x1024xf32> -> vector<256x1024xf32>
    %add3A_127 = arith.addf %add3A, %dot_general3A_126 : vector<256x1024xf32>
    %slice3A_128 = vector.extract_strided_slice %concatenate3A {offsets = [0, 0], sizes = [736, 1024], strides = [1, 1]} : vector<832x1024xf32> to vector<736x1024xf32>
    %slice3A_129 = vector.extract_strided_slice %concatenate3A {offsets = [96, 0], sizes = [736, 1024], strides = [1, 1]} : vector<832x1024xf32> to vector<736x1024xf32>
    %mul3A_130 = arith.mulf %slice3A_128, %slice3A_129 : vector<736x1024xf32>
    %reshape3A_131 = vector.shape_cast %mul3A_130 : vector<736x1024xf32> to vector<23x32x1024xf32>
    %reduce_sum3A_132 = arith.constant dense<0.000000e+00> : vector<23x1024xf32>
    %reduce_sum3A_133 = vector.multi_reduction <add>, %reshape3A_131, %reduce_sum3A_132 [1] : vector<23x32x1024xf32> to vector<23x1024xf32>
    %get3A_134 = arith.constant 0 : index
    %get3A_135 = arith.constant 49 : index
    %get3A_136 = vector.load %arg3[%get3A_134, %get3A_135] : memref<256x325xf32, #tpu.memory_space<vmem>>, vector<256x23xf32>
    %dot_general3A_137 = arith.constant dense<0.000000e+00> : vector<256x1024xf32>
    %dot_general3A_138 = tpu.matmul %get3A_136, %reduce_sum3A_133, %dot_general3A_137 {dimension_numbers = #tpu.dot_dimension_numbers<[1], [0], [0], [1], [0, 0, 1, 1], [], []>, transpose_lhs_hint = false} : vector<256x23xf32>, vector<23x1024xf32>, vector<256x1024xf32> -> vector<256x1024xf32>
    %add3A_139 = arith.addf %add3A_127, %dot_general3A_138 : vector<256x1024xf32>
    %slice3A_140 = vector.extract_strided_slice %concatenate3A {offsets = [0, 0], sizes = [704, 1024], strides = [1, 1]} : vector<832x1024xf32> to vector<704x1024xf32>
    %slice3A_141 = vector.extract_strided_slice %concatenate3A {offsets = [128, 0], sizes = [704, 1024], strides = [1, 1]} : vector<832x1024xf32> to vector<704x1024xf32>
    %mul3A_142 = arith.mulf %slice3A_140, %slice3A_141 : vector<704x1024xf32>
    %reshape3A_143 = vector.shape_cast %mul3A_142 : vector<704x1024xf32> to vector<22x32x1024xf32>
    %reduce_sum3A_144 = arith.constant dense<0.000000e+00> : vector<22x1024xf32>
    %reduce_sum3A_145 = vector.multi_reduction <add>, %reshape3A_143, %reduce_sum3A_144 [1] : vector<22x32x1024xf32> to vector<22x1024xf32>
    %get3A_146 = arith.constant 0 : index
    %get3A_147 = arith.constant 72 : index
    %get3A_148 = vector.load %arg3[%get3A_146, %get3A_147] : memref<256x325xf32, #tpu.memory_space<vmem>>, vector<256x22xf32>
    %dot_general3A_149 = arith.constant dense<0.000000e+00> : vector<256x1024xf32>
    %dot_general3A_150 = tpu.matmul %get3A_148, %reduce_sum3A_145, %dot_general3A_149 {dimension_numbers = #tpu.dot_dimension_numbers<[1], [0], [0], [1], [0, 0, 1, 1], [], []>, transpose_lhs_hint = false} : vector<256x22xf32>, vector<22x1024xf32>, vector<256x1024xf32> -> vector<256x1024xf32>
    %add3A_151 = arith.addf %add3A_139, %dot_general3A_150 : vector<256x1024xf32>
    %slice3A_152 = vector.extract_strided_slice %concatenate3A {offsets = [0, 0], sizes = [672, 1024], strides = [1, 1]} : vector<832x1024xf32> to vector<672x1024xf32>
    %slice3A_153 = vector.extract_strided_slice %concatenate3A {offsets = [160, 0], sizes = [672, 1024], strides = [1, 1]} : vector<832x1024xf32> to vector<672x1024xf32>
    %mul3A_154 = arith.mulf %slice3A_152, %slice3A_153 : vector<672x1024xf32>
    %reshape3A_155 = vector.shape_cast %mul3A_154 : vector<672x1024xf32> to vector<21x32x1024xf32>
    %reduce_sum3A_156 = arith.constant dense<0.000000e+00> : vector<21x1024xf32>
    %reduce_sum3A_157 = vector.multi_reduction <add>, %reshape3A_155, %reduce_sum3A_156 [1] : vector<21x32x1024xf32> to vector<21x1024xf32>
    %get3A_158 = arith.constant 0 : index
    %get3A_159 = arith.constant 94 : index
    %get3A_160 = vector.load %arg3[%get3A_158, %get3A_159] : memref<256x325xf32, #tpu.memory_space<vmem>>, vector<256x21xf32>
    %dot_general3A_161 = arith.constant dense<0.000000e+00> : vector<256x1024xf32>
    %dot_general3A_162 = tpu.matmul %get3A_160, %reduce_sum3A_157, %dot_general3A_161 {dimension_numbers = #tpu.dot_dimension_numbers<[1], [0], [0], [1], [0, 0, 1, 1], [], []>, transpose_lhs_hint = false} : vector<256x21xf32>, vector<21x1024xf32>, vector<256x1024xf32> -> vector<256x1024xf32>
    %add3A_163 = arith.addf %add3A_151, %dot_general3A_162 : vector<256x1024xf32>
    %slice3A_164 = vector.extract_strided_slice %concatenate3A {offsets = [0, 0], sizes = [640, 1024], strides = [1, 1]} : vector<832x1024xf32> to vector<640x1024xf32>
    %slice3A_165 = vector.extract_strided_slice %concatenate3A {offsets = [192, 0], sizes = [640, 1024], strides = [1, 1]} : vector<832x1024xf32> to vector<640x1024xf32>
    %mul3A_166 = arith.mulf %slice3A_164, %slice3A_165 : vector<640x1024xf32>
    %reshape3A_167 = vector.shape_cast %mul3A_166 : vector<640x1024xf32> to vector<20x32x1024xf32>
    %reduce_sum3A_168 = arith.constant dense<0.000000e+00> : vector<20x1024xf32>
    %reduce_sum3A_169 = vector.multi_reduction <add>, %reshape3A_167, %reduce_sum3A_168 [1] : vector<20x32x1024xf32> to vector<20x1024xf32>
    %get3A_170 = arith.constant 0 : index
    %get3A_171 = arith.constant 115 : index
    %get3A_172 = vector.load %arg3[%get3A_170, %get3A_171] : memref<256x325xf32, #tpu.memory_space<vmem>>, vector<256x20xf32>
    %dot_general3A_173 = arith.constant dense<0.000000e+00> : vector<256x1024xf32>
    %dot_general3A_174 = tpu.matmul %get3A_172, %reduce_sum3A_169, %dot_general3A_173 {dimension_numbers = #tpu.dot_dimension_numbers<[1], [0], [0], [1], [0, 0, 1, 1], [], []>, transpose_lhs_hint = false} : vector<256x20xf32>, vector<20x1024xf32>, vector<256x1024xf32> -> vector<256x1024xf32>
    %add3A_175 = arith.addf %add3A_163, %dot_general3A_174 : vector<256x1024xf32>
    %slice3A_176 = vector.extract_strided_slice %concatenate3A {offsets = [0, 0], sizes = [608, 1024], strides = [1, 1]} : vector<832x1024xf32> to vector<608x1024xf32>
    %slice3A_177 = vector.extract_strided_slice %concatenate3A {offsets = [224, 0], sizes = [608, 1024], strides = [1, 1]} : vector<832x1024xf32> to vector<608x1024xf32>
    %mul3A_178 = arith.mulf %slice3A_176, %slice3A_177 : vector<608x1024xf32>
    %reshape3A_179 = vector.shape_cast %mul3A_178 : vector<608x1024xf32> to vector<19x32x1024xf32>
    %reduce_sum3A_180 = arith.constant dense<0.000000e+00> : vector<19x1024xf32>
    %reduce_sum3A_181 = vector.multi_reduction <add>, %reshape3A_179, %reduce_sum3A_180 [1] : vector<19x32x1024xf32> to vector<19x1024xf32>
    %get3A_182 = arith.constant 0 : index
    %get3A_183 = arith.constant 135 : index
    %get3A_184 = vector.load %arg3[%get3A_182, %get3A_183] : memref<256x325xf32, #tpu.memory_space<vmem>>, vector<256x19xf32>
    %dot_general3A_185 = arith.constant dense<0.000000e+00> : vector<256x1024xf32>
    %dot_general3A_186 = tpu.matmul %get3A_184, %reduce_sum3A_181, %dot_general3A_185 {dimension_numbers = #tpu.dot_dimension_numbers<[1], [0], [0], [1], [0, 0, 1, 1], [], []>, transpose_lhs_hint = false} : vector<256x19xf32>, vector<19x1024xf32>, vector<256x1024xf32> -> vector<256x1024xf32>
    %add3A_187 = arith.addf %add3A_175, %dot_general3A_186 : vector<256x1024xf32>
    %slice3A_188 = vector.extract_strided_slice %concatenate3A {offsets = [0, 0], sizes = [576, 1024], strides = [1, 1]} : vector<832x1024xf32> to vector<576x1024xf32>
    %slice3A_189 = vector.extract_strided_slice %concatenate3A {offsets = [256, 0], sizes = [576, 1024], strides = [1, 1]} : vector<832x1024xf32> to vector<576x1024xf32>
    %mul3A_190 = arith.mulf %slice3A_188, %slice3A_189 : vector<576x1024xf32>
    %reshape3A_191 = vector.shape_cast %mul3A_190 : vector<576x1024xf32> to vector<18x32x1024xf32>
    %reduce_sum3A_192 = arith.constant dense<0.000000e+00> : vector<18x1024xf32>
    %reduce_sum3A_193 = vector.multi_reduction <add>, %reshape3A_191, %reduce_sum3A_192 [1] : vector<18x32x1024xf32> to vector<18x1024xf32>
    %get3A_194 = arith.constant 0 : index
    %get3A_195 = arith.constant 154 : index
    %get3A_196 = vector.load %arg3[%get3A_194, %get3A_195] : memref<256x325xf32, #tpu.memory_space<vmem>>, vector<256x18xf32>
    %dot_general3A_197 = arith.constant dense<0.000000e+00> : vector<256x1024xf32>
    %dot_general3A_198 = tpu.matmul %get3A_196, %reduce_sum3A_193, %dot_general3A_197 {dimension_numbers = #tpu.dot_dimension_numbers<[1], [0], [0], [1], [0, 0, 1, 1], [], []>, transpose_lhs_hint = false} : vector<256x18xf32>, vector<18x1024xf32>, vector<256x1024xf32> -> vector<256x1024xf32>
    %add3A_199 = arith.addf %add3A_187, %dot_general3A_198 : vector<256x1024xf32>
    %slice3A_200 = vector.extract_strided_slice %concatenate3A {offsets = [0, 0], sizes = [544, 1024], strides = [1, 1]} : vector<832x1024xf32> to vector<544x1024xf32>
    %slice3A_201 = vector.extract_strided_slice %concatenate3A {offsets = [288, 0], sizes = [544, 1024], strides = [1, 1]} : vector<832x1024xf32> to vector<544x1024xf32>
    %mul3A_202 = arith.mulf %slice3A_200, %slice3A_201 : vector<544x1024xf32>
    %reshape3A_203 = vector.shape_cast %mul3A_202 : vector<544x1024xf32> to vector<17x32x1024xf32>
    %reduce_sum3A_204 = arith.constant dense<0.000000e+00> : vector<17x1024xf32>
    %reduce_sum3A_205 = vector.multi_reduction <add>, %reshape3A_203, %reduce_sum3A_204 [1] : vector<17x32x1024xf32> to vector<17x1024xf32>
    %get3A_206 = arith.constant 0 : index
    %get3A_207 = arith.constant 172 : index
    %get3A_208 = vector.load %arg3[%get3A_206, %get3A_207] : memref<256x325xf32, #tpu.memory_space<vmem>>, vector<256x17xf32>
    %dot_general3A_209 = arith.constant dense<0.000000e+00> : vector<256x1024xf32>
    %dot_general3A_210 = tpu.matmul %get3A_208, %reduce_sum3A_205, %dot_general3A_209 {dimension_numbers = #tpu.dot_dimension_numbers<[1], [0], [0], [1], [0, 0, 1, 1], [], []>, transpose_lhs_hint = false} : vector<256x17xf32>, vector<17x1024xf32>, vector<256x1024xf32> -> vector<256x1024xf32>
    %add3A_211 = arith.addf %add3A_199, %dot_general3A_210 : vector<256x1024xf32>
    %slice3A_212 = vector.extract_strided_slice %concatenate3A {offsets = [0, 0], sizes = [512, 1024], strides = [1, 1]} : vector<832x1024xf32> to vector<512x1024xf32>
    %slice3A_213 = vector.extract_strided_slice %concatenate3A {offsets = [320, 0], sizes = [512, 1024], strides = [1, 1]} : vector<832x1024xf32> to vector<512x1024xf32>
    %mul3A_214 = arith.mulf %slice3A_212, %slice3A_213 : vector<512x1024xf32>
    %reshape3A_215 = vector.shape_cast %mul3A_214 : vector<512x1024xf32> to vector<16x32x1024xf32>
    %reduce_sum3A_216 = arith.constant dense<0.000000e+00> : vector<16x1024xf32>
    %reduce_sum3A_217 = vector.multi_reduction <add>, %reshape3A_215, %reduce_sum3A_216 [1] : vector<16x32x1024xf32> to vector<16x1024xf32>
    %get3A_218 = arith.constant 0 : index
    %get3A_219 = arith.constant 189 : index
    %get3A_220 = vector.load %arg3[%get3A_218, %get3A_219] : memref<256x325xf32, #tpu.memory_space<vmem>>, vector<256x16xf32>
    %dot_general3A_221 = arith.constant dense<0.000000e+00> : vector<256x1024xf32>
    %dot_general3A_222 = tpu.matmul %get3A_220, %reduce_sum3A_217, %dot_general3A_221 {dimension_numbers = #tpu.dot_dimension_numbers<[1], [0], [0], [1], [0, 0, 1, 1], [], []>, transpose_lhs_hint = false} : vector<256x16xf32>, vector<16x1024xf32>, vector<256x1024xf32> -> vector<256x1024xf32>
    %add3A_223 = arith.addf %add3A_211, %dot_general3A_222 : vector<256x1024xf32>
    %slice3A_224 = vector.extract_strided_slice %concatenate3A {offsets = [0, 0], sizes = [480, 1024], strides = [1, 1]} : vector<832x1024xf32> to vector<480x1024xf32>
    %slice3A_225 = vector.extract_strided_slice %concatenate3A {offsets = [352, 0], sizes = [480, 1024], strides = [1, 1]} : vector<832x1024xf32> to vector<480x1024xf32>
    %mul3A_226 = arith.mulf %slice3A_224, %slice3A_225 : vector<480x1024xf32>
    %reshape3A_227 = vector.shape_cast %mul3A_226 : vector<480x1024xf32> to vector<15x32x1024xf32>
    %reduce_sum3A_228 = arith.constant dense<0.000000e+00> : vector<15x1024xf32>
    %reduce_sum3A_229 = vector.multi_reduction <add>, %reshape3A_227, %reduce_sum3A_228 [1] : vector<15x32x1024xf32> to vector<15x1024xf32>
    %get3A_230 = arith.constant 0 : index
    %get3A_231 = arith.constant 205 : index
    %get3A_232 = vector.load %arg3[%get3A_230, %get3A_231] : memref<256x325xf32, #tpu.memory_space<vmem>>, vector<256x15xf32>
    %dot_general3A_233 = arith.constant dense<0.000000e+00> : vector<256x1024xf32>
    %dot_general3A_234 = tpu.matmul %get3A_232, %reduce_sum3A_229, %dot_general3A_233 {dimension_numbers = #tpu.dot_dimension_numbers<[1], [0], [0], [1], [0, 0, 1, 1], [], []>, transpose_lhs_hint = false} : vector<256x15xf32>, vector<15x1024xf32>, vector<256x1024xf32> -> vector<256x1024xf32>
    %add3A_235 = arith.addf %add3A_223, %dot_general3A_234 : vector<256x1024xf32>
    %slice3A_236 = vector.extract_strided_slice %concatenate3A {offsets = [0, 0], sizes = [448, 1024], strides = [1, 1]} : vector<832x1024xf32> to vector<448x1024xf32>
    %slice3A_237 = vector.extract_strided_slice %concatenate3A {offsets = [384, 0], sizes = [448, 1024], strides = [1, 1]} : vector<832x1024xf32> to vector<448x1024xf32>
    %mul3A_238 = arith.mulf %slice3A_236, %slice3A_237 : vector<448x1024xf32>
    %reshape3A_239 = vector.shape_cast %mul3A_238 : vector<448x1024xf32> to vector<14x32x1024xf32>
    %reduce_sum3A_240 = arith.constant dense<0.000000e+00> : vector<14x1024xf32>
    %reduce_sum3A_241 = vector.multi_reduction <add>, %reshape3A_239, %reduce_sum3A_240 [1] : vector<14x32x1024xf32> to vector<14x1024xf32>
    %get3A_242 = arith.constant 0 : index
    %get3A_243 = arith.constant 220 : index
    %get3A_244 = vector.load %arg3[%get3A_242, %get3A_243] : memref<256x325xf32, #tpu.memory_space<vmem>>, vector<256x14xf32>
    %dot_general3A_245 = arith.constant dense<0.000000e+00> : vector<256x1024xf32>
    %dot_general3A_246 = tpu.matmul %get3A_244, %reduce_sum3A_241, %dot_general3A_245 {dimension_numbers = #tpu.dot_dimension_numbers<[1], [0], [0], [1], [0, 0, 1, 1], [], []>, transpose_lhs_hint = false} : vector<256x14xf32>, vector<14x1024xf32>, vector<256x1024xf32> -> vector<256x1024xf32>
    %add3A_247 = arith.addf %add3A_235, %dot_general3A_246 : vector<256x1024xf32>
    %slice3A_248 = vector.extract_strided_slice %concatenate3A {offsets = [0, 0], sizes = [416, 1024], strides = [1, 1]} : vector<832x1024xf32> to vector<416x1024xf32>
    %slice3A_249 = vector.extract_strided_slice %concatenate3A {offsets = [416, 0], sizes = [416, 1024], strides = [1, 1]} : vector<832x1024xf32> to vector<416x1024xf32>
    %mul3A_250 = arith.mulf %slice3A_248, %slice3A_249 : vector<416x1024xf32>
    %reshape3A_251 = vector.shape_cast %mul3A_250 : vector<416x1024xf32> to vector<13x32x1024xf32>
    %reduce_sum3A_252 = arith.constant dense<0.000000e+00> : vector<13x1024xf32>
    %reduce_sum3A_253 = vector.multi_reduction <add>, %reshape3A_251, %reduce_sum3A_252 [1] : vector<13x32x1024xf32> to vector<13x1024xf32>
    %get3A_254 = arith.constant 0 : index
    %get3A_255 = arith.constant 234 : index
    %get3A_256 = vector.load %arg3[%get3A_254, %get3A_255] : memref<256x325xf32, #tpu.memory_space<vmem>>, vector<256x13xf32>
    %dot_general3A_257 = arith.constant dense<0.000000e+00> : vector<256x1024xf32>
    %dot_general3A_258 = tpu.matmul %get3A_256, %reduce_sum3A_253, %dot_general3A_257 {dimension_numbers = #tpu.dot_dimension_numbers<[1], [0], [0], [1], [0, 0, 1, 1], [], []>, transpose_lhs_hint = false} : vector<256x13xf32>, vector<13x1024xf32>, vector<256x1024xf32> -> vector<256x1024xf32>
    %add3A_259 = arith.addf %add3A_247, %dot_general3A_258 : vector<256x1024xf32>
    %slice3A_260 = vector.extract_strided_slice %concatenate3A {offsets = [0, 0], sizes = [384, 1024], strides = [1, 1]} : vector<832x1024xf32> to vector<384x1024xf32>
    %slice3A_261 = vector.extract_strided_slice %concatenate3A {offsets = [448, 0], sizes = [384, 1024], strides = [1, 1]} : vector<832x1024xf32> to vector<384x1024xf32>
    %mul3A_262 = arith.mulf %slice3A_260, %slice3A_261 : vector<384x1024xf32>
    %reshape3A_263 = vector.shape_cast %mul3A_262 : vector<384x1024xf32> to vector<12x32x1024xf32>
    %reduce_sum3A_264 = arith.constant dense<0.000000e+00> : vector<12x1024xf32>
    %reduce_sum3A_265 = vector.multi_reduction <add>, %reshape3A_263, %reduce_sum3A_264 [1] : vector<12x32x1024xf32> to vector<12x1024xf32>
    %get3A_266 = arith.constant 0 : index
    %get3A_267 = arith.constant 247 : index
    %get3A_268 = vector.load %arg3[%get3A_266, %get3A_267] : memref<256x325xf32, #tpu.memory_space<vmem>>, vector<256x12xf32>
    %dot_general3A_269 = arith.constant dense<0.000000e+00> : vector<256x1024xf32>
    %dot_general3A_270 = tpu.matmul %get3A_268, %reduce_sum3A_265, %dot_general3A_269 {dimension_numbers = #tpu.dot_dimension_numbers<[1], [0], [0], [1], [0, 0, 1, 1], [], []>, transpose_lhs_hint = false} : vector<256x12xf32>, vector<12x1024xf32>, vector<256x1024xf32> -> vector<256x1024xf32>
    %add3A_271 = arith.addf %add3A_259, %dot_general3A_270 : vector<256x1024xf32>
    %slice3A_272 = vector.extract_strided_slice %concatenate3A {offsets = [0, 0], sizes = [352, 1024], strides = [1, 1]} : vector<832x1024xf32> to vector<352x1024xf32>
    %slice3A_273 = vector.extract_strided_slice %concatenate3A {offsets = [480, 0], sizes = [352, 1024], strides = [1, 1]} : vector<832x1024xf32> to vector<352x1024xf32>
    %mul3A_274 = arith.mulf %slice3A_272, %slice3A_273 : vector<352x1024xf32>
    %reshape3A_275 = vector.shape_cast %mul3A_274 : vector<352x1024xf32> to vector<11x32x1024xf32>
    %reduce_sum3A_276 = arith.constant dense<0.000000e+00> : vector<11x1024xf32>
    %reduce_sum3A_277 = vector.multi_reduction <add>, %reshape3A_275, %reduce_sum3A_276 [1] : vector<11x32x1024xf32> to vector<11x1024xf32>
    %get3A_278 = arith.constant 0 : index
    %get3A_279 = arith.constant 259 : index
    %get3A_280 = vector.load %arg3[%get3A_278, %get3A_279] : memref<256x325xf32, #tpu.memory_space<vmem>>, vector<256x11xf32>
    %dot_general3A_281 = arith.constant dense<0.000000e+00> : vector<256x1024xf32>
    %dot_general3A_282 = tpu.matmul %get3A_280, %reduce_sum3A_277, %dot_general3A_281 {dimension_numbers = #tpu.dot_dimension_numbers<[1], [0], [0], [1], [0, 0, 1, 1], [], []>, transpose_lhs_hint = false} : vector<256x11xf32>, vector<11x1024xf32>, vector<256x1024xf32> -> vector<256x1024xf32>
    %add3A_283 = arith.addf %add3A_271, %dot_general3A_282 : vector<256x1024xf32>
    %slice3A_284 = vector.extract_strided_slice %concatenate3A {offsets = [0, 0], sizes = [320, 1024], strides = [1, 1]} : vector<832x1024xf32> to vector<320x1024xf32>
    %slice3A_285 = vector.extract_strided_slice %concatenate3A {offsets = [512, 0], sizes = [320, 1024], strides = [1, 1]} : vector<832x1024xf32> to vector<320x1024xf32>
    %mul3A_286 = arith.mulf %slice3A_284, %slice3A_285 : vector<320x1024xf32>
    %reshape3A_287 = vector.shape_cast %mul3A_286 : vector<320x1024xf32> to vector<10x32x1024xf32>
    %reduce_sum3A_288 = arith.constant dense<0.000000e+00> : vector<10x1024xf32>
    %reduce_sum3A_289 = vector.multi_reduction <add>, %reshape3A_287, %reduce_sum3A_288 [1] : vector<10x32x1024xf32> to vector<10x1024xf32>
    %get3A_290 = arith.constant 0 : index
    %get3A_291 = arith.constant 270 : index
    %get3A_292 = vector.load %arg3[%get3A_290, %get3A_291] : memref<256x325xf32, #tpu.memory_space<vmem>>, vector<256x10xf32>
    %dot_general3A_293 = arith.constant dense<0.000000e+00> : vector<256x1024xf32>
    %dot_general3A_294 = tpu.matmul %get3A_292, %reduce_sum3A_289, %dot_general3A_293 {dimension_numbers = #tpu.dot_dimension_numbers<[1], [0], [0], [1], [0, 0, 1, 1], [], []>, transpose_lhs_hint = false} : vector<256x10xf32>, vector<10x1024xf32>, vector<256x1024xf32> -> vector<256x1024xf32>
    %add3A_295 = arith.addf %add3A_283, %dot_general3A_294 : vector<256x1024xf32>
    %slice3A_296 = vector.extract_strided_slice %concatenate3A {offsets = [0, 0], sizes = [288, 1024], strides = [1, 1]} : vector<832x1024xf32> to vector<288x1024xf32>
    %slice3A_297 = vector.extract_strided_slice %concatenate3A {offsets = [544, 0], sizes = [288, 1024], strides = [1, 1]} : vector<832x1024xf32> to vector<288x1024xf32>
    %mul3A_298 = arith.mulf %slice3A_296, %slice3A_297 : vector<288x1024xf32>
    %reshape3A_299 = vector.shape_cast %mul3A_298 : vector<288x1024xf32> to vector<9x32x1024xf32>
    %reduce_sum3A_300 = arith.constant dense<0.000000e+00> : vector<9x1024xf32>
    %reduce_sum3A_301 = vector.multi_reduction <add>, %reshape3A_299, %reduce_sum3A_300 [1] : vector<9x32x1024xf32> to vector<9x1024xf32>
    %get3A_302 = arith.constant 0 : index
    %get3A_303 = arith.constant 280 : index
    %get3A_304 = vector.load %arg3[%get3A_302, %get3A_303] : memref<256x325xf32, #tpu.memory_space<vmem>>, vector<256x9xf32>
    %dot_general3A_305 = arith.constant dense<0.000000e+00> : vector<256x1024xf32>
    %dot_general3A_306 = tpu.matmul %get3A_304, %reduce_sum3A_301, %dot_general3A_305 {dimension_numbers = #tpu.dot_dimension_numbers<[1], [0], [0], [1], [0, 0, 1, 1], [], []>, transpose_lhs_hint = false} : vector<256x9xf32>, vector<9x1024xf32>, vector<256x1024xf32> -> vector<256x1024xf32>
    %add3A_307 = arith.addf %add3A_295, %dot_general3A_306 : vector<256x1024xf32>
    %slice3A_308 = vector.extract_strided_slice %concatenate3A {offsets = [0, 0], sizes = [256, 1024], strides = [1, 1]} : vector<832x1024xf32> to vector<256x1024xf32>
    %slice3A_309 = vector.extract_strided_slice %concatenate3A {offsets = [576, 0], sizes = [256, 1024], strides = [1, 1]} : vector<832x1024xf32> to vector<256x1024xf32>
    %mul3A_310 = arith.mulf %slice3A_308, %slice3A_309 : vector<256x1024xf32>
    %reshape3A_311 = vector.shape_cast %mul3A_310 : vector<256x1024xf32> to vector<8x32x1024xf32>
    %reduce_sum3A_312 = arith.constant dense<0.000000e+00> : vector<8x1024xf32>
    %reduce_sum3A_313 = vector.multi_reduction <add>, %reshape3A_311, %reduce_sum3A_312 [1] : vector<8x32x1024xf32> to vector<8x1024xf32>
    %get3A_314 = arith.constant 0 : index
    %get3A_315 = arith.constant 289 : index
    %get3A_316 = vector.load %arg3[%get3A_314, %get3A_315] : memref<256x325xf32, #tpu.memory_space<vmem>>, vector<256x8xf32>
    %dot_general3A_317 = arith.constant dense<0.000000e+00> : vector<256x1024xf32>
    %dot_general3A_318 = tpu.matmul %get3A_316, %reduce_sum3A_313, %dot_general3A_317 {dimension_numbers = #tpu.dot_dimension_numbers<[1], [0], [0], [1], [0, 0, 1, 1], [], []>, transpose_lhs_hint = false} : vector<256x8xf32>, vector<8x1024xf32>, vector<256x1024xf32> -> vector<256x1024xf32>
    %add3A_319 = arith.addf %add3A_307, %dot_general3A_318 : vector<256x1024xf32>
    %slice3A_320 = vector.extract_strided_slice %concatenate3A {offsets = [0, 0], sizes = [224, 1024], strides = [1, 1]} : vector<832x1024xf32> to vector<224x1024xf32>
    %slice3A_321 = vector.extract_strided_slice %concatenate3A {offsets = [608, 0], sizes = [224, 1024], strides = [1, 1]} : vector<832x1024xf32> to vector<224x1024xf32>
    %mul3A_322 = arith.mulf %slice3A_320, %slice3A_321 : vector<224x1024xf32>
    %reshape3A_323 = vector.shape_cast %mul3A_322 : vector<224x1024xf32> to vector<7x32x1024xf32>
    %reduce_sum3A_324 = arith.constant dense<0.000000e+00> : vector<7x1024xf32>
    %reduce_sum3A_325 = vector.multi_reduction <add>, %reshape3A_323, %reduce_sum3A_324 [1] : vector<7x32x1024xf32> to vector<7x1024xf32>
    %get3A_326 = arith.constant 0 : index
    %get3A_327 = arith.constant 297 : index
    %get3A_328 = vector.load %arg3[%get3A_326, %get3A_327] : memref<256x325xf32, #tpu.memory_space<vmem>>, vector<256x7xf32>
    %dot_general3A_329 = arith.constant dense<0.000000e+00> : vector<256x1024xf32>
    %dot_general3A_330 = tpu.matmul %get3A_328, %reduce_sum3A_325, %dot_general3A_329 {dimension_numbers = #tpu.dot_dimension_numbers<[1], [0], [0], [1], [0, 0, 1, 1], [], []>, transpose_lhs_hint = false} : vector<256x7xf32>, vector<7x1024xf32>, vector<256x1024xf32> -> vector<256x1024xf32>
    %add3A_331 = arith.addf %add3A_319, %dot_general3A_330 : vector<256x1024xf32>
    %slice3A_332 = vector.extract_strided_slice %concatenate3A {offsets = [0, 0], sizes = [192, 1024], strides = [1, 1]} : vector<832x1024xf32> to vector<192x1024xf32>
    %slice3A_333 = vector.extract_strided_slice %concatenate3A {offsets = [640, 0], sizes = [192, 1024], strides = [1, 1]} : vector<832x1024xf32> to vector<192x1024xf32>
    %mul3A_334 = arith.mulf %slice3A_332, %slice3A_333 : vector<192x1024xf32>
    %reshape3A_335 = vector.shape_cast %mul3A_334 : vector<192x1024xf32> to vector<6x32x1024xf32>
    %reduce_sum3A_336 = arith.constant dense<0.000000e+00> : vector<6x1024xf32>
    %reduce_sum3A_337 = vector.multi_reduction <add>, %reshape3A_335, %reduce_sum3A_336 [1] : vector<6x32x1024xf32> to vector<6x1024xf32>
    %get3A_338 = arith.constant 0 : index
    %get3A_339 = arith.constant 304 : index
    %get3A_340 = vector.load %arg3[%get3A_338, %get3A_339] : memref<256x325xf32, #tpu.memory_space<vmem>>, vector<256x6xf32>
    %dot_general3A_341 = arith.constant dense<0.000000e+00> : vector<256x1024xf32>
    %dot_general3A_342 = tpu.matmul %get3A_340, %reduce_sum3A_337, %dot_general3A_341 {dimension_numbers = #tpu.dot_dimension_numbers<[1], [0], [0], [1], [0, 0, 1, 1], [], []>, transpose_lhs_hint = false} : vector<256x6xf32>, vector<6x1024xf32>, vector<256x1024xf32> -> vector<256x1024xf32>
    %add3A_343 = arith.addf %add3A_331, %dot_general3A_342 : vector<256x1024xf32>
    %slice3A_344 = vector.extract_strided_slice %concatenate3A {offsets = [0, 0], sizes = [160, 1024], strides = [1, 1]} : vector<832x1024xf32> to vector<160x1024xf32>
    %slice3A_345 = vector.extract_strided_slice %concatenate3A {offsets = [672, 0], sizes = [160, 1024], strides = [1, 1]} : vector<832x1024xf32> to vector<160x1024xf32>
    %mul3A_346 = arith.mulf %slice3A_344, %slice3A_345 : vector<160x1024xf32>
    %reshape3A_347 = vector.shape_cast %mul3A_346 : vector<160x1024xf32> to vector<5x32x1024xf32>
    %reduce_sum3A_348 = arith.constant dense<0.000000e+00> : vector<5x1024xf32>
    %reduce_sum3A_349 = vector.multi_reduction <add>, %reshape3A_347, %reduce_sum3A_348 [1] : vector<5x32x1024xf32> to vector<5x1024xf32>
    %get3A_350 = arith.constant 0 : index
    %get3A_351 = arith.constant 310 : index
    %get3A_352 = vector.load %arg3[%get3A_350, %get3A_351] : memref<256x325xf32, #tpu.memory_space<vmem>>, vector<256x5xf32>
    %dot_general3A_353 = arith.constant dense<0.000000e+00> : vector<256x1024xf32>
    %dot_general3A_354 = tpu.matmul %get3A_352, %reduce_sum3A_349, %dot_general3A_353 {dimension_numbers = #tpu.dot_dimension_numbers<[1], [0], [0], [1], [0, 0, 1, 1], [], []>, transpose_lhs_hint = false} : vector<256x5xf32>, vector<5x1024xf32>, vector<256x1024xf32> -> vector<256x1024xf32>
    %add3A_355 = arith.addf %add3A_343, %dot_general3A_354 : vector<256x1024xf32>
    %slice3A_356 = vector.extract_strided_slice %concatenate3A {offsets = [0, 0], sizes = [128, 1024], strides = [1, 1]} : vector<832x1024xf32> to vector<128x1024xf32>
    %slice3A_357 = vector.extract_strided_slice %concatenate3A {offsets = [704, 0], sizes = [128, 1024], strides = [1, 1]} : vector<832x1024xf32> to vector<128x1024xf32>
    %mul3A_358 = arith.mulf %slice3A_356, %slice3A_357 : vector<128x1024xf32>
    %reshape3A_359 = vector.shape_cast %mul3A_358 : vector<128x1024xf32> to vector<4x32x1024xf32>
    %reduce_sum3A_360 = arith.constant dense<0.000000e+00> : vector<4x1024xf32>
    %reduce_sum3A_361 = vector.multi_reduction <add>, %reshape3A_359, %reduce_sum3A_360 [1] : vector<4x32x1024xf32> to vector<4x1024xf32>
    %get3A_362 = arith.constant 0 : index
    %get3A_363 = arith.constant 315 : index
    %get3A_364 = vector.load %arg3[%get3A_362, %get3A_363] : memref<256x325xf32, #tpu.memory_space<vmem>>, vector<256x4xf32>
    %dot_general3A_365 = arith.constant dense<0.000000e+00> : vector<256x1024xf32>
    %dot_general3A_366 = tpu.matmul %get3A_364, %reduce_sum3A_361, %dot_general3A_365 {dimension_numbers = #tpu.dot_dimension_numbers<[1], [0], [0], [1], [0, 0, 1, 1], [], []>, transpose_lhs_hint = false} : vector<256x4xf32>, vector<4x1024xf32>, vector<256x1024xf32> -> vector<256x1024xf32>
    %add3A_367 = arith.addf %add3A_355, %dot_general3A_366 : vector<256x1024xf32>
    %slice3A_368 = vector.extract_strided_slice %concatenate3A {offsets = [0, 0], sizes = [96, 1024], strides = [1, 1]} : vector<832x1024xf32> to vector<96x1024xf32>
    %slice3A_369 = vector.extract_strided_slice %concatenate3A {offsets = [736, 0], sizes = [96, 1024], strides = [1, 1]} : vector<832x1024xf32> to vector<96x1024xf32>
    %mul3A_370 = arith.mulf %slice3A_368, %slice3A_369 : vector<96x1024xf32>
    %reshape3A_371 = vector.shape_cast %mul3A_370 : vector<96x1024xf32> to vector<3x32x1024xf32>
    %reduce_sum3A_372 = arith.constant dense<0.000000e+00> : vector<3x1024xf32>
    %reduce_sum3A_373 = vector.multi_reduction <add>, %reshape3A_371, %reduce_sum3A_372 [1] : vector<3x32x1024xf32> to vector<3x1024xf32>
    %get3A_374 = arith.constant 0 : index
    %get3A_375 = arith.constant 319 : index
    %get3A_376 = vector.load %arg3[%get3A_374, %get3A_375] : memref<256x325xf32, #tpu.memory_space<vmem>>, vector<256x3xf32>
    %dot_general3A_377 = arith.constant dense<0.000000e+00> : vector<256x1024xf32>
    %dot_general3A_378 = tpu.matmul %get3A_376, %reduce_sum3A_373, %dot_general3A_377 {dimension_numbers = #tpu.dot_dimension_numbers<[1], [0], [0], [1], [0, 0, 1, 1], [], []>, transpose_lhs_hint = false} : vector<256x3xf32>, vector<3x1024xf32>, vector<256x1024xf32> -> vector<256x1024xf32>
    %add3A_379 = arith.addf %add3A_367, %dot_general3A_378 : vector<256x1024xf32>
    %slice3A_380 = vector.extract_strided_slice %concatenate3A {offsets = [0, 0], sizes = [64, 1024], strides = [1, 1]} : vector<832x1024xf32> to vector<64x1024xf32>
    %slice3A_381 = vector.extract_strided_slice %concatenate3A {offsets = [768, 0], sizes = [64, 1024], strides = [1, 1]} : vector<832x1024xf32> to vector<64x1024xf32>
    %mul3A_382 = arith.mulf %slice3A_380, %slice3A_381 : vector<64x1024xf32>
    %reshape3A_383 = vector.shape_cast %mul3A_382 : vector<64x1024xf32> to vector<2x32x1024xf32>
    %reduce_sum3A_384 = arith.constant dense<0.000000e+00> : vector<2x1024xf32>
    %reduce_sum3A_385 = vector.multi_reduction <add>, %reshape3A_383, %reduce_sum3A_384 [1] : vector<2x32x1024xf32> to vector<2x1024xf32>
    %get3A_386 = arith.constant 0 : index
    %get3A_387 = arith.constant 322 : index
    %get3A_388 = vector.load %arg3[%get3A_386, %get3A_387] : memref<256x325xf32, #tpu.memory_space<vmem>>, vector<256x2xf32>
    %dot_general3A_389 = arith.constant dense<0.000000e+00> : vector<256x1024xf32>
    %dot_general3A_390 = tpu.matmul %get3A_388, %reduce_sum3A_385, %dot_general3A_389 {dimension_numbers = #tpu.dot_dimension_numbers<[1], [0], [0], [1], [0, 0, 1, 1], [], []>, transpose_lhs_hint = false} : vector<256x2xf32>, vector<2x1024xf32>, vector<256x1024xf32> -> vector<256x1024xf32>
    %add3A_391 = arith.addf %add3A_379, %dot_general3A_390 : vector<256x1024xf32>
    %slice3A_392 = vector.extract_strided_slice %concatenate3A {offsets = [0, 0], sizes = [32, 1024], strides = [1, 1]} : vector<832x1024xf32> to vector<32x1024xf32>
    %slice3A_393 = vector.extract_strided_slice %concatenate3A {offsets = [800, 0], sizes = [32, 1024], strides = [1, 1]} : vector<832x1024xf32> to vector<32x1024xf32>
    %mul3A_394 = arith.mulf %slice3A_392, %slice3A_393 : vector<32x1024xf32>
    %reshape3A_395 = vector.shape_cast %mul3A_394 : vector<32x1024xf32> to vector<1x32x1024xf32>
    %reduce_sum3A_396 = arith.constant dense<0.000000e+00> : vector<1x1024xf32>
    %reduce_sum3A_397 = vector.multi_reduction <add>, %reshape3A_395, %reduce_sum3A_396 [1] : vector<1x32x1024xf32> to vector<1x1024xf32>
    %get3A_398 = arith.constant 0 : index
    %get3A_399 = arith.constant 324 : index
    %get3A_400 = vector.load %arg3[%get3A_398, %get3A_399] : memref<256x325xf32, #tpu.memory_space<vmem>>, vector<256x1xf32>
    %dot_general3A_401 = arith.constant dense<0.000000e+00> : vector<256x1024xf32>
    %dot_general3A_402 = tpu.matmul %get3A_400, %reduce_sum3A_397, %dot_general3A_401 {dimension_numbers = #tpu.dot_dimension_numbers<[1], [0], [0], [1], [0, 0, 1, 1], [], []>, transpose_lhs_hint = false} : vector<256x1xf32>, vector<1x1024xf32>, vector<256x1024xf32> -> vector<256x1024xf32>
    %add3A_403 = arith.addf %add3A_391, %dot_general3A_402 : vector<256x1024xf32>
    %get3A_404 = arith.constant 0 : index
    %get3A_405 = arith.constant 0 : index
    %get3A_406 = vector.load %arg4[%get3A_404, %get3A_405] : memref<256x1xf32, #tpu.memory_space<vmem>>, vector<256x1xf32>
    %add3A_407 = vector.broadcast %get3A_406 : vector<256x1xf32> to vector<256x1024xf32>
    %add3A_408 = arith.addf %add3A_403, %add3A_407 : vector<256x1024xf32>
    %max3A = arith.constant 0.000000e+00 : f32
    %max3A_409 = vector.broadcast %max3A : f32 to vector<256x1024xf32>
    %max3A_410 = arith.maximumf %add3A_408, %max3A_409 : vector<256x1024xf32>
    %get3A_411 = arith.constant 0 : index
    %get3A_412 = arith.constant 0 : index
    %get3A_413 = vector.load %arg5[%get3A_411, %get3A_412] : memref<128x256xf32, #tpu.memory_space<vmem>>, vector<128x256xf32>
    %dot_general3A_414 = arith.constant dense<0.000000e+00> : vector<128x1024xf32>
    %dot_general3A_415 = tpu.matmul %get3A_413, %max3A_410, %dot_general3A_414 {dimension_numbers = #tpu.dot_dimension_numbers<[1], [0], [0], [1], [0, 0, 1, 1], [], []>, transpose_lhs_hint = false} : vector<128x256xf32>, vector<256x1024xf32>, vector<128x1024xf32> -> vector<128x1024xf32>
    %get3A_416 = arith.constant 0 : index
    %get3A_417 = arith.constant 0 : index
    %get3A_418 = vector.load %arg6[%get3A_416, %get3A_417] : memref<128x1xf32, #tpu.memory_space<vmem>>, vector<128x1xf32>
    %add3A_419 = vector.broadcast %get3A_418 : vector<128x1xf32> to vector<128x1024xf32>
    %add3A_420 = arith.addf %dot_general3A_415, %add3A_419 : vector<128x1024xf32>
    %max3A_421 = arith.constant 0.000000e+00 : f32
    %max3A_422 = vector.broadcast %max3A_421 : f32 to vector<128x1024xf32>
    %max3A_423 = arith.maximumf %add3A_420, %max3A_422 : vector<128x1024xf32>
    %get3A_424 = arith.constant 0 : index
    %get3A_425 = arith.constant 0 : index
    %get3A_426 = vector.load %arg7[%get3A_424, %get3A_425] : memref<128x1xf32, #tpu.memory_space<vmem>>, vector<128x1xf32>
    %mul3A_427 = vector.broadcast %get3A_426 : vector<128x1xf32> to vector<128x1024xf32>
    %mul3A_428 = arith.mulf %max3A_423, %mul3A_427 : vector<128x1024xf32>
    %reduce_sum3A_429 = arith.constant dense<0.000000e+00> : vector<1024xf32>
    %reduce_sum3A_430 = vector.multi_reduction <add>, %mul3A_428, %reduce_sum3A_429 [0] : vector<128x1024xf32> to vector<1024xf32>
    %get3A_431 = arith.constant 0 : index
    %get3A_432 = arith.constant 0 : index
    %get3A_433 = vector.load %arg8[%get3A_431, %get3A_432] : memref<1x1xf32, #tpu.memory_space<vmem>>, vector<1x1xf32>
    %get3A_434 = vector.extract %get3A_433[0, 0] : f32 from vector<1x1xf32>
    %add3A_435 = vector.broadcast %get3A_434 : f32 to vector<1024xf32>
    %add3A_436 = arith.addf %reduce_sum3A_430, %add3A_435 : vector<1024xf32>
    %logistic3A = arith.negf %add3A_436 : vector<1024xf32>
    %logistic3A_437 = math.exp %logistic3A : vector<1024xf32>
    %logistic3A_438 = arith.constant 1.000000e+00 : f32
    %logistic3A_439 = vector.broadcast %logistic3A_438 : f32 to vector<1024xf32>
    %logistic3A_440 = arith.addf %logistic3A_439, %logistic3A_437 : vector<1024xf32>
    %logistic3A_441 = arith.divf %logistic3A_439, %logistic3A_440 : vector<1024xf32>
    %broadcast_in_dim3A = vector.shape_cast %logistic3A_441 : vector<1024xf32> to vector<1x1x1024xf32>
    %swap3A = arith.constant 0 : index
    %swap3A_442 = arith.constant 0 : index
    %swap3A_443 = arith.constant 0 : index
    %swap3A_444 = vector.load %arg9[%swap3A, %swap3A_442, %swap3A_443] : memref<1x1x1024xf32, #tpu.memory_space<vmem>>, vector<1x1x1024xf32>
    tpu.vector_store %arg9[%swap3A, %swap3A_442, %swap3A_443], %broadcast_in_dim3A {strides = array<i32>} : memref<1x1x1024xf32, #tpu.memory_space<vmem>>, vector<1x1x1024xf32>,
    return
  }
  func.func @transform_0(%arg0: i32) -> (i32, i32, i32) {
    %c0_i32 = arith.constant 0 : i32
    %c0_i32_0 = arith.constant 0 : i32
    %c0_i32_1 = arith.constant 0 : i32
    return %c0_i32, %arg0, %c0_i32_0 : i32, i32, i32
  }
  func.func @transform_1(%arg0: i32) -> (i32, i32) {
    %c0_i32 = arith.constant 0 : i32
    %c0_i32_0 = arith.constant 0 : i32
    %c0_i32_1 = arith.constant 0 : i32
    return %c0_i32, %c0_i32_0 : i32, i32
  }
  func.func @transform_2(%arg0: i32) -> (i32, i32) {
    %c0_i32 = arith.constant 0 : i32
    %c0_i32_0 = arith.constant 0 : i32
    %c0_i32_1 = arith.constant 0 : i32
    return %c0_i32, %c0_i32_0 : i32, i32
  }
  func.func @transform_3(%arg0: i32) -> (i32, i32) {
    %c0_i32 = arith.constant 0 : i32
    %c0_i32_0 = arith.constant 0 : i32
    %c0_i32_1 = arith.constant 0 : i32
    return %c0_i32, %c0_i32_0 : i32, i32
  }
  func.func @transform_4(%arg0: i32) -> (i32, i32) {
    %c0_i32 = arith.constant 0 : i32
    %c0_i32_0 = arith.constant 0 : i32
    %c0_i32_1 = arith.constant 0 : i32
    return %c0_i32, %c0_i32_0 : i32, i32
  }
  func.func @transform_5(%arg0: i32) -> (i32, i32) {
    %c0_i32 = arith.constant 0 : i32
    %c0_i32_0 = arith.constant 0 : i32
    %c0_i32_1 = arith.constant 0 : i32
    return %c0_i32, %c0_i32_0 : i32, i32
  }
  func.func @transform_6(%arg0: i32) -> (i32, i32) {
    %c0_i32 = arith.constant 0 : i32
    %c0_i32_0 = arith.constant 0 : i32
    %c0_i32_1 = arith.constant 0 : i32
    return %c0_i32, %c0_i32_0 : i32, i32
  }
  func.func @transform_7(%arg0: i32) -> (i32, i32) {
    %c0_i32 = arith.constant 0 : i32
    %c0_i32_0 = arith.constant 0 : i32
    %c0_i32_1 = arith.constant 0 : i32
    return %c0_i32, %c0_i32_0 : i32, i32
  }
  func.func @transform_8(%arg0: i32) -> (i32, i32, i32) {
    %c0_i32 = arith.constant 0 : i32
    %c0_i32_0 = arith.constant 0 : i32
    %c0_i32_1 = arith.constant 0 : i32
    return %arg0, %c0_i32, %c0_i32_0 : i32, i32, i32
  }
}

</mosaic_0001>

<sc_bundles>
// kernel: kernel.4.cloned.1.call-start
scs
__scs_entry_jumppad:
0x0: {  	(pc) =	sbr.rel $0x88, $3  }
0x1: {  	(tag) =	ssettag $0x0;
	lr =	simm.s32 $0x1  }
0x2: {  	[smem:$0x3F95] =	sst lr;
	_ =	strace $0xD0000000  }
0x3: {  	_ = 	snop  }
0x4: {  	_ = 	snop  }
0x5: {  	_ = 	snop  }
0x6: {  	_ = 	snop  }
0x7: {  	_ = 	snop  }
__scs_overlays_trampoline_lowered:
0x8: {  	[smem:$0x3FA4] =	sst s0  }
0x9: {  	[smem:$0x3FA5] =	sst s1  }
0xa: {  	[smem:$0x3FA6] =	sst s2  }
0xb: {  	[smem:$0x3FA7] =	sst s3  }
0xc: {  	[smem:$0x3FA8] =	sst s4  }
0xd: {  	[smem:$0x3FA9] =	sst s5  }
0xe: {  	[smem:$0x3FAA] =	sst s6  }
0xf: {  	[smem:$0x3FAB] =	sst s7  }
0x10: {  	[smem:$0x3FAC] =	sst s8  }
0x11: {  	[smem:$0x3FAD] =	sst s9;
	s0 =	simm.s32 @!p0 $0x0  }
0x12: {  	s1 =	sld [smem:$0x3F93];
	s0 =	simm.s32 @p0 $0x1  }
0x13: {  	[smem:$0x3FAE] =	sst s0;
	s0 =	simm.s32 @!p1 $0x0  }
0x14: {  	s2 =	sld [smem:$0x3F92];
	s0 =	simm.s32 @p1 $0x1  }
0x15: {  	[smem:$0x3FAF] =	sst s0;
	s0 =	simm.s32 @!p2 $0x0  }
0x16: {  	s3 =	sld [smem:$0x3FDB];
	s0 =	simm.s32 @p2 $0x1  }
0x17: {  	s4 =	simm.s32 $0x1BF5;
	[smem:$0x3FB1] =	sst s0  }
0x18: {  	s0 =	sld [smem:$0x3F94];
	_ =	swait.ge [sflag:s4], $0x0  }
0x19: {  	s7 =	sld [smem:$0x3F95]  }
0x1a: {  	s8 =	sadd.s32 $0xFFFFE003, lr  }
0x1b: {  	s9 =	sadd.s32 $0xFFFFFEF7, lr;
	s5 =	simm.s32 $0xFFFFFFFF;
	p2 =	slt.u32 s8, $0xFFFFF086  }
0x1c: {  	p1 =	slt.u32 s9, $0xF7A;
	s5 =	simm.s32 @!p2 $0x0  }
0x1d: {  	s5 =	simm.s32 @p1 $0x1;
	p0 =	seq.s32 s7, s2  }
0x1e: {  	s7 =	smul.u32 @!p0 $0xF7A, s2;
	p2 =	seq.s32 @!p0 s5, $0x0  }
0x1f: {  	s9 =	smul.u32 $0xF7A, s1;
	s8 =	simm.s32 @!p0 $0x1BF5;
	p2 =	por !p2, p0  }
0x20: {  	[sflag:s8] =	ssyncset.s32 @!p0 $0xFFFFF086;
	s6 =	sadd.s32 @!p0 s3, s7;
	s7 =	simm.s32 @!p0 $0x108  }
0x21: {  	s3 =	sadd.s32 s3, s9;
	s6 =	sadd.s32 @!p0 $0x88, s6;
	s7 =	simm.s32 @p2 $0x1082  }
0x22: {  	[simem:s7], [sflag:s8] =	dma.local @!p0 [hbm:s6], $0xF7A  }
0x23: {  	s9 =	sor.u32 $0xD0000000, s2;
	s6 =	simm.s32 $0x108;
	_ =	swait.ge @!p0 [sflag:s8], $0x0  }
0x24: {  	s3 =	sadd.s32 $0x88, s3;
	s6 =	simm.s32 @!p1 $0x1082;
	[sflag:s4] =	ssyncset.s32 $0xFFFFF086  }
0x25: {  	[simem:s6], [sflag:s4] =	dma.local [hbm:s3], $0xF7A  }
0x26: {  	[smem:$0x3F95] =	sst s1;
	(tag) =	ssettag s2;
	_ =	strace s9  }
0x27: {  	s1 =	sld [smem:$0x3FA5]  }
0x28: {  	s2 =	sld [smem:$0x3FA6]  }
0x29: {  	s4 =	sld [smem:$0x3FA8]  }
0x2a: {  	p0 =	seq.s32 s5, $0x0;
	s5 =	sld [smem:$0x3FA9]  }
0x2b: {  	s6 =	sld [smem:$0x3FAA]  }
0x2c: {  	s7 =	sld [smem:$0x3FAB]  }
0x2d: {  	s3 =	simm.s32 $0x108;
	s8 =	sld [smem:$0x3FAC]  }
0x2e: {  	s3 =	simm.s32 @!p0 $0x1082;
	s9 =	sld [smem:$0x3FAD]  }
0x2f: {  	lr =	sadd.s32 s0, s3;
	s0 =	sld [smem:$0x3FA4]  }
0x30: {  	s3 =	sld [smem:$0x3FA7]  }
0x31: {  	[smem:$0x3FB0] =	sst s10  }
0x32: {  	s10 =	sld [smem:$0x3FAE];
	_ =	sdelay $0x3  }
0x33: {  	p0 =	seq.s32 s10, $0x1;
	s10 =	sld [smem:$0x3FB0];
	_ =	sdelay $0x3  }
0x34: {  	[smem:$0x3FB0] =	sst s10  }
0x35: {  	s10 =	sld [smem:$0x3FAF];
	_ =	sdelay $0x3  }
0x36: {  	p1 =	seq.s32 s10, $0x1;
	s10 =	sld [smem:$0x3FB0];
	_ =	sdelay $0x3  }
0x37: {  	[smem:$0x3FB0] =	sst s10  }
0x38: {  	s10 =	sld [smem:$0x3FB1]  }
0x39: {  	_ = 	snop;
	(pc) =	sbr.ind lr, $3  }
0x3a: {  	_ = 	snop  }
0x3b: {  	_ = 	snop  }
0x3c: {  	p2 =	seq.s32 s10, $0x1;
	s10 =	sld [smem:$0x3FB0]  }
0x3d: {  	_ =	shalt  }
0x3e: {  	_ =	shalt  }
0x3f: {  	_ =	shalt  }
0x40: {  	_ =	shalt  }
0x41: {  	_ =	shalt  }
0x42: {  	_ =	shalt  }
0x43: {  	_ =	shalt  }
0x44: {  	_ =	shalt  }
0x45: {  	_ =	shalt  }
0x46: {  	_ =	shalt  }
0x47: {  	_ =	shalt  }
0x48: {  	_ =	shalt  }
0x49: {  	_ =	shalt  }
0x4a: {  	_ =	shalt  }
0x4b: {  	_ =	shalt  }
0x4c: {  	_ =	shalt  }
0x4d: {  	_ =	shalt  }
0x4e: {  	_ =	shalt  }
0x4f: {  	_ =	shalt  }
0x50: {  	_ =	shalt  }
0x51: {  	_ =	shalt  }
0x52: {  	_ =	shalt  }
0x53: {  	_ =	shalt  }
0x54: {  	_ =	shalt  }
0x55: {  	_ =	shalt  }
0x56: {  	_ =	shalt  }
0x57: {  	_ =	shalt  }
0x58: {  	_ =	shalt  }
0x59: {  	_ =	shalt  }
0x5a: {  	_ =	shalt  }
0x5b: {  	_ =	shalt  }
0x5c: {  	_ =	shalt  }
0x5d: {  	_ =	shalt  }
0x5e: {  	_ =	shalt  }
0x5f: {  	_ =	shalt  }
0x60: {  	_ =	shalt  }
0x61: {  	_ =	shalt  }
0x62: {  	_ =	shalt  }
0x63: {  	_ =	shalt  }
0x64: {  	_ =	shalt  }
0x65: {  	_ =	shalt  }
0x66: {  	_ =	shalt  }
0x67: {  	_ =	shalt  }
0x68: {  	_ =	shalt  }
0x69: {  	_ =	shalt  }
0x6a: {  	_ =	shalt  }
0x6b: {  	_ =	shalt  }
0x6c: {  	_ =	shalt  }
0x6d: {  	_ =	shalt  }
0x6e: {  	_ =	shalt  }
0x6f: {  	_ =	shalt  }
0x70: {  	_ =	shalt  }
0x71: {  	_ =	shalt  }
0x72: {  	_ =	shalt  }
0x73: {  	_ =	shalt  }
0x74: {  	_ =	shalt  }
0x75: {  	_ =	shalt  }
0x76: {  	_ =	shalt  }
0x77: {  	_ =	shalt  }
0x78: {  	_ =	shalt  }
0x79: {  	_ =	shalt  }
0x7a: {  	_ =	shalt  }
0x7b: {  	_ =	shalt  }
0x7c: {  	_ =	shalt  }
0x7d: {  	_ =	shalt  }
0x7e: {  	_ =	shalt  }
0x7f: {  	_ =	shalt  }
0x80: {  	_ =	shalt  }
0x81: {  	_ =	shalt  }
0x82: {  	_ =	shalt  }
0x83: {  	_ =	shalt  }
0x84: {  	_ =	shalt  }
0x85: {  	_ =	shalt  }
0x86: {  	_ =	shalt  }
0x87: {  	_ =	shalt  }
.Lfunc_end0:
.L_simem_size_0:
called_computation_lowered:
.L_overlay_start_0:
0x88: {  	s2 =	sld [smem:$0x3FD9]  }
0x89: {  	s3 =	sld [smem:$0x3FFE];
	_ =	sdelay $0x1  }
0x8a: {  	s1 =	srdreg.scid  }
0x8b: {  	s0 =	sand.u32 $0x1, s1  }
0x8c: {  	s16 =	sshll.u32 s0, $0xA;
	s2 =	sadd.s32 s3, s2  }
0x8d: {  	s2 =	sadd.s32 s2, s16  }
0x8e: {  	[smem:$0x3FBC] =	sst s2  }
0x8f: {  	_ = 	snop  }
0x90: {  	(tm) =	ssettm $0x1  }
0x91: {  	s17 =	sld [smem:$0x3FFB];
	_ =	sdelay $0x3  }
0x92: {  	_ =	strace s17  }
0x93: {  	s2 =	sld [smem:$0x3FFC];
	_ =	sdelay $0x3  }
0x94: {  	_ =	strace s2  }
0x95: {  	s2 =	sld [smem:$0x3FFD];
	_ =	sdelay $0x3  }
0x96: {  	_ =	strace s2  }
0x97: {  	_ =	strace $0x8FFFFFFF  }
0x98: {  	s18 =	sld [smem:$0x3FDB];
	_ =	sdelay $0x1  }
0x99: {  	s19 =	simm.s32 $_scs_section_size  }
0x9a: {  	s4 =	simm.s32 $_size__tile_overlayer_lowered;
	s5 =	simm.s32 $_tile_overlayer_lowered  }
0x9b: {  	s22 =	simm.s32 $0x1BFF;
	s21 =	sshll.u32 s5, $0x1;
	s2 =	sadd.s32 s19, s18  }
0x9c: {  	s6 =	simm.s32 $0x0;
	s20 =	sshll.u32 s4, $0x1;
	s4 =	sadd.s32 s21, s2  }
0x9d: {  	[timem:s6], [sflag:s22] =	dma.local [hbm:s4], s20  }
0x9e: {  	_ =	swait.ge [sflag:s22], s20  }
0x9f: {  	s3 =	ssub.s32 $0x0, s20;
	[sflag:s22] =	ssyncset.done $0x0  }
0xa0: {  	[sflag:s22] =	ssyncadd.s32 s3;
	_ =	sdelay $0x1  }
0xa1: {  	s23 =	simm.s32 $0x1B8B  }
0xa2: {  	_ =	swait.ge [sflag:s23], $0x1  }
0xa3: {  	[sflag:s23] =	ssyncset.done $0x0  }
0xa4: {  	s25 =	simm.s32 $0x1B8E;
	s24 =	sld [smem:$0x3FFE];
	[sflag:s23] =	ssyncadd.s32 $0xFFFFFFFF  }
0xa5: {  	s26 =	simm.s32 $execute0_lowered;
	[smem:$0x3FD2] =	sst s25  }
0xa6: {  	s4 =	sshll.u32 s26, $0x1;
	_ =	strace $0x80000046;
	[dreg:$0x1] =	wrdreg $0xFFFFFFFF  }
0xa7: {  	s28 =	simm.s32 $_size_execute0_lowered;
	s2 =	sadd.s32 s2, s4;
	[dreg:$0x0] =	wrdreg $0x0  }
0xa8: {  	s4 =	sshll.u32 s28, $0x1;
	[dreg:$0x2] =	wrdreg s2  }
0xa9: {  	[dreg:$0x3] =	wrdreg s4  }
0xaa: {  	[dreg:$0x4] =	wrdreg $0xC0  }
0xab: {  	_ =	task [dreg:s6], $0x5FFFF  }
0xac: {  	[dreg:$0x1] =	wrdreg $0xFFFFFFFF  }
0xad: {  	[dreg:$0x0] =	wrdreg $0x60  }
0xae: {  	[dreg:$0x2] =	wrdreg s24  }
0xaf: {  	[dreg:$0x3] =	wrdreg $0x9  }
0xb0: {  	_ =	task.clear_ibuf [dreg:s6], $0x4FFFF;
	_ =	strace $0x90000046  }
0xb1: {  	s29 =	simm.s32 $0x9;
	_ =	strace $0x80000048  }
0xb2: {  	_ =	swait.ge [sflag:s29], $0x1  }
0xb3: {  	[sflag:s29] =	ssyncadd.s32 $0xFFFFFFFF  }
0xb4: {  	_ =	strace $0x90000048  }
0xb5: {  	_ =	sfence  }
0xb6: {  	s30 =	sld [smem:$0x0];
	_ =	sdelay $0x2  }
0xb7: {  	s31 =	sshll.u32 s1, $0xD;
	s1 =	sshrl.u32 s1, $0x2  }
0xb8: {  	s3 =	sand.u32 $0x4000, s31;
	s1 =	sadd.s32 s1, s30  }
0xb9: {  	s0 =	sor.u32 s3, s0;
	s1 =	sshll.u32 s1, $0x11  }
0xba: {  	s0 =	sor.u32 s1, s0  }
0xbb: {  	s0 =	sadd.s32 $0x8F2B, s0  }
0xbc: {  	[sflag:s0] =	ssyncadd.remote.s32 $0x1  }
0xbd: {  	_ =	sfence.sel $0xFFFF  }
0xbe: {  	[dreg:$0x0] =	wrdreg $0xFFFFFFFF;
	(pc) =	sbr.abs _section_cstart, $3  }
0xbf: {  	[dreg:$0x1] =	wrdreg $0xFFFFFFFF  }
0xc0: {  	_ =	task.clear_ibuf [dreg:s6], $0x2FFFF;
	_ =	strace $0x9FFFFFFF  }
0xc1: {  	(tm) =	ssettm $0x7FFFFFFF  }
tec
execute0_lowered:
.L_overlay_start_1:
0x0: {  	(tag) =	ssettag $0x1  }
0x1: {  	s0 =	srdreg.scid;
	s1 =	stileid.u32  }
0x2: {  	s2 =	sand.u32 $0x1, s0;
	s30 =	sshll.u32 s1, $0x1  }
0x3: {  	s1 =	sor.u32 s2, s30  }
0x4: {  	s3 =	smul.u32 $0x1A0, s1  }
0x5: {  	s4 =	smul.u32 $0x68000, s1  }
0x6: {  	s0 =	rddreg [dreg:$0x0]  }
0x7: {  	s10 =	simm.s32 $0x0;
	s3 =	sadd.s32 s3, s0;
	s4 =	sshrl.u32 s4, $0x3  }
0x8: {  	[smem:$0x7FF] =	sst s10;
	s4 =	sadd.s32 s4, s0;
	s3 =	sadd.s32 $0x2000, s3  }
0x9: {  	_ =	strace $0x80000047;
	[dreg:$0x2] =	wrdreg s3;
	s1 =	sadd.s32 $0x5400, s4  }
0xa: {  	s5 =	sadd.s32 $0x5C00, s4;
	[dreg:$0x3] =	wrdreg s1  }
0xb: {  	s6 =	sadd.s32 $0x6400, s4;
	[dreg:$0x4] =	wrdreg s5  }
0xc: {  	s7 =	sadd.s32 $0x6C00, s4;
	[dreg:$0x5] =	wrdreg s6  }
0xd: {  	s8 =	sadd.s32 $0x7400, s4;
	[dreg:$0x6] =	wrdreg s7  }
0xe: {  	s9 =	sadd.s32 $0x7C00, s4;
	[dreg:$0x7] =	wrdreg s8  }
0xf: {  	s11 =	sadd.s32 $0x8400, s4;
	[dreg:$0x8] =	wrdreg s9  }
0x10: {  	s12 =	sadd.s32 $0x8C00, s4;
	[dreg:$0x9] =	wrdreg s11  }
0x11: {  	s13 =	sadd.s32 $0x9400, s4;
	[dreg:$0xa] =	wrdreg s12  }
0x12: {  	s14 =	sadd.s32 $0x9C00, s4;
	[dreg:$0xb] =	wrdreg s13  }
0x13: {  	s15 =	sadd.s32 $0xA400, s4;
	[dreg:$0xc] =	wrdreg s14  }
0x14: {  	s16 =	sadd.s32 $0xAC00, s4;
	[dreg:$0xd] =	wrdreg s15  }
0x15: {  	s17 =	sadd.s32 $0xB400, s4;
	[dreg:$0xe] =	wrdreg s16  }
0x16: {  	s18 =	sadd.s32 $0xBC00, s4;
	[dreg:$0xf] =	wrdreg s17  }
0x17: {  	s19 =	sadd.s32 $0xC400, s4;
	[dreg:$0x10] =	wrdreg s18  }
0x18: {  	s20 =	sadd.s32 $0xCC00, s4;
	[dreg:$0x11] =	wrdreg s19  }
0x19: {  	s21 =	sadd.s32 $0xD400, s4;
	[dreg:$0x12] =	wrdreg s20  }
0x1a: {  	s22 =	sadd.s32 $0xDC00, s4;
	[dreg:$0x13] =	wrdreg s21  }
0x1b: {  	s23 =	sadd.s32 $0xE400, s4;
	[dreg:$0x14] =	wrdreg s22  }
0x1c: {  	s24 =	sadd.s32 $0xEC00, s4;
	[dreg:$0x15] =	wrdreg s23  }
0x1d: {  	s25 =	sadd.s32 $0xF400, s4;
	[dreg:$0x16] =	wrdreg s24  }
0x1e: {  	s26 =	sadd.s32 $0xFC00, s4;
	[dreg:$0x17] =	wrdreg s25  }
0x1f: {  	s28 =	sadd.s32 $0x10400, s4;
	[dreg:$0x18] =	wrdreg s26  }
0x20: {  	s29 =	sadd.s32 $0x10C00, s4;
	[dreg:$0x19] =	wrdreg s28  }
0x21: {  	s30 =	sadd.s32 $0x11400, s4;
	[dreg:$0x1a] =	wrdreg s29  }
0x22: {  	[dreg:$0x1b] =	wrdreg s30;
	s1 =	sadd.s32 $0x11C00, s4  }
0x23: {  	s4 =	simm.s32 $0x100;
	[dreg:$0x1c] =	wrdreg s1  }
0x24: {  	s5 =	simm.s32 $0x180;
	[dreg:$0x1d] =	wrdreg s4  }
0x25: {  	s6 =	simm.s32 $0x200;
	[dreg:$0x1e] =	wrdreg s5  }
0x26: {  	s8 =	simm.s32 $0x280;
	[dreg:$0x1f] =	wrdreg s6  }
0x27: {  	s9 =	simm.s32 $0x300;
	[smem:$0x7E9] =	sst s8  }
0x28: {  	s11 =	simm.s32 $0x380;
	[smem:$0x7EA] =	sst s9  }
0x29: {  	s12 =	simm.s32 $0x400;
	[smem:$0x7EB] =	sst s11  }
0x2a: {  	s13 =	simm.s32 $0x480;
	[smem:$0x7EC] =	sst s12  }
0x2b: {  	s14 =	simm.s32 $0x500;
	[smem:$0x7ED] =	sst s13  }
0x2c: {  	s15 =	simm.s32 $0x580;
	[smem:$0x7EE] =	sst s14  }
0x2d: {  	s16 =	simm.s32 $0x600;
	[smem:$0x7EF] =	sst s15  }
0x2e: {  	s17 =	simm.s32 $0x680;
	[smem:$0x7F0] =	sst s16  }
0x2f: {  	s18 =	simm.s32 $0x700;
	[smem:$0x7F1] =	sst s17  }
0x30: {  	s19 =	simm.s32 $0x780;
	[smem:$0x7F2] =	sst s18  }
0x31: {  	s20 =	simm.s32 $0x800;
	[smem:$0x7F3] =	sst s19  }
0x32: {  	s31 =	simm.s32 $0x3;
	s21 =	simm.s32 $0x880;
	[smem:$0x7F4] =	sst s20  }
0x33: {  	p0 =	por $0x0, $0x0;
	s22 =	simm.s32 $0x900;
	[smem:$0x7F5] =	sst s21  }
0x34: {  	s2 =	ssub.s32 $0x2, s2;
	s23 =	simm.s32 $0x980;
	[smem:$0x7F6] =	sst s22  }
0x35: {  	s7 =	sshrl.u32 s2, $0x1;
	s24 =	simm.s32 $0xA00;
	[smem:$0x7F7] =	sst s23  }
0x36: {  	s25 =	simm.s32 $0xA80;
	s2 =	ssub.s32 s2, s7;
	[smem:$0x7F8] =	sst s24  }
0x37: {  	s26 =	simm.s32 $0xB00;
	[smem:$0x7F9] =	sst s25;
	s2 =	smax.u32 s2, $0x1  }
0x38: {  	s28 =	simm.s32 $0xB80;
	[smem:$0x7FA] =	sst s26;
	p1 =	sne.s32 s2, $0x1  }
.Ltmp0:
0x39: {  	s29 =	simm.s32 $0xC00;
	[smem:$0x7FB] =	sst s28;
	(pc) =	sbr.rel @!p1 .LBB2_5-.Ltmp0, $4  }
0x3a: {  	s0 =	sadd.s32 $0xF44400, s0;
	s30 =	simm.s32 $0xC80;
	[smem:$0x7FC] =	sst s29  }
0x3b: {  	s3 =	simm.s32 $0x80;
	s6 =	simm.s32 $0x10D00;
	[smem:$0x7FD] =	sst s30  }
0x3c: {  	s8 =	simm.s32 $0x13D00;
	s4 =	simm.s32 $0x1;
	s23 =	simm.s32 $0x20  }
0x3d: {  	s7 =	rddreg [dreg:$0x2];
	s5 =	sadd.s32 $0xFFFFFFFF, s2;
	s2 =	simm.s32 $0x2  }
0x3e: {  	[tilespmem:s10], [sflag:$0x3] =	stream.linear.gather [hbm4b:s7+s10], $0xD00, $0x38;
	[tilespmem:$0x1AD00] =	vst v63  }
0x3f: {  	_ =	swait.ge [sflag:s31], $0xD00  }
0x40: {  	[sflag:s31] =	ssyncset.done $0x0  }
0x41: {  	s12 =	simm.s32 $0xD00;
	[sflag:s31] =	ssyncadd.s32 $0xFFFFF300  }
0x42: {  	[tilespmem:s12], [sflag:$0x1] =	stream.indirect.gather [hbm4b:s0+s3], $0x20, s10, s3, $0xb8;
	[tilespmem:$0x1AD00] =	vst v63  }
0x43: {  	s14 =	simm.s32 $0x1D00;
	s28 =	rddreg [dreg:$0x1d]  }
0x44: {  	[tilespmem:s14], [sflag:$0x1] =	stream.indirect.gather [hbm4b:s0+s3], $0x20, s3, s3, $0xb8;
	[tilespmem:$0x1AD00] =	vst v63  }
0x45: {  	s15 =	simm.s32 $0x2D00;
	s6 =	rddreg [dreg:$0x1e]  }
0x46: {  	[tilespmem:s15], [sflag:$0x1] =	stream.indirect.gather [hbm4b:s0+s3], $0x20, s28, s3, $0xb8;
	[tilespmem:$0x1AD00] =	vst v63  }
0x47: {  	s16 =	simm.s32 $0x3D00;
	s29 =	rddreg [dreg:$0x1f]  }
0x48: {  	[tilespmem:s16], [sflag:$0x1] =	stream.indirect.gather [hbm4b:s0+s3], $0x20, s6, s3, $0xb8;
	[tilespmem:$0x1AD00] =	vst v63  }
0x49: {  	s17 =	simm.s32 $0x4D00;
	s30 =	sld [smem:$0x7E9]  }
0x4a: {  	[tilespmem:s17], [sflag:$0x1] =	stream.indirect.gather [hbm4b:s0+s3], $0x20, s29, s3, $0xb8;
	[tilespmem:$0x1AD00] =	vst v63  }
0x4b: {  	s18 =	simm.s32 $0x5D00;
	s9 =	sld [smem:$0x7EA]  }
0x4c: {  	[tilespmem:s18], [sflag:$0x1] =	stream.indirect.gather [hbm4b:s0+s3], $0x20, s30, s3, $0xb8;
	[tilespmem:$0x1AD00] =	vst v63  }
0x4d: {  	s19 =	simm.s32 $0x6D00;
	s10 =	sld [smem:$0x7EB]  }
0x4e: {  	[tilespmem:s19], [sflag:$0x1] =	stream.indirect.gather [hbm4b:s0+s3], $0x20, s9, s3, $0xb8;
	[tilespmem:$0x1AD00] =	vst v63  }
0x4f: {  	s20 =	simm.s32 $0x7D00;
	s11 =	sld [smem:$0x7EC]  }
0x50: {  	[tilespmem:s20], [sflag:$0x1] =	stream.indirect.gather [hbm4b:s0+s3], $0x20, s10, s3, $0xb8;
	[tilespmem:$0x1AD00] =	vst v63  }
0x51: {  	s21 =	simm.s32 $0x8D00;
	s13 =	sld [smem:$0x7ED]  }
0x52: {  	[tilespmem:s21], [sflag:$0x1] =	stream.indirect.gather [hbm4b:s0+s3], $0x20, s11, s3, $0xb8;
	[tilespmem:$0x1AD00] =	vst v63  }
0x53: {  	s25 =	simm.s32 $0x9D00;
	s22 =	sld [smem:$0x7EE]  }
0x54: {  	[tilespmem:s25], [sflag:$0x1] =	stream.indirect.gather [hbm4b:s0+s3], $0x20, s13, s3, $0xb8;
	[tilespmem:$0x1AD00] =	vst v63  }
0x55: {  	s24 =	sld [smem:$0x7EF];
	s28 =	simm.s32 $0xAD00  }
0x56: {  	[tilespmem:s28], [sflag:$0x1] =	stream.indirect.gather [hbm4b:s0+s3], $0x20, s22, s3, $0xb8;
	[tilespmem:$0x1AD00] =	vst v63  }
0x57: {  	s26 =	sld [smem:$0x7F0];
	s30 =	simm.s32 $0xBD00  }
0x58: {  	[tilespmem:s30], [sflag:$0x1] =	stream.indirect.gather [hbm4b:s0+s3], $0x20, s24, s3, $0xb8;
	[tilespmem:$0x1AD00] =	vst v63  }
0x59: {  	s29 =	sld [smem:$0x7F1];
	s9 =	simm.s32 $0xCD00  }
0x5a: {  	[tilespmem:s9], [sflag:$0x1] =	stream.indirect.gather [hbm4b:s0+s3], $0x20, s26, s3, $0xb8;
	[tilespmem:$0x1AD00] =	vst v63  }
0x5b: {  	s22 =	simm.s32 $0xDD00;
	s9 =	sld [smem:$0x7F2]  }
0x5c: {  	[tilespmem:s22], [sflag:$0x1] =	stream.indirect.gather [hbm4b:s0+s3], $0x20, s29, s3, $0xb8;
	[tilespmem:$0x1AD00] =	vst v63  }
0x5d: {  	s10 =	sld [smem:$0x7F3];
	s24 =	simm.s32 $0xED00  }
0x5e: {  	[tilespmem:s24], [sflag:$0x1] =	stream.indirect.gather [hbm4b:s0+s3], $0x20, s9, s3, $0xb8;
	[tilespmem:$0x1AD00] =	vst v63  }
0x5f: {  	s11 =	sld [smem:$0x7F4];
	s26 =	simm.s32 $0xFD00  }
0x60: {  	[tilespmem:s26], [sflag:$0x1] =	stream.indirect.gather [hbm4b:s0+s3], $0x20, s10, s3, $0xb8;
	[tilespmem:$0x1AD00] =	vst v63  }
0x61: {  	s1 =	simm.s32 $0x10D00;
	s13 =	sld [smem:$0x7F5]  }
0x62: {  	[tilespmem:s1], [sflag:$0x1] =	stream.indirect.gather [hbm4b:s0+s3], $0x20, s11, s3, $0xb8;
	[tilespmem:$0x1AD00] =	vst v63  }
0x63: {  	s29 =	simm.s32 $0x11D00;
	s1 =	sld [smem:$0x7F6]  }
0x64: {  	[tilespmem:s29], [sflag:$0x1] =	stream.indirect.gather [hbm4b:s0+s3], $0x20, s13, s3, $0xb8;
	[tilespmem:$0x1AD00] =	vst v63  }
0x65: {  	s9 =	simm.s32 $0x12D00;
	s10 =	sld [smem:$0x7F7]  }
0x66: {  	[tilespmem:s9], [sflag:$0x1] =	stream.indirect.gather [hbm4b:s0+s3], $0x20, s1, s3, $0xb8;
	[tilespmem:$0x1AD00] =	vst v63  }
0x67: {  	s11 =	sld [smem:$0x7F8]  }
0x68: {  	[tilespmem:s8], [sflag:$0x1] =	stream.indirect.gather [hbm4b:s0+s3], $0x20, s10, s3, $0xb8;
	[tilespmem:$0x1AD00] =	vst v63  }
0x69: {  	s13 =	sld [smem:$0x7F9];
	s10 =	simm.s32 $0x14D00  }
0x6a: {  	[tilespmem:s10], [sflag:$0x1] =	stream.indirect.gather [hbm4b:s0+s3], $0x20, s11, s3, $0xb8;
	[tilespmem:$0x1AD00] =	vst v63  }
0x6b: {  	s1 =	sld [smem:$0x7FA];
	s11 =	simm.s32 $0x15D00  }
0x6c: {  	[tilespmem:s11], [sflag:$0x1] =	stream.indirect.gather [hbm4b:s0+s3], $0x20, s13, s3, $0xb8;
	[tilespmem:$0x1AD00] =	vst v63  }
0x6d: {  	s6 =	sld [smem:$0x7FB];
	s13 =	simm.s32 $0x16D00  }
0x6e: {  	[tilespmem:s13], [sflag:$0x1] =	stream.indirect.gather [hbm4b:s0+s3], $0x20, s1, s3, $0xb8;
	[tilespmem:$0x1AD00] =	vst v63  }
0x6f: {  	s7 =	sld [smem:$0x7FC];
	s1 =	smov.u32 s5;
	s5 =	simm.s32 $0x17D00  }
0x70: {  	[tilespmem:s5], [sflag:$0x1] =	stream.indirect.gather [hbm4b:s0+s3], $0x20, s6, s3, $0xb8;
	[tilespmem:$0x1AD00] =	vst v63  }
0x71: {  	s6 =	sld [smem:$0x7FD];
	s5 =	simm.s32 $0x18D00  }
0x72: {  	[tilespmem:s5], [sflag:$0x1] =	stream.indirect.gather [hbm4b:s0+s3], $0x20, s7, s3, $0xb8;
	[tilespmem:$0x1AD00] =	vst v63  }
0x73: {  	s5 =	simm.s32 $0x19D00  }
0x74: {  	[tilespmem:s5], [sflag:$0x1] =	stream.indirect.gather [hbm4b:s0+s3], $0x20, s6, s3, $0xb8;
	[tilespmem:$0x1AD00] =	vst v63  }
0x75: {  	_ =	swait.ge [sflag:s4], $0x1000  }
0x76: {  	[sflag:s4] =	ssyncset.done $0x0  }
0x77: {  	[sflag:s4] =	ssyncadd.s32 $0xFFFFF000  }
0x78: {  	_ =	swait.ge [sflag:s4], $0x1000  }
0x79: {  	[sflag:s4] =	ssyncset.done $0x0  }
0x7a: {  	[sflag:s4] =	ssyncadd.s32 $0xFFFFF000  }
0x7b: {  	_ =	swait.ge [sflag:s4], $0x1000  }
0x7c: {  	[sflag:s4] =	ssyncset.done $0x0  }
0x7d: {  	[sflag:s4] =	ssyncadd.s32 $0xFFFFF000  }
0x7e: {  	_ =	swait.ge [sflag:s4], $0x1000  }
0x7f: {  	[sflag:s4] =	ssyncset.done $0x0  }
0x80: {  	[sflag:s4] =	ssyncadd.s32 $0xFFFFF000  }
0x81: {  	_ =	swait.ge [sflag:s4], $0x1000  }
0x82: {  	[sflag:s4] =	ssyncset.done $0x0  }
0x83: {  	[sflag:s4] =	ssyncadd.s32 $0xFFFFF000  }
0x84: {  	_ =	swait.ge [sflag:s4], $0x1000  }
0x85: {  	[sflag:s4] =	ssyncset.done $0x0  }
0x86: {  	[sflag:s4] =	ssyncadd.s32 $0xFFFFF000  }
0x87: {  	_ =	swait.ge [sflag:s4], $0x1000  }
0x88: {  	[sflag:s4] =	ssyncset.done $0x0  }
0x89: {  	[sflag:s4] =	ssyncadd.s32 $0xFFFFF000  }
0x8a: {  	_ =	swait.ge [sflag:s4], $0x1000  }
0x8b: {  	[sflag:s4] =	ssyncset.done $0x0  }
0x8c: {  	[sflag:s4] =	ssyncadd.s32 $0xFFFFF000  }
0x8d: {  	_ =	swait.ge [sflag:s4], $0x1000  }
0x8e: {  	[sflag:s4] =	ssyncset.done $0x0  }
0x8f: {  	[sflag:s4] =	ssyncadd.s32 $0xFFFFF000  }
0x90: {  	_ =	swait.ge [sflag:s4], $0x1000  }
0x91: {  	[sflag:s4] =	ssyncset.done $0x0  }
0x92: {  	[sflag:s4] =	ssyncadd.s32 $0xFFFFF000  }
0x93: {  	_ =	swait.ge [sflag:s4], $0x1000  }
0x94: {  	[sflag:s4] =	ssyncset.done $0x0  }
0x95: {  	[sflag:s4] =	ssyncadd.s32 $0xFFFFF000  }
0x96: {  	_ =	swait.ge [sflag:s4], $0x1000  }
0x97: {  	[sflag:s4] =	ssyncset.done $0x0  }
0x98: {  	[sflag:s4] =	ssyncadd.s32 $0xFFFFF000  }
0x99: {  	_ =	swait.ge [sflag:s4], $0x1000  }
0x9a: {  	[sflag:s4] =	ssyncset.done $0x0  }
0x9b: {  	[sflag:s4] =	ssyncadd.s32 $0xFFFFF000  }
0x9c: {  	_ =	swait.ge [sflag:s4], $0x1000  }
0x9d: {  	[sflag:s4] =	ssyncset.done $0x0  }
0x9e: {  	[sflag:s4] =	ssyncadd.s32 $0xFFFFF000  }
0x9f: {  	_ =	swait.ge [sflag:s4], $0x1000  }
0xa0: {  	[sflag:s4] =	ssyncset.done $0x0  }
0xa1: {  	[sflag:s4] =	ssyncadd.s32 $0xFFFFF000  }
0xa2: {  	_ =	swait.ge [sflag:s4], $0x1000  }
0xa3: {  	[sflag:s4] =	ssyncset.done $0x0  }
0xa4: {  	[sflag:s4] =	ssyncadd.s32 $0xFFFFF000  }
0xa5: {  	_ =	swait.ge [sflag:s4], $0x1000  }
0xa6: {  	[sflag:s4] =	ssyncset.done $0x0  }
0xa7: {  	[sflag:s4] =	ssyncadd.s32 $0xFFFFF000  }
0xa8: {  	_ =	swait.ge [sflag:s4], $0x1000  }
0xa9: {  	[sflag:s4] =	ssyncset.done $0x0  }
0xaa: {  	[sflag:s4] =	ssyncadd.s32 $0xFFFFF000  }
0xab: {  	_ =	swait.ge [sflag:s4], $0x1000  }
0xac: {  	[sflag:s4] =	ssyncset.done $0x0  }
0xad: {  	[sflag:s4] =	ssyncadd.s32 $0xFFFFF000  }
0xae: {  	_ =	swait.ge [sflag:s4], $0x1000  }
0xaf: {  	[sflag:s4] =	ssyncset.done $0x0  }
0xb0: {  	[sflag:s4] =	ssyncadd.s32 $0xFFFFF000  }
0xb1: {  	_ =	swait.ge [sflag:s4], $0x1000  }
0xb2: {  	[sflag:s4] =	ssyncset.done $0x0  }
0xb3: {  	[sflag:s4] =	ssyncadd.s32 $0xFFFFF000  }
0xb4: {  	_ =	swait.ge [sflag:s4], $0x1000  }
0xb5: {  	[sflag:s4] =	ssyncset.done $0x0  }
0xb6: {  	[sflag:s4] =	ssyncadd.s32 $0xFFFFF000  }
0xb7: {  	_ =	swait.ge [sflag:s4], $0x1000  }
0xb8: {  	[sflag:s4] =	ssyncset.done $0x0  }
0xb9: {  	[sflag:s4] =	ssyncadd.s32 $0xFFFFF000  }
0xba: {  	_ =	swait.ge [sflag:s4], $0x1000  }
0xbb: {  	[sflag:s4] =	ssyncset.done $0x0  }
0xbc: {  	[sflag:s4] =	ssyncadd.s32 $0xFFFFF000  }
0xbd: {  	_ =	swait.ge [sflag:s4], $0x1000  }
0xbe: {  	[sflag:s4] =	ssyncset.done $0x0  }
0xbf: {  	[sflag:s4] =	ssyncadd.s32 $0xFFFFF000  }
0xc0: {  	_ =	swait.ge [sflag:s4], $0x1000  }
0xc1: {  	[sflag:s4] =	ssyncset.done $0x0  }
0xc2: {  	s6 =	rddreg [dreg:$0x3];
	[sflag:s4] =	ssyncadd.s32 $0xFFFFF000  }
0xc3: {  	[hbm4b:s6+s23] =	stream.strided.scatter [tilespmem:s12], [sflag:$0x2], $0x1000, s3, s23, $0x38;
	[tilespmem:$0x1AD00] =	vst v63  }
0xc4: {  	s7 =	rddreg [dreg:$0x4]  }
0xc5: {  	[hbm4b:s7+s23] =	stream.strided.scatter [tilespmem:s14], [sflag:$0x2], $0x1000, s3, s23, $0x38;
	[tilespmem:$0x1AD00] =	vst v63  }
0xc6: {  	s6 =	rddreg [dreg:$0x5]  }
0xc7: {  	[hbm4b:s6+s23] =	stream.strided.scatter [tilespmem:s15], [sflag:$0x2], $0x1000, s3, s23, $0x38;
	[tilespmem:$0x1AD00] =	vst v63  }
0xc8: {  	s12 =	rddreg [dreg:$0x6]  }
0xc9: {  	[hbm4b:s12+s23] =	stream.strided.scatter [tilespmem:s16], [sflag:$0x2], $0x1000, s3, s23, $0x38;
	[tilespmem:$0x1AD00] =	vst v63  }
0xca: {  	s14 =	rddreg [dreg:$0x7]  }
0xcb: {  	[hbm4b:s14+s23] =	stream.strided.scatter [tilespmem:s17], [sflag:$0x2], $0x1000, s3, s23, $0x38;
	[tilespmem:$0x1AD00] =	vst v63  }
0xcc: {  	s15 =	rddreg [dreg:$0x8]  }
0xcd: {  	[hbm4b:s15+s23] =	stream.strided.scatter [tilespmem:s18], [sflag:$0x2], $0x1000, s3, s23, $0x38;
	[tilespmem:$0x1AD00] =	vst v63  }
0xce: {  	s16 =	rddreg [dreg:$0x9]  }
0xcf: {  	[hbm4b:s16+s23] =	stream.strided.scatter [tilespmem:s19], [sflag:$0x2], $0x1000, s3, s23, $0x38;
	[tilespmem:$0x1AD00] =	vst v63  }
0xd0: {  	s17 =	rddreg [dreg:$0xa]  }
0xd1: {  	[hbm4b:s17+s23] =	stream.strided.scatter [tilespmem:s20], [sflag:$0x2], $0x1000, s3, s23, $0x38;
	[tilespmem:$0x1AD00] =	vst v63  }
0xd2: {  	s18 =	rddreg [dreg:$0xb]  }
0xd3: {  	[hbm4b:s18+s23] =	stream.strided.scatter [tilespmem:s21], [sflag:$0x2], $0x1000, s3, s23, $0x38;
	[tilespmem:$0x1AD00] =	vst v63  }
0xd4: {  	s19 =	rddreg [dreg:$0xc]  }
0xd5: {  	[hbm4b:s19+s23] =	stream.strided.scatter [tilespmem:s25], [sflag:$0x2], $0x1000, s3, s23, $0x38;
	[tilespmem:$0x1AD00] =	vst v63  }
0xd6: {  	s20 =	rddreg [dreg:$0xd]  }
0xd7: {  	[hbm4b:s20+s23] =	stream.strided.scatter [tilespmem:s28], [sflag:$0x2], $0x1000, s3, s23, $0x38;
	[tilespmem:$0x1AD00] =	vst v63  }
0xd8: {  	s21 =	rddreg [dreg:$0xe]  }
0xd9: {  	[hbm4b:s21+s23] =	stream.strided.scatter [tilespmem:s30], [sflag:$0x2], $0x1000, s3, s23, $0x38;
	[tilespmem:$0x1AD00] =	vst v63  }
0xda: {  	s25 =	rddreg [dreg:$0xf];
	s30 =	simm.s32 $0xCD00  }
0xdb: {  	[hbm4b:s25+s23] =	stream.strided.scatter [tilespmem:s30], [sflag:$0x2], $0x1000, s3, s23, $0x38;
	[tilespmem:$0x1AD00] =	vst v63  }
0xdc: {  	s28 =	rddreg [dreg:$0x10]  }
0xdd: {  	[hbm4b:s28+s23] =	stream.strided.scatter [tilespmem:s22], [sflag:$0x2], $0x1000, s3, s23, $0x38;
	[tilespmem:$0x1AD00] =	vst v63  }
0xde: {  	s14 =	rddreg [dreg:$0x11]  }
0xdf: {  	[hbm4b:s14+s23] =	stream.strided.scatter [tilespmem:s24], [sflag:$0x2], $0x1000, s3, s23, $0x38;
	[tilespmem:$0x1AD00] =	vst v63  }
0xe0: {  	s15 =	rddreg [dreg:$0x12]  }
0xe1: {  	[hbm4b:s15+s23] =	stream.strided.scatter [tilespmem:s26], [sflag:$0x2], $0x1000, s3, s23, $0x38;
	[tilespmem:$0x1AD00] =	vst v63  }
0xe2: {  	s16 =	rddreg [dreg:$0x13];
	s18 =	simm.s32 $0x10D00  }
0xe3: {  	[hbm4b:s16+s23] =	stream.strided.scatter [tilespmem:s18], [sflag:$0x2], $0x1000, s3, s23, $0x38;
	[tilespmem:$0x1AD00] =	vst v63  }
0xe4: {  	s17 =	rddreg [dreg:$0x14]  }
0xe5: {  	[hbm4b:s17+s23] =	stream.strided.scatter [tilespmem:s29], [sflag:$0x2], $0x1000, s3, s23, $0x38;
	[tilespmem:$0x1AD00] =	vst v63  }
0xe6: {  	s19 =	rddreg [dreg:$0x15]  }
0xe7: {  	[hbm4b:s19+s23] =	stream.strided.scatter [tilespmem:s9], [sflag:$0x2], $0x1000, s3, s23, $0x38;
	[tilespmem:$0x1AD00] =	vst v63  }
0xe8: {  	s20 =	rddreg [dreg:$0x16]  }
0xe9: {  	[hbm4b:s20+s23] =	stream.strided.scatter [tilespmem:s8], [sflag:$0x2], $0x1000, s3, s23, $0x38;
	[tilespmem:$0x1AD00] =	vst v63  }
0xea: {  	s21 =	rddreg [dreg:$0x17]  }
0xeb: {  	[hbm4b:s21+s23] =	stream.strided.scatter [tilespmem:s10], [sflag:$0x2], $0x1000, s3, s23, $0x38;
	[tilespmem:$0x1AD00] =	vst v63  }
0xec: {  	s22 =	rddreg [dreg:$0x18]  }
0xed: {  	[hbm4b:s22+s23] =	stream.strided.scatter [tilespmem:s11], [sflag:$0x2], $0x1000, s3, s23, $0x38;
	[tilespmem:$0x1AD00] =	vst v63  }
0xee: {  	s24 =	rddreg [dreg:$0x19]  }
0xef: {  	[hbm4b:s24+s23] =	stream.strided.scatter [tilespmem:s13], [sflag:$0x2], $0x1000, s3, s23, $0x38;
	[tilespmem:$0x1AD00] =	vst v63  }
0xf0: {  	s25 =	rddreg [dreg:$0x1a];
	s28 =	simm.s32 $0x17D00  }
0xf1: {  	[hbm4b:s25+s23] =	stream.strided.scatter [tilespmem:s28], [sflag:$0x2], $0x1000, s3, s23, $0x38;
	[tilespmem:$0x1AD00] =	vst v63  }
0xf2: {  	s30 =	simm.s32 $0x18D00;
	s26 =	rddreg [dreg:$0x1b]  }
0xf3: {  	[hbm4b:s26+s23] =	stream.strided.scatter [tilespmem:s30], [sflag:$0x2], $0x1000, s3, s23, $0x38;
	[tilespmem:$0x1AD00] =	vst v63  }
0xf4: {  	s29 =	rddreg [dreg:$0x1c]  }
0xf5: {  	[hbm4b:s29+s23] =	stream.strided.scatter [tilespmem:s5], [sflag:$0x2], $0x1000, s3, s23, $0x38;
	[tilespmem:$0x1AD00] =	vst v63  }
0xf6: {  	_ =	swait.ge [sflag:s2], $0x1000  }
0xf7: {  	[sflag:s2] =	ssyncset.done $0x0  }
0xf8: {  	[sflag:s2] =	ssyncadd.s32 $0xFFFFF000  }
0xf9: {  	_ =	swait.ge [sflag:s2], $0x1000  }
0xfa: {  	[sflag:s2] =	ssyncset.done $0x0  }
0xfb: {  	[sflag:s2] =	ssyncadd.s32 $0xFFFFF000  }
0xfc: {  	_ =	swait.ge [sflag:s2], $0x1000  }
0xfd: {  	[sflag:s2] =	ssyncset.done $0x0  }
0xfe: {  	[sflag:s2] =	ssyncadd.s32 $0xFFFFF000  }
0xff: {  	_ =	swait.ge [sflag:s2], $0x1000  }
0x100: {  	[sflag:s2] =	ssyncset.done $0x0  }
0x101: {  	[sflag:s2] =	ssyncadd.s32 $0xFFFFF000  }
0x102: {  	_ =	swait.ge [sflag:s2], $0x1000  }
0x103: {  	[sflag:s2] =	ssyncset.done $0x0  }
0x104: {  	[sflag:s2] =	ssyncadd.s32 $0xFFFFF000  }
0x105: {  	_ =	swait.ge [sflag:s2], $0x1000  }
0x106: {  	[sflag:s2] =	ssyncset.done $0x0  }
0x107: {  	[sflag:s2] =	ssyncadd.s32 $0xFFFFF000  }
0x108: {  	_ =	swait.ge [sflag:s2], $0x1000  }
0x109: {  	[sflag:s2] =	ssyncset.done $0x0  }
0x10a: {  	[sflag:s2] =	ssyncadd.s32 $0xFFFFF000  }
0x10b: {  	_ =	swait.ge [sflag:s2], $0x1000  }
0x10c: {  	[sflag:s2] =	ssyncset.done $0x0  }
0x10d: {  	[sflag:s2] =	ssyncadd.s32 $0xFFFFF000  }
0x10e: {  	_ =	swait.ge [sflag:s2], $0x1000  }
0x10f: {  	[sflag:s2] =	ssyncset.done $0x0  }
0x110: {  	[sflag:s2] =	ssyncadd.s32 $0xFFFFF000  }
0x111: {  	_ =	swait.ge [sflag:s2], $0x1000  }
0x112: {  	[sflag:s2] =	ssyncset.done $0x0  }
0x113: {  	[sflag:s2] =	ssyncadd.s32 $0xFFFFF000  }
0x114: {  	_ =	swait.ge [sflag:s2], $0x1000  }
0x115: {  	[sflag:s2] =	ssyncset.done $0x0  }
0x116: {  	[sflag:s2] =	ssyncadd.s32 $0xFFFFF000  }
0x117: {  	_ =	swait.ge [sflag:s2], $0x1000  }
0x118: {  	[sflag:s2] =	ssyncset.done $0x0  }
0x119: {  	[sflag:s2] =	ssyncadd.s32 $0xFFFFF000  }
0x11a: {  	_ =	swait.ge [sflag:s2], $0x1000  }
0x11b: {  	[sflag:s2] =	ssyncset.done $0x0  }
0x11c: {  	[sflag:s2] =	ssyncadd.s32 $0xFFFFF000  }
0x11d: {  	_ =	swait.ge [sflag:s2], $0x1000  }
0x11e: {  	[sflag:s2] =	ssyncset.done $0x0  }
0x11f: {  	[sflag:s2] =	ssyncadd.s32 $0xFFFFF000  }
0x120: {  	_ =	swait.ge [sflag:s2], $0x1000  }
0x121: {  	[sflag:s2] =	ssyncset.done $0x0  }
0x122: {  	[sflag:s2] =	ssyncadd.s32 $0xFFFFF000  }
0x123: {  	_ =	swait.ge [sflag:s2], $0x1000  }
0x124: {  	[sflag:s2] =	ssyncset.done $0x0  }
0x125: {  	[sflag:s2] =	ssyncadd.s32 $0xFFFFF000  }
0x126: {  	_ =	swait.ge [sflag:s2], $0x1000  }
0x127: {  	[sflag:s2] =	ssyncset.done $0x0  }
0x128: {  	[sflag:s2] =	ssyncadd.s32 $0xFFFFF000  }
0x129: {  	_ =	swait.ge [sflag:s2], $0x1000  }
0x12a: {  	[sflag:s2] =	ssyncset.done $0x0  }
0x12b: {  	[sflag:s2] =	ssyncadd.s32 $0xFFFFF000  }
0x12c: {  	_ =	swait.ge [sflag:s2], $0x1000  }
0x12d: {  	[sflag:s2] =	ssyncset.done $0x0  }
0x12e: {  	[sflag:s2] =	ssyncadd.s32 $0xFFFFF000  }
0x12f: {  	_ =	swait.ge [sflag:s2], $0x1000  }
0x130: {  	[sflag:s2] =	ssyncset.done $0x0  }
0x131: {  	[sflag:s2] =	ssyncadd.s32 $0xFFFFF000  }
0x132: {  	_ =	swait.ge [sflag:s2], $0x1000  }
0x133: {  	[sflag:s2] =	ssyncset.done $0x0  }
0x134: {  	[sflag:s2] =	ssyncadd.s32 $0xFFFFF000  }
0x135: {  	_ =	swait.ge [sflag:s2], $0x1000  }
0x136: {  	[sflag:s2] =	ssyncset.done $0x0  }
0x137: {  	[sflag:s2] =	ssyncadd.s32 $0xFFFFF000  }
0x138: {  	_ =	swait.ge [sflag:s2], $0x1000  }
0x139: {  	[sflag:s2] =	ssyncset.done $0x0  }
0x13a: {  	[sflag:s2] =	ssyncadd.s32 $0xFFFFF000  }
0x13b: {  	_ =	swait.ge [sflag:s2], $0x1000  }
0x13c: {  	[sflag:s2] =	ssyncset.done $0x0  }
0x13d: {  	p1 =	sne.s32 s1, $0x1;
	[sflag:s2] =	ssyncadd.s32 $0xFFFFF000  }
.Ltmp1:
0x13e: {  	_ =	swait.ge [sflag:s2], $0x1000;
	(pc) =	sbr.rel @!p1 .LBB2_6-.Ltmp1, $4  }
0x13f: {  	[sflag:s2] =	ssyncset.done $0x0  }
0x140: {  	[sflag:s2] =	ssyncadd.s32 $0xFFFFF000  }
0x141: {  	p0 =	por $0x1, $0x1;
	_ =	swait.ge [sflag:s2], $0x1000  }
0x142: {  	s6 =	sadd.s32 $0xFFFFFFFF, s1;
	s7 =	rddreg [dreg:$0x2];
	[sflag:s2] =	ssyncset.done $0x0  }
0x143: {  	s14 =	simm.s32 $0xD00;
	s15 =	simm.s32 $0x1D00  }
0x144: {  	s16 =	simm.s32 $0x2D00;
	s17 =	simm.s32 $0x3D00;
	s18 =	simm.s32 $0x4D00  }
0x145: {  	s19 =	simm.s32 $0x5D00;
	s20 =	simm.s32 $0x6D00;
	s21 =	simm.s32 $0x7D00  }
0x146: {  	s25 =	simm.s32 $0x8D00;
	s28 =	simm.s32 $0x9D00;
	s30 =	simm.s32 $0xAD00  }
0x147: {  	s22 =	simm.s32 $0xDD00;
	s24 =	simm.s32 $0xED00;
	s26 =	simm.s32 $0xFD00  }
0x148: {  	s29 =	simm.s32 $0x11D00;
	s9 =	simm.s32 $0x12D00;
	s10 =	simm.s32 $0x14D00  }
0x149: {  	s11 =	simm.s32 $0x15D00;
	s13 =	simm.s32 $0x16D00;
	s12 =	simm.s32 $0x18D00  }
.LBB2_3:
0x14a: {  	[sflag:s2] =	ssyncadd.s32 $0xFFFFF000;
	s1 =	simm.s32 $0x0  }
0x14b: {  	[tilespmem:s1], [sflag:$0x3] =	stream.linear.gather [hbm4b:s7+s1], $0xD00, $0x38;
	[tilespmem:$0x1AD00] =	vst v63  }
0x14c: {  	_ =	swait.ge [sflag:s31], $0xD00  }
0x14d: {  	[sflag:s31] =	ssyncset.done $0x0  }
0x14e: {  	[sflag:s31] =	ssyncadd.s32 $0xFFFFF300  }
0x14f: {  	[tilespmem:s14], [sflag:$0x1] =	stream.indirect.gather [hbm4b:s0+s3], $0x20, s1, s3, $0xb8;
	[tilespmem:$0x1AD00] =	vst v63  }
0x150: {  	s8 =	rddreg [dreg:$0x1e]  }
0x151: {  	[tilespmem:s15], [sflag:$0x1] =	stream.indirect.gather [hbm4b:s0+s3], $0x20, s3, s3, $0xb8;
	[tilespmem:$0x1AD00] =	vst v63  }
0x152: {  	s1 =	rddreg [dreg:$0x1d]  }
0x153: {  	[tilespmem:s16], [sflag:$0x1] =	stream.indirect.gather [hbm4b:s0+s3], $0x20, s1, s3, $0xb8;
	[tilespmem:$0x1AD00] =	vst v63  }
0x154: {  	s5 =	rddreg [dreg:$0x1f]  }
0x155: {  	[tilespmem:s17], [sflag:$0x1] =	stream.indirect.gather [hbm4b:s0+s3], $0x20, s8, s3, $0xb8;
	[tilespmem:$0x1AD00] =	vst v63  }
0x156: {  	s1 =	sld [smem:$0x7E9]  }
0x157: {  	[tilespmem:s18], [sflag:$0x1] =	stream.indirect.gather [hbm4b:s0+s3], $0x20, s5, s3, $0xb8;
	[tilespmem:$0x1AD00] =	vst v63  }
0x158: {  	s5 =	sld [smem:$0x7EA]  }
0x159: {  	[tilespmem:s19], [sflag:$0x1] =	stream.indirect.gather [hbm4b:s0+s3], $0x20, s1, s3, $0xb8;
	[tilespmem:$0x1AD00] =	vst v63  }
0x15a: {  	s1 =	sld [smem:$0x7EB]  }
0x15b: {  	[tilespmem:s20], [sflag:$0x1] =	stream.indirect.gather [hbm4b:s0+s3], $0x20, s5, s3, $0xb8;
	[tilespmem:$0x1AD00] =	vst v63  }
0x15c: {  	s5 =	sld [smem:$0x7EC]  }
0x15d: {  	[tilespmem:s21], [sflag:$0x1] =	stream.indirect.gather [hbm4b:s0+s3], $0x20, s1, s3, $0xb8;
	[tilespmem:$0x1AD00] =	vst v63  }
0x15e: {  	s1 =	sld [smem:$0x7ED]  }
0x15f: {  	[tilespmem:s25], [sflag:$0x1] =	stream.indirect.gather [hbm4b:s0+s3], $0x20, s5, s3, $0xb8;
	[tilespmem:$0x1AD00] =	vst v63  }
0x160: {  	s5 =	sld [smem:$0x7EE]  }
0x161: {  	[tilespmem:s28], [sflag:$0x1] =	stream.indirect.gather [hbm4b:s0+s3], $0x20, s1, s3, $0xb8;
	[tilespmem:$0x1AD00] =	vst v63  }
0x162: {  	s1 =	sld [smem:$0x7EF]  }
0x163: {  	[tilespmem:s30], [sflag:$0x1] =	stream.indirect.gather [hbm4b:s0+s3], $0x20, s5, s3, $0xb8;
	[tilespmem:$0x1AD00] =	vst v63  }
0x164: {  	s7 =	sld [smem:$0x7F0];
	s31 =	simm.s32 $0xBD00  }
0x165: {  	[tilespmem:s31], [sflag:$0x1] =	stream.indirect.gather [hbm4b:s0+s3], $0x20, s1, s3, $0xb8;
	[tilespmem:$0x1AD00] =	vst v63  }
0x166: {  	s5 =	sld [smem:$0x7F1];
	s1 =	simm.s32 $0xCD00  }
0x167: {  	[tilespmem:s1], [sflag:$0x1] =	stream.indirect.gather [hbm4b:s0+s3], $0x20, s7, s3, $0xb8;
	[tilespmem:$0x1AD00] =	vst v63  }
0x168: {  	s7 =	sld [smem:$0x7F2]  }
0x169: {  	[tilespmem:s22], [sflag:$0x1] =	stream.indirect.gather [hbm4b:s0+s3], $0x20, s5, s3, $0xb8;
	[tilespmem:$0x1AD00] =	vst v63  }
0x16a: {  	s5 =	sld [smem:$0x7F3]  }
0x16b: {  	[tilespmem:s24], [sflag:$0x1] =	stream.indirect.gather [hbm4b:s0+s3], $0x20, s7, s3, $0xb8;
	[tilespmem:$0x1AD00] =	vst v63  }
0x16c: {  	s7 =	sld [smem:$0x7F4]  }
0x16d: {  	[tilespmem:s26], [sflag:$0x1] =	stream.indirect.gather [hbm4b:s0+s3], $0x20, s5, s3, $0xb8;
	[tilespmem:$0x1AD00] =	vst v63  }
0x16e: {  	s8 =	sld [smem:$0x7F5];
	s5 =	simm.s32 $0x10D00  }
0x16f: {  	[tilespmem:s5], [sflag:$0x1] =	stream.indirect.gather [hbm4b:s0+s3], $0x20, s7, s3, $0xb8;
	[tilespmem:$0x1AD00] =	vst v63  }
0x170: {  	s5 =	sld [smem:$0x7F6]  }
0x171: {  	[tilespmem:s29], [sflag:$0x1] =	stream.indirect.gather [hbm4b:s0+s3], $0x20, s8, s3, $0xb8;
	[tilespmem:$0x1AD00] =	vst v63  }
0x172: {  	s8 =	sld [smem:$0x7F7]  }
0x173: {  	[tilespmem:s9], [sflag:$0x1] =	stream.indirect.gather [hbm4b:s0+s3], $0x20, s5, s3, $0xb8;
	[tilespmem:$0x1AD00] =	vst v63  }
0x174: {  	s7 =	sld [smem:$0x7F8];
	s5 =	simm.s32 $0x13D00  }
0x175: {  	[tilespmem:s5], [sflag:$0x1] =	stream.indirect.gather [hbm4b:s0+s3], $0x20, s8, s3, $0xb8;
	[tilespmem:$0x1AD00] =	vst v63  }
0x176: {  	s8 =	sld [smem:$0x7F9]  }
0x177: {  	[tilespmem:s10], [sflag:$0x1] =	stream.indirect.gather [hbm4b:s0+s3], $0x20, s7, s3, $0xb8;
	[tilespmem:$0x1AD00] =	vst v63  }
0x178: {  	s5 =	sld [smem:$0x7FA]  }
0x179: {  	[tilespmem:s11], [sflag:$0x1] =	stream.indirect.gather [hbm4b:s0+s3], $0x20, s8, s3, $0xb8;
	[tilespmem:$0x1AD00] =	vst v63  }
0x17a: {  	s8 =	sld [smem:$0x7FB]  }
0x17b: {  	[tilespmem:s13], [sflag:$0x1] =	stream.indirect.gather [hbm4b:s0+s3], $0x20, s5, s3, $0xb8;
	[tilespmem:$0x1AD00] =	vst v63  }
0x17c: {  	s7 =	sld [smem:$0x7FC];
	s5 =	simm.s32 $0x17D00  }
0x17d: {  	[tilespmem:s5], [sflag:$0x1] =	stream.indirect.gather [hbm4b:s0+s3], $0x20, s8, s3, $0xb8;
	[tilespmem:$0x1AD00] =	vst v63  }
0x17e: {  	s8 =	sld [smem:$0x7FD]  }
0x17f: {  	[tilespmem:s12], [sflag:$0x1] =	stream.indirect.gather [hbm4b:s0+s3], $0x20, s7, s3, $0xb8;
	[tilespmem:$0x1AD00] =	vst v63  }
0x180: {  	s7 =	simm.s32 $0x19D00  }
0x181: {  	[tilespmem:s7], [sflag:$0x1] =	stream.indirect.gather [hbm4b:s0+s3], $0x20, s8, s3, $0xb8;
	[tilespmem:$0x1AD00] =	vst v63  }
0x182: {  	_ =	swait.ge [sflag:s4], $0x1000  }
0x183: {  	[sflag:s4] =	ssyncset.done $0x0  }
0x184: {  	[sflag:s4] =	ssyncadd.s32 $0xFFFFF000  }
0x185: {  	_ =	swait.ge [sflag:s4], $0x1000  }
0x186: {  	[sflag:s4] =	ssyncset.done $0x0  }
0x187: {  	[sflag:s4] =	ssyncadd.s32 $0xFFFFF000  }
0x188: {  	_ =	swait.ge [sflag:s4], $0x1000  }
0x189: {  	[sflag:s4] =	ssyncset.done $0x0  }
0x18a: {  	[sflag:s4] =	ssyncadd.s32 $0xFFFFF000  }
0x18b: {  	_ =	swait.ge [sflag:s4], $0x1000  }
0x18c: {  	[sflag:s4] =	ssyncset.done $0x0  }
0x18d: {  	[sflag:s4] =	ssyncadd.s32 $0xFFFFF000  }
0x18e: {  	_ =	swait.ge [sflag:s4], $0x1000  }
0x18f: {  	[sflag:s4] =	ssyncset.done $0x0  }
0x190: {  	[sflag:s4] =	ssyncadd.s32 $0xFFFFF000  }
0x191: {  	_ =	swait.ge [sflag:s4], $0x1000  }
0x192: {  	[sflag:s4] =	ssyncset.done $0x0  }
0x193: {  	[sflag:s4] =	ssyncadd.s32 $0xFFFFF000  }
0x194: {  	_ =	swait.ge [sflag:s4], $0x1000  }
0x195: {  	[sflag:s4] =	ssyncset.done $0x0  }
0x196: {  	[sflag:s4] =	ssyncadd.s32 $0xFFFFF000  }
0x197: {  	_ =	swait.ge [sflag:s4], $0x1000  }
0x198: {  	[sflag:s4] =	ssyncset.done $0x0  }
0x199: {  	[sflag:s4] =	ssyncadd.s32 $0xFFFFF000  }
0x19a: {  	_ =	swait.ge [sflag:s4], $0x1000  }
0x19b: {  	[sflag:s4] =	ssyncset.done $0x0  }
0x19c: {  	[sflag:s4] =	ssyncadd.s32 $0xFFFFF000  }
0x19d: {  	_ =	swait.ge [sflag:s4], $0x1000  }
0x19e: {  	[sflag:s4] =	ssyncset.done $0x0  }
0x19f: {  	[sflag:s4] =	ssyncadd.s32 $0xFFFFF000  }
0x1a0: {  	_ =	swait.ge [sflag:s4], $0x1000  }
0x1a1: {  	[sflag:s4] =	ssyncset.done $0x0  }
0x1a2: {  	[sflag:s4] =	ssyncadd.s32 $0xFFFFF000  }
0x1a3: {  	_ =	swait.ge [sflag:s4], $0x1000  }
0x1a4: {  	[sflag:s4] =	ssyncset.done $0x0  }
0x1a5: {  	[sflag:s4] =	ssyncadd.s32 $0xFFFFF000  }
0x1a6: {  	_ =	swait.ge [sflag:s4], $0x1000  }
0x1a7: {  	[sflag:s4] =	ssyncset.done $0x0  }
0x1a8: {  	[sflag:s4] =	ssyncadd.s32 $0xFFFFF000  }
0x1a9: {  	_ =	swait.ge [sflag:s4], $0x1000  }
0x1aa: {  	[sflag:s4] =	ssyncset.done $0x0  }
0x1ab: {  	[sflag:s4] =	ssyncadd.s32 $0xFFFFF000  }
0x1ac: {  	_ =	swait.ge [sflag:s4], $0x1000  }
0x1ad: {  	[sflag:s4] =	ssyncset.done $0x0  }
0x1ae: {  	[sflag:s4] =	ssyncadd.s32 $0xFFFFF000  }
0x1af: {  	_ =	swait.ge [sflag:s4], $0x1000  }
0x1b0: {  	[sflag:s4] =	ssyncset.done $0x0  }
0x1b1: {  	[sflag:s4] =	ssyncadd.s32 $0xFFFFF000  }
0x1b2: {  	_ =	swait.ge [sflag:s4], $0x1000  }
0x1b3: {  	[sflag:s4] =	ssyncset.done $0x0  }
0x1b4: {  	[sflag:s4] =	ssyncadd.s32 $0xFFFFF000  }
0x1b5: {  	_ =	swait.ge [sflag:s4], $0x1000  }
0x1b6: {  	[sflag:s4] =	ssyncset.done $0x0  }
0x1b7: {  	[sflag:s4] =	ssyncadd.s32 $0xFFFFF000  }
0x1b8: {  	_ =	swait.ge [sflag:s4], $0x1000  }
0x1b9: {  	[sflag:s4] =	ssyncset.done $0x0  }
0x1ba: {  	[sflag:s4] =	ssyncadd.s32 $0xFFFFF000  }
0x1bb: {  	_ =	swait.ge [sflag:s4], $0x1000  }
0x1bc: {  	[sflag:s4] =	ssyncset.done $0x0  }
0x1bd: {  	[sflag:s4] =	ssyncadd.s32 $0xFFFFF000  }
0x1be: {  	_ =	swait.ge [sflag:s4], $0x1000  }
0x1bf: {  	[sflag:s4] =	ssyncset.done $0x0  }
0x1c0: {  	[sflag:s4] =	ssyncadd.s32 $0xFFFFF000  }
0x1c1: {  	_ =	swait.ge [sflag:s4], $0x1000  }
0x1c2: {  	[sflag:s4] =	ssyncset.done $0x0  }
0x1c3: {  	[sflag:s4] =	ssyncadd.s32 $0xFFFFF000  }
0x1c4: {  	_ =	swait.ge [sflag:s4], $0x1000  }
0x1c5: {  	[sflag:s4] =	ssyncset.done $0x0  }
0x1c6: {  	[sflag:s4] =	ssyncadd.s32 $0xFFFFF000  }
0x1c7: {  	_ =	swait.ge [sflag:s4], $0x1000  }
0x1c8: {  	[sflag:s4] =	ssyncset.done $0x0  }
0x1c9: {  	[sflag:s4] =	ssyncadd.s32 $0xFFFFF000  }
0x1ca: {  	_ =	swait.ge [sflag:s4], $0x1000  }
0x1cb: {  	[sflag:s4] =	ssyncset.done $0x0  }
0x1cc: {  	[sflag:s4] =	ssyncadd.s32 $0xFFFFF000  }
0x1cd: {  	_ =	swait.ge [sflag:s4], $0x1000  }
0x1ce: {  	[sflag:s4] =	ssyncset.done $0x0  }
0x1cf: {  	s7 =	rddreg [dreg:$0x3];
	[sflag:s4] =	ssyncadd.s32 $0xFFFFF000  }
0x1d0: {  	[hbm4b:s7+s23] =	stream.strided.scatter [tilespmem:s14], [sflag:$0x2], $0x1000, s3, s23, $0x38;
	[tilespmem:$0x1AD00] =	vst v63  }
0x1d1: {  	s8 =	rddreg [dreg:$0x4]  }
0x1d2: {  	[hbm4b:s8+s23] =	stream.strided.scatter [tilespmem:s15], [sflag:$0x2], $0x1000, s3, s23, $0x38;
	[tilespmem:$0x1AD00] =	vst v63  }
0x1d3: {  	s7 =	rddreg [dreg:$0x5]  }
0x1d4: {  	[hbm4b:s7+s23] =	stream.strided.scatter [tilespmem:s16], [sflag:$0x2], $0x1000, s3, s23, $0x38;
	[tilespmem:$0x1AD00] =	vst v63  }
0x1d5: {  	s8 =	rddreg [dreg:$0x6]  }
0x1d6: {  	[hbm4b:s8+s23] =	stream.strided.scatter [tilespmem:s17], [sflag:$0x2], $0x1000, s3, s23, $0x38;
	[tilespmem:$0x1AD00] =	vst v63  }
0x1d7: {  	s7 =	rddreg [dreg:$0x7]  }
0x1d8: {  	[hbm4b:s7+s23] =	stream.strided.scatter [tilespmem:s18], [sflag:$0x2], $0x1000, s3, s23, $0x38;
	[tilespmem:$0x1AD00] =	vst v63  }
0x1d9: {  	s8 =	rddreg [dreg:$0x8]  }
0x1da: {  	[hbm4b:s8+s23] =	stream.strided.scatter [tilespmem:s19], [sflag:$0x2], $0x1000, s3, s23, $0x38;
	[tilespmem:$0x1AD00] =	vst v63  }
0x1db: {  	s7 =	rddreg [dreg:$0x9]  }
0x1dc: {  	[hbm4b:s7+s23] =	stream.strided.scatter [tilespmem:s20], [sflag:$0x2], $0x1000, s3, s23, $0x38;
	[tilespmem:$0x1AD00] =	vst v63  }
0x1dd: {  	s8 =	rddreg [dreg:$0xa]  }
0x1de: {  	[hbm4b:s8+s23] =	stream.strided.scatter [tilespmem:s21], [sflag:$0x2], $0x1000, s3, s23, $0x38;
	[tilespmem:$0x1AD00] =	vst v63  }
0x1df: {  	s7 =	rddreg [dreg:$0xb]  }
0x1e0: {  	[hbm4b:s7+s23] =	stream.strided.scatter [tilespmem:s25], [sflag:$0x2], $0x1000, s3, s23, $0x38;
	[tilespmem:$0x1AD00] =	vst v63  }
0x1e1: {  	s8 =	rddreg [dreg:$0xc]  }
0x1e2: {  	[hbm4b:s8+s23] =	stream.strided.scatter [tilespmem:s28], [sflag:$0x2], $0x1000, s3, s23, $0x38;
	[tilespmem:$0x1AD00] =	vst v63  }
0x1e3: {  	s7 =	rddreg [dreg:$0xd]  }
0x1e4: {  	[hbm4b:s7+s23] =	stream.strided.scatter [tilespmem:s30], [sflag:$0x2], $0x1000, s3, s23, $0x38;
	[tilespmem:$0x1AD00] =	vst v63  }
0x1e5: {  	s8 =	rddreg [dreg:$0xe]  }
0x1e6: {  	[hbm4b:s8+s23] =	stream.strided.scatter [tilespmem:s31], [sflag:$0x2], $0x1000, s3, s23, $0x38;
	[tilespmem:$0x1AD00] =	vst v63  }
0x1e7: {  	s7 =	rddreg [dreg:$0xf]  }
0x1e8: {  	[hbm4b:s7+s23] =	stream.strided.scatter [tilespmem:s1], [sflag:$0x2], $0x1000, s3, s23, $0x38;
	[tilespmem:$0x1AD00] =	vst v63  }
0x1e9: {  	s8 =	rddreg [dreg:$0x10]  }
0x1ea: {  	[hbm4b:s8+s23] =	stream.strided.scatter [tilespmem:s22], [sflag:$0x2], $0x1000, s3, s23, $0x38;
	[tilespmem:$0x1AD00] =	vst v63  }
0x1eb: {  	s7 =	rddreg [dreg:$0x11]  }
0x1ec: {  	[hbm4b:s7+s23] =	stream.strided.scatter [tilespmem:s24], [sflag:$0x2], $0x1000, s3, s23, $0x38;
	[tilespmem:$0x1AD00] =	vst v63  }
0x1ed: {  	s1 =	rddreg [dreg:$0x12]  }
0x1ee: {  	[hbm4b:s1+s23] =	stream.strided.scatter [tilespmem:s26], [sflag:$0x2], $0x1000, s3, s23, $0x38;
	[tilespmem:$0x1AD00] =	vst v63  }
0x1ef: {  	s7 =	rddreg [dreg:$0x13];
	s1 =	simm.s32 $0x10D00  }
0x1f0: {  	[hbm4b:s7+s23] =	stream.strided.scatter [tilespmem:s1], [sflag:$0x2], $0x1000, s3, s23, $0x38;
	[tilespmem:$0x1AD00] =	vst v63  }
0x1f1: {  	s8 =	rddreg [dreg:$0x14]  }
0x1f2: {  	[hbm4b:s8+s23] =	stream.strided.scatter [tilespmem:s29], [sflag:$0x2], $0x1000, s3, s23, $0x38;
	[tilespmem:$0x1AD00] =	vst v63  }
0x1f3: {  	s1 =	rddreg [dreg:$0x15]  }
0x1f4: {  	[hbm4b:s1+s23] =	stream.strided.scatter [tilespmem:s9], [sflag:$0x2], $0x1000, s3, s23, $0x38;
	[tilespmem:$0x1AD00] =	vst v63  }
0x1f5: {  	s8 =	rddreg [dreg:$0x16];
	s1 =	simm.s32 $0x13D00  }
0x1f6: {  	[hbm4b:s8+s23] =	stream.strided.scatter [tilespmem:s1], [sflag:$0x2], $0x1000, s3, s23, $0x38;
	[tilespmem:$0x1AD00] =	vst v63  }
0x1f7: {  	s7 =	rddreg [dreg:$0x17]  }
0x1f8: {  	[hbm4b:s7+s23] =	stream.strided.scatter [tilespmem:s10], [sflag:$0x2], $0x1000, s3, s23, $0x38;
	[tilespmem:$0x1AD00] =	vst v63  }
0x1f9: {  	s8 =	rddreg [dreg:$0x18]  }
0x1fa: {  	[hbm4b:s8+s23] =	stream.strided.scatter [tilespmem:s11], [sflag:$0x2], $0x1000, s3, s23, $0x38;
	[tilespmem:$0x1AD00] =	vst v63  }
0x1fb: {  	s1 =	rddreg [dreg:$0x19]  }
0x1fc: {  	[hbm4b:s1+s23] =	stream.strided.scatter [tilespmem:s13], [sflag:$0x2], $0x1000, s3, s23, $0x38;
	[tilespmem:$0x1AD00] =	vst v63  }
0x1fd: {  	s8 =	rddreg [dreg:$0x1a]  }
0x1fe: {  	[hbm4b:s8+s23] =	stream.strided.scatter [tilespmem:s5], [sflag:$0x2], $0x1000, s3, s23, $0x38;
	[tilespmem:$0x1AD00] =	vst v63  }
0x1ff: {  	s1 =	rddreg [dreg:$0x1b]  }
0x200: {  	[hbm4b:s1+s23] =	stream.strided.scatter [tilespmem:s12], [sflag:$0x2], $0x1000, s3, s23, $0x38;
	[tilespmem:$0x1AD00] =	vst v63  }
0x201: {  	s7 =	simm.s32 $0x19D00;
	s5 =	rddreg [dreg:$0x1c]  }
0x202: {  	[hbm4b:s5+s23] =	stream.strided.scatter [tilespmem:s7], [sflag:$0x2], $0x1000, s3, s23, $0x38;
	[tilespmem:$0x1AD00] =	vst v63  }
0x203: {  	_ =	swait.ge [sflag:s2], $0x1000  }
0x204: {  	[sflag:s2] =	ssyncset.done $0x0  }
0x205: {  	[sflag:s2] =	ssyncadd.s32 $0xFFFFF000  }
0x206: {  	_ =	swait.ge [sflag:s2], $0x1000  }
0x207: {  	[sflag:s2] =	ssyncset.done $0x0  }
0x208: {  	[sflag:s2] =	ssyncadd.s32 $0xFFFFF000  }
0x209: {  	_ =	swait.ge [sflag:s2], $0x1000  }
0x20a: {  	[sflag:s2] =	ssyncset.done $0x0  }
0x20b: {  	[sflag:s2] =	ssyncadd.s32 $0xFFFFF000  }
0x20c: {  	_ =	swait.ge [sflag:s2], $0x1000  }
0x20d: {  	[sflag:s2] =	ssyncset.done $0x0  }
0x20e: {  	[sflag:s2] =	ssyncadd.s32 $0xFFFFF000  }
0x20f: {  	_ =	swait.ge [sflag:s2], $0x1000  }
0x210: {  	[sflag:s2] =	ssyncset.done $0x0  }
0x211: {  	[sflag:s2] =	ssyncadd.s32 $0xFFFFF000  }
0x212: {  	_ =	swait.ge [sflag:s2], $0x1000  }
0x213: {  	[sflag:s2] =	ssyncset.done $0x0  }
0x214: {  	[sflag:s2] =	ssyncadd.s32 $0xFFFFF000  }
0x215: {  	_ =	swait.ge [sflag:s2], $0x1000  }
0x216: {  	[sflag:s2] =	ssyncset.done $0x0  }
0x217: {  	[sflag:s2] =	ssyncadd.s32 $0xFFFFF000  }
0x218: {  	_ =	swait.ge [sflag:s2], $0x1000  }
0x219: {  	[sflag:s2] =	ssyncset.done $0x0  }
0x21a: {  	[sflag:s2] =	ssyncadd.s32 $0xFFFFF000  }
0x21b: {  	_ =	swait.ge [sflag:s2], $0x1000  }
0x21c: {  	[sflag:s2] =	ssyncset.done $0x0  }
0x21d: {  	[sflag:s2] =	ssyncadd.s32 $0xFFFFF000  }
0x21e: {  	_ =	swait.ge [sflag:s2], $0x1000  }
0x21f: {  	[sflag:s2] =	ssyncset.done $0x0  }
0x220: {  	[sflag:s2] =	ssyncadd.s32 $0xFFFFF000  }
0x221: {  	_ =	swait.ge [sflag:s2], $0x1000  }
0x222: {  	[sflag:s2] =	ssyncset.done $0x0  }
0x223: {  	[sflag:s2] =	ssyncadd.s32 $0xFFFFF000  }
0x224: {  	_ =	swait.ge [sflag:s2], $0x1000  }
0x225: {  	[sflag:s2] =	ssyncset.done $0x0  }
0x226: {  	[sflag:s2] =	ssyncadd.s32 $0xFFFFF000  }
0x227: {  	_ =	swait.ge [sflag:s2], $0x1000  }
0x228: {  	[sflag:s2] =	ssyncset.done $0x0  }
0x229: {  	[sflag:s2] =	ssyncadd.s32 $0xFFFFF000  }
0x22a: {  	_ =	swait.ge [sflag:s2], $0x1000  }
0x22b: {  	[sflag:s2] =	ssyncset.done $0x0  }
0x22c: {  	[sflag:s2] =	ssyncadd.s32 $0xFFFFF000  }
0x22d: {  	_ =	swait.ge [sflag:s2], $0x1000  }
0x22e: {  	[sflag:s2] =	ssyncset.done $0x0  }
0x22f: {  	[sflag:s2] =	ssyncadd.s32 $0xFFFFF000  }
0x230: {  	_ =	swait.ge [sflag:s2], $0x1000  }
0x231: {  	[sflag:s2] =	ssyncset.done $0x0  }
0x232: {  	[sflag:s2] =	ssyncadd.s32 $0xFFFFF000  }
0x233: {  	_ =	swait.ge [sflag:s2], $0x1000  }
0x234: {  	[sflag:s2] =	ssyncset.done $0x0  }
0x235: {  	[sflag:s2] =	ssyncadd.s32 $0xFFFFF000  }
0x236: {  	_ =	swait.ge [sflag:s2], $0x1000  }
0x237: {  	[sflag:s2] =	ssyncset.done $0x0  }
0x238: {  	[sflag:s2] =	ssyncadd.s32 $0xFFFFF000  }
0x239: {  	_ =	swait.ge [sflag:s2], $0x1000  }
0x23a: {  	[sflag:s2] =	ssyncset.done $0x0  }
0x23b: {  	[sflag:s2] =	ssyncadd.s32 $0xFFFFF000  }
0x23c: {  	_ =	swait.ge [sflag:s2], $0x1000  }
0x23d: {  	[sflag:s2] =	ssyncset.done $0x0  }
0x23e: {  	[sflag:s2] =	ssyncadd.s32 $0xFFFFF000  }
0x23f: {  	_ =	swait.ge [sflag:s2], $0x1000  }
0x240: {  	[sflag:s2] =	ssyncset.done $0x0  }
0x241: {  	[sflag:s2] =	ssyncadd.s32 $0xFFFFF000  }
0x242: {  	_ =	swait.ge [sflag:s2], $0x1000  }
0x243: {  	[sflag:s2] =	ssyncset.done $0x0  }
0x244: {  	[sflag:s2] =	ssyncadd.s32 $0xFFFFF000  }
0x245: {  	_ =	swait.ge [sflag:s2], $0x1000  }
0x246: {  	[sflag:s2] =	ssyncset.done $0x0  }
0x247: {  	[sflag:s2] =	ssyncadd.s32 $0xFFFFF000  }
0x248: {  	_ =	swait.ge [sflag:s2], $0x1000  }
0x249: {  	[sflag:s2] =	ssyncset.done $0x0  }
0x24a: {  	p1 =	sne.s32 s6, $0x1;
	[sflag:s2] =	ssyncadd.s32 $0xFFFFF000  }
.Ltmp2:
0x24b: {  	_ =	swait.ge [sflag:s2], $0x1000;
	(pc) =	sbr.rel @p1 .LBB2_3-.Ltmp2, $4  }
0x24c: {  	[sflag:s2] =	ssyncset.done $0x0  }
0x24d: {  	[sflag:s2] =	ssyncadd.s32 $0xFFFFF000  }
0x24e: {  	s6 =	sadd.s32 $0xFFFFFFFF, s6;
	_ =	swait.ge [sflag:s2], $0x1000  }
0x24f: {  	s31 =	simm.s32 $0x3;
	s7 =	rddreg [dreg:$0x2];
	[sflag:s2] =	ssyncset.done $0x0  }
0x250: {  	s6 =	simm.s32 $0x10D00;
	s8 =	simm.s32 $0x13D00;
	s10 =	simm.s32 $0x0  }
.LBB2_5:
0x251: {  	[sflag:s2] =	ssyncadd.s32 @p0 $0xFFFFF000  }
0x252: {  	[tilespmem:s10], [sflag:$0x3] =	stream.linear.gather [hbm4b:s7+s10], $0xD00, $0x38;
	[tilespmem:$0x1AD00] =	vst v63  }
0x253: {  	_ =	swait.ge [sflag:s31], $0xD00  }
0x254: {  	[sflag:s31] =	ssyncset.done $0x0  }
0x255: {  	s7 =	simm.s32 $0xD00;
	[sflag:s31] =	ssyncadd.s32 $0xFFFFF300  }
0x256: {  	[tilespmem:s7], [sflag:$0x1] =	stream.indirect.gather [hbm4b:s0+s3], $0x20, s10, s3, $0xb8;
	[tilespmem:$0x1AD00] =	vst v63  }
0x257: {  	s9 =	simm.s32 $0x1D00;
	s1 =	rddreg [dreg:$0x1d]  }
0x258: {  	[tilespmem:s9], [sflag:$0x1] =	stream.indirect.gather [hbm4b:s0+s3], $0x20, s3, s3, $0xb8;
	[tilespmem:$0x1AD00] =	vst v63  }
0x259: {  	s5 =	rddreg [dreg:$0x1e];
	s10 =	simm.s32 $0x2D00  }
0x25a: {  	[tilespmem:s10], [sflag:$0x1] =	stream.indirect.gather [hbm4b:s0+s3], $0x20, s1, s3, $0xb8;
	[tilespmem:$0x1AD00] =	vst v63  }
0x25b: {  	s11 =	simm.s32 $0x3D00;
	s19 =	rddreg [dreg:$0x1f]  }
0x25c: {  	[tilespmem:s11], [sflag:$0x1] =	stream.indirect.gather [hbm4b:s0+s3], $0x20, s5, s3, $0xb8;
	[tilespmem:$0x1AD00] =	vst v63  }
0x25d: {  	s12 =	simm.s32 $0x4D00;
	s20 =	sld [smem:$0x7E9]  }
0x25e: {  	[tilespmem:s12], [sflag:$0x1] =	stream.indirect.gather [hbm4b:s0+s3], $0x20, s19, s3, $0xb8;
	[tilespmem:$0x1AD00] =	vst v63  }
0x25f: {  	s13 =	simm.s32 $0x5D00;
	s21 =	sld [smem:$0x7EA]  }
0x260: {  	[tilespmem:s13], [sflag:$0x1] =	stream.indirect.gather [hbm4b:s0+s3], $0x20, s20, s3, $0xb8;
	[tilespmem:$0x1AD00] =	vst v63  }
0x261: {  	s14 =	simm.s32 $0x6D00;
	s22 =	sld [smem:$0x7EB]  }
0x262: {  	[tilespmem:s14], [sflag:$0x1] =	stream.indirect.gather [hbm4b:s0+s3], $0x20, s21, s3, $0xb8;
	[tilespmem:$0x1AD00] =	vst v63  }
0x263: {  	s15 =	simm.s32 $0x7D00;
	s24 =	sld [smem:$0x7EC]  }
0x264: {  	[tilespmem:s15], [sflag:$0x1] =	stream.indirect.gather [hbm4b:s0+s3], $0x20, s22, s3, $0xb8;
	[tilespmem:$0x1AD00] =	vst v63  }
0x265: {  	s16 =	simm.s32 $0x8D00;
	s25 =	sld [smem:$0x7ED]  }
0x266: {  	[tilespmem:s16], [sflag:$0x1] =	stream.indirect.gather [hbm4b:s0+s3], $0x20, s24, s3, $0xb8;
	[tilespmem:$0x1AD00] =	vst v63  }
0x267: {  	s17 =	simm.s32 $0x9D00;
	s26 =	sld [smem:$0x7EE]  }
0x268: {  	[tilespmem:s17], [sflag:$0x1] =	stream.indirect.gather [hbm4b:s0+s3], $0x20, s25, s3, $0xb8;
	[tilespmem:$0x1AD00] =	vst v63  }
0x269: {  	s18 =	simm.s32 $0xAD00;
	s28 =	sld [smem:$0x7EF]  }
0x26a: {  	[tilespmem:s18], [sflag:$0x1] =	stream.indirect.gather [hbm4b:s0+s3], $0x20, s26, s3, $0xb8;
	[tilespmem:$0x1AD00] =	vst v63  }
0x26b: {  	s29 =	sld [smem:$0x7F0];
	s19 =	simm.s32 $0xBD00  }
0x26c: {  	[tilespmem:s19], [sflag:$0x1] =	stream.indirect.gather [hbm4b:s0+s3], $0x20, s28, s3, $0xb8;
	[tilespmem:$0x1AD00] =	vst v63  }
0x26d: {  	s30 =	sld [smem:$0x7F1];
	s20 =	simm.s32 $0xCD00  }
0x26e: {  	[tilespmem:s20], [sflag:$0x1] =	stream.indirect.gather [hbm4b:s0+s3], $0x20, s29, s3, $0xb8;
	[tilespmem:$0x1AD00] =	vst v63  }
0x26f: {  	s31 =	sld [smem:$0x7F2];
	s24 =	simm.s32 $0xDD00  }
0x270: {  	[tilespmem:s24], [sflag:$0x1] =	stream.indirect.gather [hbm4b:s0+s3], $0x20, s30, s3, $0xb8;
	[tilespmem:$0x1AD00] =	vst v63  }
0x271: {  	s21 =	sld [smem:$0x7F3];
	s26 =	simm.s32 $0xED00  }
0x272: {  	[tilespmem:s26], [sflag:$0x1] =	stream.indirect.gather [hbm4b:s0+s3], $0x20, s31, s3, $0xb8;
	[tilespmem:$0x1AD00] =	vst v63  }
0x273: {  	s22 =	sld [smem:$0x7F4];
	s29 =	simm.s32 $0xFD00  }
0x274: {  	[tilespmem:s29], [sflag:$0x1] =	stream.indirect.gather [hbm4b:s0+s3], $0x20, s21, s3, $0xb8;
	[tilespmem:$0x1AD00] =	vst v63  }
0x275: {  	s25 =	sld [smem:$0x7F5]  }
0x276: {  	[tilespmem:s6], [sflag:$0x1] =	stream.indirect.gather [hbm4b:s0+s3], $0x20, s22, s3, $0xb8;
	[tilespmem:$0x1AD00] =	vst v63  }
0x277: {  	s28 =	sld [smem:$0x7F6];
	s30 =	simm.s32 $0x11D00  }
0x278: {  	[tilespmem:s30], [sflag:$0x1] =	stream.indirect.gather [hbm4b:s0+s3], $0x20, s25, s3, $0xb8;
	[tilespmem:$0x1AD00] =	vst v63  }
0x279: {  	s31 =	simm.s32 $0x12D00;
	s6 =	sld [smem:$0x7F7]  }
0x27a: {  	[tilespmem:s31], [sflag:$0x1] =	stream.indirect.gather [hbm4b:s0+s3], $0x20, s28, s3, $0xb8;
	[tilespmem:$0x1AD00] =	vst v63  }
0x27b: {  	s21 =	sld [smem:$0x7F8]  }
0x27c: {  	[tilespmem:s8], [sflag:$0x1] =	stream.indirect.gather [hbm4b:s0+s3], $0x20, s6, s3, $0xb8;
	[tilespmem:$0x1AD00] =	vst v63  }
0x27d: {  	s22 =	sld [smem:$0x7F9];
	s8 =	simm.s32 $0x14D00  }
0x27e: {  	[tilespmem:s8], [sflag:$0x1] =	stream.indirect.gather [hbm4b:s0+s3], $0x20, s21, s3, $0xb8;
	[tilespmem:$0x1AD00] =	vst v63  }
0x27f: {  	s25 =	sld [smem:$0x7FA];
	s6 =	simm.s32 $0x15D00  }
0x280: {  	[tilespmem:s6], [sflag:$0x1] =	stream.indirect.gather [hbm4b:s0+s3], $0x20, s22, s3, $0xb8;
	[tilespmem:$0x1AD00] =	vst v63  }
0x281: {  	s28 =	simm.s32 $0x16D00;
	s21 =	sld [smem:$0x7FB]  }
0x282: {  	[tilespmem:s28], [sflag:$0x1] =	stream.indirect.gather [hbm4b:s0+s3], $0x20, s25, s3, $0xb8;
	[tilespmem:$0x1AD00] =	vst v63  }
0x283: {  	s22 =	sld [smem:$0x7FC];
	s25 =	simm.s32 $0x17D00  }
0x284: {  	[tilespmem:s25], [sflag:$0x1] =	stream.indirect.gather [hbm4b:s0+s3], $0x20, s21, s3, $0xb8;
	[tilespmem:$0x1AD00] =	vst v63  }
0x285: {  	s5 =	sld [smem:$0x7FD];
	s21 =	simm.s32 $0x18D00  }
0x286: {  	[tilespmem:s21], [sflag:$0x1] =	stream.indirect.gather [hbm4b:s0+s3], $0x20, s22, s3, $0xb8;
	[tilespmem:$0x1AD00] =	vst v63  }
0x287: {  	s22 =	simm.s32 $0x19D00  }
0x288: {  	[tilespmem:s22], [sflag:$0x1] =	stream.indirect.gather [hbm4b:s0+s3], $0x20, s5, s3, $0xb8;
	[tilespmem:$0x1AD00] =	vst v63  }
0x289: {  	_ =	swait.ge [sflag:s4], $0x1000  }
0x28a: {  	[sflag:s4] =	ssyncset.done $0x0  }
0x28b: {  	[sflag:s4] =	ssyncadd.s32 $0xFFFFF000  }
0x28c: {  	_ =	swait.ge [sflag:s4], $0x1000  }
0x28d: {  	[sflag:s4] =	ssyncset.done $0x0  }
0x28e: {  	[sflag:s4] =	ssyncadd.s32 $0xFFFFF000  }
0x28f: {  	_ =	swait.ge [sflag:s4], $0x1000  }
0x290: {  	[sflag:s4] =	ssyncset.done $0x0  }
0x291: {  	[sflag:s4] =	ssyncadd.s32 $0xFFFFF000  }
0x292: {  	_ =	swait.ge [sflag:s4], $0x1000  }
0x293: {  	[sflag:s4] =	ssyncset.done $0x0  }
0x294: {  	[sflag:s4] =	ssyncadd.s32 $0xFFFFF000  }
0x295: {  	_ =	swait.ge [sflag:s4], $0x1000  }
0x296: {  	[sflag:s4] =	ssyncset.done $0x0  }
0x297: {  	[sflag:s4] =	ssyncadd.s32 $0xFFFFF000  }
0x298: {  	_ =	swait.ge [sflag:s4], $0x1000  }
0x299: {  	[sflag:s4] =	ssyncset.done $0x0  }
0x29a: {  	[sflag:s4] =	ssyncadd.s32 $0xFFFFF000  }
0x29b: {  	_ =	swait.ge [sflag:s4], $0x1000  }
0x29c: {  	[sflag:s4] =	ssyncset.done $0x0  }
0x29d: {  	[sflag:s4] =	ssyncadd.s32 $0xFFFFF000  }
0x29e: {  	_ =	swait.ge [sflag:s4], $0x1000  }
0x29f: {  	[sflag:s4] =	ssyncset.done $0x0  }
0x2a0: {  	[sflag:s4] =	ssyncadd.s32 $0xFFFFF000  }
0x2a1: {  	_ =	swait.ge [sflag:s4], $0x1000  }
0x2a2: {  	[sflag:s4] =	ssyncset.done $0x0  }
0x2a3: {  	[sflag:s4] =	ssyncadd.s32 $0xFFFFF000  }
0x2a4: {  	_ =	swait.ge [sflag:s4], $0x1000  }
0x2a5: {  	[sflag:s4] =	ssyncset.done $0x0  }
0x2a6: {  	[sflag:s4] =	ssyncadd.s32 $0xFFFFF000  }
0x2a7: {  	_ =	swait.ge [sflag:s4], $0x1000  }
0x2a8: {  	[sflag:s4] =	ssyncset.done $0x0  }
0x2a9: {  	[sflag:s4] =	ssyncadd.s32 $0xFFFFF000  }
0x2aa: {  	_ =	swait.ge [sflag:s4], $0x1000  }
0x2ab: {  	[sflag:s4] =	ssyncset.done $0x0  }
0x2ac: {  	[sflag:s4] =	ssyncadd.s32 $0xFFFFF000  }
0x2ad: {  	_ =	swait.ge [sflag:s4], $0x1000  }
0x2ae: {  	[sflag:s4] =	ssyncset.done $0x0  }
0x2af: {  	[sflag:s4] =	ssyncadd.s32 $0xFFFFF000  }
0x2b0: {  	_ =	swait.ge [sflag:s4], $0x1000  }
0x2b1: {  	[sflag:s4] =	ssyncset.done $0x0  }
0x2b2: {  	[sflag:s4] =	ssyncadd.s32 $0xFFFFF000  }
0x2b3: {  	_ =	swait.ge [sflag:s4], $0x1000  }
0x2b4: {  	[sflag:s4] =	ssyncset.done $0x0  }
0x2b5: {  	[sflag:s4] =	ssyncadd.s32 $0xFFFFF000  }
0x2b6: {  	_ =	swait.ge [sflag:s4], $0x1000  }
0x2b7: {  	[sflag:s4] =	ssyncset.done $0x0  }
0x2b8: {  	[sflag:s4] =	ssyncadd.s32 $0xFFFFF000  }
0x2b9: {  	_ =	swait.ge [sflag:s4], $0x1000  }
0x2ba: {  	[sflag:s4] =	ssyncset.done $0x0  }
0x2bb: {  	[sflag:s4] =	ssyncadd.s32 $0xFFFFF000  }
0x2bc: {  	_ =	swait.ge [sflag:s4], $0x1000  }
0x2bd: {  	[sflag:s4] =	ssyncset.done $0x0  }
0x2be: {  	[sflag:s4] =	ssyncadd.s32 $0xFFFFF000  }
0x2bf: {  	_ =	swait.ge [sflag:s4], $0x1000  }
0x2c0: {  	[sflag:s4] =	ssyncset.done $0x0  }
0x2c1: {  	[sflag:s4] =	ssyncadd.s32 $0xFFFFF000  }
0x2c2: {  	_ =	swait.ge [sflag:s4], $0x1000  }
0x2c3: {  	[sflag:s4] =	ssyncset.done $0x0  }
0x2c4: {  	[sflag:s4] =	ssyncadd.s32 $0xFFFFF000  }
0x2c5: {  	_ =	swait.ge [sflag:s4], $0x1000  }
0x2c6: {  	[sflag:s4] =	ssyncset.done $0x0  }
0x2c7: {  	[sflag:s4] =	ssyncadd.s32 $0xFFFFF000  }
0x2c8: {  	_ =	swait.ge [sflag:s4], $0x1000  }
0x2c9: {  	[sflag:s4] =	ssyncset.done $0x0  }
0x2ca: {  	[sflag:s4] =	ssyncadd.s32 $0xFFFFF000  }
0x2cb: {  	_ =	swait.ge [sflag:s4], $0x1000  }
0x2cc: {  	[sflag:s4] =	ssyncset.done $0x0  }
0x2cd: {  	[sflag:s4] =	ssyncadd.s32 $0xFFFFF000  }
0x2ce: {  	_ =	swait.ge [sflag:s4], $0x1000  }
0x2cf: {  	[sflag:s4] =	ssyncset.done $0x0  }
0x2d0: {  	[sflag:s4] =	ssyncadd.s32 $0xFFFFF000  }
0x2d1: {  	_ =	swait.ge [sflag:s4], $0x1000  }
0x2d2: {  	[sflag:s4] =	ssyncset.done $0x0  }
0x2d3: {  	[sflag:s4] =	ssyncadd.s32 $0xFFFFF000  }
0x2d4: {  	_ =	swait.ge [sflag:s4], $0x1000  }
0x2d5: {  	[sflag:s4] =	ssyncset.done $0x0  }
0x2d6: {  	s1 =	rddreg [dreg:$0x3];
	[sflag:s4] =	ssyncadd.s32 $0xFFFFF000  }
0x2d7: {  	[hbm4b:s1+s23] =	stream.strided.scatter [tilespmem:s7], [sflag:$0x2], $0x1000, s3, s23, $0x38;
	[tilespmem:$0x1AD00] =	vst v63  }
0x2d8: {  	s5 =	rddreg [dreg:$0x4]  }
0x2d9: {  	[hbm4b:s5+s23] =	stream.strided.scatter [tilespmem:s9], [sflag:$0x2], $0x1000, s3, s23, $0x38;
	[tilespmem:$0x1AD00] =	vst v63  }
0x2da: {  	s7 =	rddreg [dreg:$0x5]  }
0x2db: {  	[hbm4b:s7+s23] =	stream.strided.scatter [tilespmem:s10], [sflag:$0x2], $0x1000, s3, s23, $0x38;
	[tilespmem:$0x1AD00] =	vst v63  }
0x2dc: {  	s9 =	rddreg [dreg:$0x6]  }
0x2dd: {  	[hbm4b:s9+s23] =	stream.strided.scatter [tilespmem:s11], [sflag:$0x2], $0x1000, s3, s23, $0x38;
	[tilespmem:$0x1AD00] =	vst v63  }
0x2de: {  	s10 =	rddreg [dreg:$0x7]  }
0x2df: {  	[hbm4b:s10+s23] =	stream.strided.scatter [tilespmem:s12], [sflag:$0x2], $0x1000, s3, s23, $0x38;
	[tilespmem:$0x1AD00] =	vst v63  }
0x2e0: {  	s11 =	rddreg [dreg:$0x8]  }
0x2e1: {  	[hbm4b:s11+s23] =	stream.strided.scatter [tilespmem:s13], [sflag:$0x2], $0x1000, s3, s23, $0x38;
	[tilespmem:$0x1AD00] =	vst v63  }
0x2e2: {  	s12 =	rddreg [dreg:$0x9]  }
0x2e3: {  	[hbm4b:s12+s23] =	stream.strided.scatter [tilespmem:s14], [sflag:$0x2], $0x1000, s3, s23, $0x38;
	[tilespmem:$0x1AD00] =	vst v63  }
0x2e4: {  	s13 =	rddreg [dreg:$0xa]  }
0x2e5: {  	[hbm4b:s13+s23] =	stream.strided.scatter [tilespmem:s15], [sflag:$0x2], $0x1000, s3, s23, $0x38;
	[tilespmem:$0x1AD00] =	vst v63  }
0x2e6: {  	s14 =	rddreg [dreg:$0xb]  }
0x2e7: {  	[hbm4b:s14+s23] =	stream.strided.scatter [tilespmem:s16], [sflag:$0x2], $0x1000, s3, s23, $0x38;
	[tilespmem:$0x1AD00] =	vst v63  }
0x2e8: {  	s4 =	rddreg [dreg:$0xc]  }
0x2e9: {  	[hbm4b:s4+s23] =	stream.strided.scatter [tilespmem:s17], [sflag:$0x2], $0x1000, s3, s23, $0x38;
	[tilespmem:$0x1AD00] =	vst v63  }
0x2ea: {  	s5 =	rddreg [dreg:$0xd]  }
0x2eb: {  	[hbm4b:s5+s23] =	stream.strided.scatter [tilespmem:s18], [sflag:$0x2], $0x1000, s3, s23, $0x38;
	[tilespmem:$0x1AD00] =	vst v63  }
0x2ec: {  	s7 =	rddreg [dreg:$0xe]  }
0x2ed: {  	[hbm4b:s7+s23] =	stream.strided.scatter [tilespmem:s19], [sflag:$0x2], $0x1000, s3, s23, $0x38;
	[tilespmem:$0x1AD00] =	vst v63  }
0x2ee: {  	s9 =	rddreg [dreg:$0xf]  }
0x2ef: {  	[hbm4b:s9+s23] =	stream.strided.scatter [tilespmem:s20], [sflag:$0x2], $0x1000, s3, s23, $0x38;
	[tilespmem:$0x1AD00] =	vst v63  }
0x2f0: {  	s10 =	rddreg [dreg:$0x10]  }
0x2f1: {  	[hbm4b:s10+s23] =	stream.strided.scatter [tilespmem:s24], [sflag:$0x2], $0x1000, s3, s23, $0x38;
	[tilespmem:$0x1AD00] =	vst v63  }
0x2f2: {  	s11 =	rddreg [dreg:$0x11]  }
0x2f3: {  	[hbm4b:s11+s23] =	stream.strided.scatter [tilespmem:s26], [sflag:$0x2], $0x1000, s3, s23, $0x38;
	[tilespmem:$0x1AD00] =	vst v63  }
0x2f4: {  	s12 =	rddreg [dreg:$0x12]  }
0x2f5: {  	[hbm4b:s12+s23] =	stream.strided.scatter [tilespmem:s29], [sflag:$0x2], $0x1000, s3, s23, $0x38;
	[tilespmem:$0x1AD00] =	vst v63  }
0x2f6: {  	s13 =	rddreg [dreg:$0x13];
	s15 =	simm.s32 $0x10D00  }
0x2f7: {  	[hbm4b:s13+s23] =	stream.strided.scatter [tilespmem:s15], [sflag:$0x2], $0x1000, s3, s23, $0x38;
	[tilespmem:$0x1AD00] =	vst v63  }
0x2f8: {  	s14 =	rddreg [dreg:$0x14]  }
0x2f9: {  	[hbm4b:s14+s23] =	stream.strided.scatter [tilespmem:s30], [sflag:$0x2], $0x1000, s3, s23, $0x38;
	[tilespmem:$0x1AD00] =	vst v63  }
0x2fa: {  	s16 =	rddreg [dreg:$0x15]  }
0x2fb: {  	[hbm4b:s16+s23] =	stream.strided.scatter [tilespmem:s31], [sflag:$0x2], $0x1000, s3, s23, $0x38;
	[tilespmem:$0x1AD00] =	vst v63  }
0x2fc: {  	s17 =	rddreg [dreg:$0x16];
	s19 =	simm.s32 $0x13D00  }
0x2fd: {  	[hbm4b:s17+s23] =	stream.strided.scatter [tilespmem:s19], [sflag:$0x2], $0x1000, s3, s23, $0x38;
	[tilespmem:$0x1AD00] =	vst v63  }
0x2fe: {  	s18 =	rddreg [dreg:$0x17]  }
0x2ff: {  	[hbm4b:s18+s23] =	stream.strided.scatter [tilespmem:s8], [sflag:$0x2], $0x1000, s3, s23, $0x38;
	[tilespmem:$0x1AD00] =	vst v63  }
0x300: {  	s20 =	rddreg [dreg:$0x18]  }
0x301: {  	[hbm4b:s20+s23] =	stream.strided.scatter [tilespmem:s6], [sflag:$0x2], $0x1000, s3, s23, $0x38;
	[tilespmem:$0x1AD00] =	vst v63  }
0x302: {  	s24 =	rddreg [dreg:$0x19]  }
0x303: {  	[hbm4b:s24+s23] =	stream.strided.scatter [tilespmem:s28], [sflag:$0x2], $0x1000, s3, s23, $0x38;
	[tilespmem:$0x1AD00] =	vst v63  }
0x304: {  	s26 =	rddreg [dreg:$0x1a]  }
0x305: {  	[hbm4b:s26+s23] =	stream.strided.scatter [tilespmem:s25], [sflag:$0x2], $0x1000, s3, s23, $0x38;
	[tilespmem:$0x1AD00] =	vst v63  }
0x306: {  	s29 =	rddreg [dreg:$0x1b]  }
0x307: {  	[hbm4b:s29+s23] =	stream.strided.scatter [tilespmem:s21], [sflag:$0x2], $0x1000, s3, s23, $0x38;
	[tilespmem:$0x1AD00] =	vst v63  }
0x308: {  	s30 =	rddreg [dreg:$0x1c]  }
0x309: {  	[hbm4b:s30+s23] =	stream.strided.scatter [tilespmem:s22], [sflag:$0x2], $0x1000, s3, s23, $0x38;
	[tilespmem:$0x1AD00] =	vst v63  }
0x30a: {  	_ =	swait.ge [sflag:s2], $0x1000  }
0x30b: {  	[sflag:s2] =	ssyncset.done $0x0  }
0x30c: {  	[sflag:s2] =	ssyncadd.s32 $0xFFFFF000  }
0x30d: {  	_ =	swait.ge [sflag:s2], $0x1000  }
0x30e: {  	[sflag:s2] =	ssyncset.done $0x0  }
0x30f: {  	[sflag:s2] =	ssyncadd.s32 $0xFFFFF000  }
0x310: {  	_ =	swait.ge [sflag:s2], $0x1000  }
0x311: {  	[sflag:s2] =	ssyncset.done $0x0  }
0x312: {  	[sflag:s2] =	ssyncadd.s32 $0xFFFFF000  }
0x313: {  	_ =	swait.ge [sflag:s2], $0x1000  }
0x314: {  	[sflag:s2] =	ssyncset.done $0x0  }
0x315: {  	[sflag:s2] =	ssyncadd.s32 $0xFFFFF000  }
0x316: {  	_ =	swait.ge [sflag:s2], $0x1000  }
0x317: {  	[sflag:s2] =	ssyncset.done $0x0  }
0x318: {  	[sflag:s2] =	ssyncadd.s32 $0xFFFFF000  }
0x319: {  	_ =	swait.ge [sflag:s2], $0x1000  }
0x31a: {  	[sflag:s2] =	ssyncset.done $0x0  }
0x31b: {  	[sflag:s2] =	ssyncadd.s32 $0xFFFFF000  }
0x31c: {  	_ =	swait.ge [sflag:s2], $0x1000  }
0x31d: {  	[sflag:s2] =	ssyncset.done $0x0  }
0x31e: {  	[sflag:s2] =	ssyncadd.s32 $0xFFFFF000  }
0x31f: {  	_ =	swait.ge [sflag:s2], $0x1000  }
0x320: {  	[sflag:s2] =	ssyncset.done $0x0  }
0x321: {  	[sflag:s2] =	ssyncadd.s32 $0xFFFFF000  }
0x322: {  	_ =	swait.ge [sflag:s2], $0x1000  }
0x323: {  	[sflag:s2] =	ssyncset.done $0x0  }
0x324: {  	[sflag:s2] =	ssyncadd.s32 $0xFFFFF000  }
0x325: {  	_ =	swait.ge [sflag:s2], $0x1000  }
0x326: {  	[sflag:s2] =	ssyncset.done $0x0  }
0x327: {  	[sflag:s2] =	ssyncadd.s32 $0xFFFFF000  }
0x328: {  	_ =	swait.ge [sflag:s2], $0x1000  }
0x329: {  	[sflag:s2] =	ssyncset.done $0x0  }
0x32a: {  	[sflag:s2] =	ssyncadd.s32 $0xFFFFF000  }
0x32b: {  	_ =	swait.ge [sflag:s2], $0x1000  }
0x32c: {  	[sflag:s2] =	ssyncset.done $0x0  }
0x32d: {  	[sflag:s2] =	ssyncadd.s32 $0xFFFFF000  }
0x32e: {  	_ =	swait.ge [sflag:s2], $0x1000  }
0x32f: {  	[sflag:s2] =	ssyncset.done $0x0  }
0x330: {  	[sflag:s2] =	ssyncadd.s32 $0xFFFFF000  }
0x331: {  	_ =	swait.ge [sflag:s2], $0x1000  }
0x332: {  	[sflag:s2] =	ssyncset.done $0x0  }
0x333: {  	[sflag:s2] =	ssyncadd.s32 $0xFFFFF000  }
0x334: {  	_ =	swait.ge [sflag:s2], $0x1000  }
0x335: {  	[sflag:s2] =	ssyncset.done $0x0  }
0x336: {  	[sflag:s2] =	ssyncadd.s32 $0xFFFFF000  }
0x337: {  	_ =	swait.ge [sflag:s2], $0x1000  }
0x338: {  	[sflag:s2] =	ssyncset.done $0x0  }
0x339: {  	[sflag:s2] =	ssyncadd.s32 $0xFFFFF000  }
0x33a: {  	_ =	swait.ge [sflag:s2], $0x1000  }
0x33b: {  	[sflag:s2] =	ssyncset.done $0x0  }
0x33c: {  	[sflag:s2] =	ssyncadd.s32 $0xFFFFF000  }
0x33d: {  	_ =	swait.ge [sflag:s2], $0x1000  }
0x33e: {  	[sflag:s2] =	ssyncset.done $0x0  }
0x33f: {  	[sflag:s2] =	ssyncadd.s32 $0xFFFFF000  }
0x340: {  	_ =	swait.ge [sflag:s2], $0x1000  }
0x341: {  	[sflag:s2] =	ssyncset.done $0x0  }
0x342: {  	[sflag:s2] =	ssyncadd.s32 $0xFFFFF000  }
0x343: {  	_ =	swait.ge [sflag:s2], $0x1000  }
0x344: {  	[sflag:s2] =	ssyncset.done $0x0  }
0x345: {  	[sflag:s2] =	ssyncadd.s32 $0xFFFFF000  }
0x346: {  	_ =	swait.ge [sflag:s2], $0x1000  }
0x347: {  	[sflag:s2] =	ssyncset.done $0x0  }
0x348: {  	[sflag:s2] =	ssyncadd.s32 $0xFFFFF000  }
0x349: {  	_ =	swait.ge [sflag:s2], $0x1000  }
0x34a: {  	[sflag:s2] =	ssyncset.done $0x0  }
0x34b: {  	[sflag:s2] =	ssyncadd.s32 $0xFFFFF000  }
0x34c: {  	_ =	swait.ge [sflag:s2], $0x1000  }
0x34d: {  	[sflag:s2] =	ssyncset.done $0x0  }
0x34e: {  	[sflag:s2] =	ssyncadd.s32 $0xFFFFF000  }
0x34f: {  	_ =	swait.ge [sflag:s2], $0x1000  }
0x350: {  	[sflag:s2] =	ssyncset.done $0x0  }
0x351: {  	[sflag:s2] =	ssyncadd.s32 $0xFFFFF000  }
0x352: {  	_ =	swait.ge [sflag:s2], $0x1000  }
0x353: {  	[sflag:s2] =	ssyncset.done $0x0  }
0x354: {  	[sflag:s2] =	ssyncadd.s32 $0xFFFFF000  }
0x355: {  	_ =	swait.ge [sflag:s2], $0x1000  }
0x356: {  	[sflag:s2] =	ssyncset.done $0x0  }
0x357: {  	[sflag:s2] =	ssyncadd.s32 $0xFFFFF000  }
0x358: {  	_ =	sfence.sel $0x180000  }
0x359: {  	[bflag:$0x0] =	sbarrier.arrive $0xFFFF  }
0x35a: {  	_ =	strace $0x90000047  }
0x35b: {  	s31 =	stileid.u32;
	[bflag:$0x2] =	sbarrier.arrive $0xFFFF  }
0x35c: {  	p0 =	sne.s32 s31, $0x0;
	s0 =	rddreg [dreg:$0x1]  }
0x35d: {  	s0 =	sadd.s32 @!p0 $0x100000, s0  }
0x35e: {  	[sflag:s0] =	ssyncadd.tile.s32 @!p0 $0x1;
	_ =	shalt  }
.LBB2_6:
.Ltmp3:
0x35f: {  	(pc) =	sbr.rel .LBB2_5-.Ltmp3, $2  }
0x360: {  	_ =	sdelay $0x2  }
0x361: {  	s6 =	simm.s32 $0x10D00;
	s8 =	simm.s32 $0x13D00;
	s10 =	simm.s32 $0x0  }
.Lfunc_end2:
_tile_overlayer_lowered:
.L_overlay_start_2:
0x362: {  	(tag) =	ssettag $0x2  }
0x363: {  	s0 =	rddreg [dreg:$0x0];
	s2 =	stileid.u32  }
0x364: {  	s1 =	rddreg [dreg:$0x1];
	p0 =	sne.s32 s2, $0x0  }
0x365: {  	s3 =	rddreg [dreg:$0x2];
	[bflag:$0x3] =	sbarrier.arrive $0xFFFF;
	s2 =	simm.s32 @!p0 $0x1C03  }
0x366: {  	[timem:s3], [sflag:s2] =	dma.local @!p0 [hbm:s0], s1  }
0x367: {  	s0 =	simm.s32 @!p0 $0x3  }
0x368: {  	_ =	swait.ge @!p0 [sflag:s0], s1  }
0x369: {  	s1 =	ssub.s32 @!p0 $0x0, s1;
	[sflag:s0] =	ssyncset.done @!p0 $0x0  }
0x36a: {  	[sflag:s0] =	ssyncadd.s32 @!p0 s1  }
0x36b: {  	[bflag:$0x3] =	sbarrier.arrive $0xFFFF  }
0x36c: {  	_ =	shalt  }

</sc_bundles>
